<compile_context>
chip_gen: v7x
topology: tpu7x:2x2x1
jax: 0.10.2.dev20260603
libtpu: 0.0.44.dev20260713+nightly
codegen_flags: <defaults>
</compile_context>

<pallas_src>
import functools

import jax
import jax.numpy as jnp
from jax import lax
from jax.experimental import pallas as pl
from jax.experimental.pallas import tpu as pltpu
from jax.experimental.pallas import tpu_sc as plsc

ROWS = 1024
COLS = 100000
K = 64
N = ROWS * K

_info = plsc.get_sparse_core_info()
NC = _info.num_cores
NS = _info.num_subcores
NW = NC * NS
RPW = ROWS // NW
EPW = N // NW

NB = 32
NR = EPW // NB

_GDN = lax.GatherDimensionNumbers(
    offset_dims=(), collapsed_slice_dims=(0,), start_index_map=(0,)
)

_mesh = plsc.VectorSubcoreMesh(core_axis_name="c", subcore_axis_name="s")


@functools.partial(
    pl.kernel,
    mesh=_mesh,
    out_type=jax.ShapeDtypeStruct((N,), jnp.float32),
    scratch_types=[
        pltpu.VMEM((EPW,), jnp.int32),
        pltpu.VMEM((EPW,), jnp.float32),
        pltpu.VMEM((NB * 8, 128), jnp.float32),
        pltpu.VMEM((NB * 8, 128), jnp.float32),
        pltpu.SemaphoreType.DMA,
        pltpu.SemaphoreType.DMA,
    ],
)
def _gather_kernel(
    x_hbm, idx_hbm, out_hbm, idx_v, out_v, buf_a, buf_b, sem_a, sem_b
):
    wid = lax.axis_index("s") * NC + lax.axis_index("c")
    ebase = wid * EPW
    rowbase = wid * RPW
    pltpu.sync_copy(idx_hbm.at[pl.ds(ebase, EPW)], idx_v)

    lanes16 = lax.iota(jnp.int32, 16)

    def fire(n, buf, sem):
        row8 = pl.multiple_of((rowbase + (n >> 1)) & -8, 8)
        for h in range(2):
            jv = idx_v[pl.ds(n * NB + h * 16, 16)]
            cv = jv & -128
            for t in range(16):
                c128 = pl.multiple_of(cv[t], 128)
                pltpu.async_copy(
                    x_hbm.at[pl.ds(row8, 8), pl.ds(c128, 128)],
                    buf.at[pl.ds((h * 16 + t) * 8, 8)],
                    sem,
                )

    def drain(buf, sem):
        pltpu.make_async_copy(
            x_hbm.at[pl.ds(0, NB * 8), pl.ds(0, 128)], buf, sem
        ).wait()

    def extract(n, buf):
        subl = (n >> 1) & 7
        for h in range(2):
            jv = idx_v[pl.ds(n * NB + h * 16, 16)]
            acc = jnp.zeros((16,), jnp.float32)
            for t in range(16):
                s = jv[t]
                v2 = buf[(h * 16 + t) * 8 + subl, pl.ds(s & 112, 16)]
                lvec = jnp.full((16,), s & 15, jnp.int32)
                w = lax.gather(
                    v2,
                    lvec[:, None],
                    _GDN,
                    (1,),
                    mode=lax.GatherScatterMode.PROMISE_IN_BOUNDS,
                )
                acc = jnp.where(lanes16 == t, w, acc)
            out_v[pl.ds(n * NB + h * 16, 16)] = acc

    fire(0, buf_a, sem_a)
    fire(1, buf_b, sem_b)

    @pl.loop(0, NR // 2 - 1)
    def _pipeline(k):
        n0 = 2 * k
        drain(buf_a, sem_a)
        extract(n0, buf_a)
        fire(n0 + 2, buf_a, sem_a)
        drain(buf_b, sem_b)
        extract(n0 + 1, buf_b)
        fire(n0 + 3, buf_b, sem_b)

    drain(buf_a, sem_a)
    extract(NR - 2, buf_a)
    drain(buf_b, sem_b)
    extract(NR - 1, buf_b)

    pltpu.sync_copy(out_v, out_hbm.at[pl.ds(ebase, EPW)])


def kernel(x, index):
    out = _gather_kernel(x, index.reshape(N))
    return out.reshape(ROWS, K)

# --- scband reference (transcript-rebuilt; emitter-appended) ---
"""Pipeline reference for scband-torch-gather-elements-86096914416072 (READ-ONLY COPY).

The authoritative reference and input builder live on the scoring server;
editing this copy changes nothing except your own understanding.
"""

import jax, jax.numpy as jnp
import numpy as np

AXIS = 1

def setup_inputs(seed: int = 0) -> dict:
    key = jax.random.key(seed)
    k1, k2 = jax.random.split(key)
    x = jax.random.normal(k1, (1024, 100000), dtype=jnp.float32)
    index = jax.random.randint(k2, (1024, 64), 0, 100000, dtype=jnp.int32)
    return {"x": x, "index": index}

def reference(x, index):
    # torch.gather(x, axis, index) with same-rank index -> jnp.take_along_axis
    return jnp.take_along_axis(x, index, axis=AXIS)

if __name__ == "__main__":
    import jax
    _d = setup_inputs()
    print(jax.jit(kernel)(*tuple(_d.values())))

</pallas_src>

<mosaic_0001>
#map = affine_map<(d0, d1) -> (0, 0)>
#map1 = affine_map<(d0, d1) -> (0)>
module attributes {stable_mosaic.version = 14 : i64} {
  func.func @_gather_kernel(%arg0: i32, %arg1: i32, %arg2: memref<1024x100000xf32, #tpu.memory_space<hbm>>, %arg3: memref<65536xi32, #tpu.memory_space<hbm>>, %arg4: memref<65536xf32, #tpu.memory_space<hbm>>, %arg5: memref<2048xi32, #tpu.memory_space<vmem>>, %arg6: memref<2048xf32, #tpu.memory_space<vmem>>, %arg7: memref<256x128xf32, #tpu.memory_space<vmem>>, %arg8: memref<256x128xf32, #tpu.memory_space<vmem>>, %arg9: memref<!tpu.dma_semaphore, #tpu.memory_space<semaphore_mem>>, %arg10: memref<!tpu.dma_semaphore, #tpu.memory_space<semaphore_mem>>) attributes {dimension_semantics = [#tpu.dimension_semantics<core_parallel>, #tpu.dimension_semantics<subcore_parallel>], iteration_bounds = array<i64: 2, 16>, scalar_prefetch = 0 : i64, scratch_operands = 6 : i64, tpu.core_type = #tpu.core_type<sc_vector_subcore>, window_params = [{transform_indices = #map}, {transform_indices = #map1}, {transform_indices = #map1}]} {
    %mul3A = arith.constant 2 : i32
    %mul3A_0 = arith.muli %arg1, %mul3A : i32
    %add3A = arith.addi %mul3A_0, %arg0 : i32
    %mul3A_1 = arith.constant 2048 : i32
    %mul3A_2 = arith.muli %add3A, %mul3A_1 : i32
    %mul3A_3 = arith.constant 32 : i32
    %mul3A_4 = arith.muli %add3A, %mul3A_3 : i32
    "tpu.region"() ({
      %run_scoped3A = tpu.sem_alloc : memref<!tpu.dma_semaphore, #tpu.memory_space<semaphore_mem>>
      %dma_start3A_1999 = tpu.memref_slice %arg3[%mul3A_2] : memref<65536xi32, #tpu.memory_space<hbm>> -> memref<2048xi32, #tpu.memory_space<hbm>>
      %dma_start3A_2000 = tpu.memref_slice %arg3[%mul3A_2] : memref<65536xi32, #tpu.memory_space<hbm>> -> memref<2048xi32, #tpu.memory_space<hbm>>
      tpu.enqueue_dma source(%dma_start3A_2000 : memref<2048xi32, #tpu.memory_space<hbm>>) target(%arg5 : memref<2048xi32, #tpu.memory_space<vmem>>) target_semaphore(%run_scoped3A : memref<!tpu.dma_semaphore, #tpu.memory_space<semaphore_mem>>)
      %dma_wait3A_2001 = tpu.memref_slice %arg3[%mul3A_2] : memref<65536xi32, #tpu.memory_space<hbm>> -> memref<2048xi32, #tpu.memory_space<hbm>>
      %dma_wait3A_2002 = tpu.memref_slice %arg3[%mul3A_2] : memref<65536xi32, #tpu.memory_space<hbm>> -> memref<2048xi32, #tpu.memory_space<hbm>>
      tpu.wait_dma2 semaphore(%run_scoped3A : memref<!tpu.dma_semaphore, #tpu.memory_space<semaphore_mem>>) src(%dma_wait3A_2002 : memref<2048xi32, #tpu.memory_space<hbm>>) dst(%arg5 : memref<2048xi32, #tpu.memory_space<vmem>>)
      tpu.yield
    }) : () -> ()
    %iota3A = tpu.iota {dimensions = array<i32: 0>} : vector<16xi32>
    %add3A_5 = arith.constant 0 : i32
    %add3A_6 = arith.addi %mul3A_4, %add3A_5 : i32
    %and3A = arith.constant -8 : i32
    %and3A_7 = arith.andi %add3A_6, %and3A : i32
    %multiple_of3A = tpu.assume_multiple %and3A_7, 8 : i32
    %get3A = arith.constant 0 : index
    %get3A_8 = tpu.vector_load %arg5[%get3A] {strides = array<i32>} : memref<2048xi32, #tpu.memory_space<vmem>>, vector<16xi32>,
    %get3A_9 = vector.shape_cast %get3A_8 : vector<16xi32> to vector<16xi32>
    %and3A_10 = arith.constant -128 : i32
    %and3A_11 = vector.broadcast %and3A_10 : i32 to vector<16xi32>
    %and3A_12 = arith.andi %get3A_9, %and3A_11 : vector<16xi32>
    %slice3A = vector.extract_strided_slice %and3A_12 {offsets = [0], sizes = [1], strides = [1]} : vector<16xi32> to vector<1xi32>
    %squeeze3A = vector.extract %slice3A[0] : i32 from vector<1xi32>
    %multiple_of3A_13 = tpu.assume_multiple %squeeze3A, 128 : i32
    %dma_start3A = arith.constant 0 : i32
    %dma_start3A_14 = arith.constant 0 : i32
    %dma_start3A_15 = tpu.memref_slice %arg7[%dma_start3A, %dma_start3A_14] : memref<256x128xf32, #tpu.memory_space<vmem>> -> memref<8x128xf32, #tpu.memory_space<vmem>>
    %dma_start3A_16 = tpu.memref_slice %arg2[%multiple_of3A, %multiple_of3A_13] : memref<1024x100000xf32, #tpu.memory_space<hbm>> -> memref<8x128xf32, #tpu.memory_space<hbm>>
    %dma_start3A_17 = arith.constant 0 : i32
    %dma_start3A_18 = arith.constant 0 : i32
    %dma_start3A_19 = tpu.memref_slice %arg7[%dma_start3A_17, %dma_start3A_18] : memref<256x128xf32, #tpu.memory_space<vmem>> -> memref<8x128xf32, #tpu.memory_space<vmem>>
    %dma_start3A_20 = tpu.memref_slice %arg2[%multiple_of3A, %multiple_of3A_13] : memref<1024x100000xf32, #tpu.memory_space<hbm>> -> memref<8x128xf32, #tpu.memory_space<hbm>>
    tpu.enqueue_dma source(%dma_start3A_20 : memref<8x128xf32, #tpu.memory_space<hbm>>) target(%dma_start3A_19 : memref<8x128xf32, #tpu.memory_space<vmem>>) target_semaphore(%arg9 : memref<!tpu.dma_semaphore, #tpu.memory_space<semaphore_mem>>)
    %slice3A_21 = vector.extract_strided_slice %and3A_12 {offsets = [1], sizes = [1], strides = [1]} : vector<16xi32> to vector<1xi32>
    %squeeze3A_22 = vector.extract %slice3A_21[0] : i32 from vector<1xi32>
    %multiple_of3A_23 = tpu.assume_multiple %squeeze3A_22, 128 : i32
    %dma_start3A_24 = arith.constant 8 : i32
    %dma_start3A_25 = arith.constant 0 : i32
    %dma_start3A_26 = tpu.memref_slice %arg7[%dma_start3A_24, %dma_start3A_25] : memref<256x128xf32, #tpu.memory_space<vmem>> -> memref<8x128xf32, #tpu.memory_space<vmem>>
    %dma_start3A_27 = tpu.memref_slice %arg2[%multiple_of3A, %multiple_of3A_23] : memref<1024x100000xf32, #tpu.memory_space<hbm>> -> memref<8x128xf32, #tpu.memory_space<hbm>>
    %dma_start3A_28 = arith.constant 8 : i32
    %dma_start3A_29 = arith.constant 0 : i32
    %dma_start3A_30 = tpu.memref_slice %arg7[%dma_start3A_28, %dma_start3A_29] : memref<256x128xf32, #tpu.memory_space<vmem>> -> memref<8x128xf32, #tpu.memory_space<vmem>>
    %dma_start3A_31 = tpu.memref_slice %arg2[%multiple_of3A, %multiple_of3A_23] : memref<1024x100000xf32, #tpu.memory_space<hbm>> -> memref<8x128xf32, #tpu.memory_space<hbm>>
    tpu.enqueue_dma source(%dma_start3A_31 : memref<8x128xf32, #tpu.memory_space<hbm>>) target(%dma_start3A_30 : memref<8x128xf32, #tpu.memory_space<vmem>>) target_semaphore(%arg9 : memref<!tpu.dma_semaphore, #tpu.memory_space<semaphore_mem>>)
    %slice3A_32 = vector.extract_strided_slice %and3A_12 {offsets = [2], sizes = [1], strides = [1]} : vector<16xi32> to vector<1xi32>
    %squeeze3A_33 = vector.extract %slice3A_32[0] : i32 from vector<1xi32>
    %multiple_of3A_34 = tpu.assume_multiple %squeeze3A_33, 128 : i32
    %dma_start3A_35 = arith.constant 16 : i32
    %dma_start3A_36 = arith.constant 0 : i32
    %dma_start3A_37 = tpu.memref_slice %arg7[%dma_start3A_35, %dma_start3A_36] : memref<256x128xf32, #tpu.memory_space<vmem>> -> memref<8x128xf32, #tpu.memory_space<vmem>>
    %dma_start3A_38 = tpu.memref_slice %arg2[%multiple_of3A, %multiple_of3A_34] : memref<1024x100000xf32, #tpu.memory_space<hbm>> -> memref<8x128xf32, #tpu.memory_space<hbm>>
    %dma_start3A_39 = arith.constant 16 : i32
    %dma_start3A_40 = arith.constant 0 : i32
    %dma_start3A_41 = tpu.memref_slice %arg7[%dma_start3A_39, %dma_start3A_40] : memref<256x128xf32, #tpu.memory_space<vmem>> -> memref<8x128xf32, #tpu.memory_space<vmem>>
    %dma_start3A_42 = tpu.memref_slice %arg2[%multiple_of3A, %multiple_of3A_34] : memref<1024x100000xf32, #tpu.memory_space<hbm>> -> memref<8x128xf32, #tpu.memory_space<hbm>>
    tpu.enqueue_dma source(%dma_start3A_42 : memref<8x128xf32, #tpu.memory_space<hbm>>) target(%dma_start3A_41 : memref<8x128xf32, #tpu.memory_space<vmem>>) target_semaphore(%arg9 : memref<!tpu.dma_semaphore, #tpu.memory_space<semaphore_mem>>)
    %slice3A_43 = vector.extract_strided_slice %and3A_12 {offsets = [3], sizes = [1], strides = [1]} : vector<16xi32> to vector<1xi32>
    %squeeze3A_44 = vector.extract %slice3A_43[0] : i32 from vector<1xi32>
    %multiple_of3A_45 = tpu.assume_multiple %squeeze3A_44, 128 : i32
    %dma_start3A_46 = arith.constant 24 : i32
    %dma_start3A_47 = arith.constant 0 : i32
    %dma_start3A_48 = tpu.memref_slice %arg7[%dma_start3A_46, %dma_start3A_47] : memref<256x128xf32, #tpu.memory_space<vmem>> -> memref<8x128xf32, #tpu.memory_space<vmem>>
    %dma_start3A_49 = tpu.memref_slice %arg2[%multiple_of3A, %multiple_of3A_45] : memref<1024x100000xf32, #tpu.memory_space<hbm>> -> memref<8x128xf32, #tpu.memory_space<hbm>>
    %dma_start3A_50 = arith.constant 24 : i32
    %dma_start3A_51 = arith.constant 0 : i32
    %dma_start3A_52 = tpu.memref_slice %arg7[%dma_start3A_50, %dma_start3A_51] : memref<256x128xf32, #tpu.memory_space<vmem>> -> memref<8x128xf32, #tpu.memory_space<vmem>>
    %dma_start3A_53 = tpu.memref_slice %arg2[%multiple_of3A, %multiple_of3A_45] : memref<1024x100000xf32, #tpu.memory_space<hbm>> -> memref<8x128xf32, #tpu.memory_space<hbm>>
    tpu.enqueue_dma source(%dma_start3A_53 : memref<8x128xf32, #tpu.memory_space<hbm>>) target(%dma_start3A_52 : memref<8x128xf32, #tpu.memory_space<vmem>>) target_semaphore(%arg9 : memref<!tpu.dma_semaphore, #tpu.memory_space<semaphore_mem>>)
    %slice3A_54 = vector.extract_strided_slice %and3A_12 {offsets = [4], sizes = [1], strides = [1]} : vector<16xi32> to vector<1xi32>
    %squeeze3A_55 = vector.extract %slice3A_54[0] : i32 from vector<1xi32>
    %multiple_of3A_56 = tpu.assume_multiple %squeeze3A_55, 128 : i32
    %dma_start3A_57 = arith.constant 32 : i32
    %dma_start3A_58 = arith.constant 0 : i32
    %dma_start3A_59 = tpu.memref_slice %arg7[%dma_start3A_57, %dma_start3A_58] : memref<256x128xf32, #tpu.memory_space<vmem>> -> memref<8x128xf32, #tpu.memory_space<vmem>>
    %dma_start3A_60 = tpu.memref_slice %arg2[%multiple_of3A, %multiple_of3A_56] : memref<1024x100000xf32, #tpu.memory_space<hbm>> -> memref<8x128xf32, #tpu.memory_space<hbm>>
    %dma_start3A_61 = arith.constant 32 : i32
    %dma_start3A_62 = arith.constant 0 : i32
    %dma_start3A_63 = tpu.memref_slice %arg7[%dma_start3A_61, %dma_start3A_62] : memref<256x128xf32, #tpu.memory_space<vmem>> -> memref<8x128xf32, #tpu.memory_space<vmem>>
    %dma_start3A_64 = tpu.memref_slice %arg2[%multiple_of3A, %multiple_of3A_56] : memref<1024x100000xf32, #tpu.memory_space<hbm>> -> memref<8x128xf32, #tpu.memory_space<hbm>>
    tpu.enqueue_dma source(%dma_start3A_64 : memref<8x128xf32, #tpu.memory_space<hbm>>) target(%dma_start3A_63 : memref<8x128xf32, #tpu.memory_space<vmem>>) target_semaphore(%arg9 : memref<!tpu.dma_semaphore, #tpu.memory_space<semaphore_mem>>)
    %slice3A_65 = vector.extract_strided_slice %and3A_12 {offsets = [5], sizes = [1], strides = [1]} : vector<16xi32> to vector<1xi32>
    %squeeze3A_66 = vector.extract %slice3A_65[0] : i32 from vector<1xi32>
    %multiple_of3A_67 = tpu.assume_multiple %squeeze3A_66, 128 : i32
    %dma_start3A_68 = arith.constant 40 : i32
    %dma_start3A_69 = arith.constant 0 : i32
    %dma_start3A_70 = tpu.memref_slice %arg7[%dma_start3A_68, %dma_start3A_69] : memref<256x128xf32, #tpu.memory_space<vmem>> -> memref<8x128xf32, #tpu.memory_space<vmem>>
    %dma_start3A_71 = tpu.memref_slice %arg2[%multiple_of3A, %multiple_of3A_67] : memref<1024x100000xf32, #tpu.memory_space<hbm>> -> memref<8x128xf32, #tpu.memory_space<hbm>>
    %dma_start3A_72 = arith.constant 40 : i32
    %dma_start3A_73 = arith.constant 0 : i32
    %dma_start3A_74 = tpu.memref_slice %arg7[%dma_start3A_72, %dma_start3A_73] : memref<256x128xf32, #tpu.memory_space<vmem>> -> memref<8x128xf32, #tpu.memory_space<vmem>>
    %dma_start3A_75 = tpu.memref_slice %arg2[%multiple_of3A, %multiple_of3A_67] : memref<1024x100000xf32, #tpu.memory_space<hbm>> -> memref<8x128xf32, #tpu.memory_space<hbm>>
    tpu.enqueue_dma source(%dma_start3A_75 : memref<8x128xf32, #tpu.memory_space<hbm>>) target(%dma_start3A_74 : memref<8x128xf32, #tpu.memory_space<vmem>>) target_semaphore(%arg9 : memref<!tpu.dma_semaphore, #tpu.memory_space<semaphore_mem>>)
    %slice3A_76 = vector.extract_strided_slice %and3A_12 {offsets = [6], sizes = [1], strides = [1]} : vector<16xi32> to vector<1xi32>
    %squeeze3A_77 = vector.extract %slice3A_76[0] : i32 from vector<1xi32>
    %multiple_of3A_78 = tpu.assume_multiple %squeeze3A_77, 128 : i32
    %dma_start3A_79 = arith.constant 48 : i32
    %dma_start3A_80 = arith.constant 0 : i32
    %dma_start3A_81 = tpu.memref_slice %arg7[%dma_start3A_79, %dma_start3A_80] : memref<256x128xf32, #tpu.memory_space<vmem>> -> memref<8x128xf32, #tpu.memory_space<vmem>>
    %dma_start3A_82 = tpu.memref_slice %arg2[%multiple_of3A, %multiple_of3A_78] : memref<1024x100000xf32, #tpu.memory_space<hbm>> -> memref<8x128xf32, #tpu.memory_space<hbm>>
    %dma_start3A_83 = arith.constant 48 : i32
    %dma_start3A_84 = arith.constant 0 : i32
    %dma_start3A_85 = tpu.memref_slice %arg7[%dma_start3A_83, %dma_start3A_84] : memref<256x128xf32, #tpu.memory_space<vmem>> -> memref<8x128xf32, #tpu.memory_space<vmem>>
    %dma_start3A_86 = tpu.memref_slice %arg2[%multiple_of3A, %multiple_of3A_78] : memref<1024x100000xf32, #tpu.memory_space<hbm>> -> memref<8x128xf32, #tpu.memory_space<hbm>>
    tpu.enqueue_dma source(%dma_start3A_86 : memref<8x128xf32, #tpu.memory_space<hbm>>) target(%dma_start3A_85 : memref<8x128xf32, #tpu.memory_space<vmem>>) target_semaphore(%arg9 : memref<!tpu.dma_semaphore, #tpu.memory_space<semaphore_mem>>)
    %slice3A_87 = vector.extract_strided_slice %and3A_12 {offsets = [7], sizes = [1], strides = [1]} : vector<16xi32> to vector<1xi32>
    %squeeze3A_88 = vector.extract %slice3A_87[0] : i32 from vector<1xi32>
    %multiple_of3A_89 = tpu.assume_multiple %squeeze3A_88, 128 : i32
    %dma_start3A_90 = arith.constant 56 : i32
    %dma_start3A_91 = arith.constant 0 : i32
    %dma_start3A_92 = tpu.memref_slice %arg7[%dma_start3A_90, %dma_start3A_91] : memref<256x128xf32, #tpu.memory_space<vmem>> -> memref<8x128xf32, #tpu.memory_space<vmem>>
    %dma_start3A_93 = tpu.memref_slice %arg2[%multiple_of3A, %multiple_of3A_89] : memref<1024x100000xf32, #tpu.memory_space<hbm>> -> memref<8x128xf32, #tpu.memory_space<hbm>>
    %dma_start3A_94 = arith.constant 56 : i32
    %dma_start3A_95 = arith.constant 0 : i32
    %dma_start3A_96 = tpu.memref_slice %arg7[%dma_start3A_94, %dma_start3A_95] : memref<256x128xf32, #tpu.memory_space<vmem>> -> memref<8x128xf32, #tpu.memory_space<vmem>>
    %dma_start3A_97 = tpu.memref_slice %arg2[%multiple_of3A, %multiple_of3A_89] : memref<1024x100000xf32, #tpu.memory_space<hbm>> -> memref<8x128xf32, #tpu.memory_space<hbm>>
    tpu.enqueue_dma source(%dma_start3A_97 : memref<8x128xf32, #tpu.memory_space<hbm>>) target(%dma_start3A_96 : memref<8x128xf32, #tpu.memory_space<vmem>>) target_semaphore(%arg9 : memref<!tpu.dma_semaphore, #tpu.memory_space<semaphore_mem>>)
    %slice3A_98 = vector.extract_strided_slice %and3A_12 {offsets = [8], sizes = [1], strides = [1]} : vector<16xi32> to vector<1xi32>
    %squeeze3A_99 = vector.extract %slice3A_98[0] : i32 from vector<1xi32>
    %multiple_of3A_100 = tpu.assume_multiple %squeeze3A_99, 128 : i32
    %dma_start3A_101 = arith.constant 64 : i32
    %dma_start3A_102 = arith.constant 0 : i32
    %dma_start3A_103 = tpu.memref_slice %arg7[%dma_start3A_101, %dma_start3A_102] : memref<256x128xf32, #tpu.memory_space<vmem>> -> memref<8x128xf32, #tpu.memory_space<vmem>>
    %dma_start3A_104 = tpu.memref_slice %arg2[%multiple_of3A, %multiple_of3A_100] : memref<1024x100000xf32, #tpu.memory_space<hbm>> -> memref<8x128xf32, #tpu.memory_space<hbm>>
    %dma_start3A_105 = arith.constant 64 : i32
    %dma_start3A_106 = arith.constant 0 : i32
    %dma_start3A_107 = tpu.memref_slice %arg7[%dma_start3A_105, %dma_start3A_106] : memref<256x128xf32, #tpu.memory_space<vmem>> -> memref<8x128xf32, #tpu.memory_space<vmem>>
    %dma_start3A_108 = tpu.memref_slice %arg2[%multiple_of3A, %multiple_of3A_100] : memref<1024x100000xf32, #tpu.memory_space<hbm>> -> memref<8x128xf32, #tpu.memory_space<hbm>>
    tpu.enqueue_dma source(%dma_start3A_108 : memref<8x128xf32, #tpu.memory_space<hbm>>) target(%dma_start3A_107 : memref<8x128xf32, #tpu.memory_space<vmem>>) target_semaphore(%arg9 : memref<!tpu.dma_semaphore, #tpu.memory_space<semaphore_mem>>)
    %slice3A_109 = vector.extract_strided_slice %and3A_12 {offsets = [9], sizes = [1], strides = [1]} : vector<16xi32> to vector<1xi32>
    %squeeze3A_110 = vector.extract %slice3A_109[0] : i32 from vector<1xi32>
    %multiple_of3A_111 = tpu.assume_multiple %squeeze3A_110, 128 : i32
    %dma_start3A_112 = arith.constant 72 : i32
    %dma_start3A_113 = arith.constant 0 : i32
    %dma_start3A_114 = tpu.memref_slice %arg7[%dma_start3A_112, %dma_start3A_113] : memref<256x128xf32, #tpu.memory_space<vmem>> -> memref<8x128xf32, #tpu.memory_space<vmem>>
    %dma_start3A_115 = tpu.memref_slice %arg2[%multiple_of3A, %multiple_of3A_111] : memref<1024x100000xf32, #tpu.memory_space<hbm>> -> memref<8x128xf32, #tpu.memory_space<hbm>>
    %dma_start3A_116 = arith.constant 72 : i32
    %dma_start3A_117 = arith.constant 0 : i32
    %dma_start3A_118 = tpu.memref_slice %arg7[%dma_start3A_116, %dma_start3A_117] : memref<256x128xf32, #tpu.memory_space<vmem>> -> memref<8x128xf32, #tpu.memory_space<vmem>>
    %dma_start3A_119 = tpu.memref_slice %arg2[%multiple_of3A, %multiple_of3A_111] : memref<1024x100000xf32, #tpu.memory_space<hbm>> -> memref<8x128xf32, #tpu.memory_space<hbm>>
    tpu.enqueue_dma source(%dma_start3A_119 : memref<8x128xf32, #tpu.memory_space<hbm>>) target(%dma_start3A_118 : memref<8x128xf32, #tpu.memory_space<vmem>>) target_semaphore(%arg9 : memref<!tpu.dma_semaphore, #tpu.memory_space<semaphore_mem>>)
    %slice3A_120 = vector.extract_strided_slice %and3A_12 {offsets = [10], sizes = [1], strides = [1]} : vector<16xi32> to vector<1xi32>
    %squeeze3A_121 = vector.extract %slice3A_120[0] : i32 from vector<1xi32>
    %multiple_of3A_122 = tpu.assume_multiple %squeeze3A_121, 128 : i32
    %dma_start3A_123 = arith.constant 80 : i32
    %dma_start3A_124 = arith.constant 0 : i32
    %dma_start3A_125 = tpu.memref_slice %arg7[%dma_start3A_123, %dma_start3A_124] : memref<256x128xf32, #tpu.memory_space<vmem>> -> memref<8x128xf32, #tpu.memory_space<vmem>>
    %dma_start3A_126 = tpu.memref_slice %arg2[%multiple_of3A, %multiple_of3A_122] : memref<1024x100000xf32, #tpu.memory_space<hbm>> -> memref<8x128xf32, #tpu.memory_space<hbm>>
    %dma_start3A_127 = arith.constant 80 : i32
    %dma_start3A_128 = arith.constant 0 : i32
    %dma_start3A_129 = tpu.memref_slice %arg7[%dma_start3A_127, %dma_start3A_128] : memref<256x128xf32, #tpu.memory_space<vmem>> -> memref<8x128xf32, #tpu.memory_space<vmem>>
    %dma_start3A_130 = tpu.memref_slice %arg2[%multiple_of3A, %multiple_of3A_122] : memref<1024x100000xf32, #tpu.memory_space<hbm>> -> memref<8x128xf32, #tpu.memory_space<hbm>>
    tpu.enqueue_dma source(%dma_start3A_130 : memref<8x128xf32, #tpu.memory_space<hbm>>) target(%dma_start3A_129 : memref<8x128xf32, #tpu.memory_space<vmem>>) target_semaphore(%arg9 : memref<!tpu.dma_semaphore, #tpu.memory_space<semaphore_mem>>)
    %slice3A_131 = vector.extract_strided_slice %and3A_12 {offsets = [11], sizes = [1], strides = [1]} : vector<16xi32> to vector<1xi32>
    %squeeze3A_132 = vector.extract %slice3A_131[0] : i32 from vector<1xi32>
    %multiple_of3A_133 = tpu.assume_multiple %squeeze3A_132, 128 : i32
    %dma_start3A_134 = arith.constant 88 : i32
    %dma_start3A_135 = arith.constant 0 : i32
    %dma_start3A_136 = tpu.memref_slice %arg7[%dma_start3A_134, %dma_start3A_135] : memref<256x128xf32, #tpu.memory_space<vmem>> -> memref<8x128xf32, #tpu.memory_space<vmem>>
    %dma_start3A_137 = tpu.memref_slice %arg2[%multiple_of3A, %multiple_of3A_133] : memref<1024x100000xf32, #tpu.memory_space<hbm>> -> memref<8x128xf32, #tpu.memory_space<hbm>>
    %dma_start3A_138 = arith.constant 88 : i32
    %dma_start3A_139 = arith.constant 0 : i32
    %dma_start3A_140 = tpu.memref_slice %arg7[%dma_start3A_138, %dma_start3A_139] : memref<256x128xf32, #tpu.memory_space<vmem>> -> memref<8x128xf32, #tpu.memory_space<vmem>>
    %dma_start3A_141 = tpu.memref_slice %arg2[%multiple_of3A, %multiple_of3A_133] : memref<1024x100000xf32, #tpu.memory_space<hbm>> -> memref<8x128xf32, #tpu.memory_space<hbm>>
    tpu.enqueue_dma source(%dma_start3A_141 : memref<8x128xf32, #tpu.memory_space<hbm>>) target(%dma_start3A_140 : memref<8x128xf32, #tpu.memory_space<vmem>>) target_semaphore(%arg9 : memref<!tpu.dma_semaphore, #tpu.memory_space<semaphore_mem>>)
    %slice3A_142 = vector.extract_strided_slice %and3A_12 {offsets = [12], sizes = [1], strides = [1]} : vector<16xi32> to vector<1xi32>
    %squeeze3A_143 = vector.extract %slice3A_142[0] : i32 from vector<1xi32>
    %multiple_of3A_144 = tpu.assume_multiple %squeeze3A_143, 128 : i32
    %dma_start3A_145 = arith.constant 96 : i32
    %dma_start3A_146 = arith.constant 0 : i32
    %dma_start3A_147 = tpu.memref_slice %arg7[%dma_start3A_145, %dma_start3A_146] : memref<256x128xf32, #tpu.memory_space<vmem>> -> memref<8x128xf32, #tpu.memory_space<vmem>>
    %dma_start3A_148 = tpu.memref_slice %arg2[%multiple_of3A, %multiple_of3A_144] : memref<1024x100000xf32, #tpu.memory_space<hbm>> -> memref<8x128xf32, #tpu.memory_space<hbm>>
    %dma_start3A_149 = arith.constant 96 : i32
    %dma_start3A_150 = arith.constant 0 : i32
    %dma_start3A_151 = tpu.memref_slice %arg7[%dma_start3A_149, %dma_start3A_150] : memref<256x128xf32, #tpu.memory_space<vmem>> -> memref<8x128xf32, #tpu.memory_space<vmem>>
    %dma_start3A_152 = tpu.memref_slice %arg2[%multiple_of3A, %multiple_of3A_144] : memref<1024x100000xf32, #tpu.memory_space<hbm>> -> memref<8x128xf32, #tpu.memory_space<hbm>>
    tpu.enqueue_dma source(%dma_start3A_152 : memref<8x128xf32, #tpu.memory_space<hbm>>) target(%dma_start3A_151 : memref<8x128xf32, #tpu.memory_space<vmem>>) target_semaphore(%arg9 : memref<!tpu.dma_semaphore, #tpu.memory_space<semaphore_mem>>)
    %slice3A_153 = vector.extract_strided_slice %and3A_12 {offsets = [13], sizes = [1], strides = [1]} : vector<16xi32> to vector<1xi32>
    %squeeze3A_154 = vector.extract %slice3A_153[0] : i32 from vector<1xi32>
    %multiple_of3A_155 = tpu.assume_multiple %squeeze3A_154, 128 : i32
    %dma_start3A_156 = arith.constant 104 : i32
    %dma_start3A_157 = arith.constant 0 : i32
    %dma_start3A_158 = tpu.memref_slice %arg7[%dma_start3A_156, %dma_start3A_157] : memref<256x128xf32, #tpu.memory_space<vmem>> -> memref<8x128xf32, #tpu.memory_space<vmem>>
    %dma_start3A_159 = tpu.memref_slice %arg2[%multiple_of3A, %multiple_of3A_155] : memref<1024x100000xf32, #tpu.memory_space<hbm>> -> memref<8x128xf32, #tpu.memory_space<hbm>>
    %dma_start3A_160 = arith.constant 104 : i32
    %dma_start3A_161 = arith.constant 0 : i32
    %dma_start3A_162 = tpu.memref_slice %arg7[%dma_start3A_160, %dma_start3A_161] : memref<256x128xf32, #tpu.memory_space<vmem>> -> memref<8x128xf32, #tpu.memory_space<vmem>>
    %dma_start3A_163 = tpu.memref_slice %arg2[%multiple_of3A, %multiple_of3A_155] : memref<1024x100000xf32, #tpu.memory_space<hbm>> -> memref<8x128xf32, #tpu.memory_space<hbm>>
    tpu.enqueue_dma source(%dma_start3A_163 : memref<8x128xf32, #tpu.memory_space<hbm>>) target(%dma_start3A_162 : memref<8x128xf32, #tpu.memory_space<vmem>>) target_semaphore(%arg9 : memref<!tpu.dma_semaphore, #tpu.memory_space<semaphore_mem>>)
    %slice3A_164 = vector.extract_strided_slice %and3A_12 {offsets = [14], sizes = [1], strides = [1]} : vector<16xi32> to vector<1xi32>
    %squeeze3A_165 = vector.extract %slice3A_164[0] : i32 from vector<1xi32>
    %multiple_of3A_166 = tpu.assume_multiple %squeeze3A_165, 128 : i32
    %dma_start3A_167 = arith.constant 112 : i32
    %dma_start3A_168 = arith.constant 0 : i32
    %dma_start3A_169 = tpu.memref_slice %arg7[%dma_start3A_167, %dma_start3A_168] : memref<256x128xf32, #tpu.memory_space<vmem>> -> memref<8x128xf32, #tpu.memory_space<vmem>>
    %dma_start3A_170 = tpu.memref_slice %arg2[%multiple_of3A, %multiple_of3A_166] : memref<1024x100000xf32, #tpu.memory_space<hbm>> -> memref<8x128xf32, #tpu.memory_space<hbm>>
    %dma_start3A_171 = arith.constant 112 : i32
    %dma_start3A_172 = arith.constant 0 : i32
    %dma_start3A_173 = tpu.memref_slice %arg7[%dma_start3A_171, %dma_start3A_172] : memref<256x128xf32, #tpu.memory_space<vmem>> -> memref<8x128xf32, #tpu.memory_space<vmem>>
    %dma_start3A_174 = tpu.memref_slice %arg2[%multiple_of3A, %multiple_of3A_166] : memref<1024x100000xf32, #tpu.memory_space<hbm>> -> memref<8x128xf32, #tpu.memory_space<hbm>>
    tpu.enqueue_dma source(%dma_start3A_174 : memref<8x128xf32, #tpu.memory_space<hbm>>) target(%dma_start3A_173 : memref<8x128xf32, #tpu.memory_space<vmem>>) target_semaphore(%arg9 : memref<!tpu.dma_semaphore, #tpu.memory_space<semaphore_mem>>)
    %slice3A_175 = vector.extract_strided_slice %and3A_12 {offsets = [15], sizes = [1], strides = [1]} : vector<16xi32> to vector<1xi32>
    %squeeze3A_176 = vector.extract %slice3A_175[0] : i32 from vector<1xi32>
    %multiple_of3A_177 = tpu.assume_multiple %squeeze3A_176, 128 : i32
    %dma_start3A_178 = arith.constant 120 : i32
    %dma_start3A_179 = arith.constant 0 : i32
    %dma_start3A_180 = tpu.memref_slice %arg7[%dma_start3A_178, %dma_start3A_179] : memref<256x128xf32, #tpu.memory_space<vmem>> -> memref<8x128xf32, #tpu.memory_space<vmem>>
    %dma_start3A_181 = tpu.memref_slice %arg2[%multiple_of3A, %multiple_of3A_177] : memref<1024x100000xf32, #tpu.memory_space<hbm>> -> memref<8x128xf32, #tpu.memory_space<hbm>>
    %dma_start3A_182 = arith.constant 120 : i32
    %dma_start3A_183 = arith.constant 0 : i32
    %dma_start3A_184 = tpu.memref_slice %arg7[%dma_start3A_182, %dma_start3A_183] : memref<256x128xf32, #tpu.memory_space<vmem>> -> memref<8x128xf32, #tpu.memory_space<vmem>>
    %dma_start3A_185 = tpu.memref_slice %arg2[%multiple_of3A, %multiple_of3A_177] : memref<1024x100000xf32, #tpu.memory_space<hbm>> -> memref<8x128xf32, #tpu.memory_space<hbm>>
    tpu.enqueue_dma source(%dma_start3A_185 : memref<8x128xf32, #tpu.memory_space<hbm>>) target(%dma_start3A_184 : memref<8x128xf32, #tpu.memory_space<vmem>>) target_semaphore(%arg9 : memref<!tpu.dma_semaphore, #tpu.memory_space<semaphore_mem>>)
    %get3A_186 = arith.constant 16 : index
    %get3A_187 = tpu.vector_load %arg5[%get3A_186] {strides = array<i32>} : memref<2048xi32, #tpu.memory_space<vmem>>, vector<16xi32>,
    %get3A_188 = vector.shape_cast %get3A_187 : vector<16xi32> to vector<16xi32>
    %and3A_189 = arith.constant -128 : i32
    %and3A_190 = vector.broadcast %and3A_189 : i32 to vector<16xi32>
    %and3A_191 = arith.andi %get3A_188, %and3A_190 : vector<16xi32>
    %slice3A_192 = vector.extract_strided_slice %and3A_191 {offsets = [0], sizes = [1], strides = [1]} : vector<16xi32> to vector<1xi32>
    %squeeze3A_193 = vector.extract %slice3A_192[0] : i32 from vector<1xi32>
    %multiple_of3A_194 = tpu.assume_multiple %squeeze3A_193, 128 : i32
    %dma_start3A_195 = arith.constant 128 : i32
    %dma_start3A_196 = arith.constant 0 : i32
    %dma_start3A_197 = tpu.memref_slice %arg7[%dma_start3A_195, %dma_start3A_196] : memref<256x128xf32, #tpu.memory_space<vmem>> -> memref<8x128xf32, #tpu.memory_space<vmem>>
    %dma_start3A_198 = tpu.memref_slice %arg2[%multiple_of3A, %multiple_of3A_194] : memref<1024x100000xf32, #tpu.memory_space<hbm>> -> memref<8x128xf32, #tpu.memory_space<hbm>>
    %dma_start3A_199 = arith.constant 128 : i32
    %dma_start3A_200 = arith.constant 0 : i32
    %dma_start3A_201 = tpu.memref_slice %arg7[%dma_start3A_199, %dma_start3A_200] : memref<256x128xf32, #tpu.memory_space<vmem>> -> memref<8x128xf32, #tpu.memory_space<vmem>>
    %dma_start3A_202 = tpu.memref_slice %arg2[%multiple_of3A, %multiple_of3A_194] : memref<1024x100000xf32, #tpu.memory_space<hbm>> -> memref<8x128xf32, #tpu.memory_space<hbm>>
    tpu.enqueue_dma source(%dma_start3A_202 : memref<8x128xf32, #tpu.memory_space<hbm>>) target(%dma_start3A_201 : memref<8x128xf32, #tpu.memory_space<vmem>>) target_semaphore(%arg9 : memref<!tpu.dma_semaphore, #tpu.memory_space<semaphore_mem>>)
    %slice3A_203 = vector.extract_strided_slice %and3A_191 {offsets = [1], sizes = [1], strides = [1]} : vector<16xi32> to vector<1xi32>
    %squeeze3A_204 = vector.extract %slice3A_203[0] : i32 from vector<1xi32>
    %multiple_of3A_205 = tpu.assume_multiple %squeeze3A_204, 128 : i32
    %dma_start3A_206 = arith.constant 136 : i32
    %dma_start3A_207 = arith.constant 0 : i32
    %dma_start3A_208 = tpu.memref_slice %arg7[%dma_start3A_206, %dma_start3A_207] : memref<256x128xf32, #tpu.memory_space<vmem>> -> memref<8x128xf32, #tpu.memory_space<vmem>>
    %dma_start3A_209 = tpu.memref_slice %arg2[%multiple_of3A, %multiple_of3A_205] : memref<1024x100000xf32, #tpu.memory_space<hbm>> -> memref<8x128xf32, #tpu.memory_space<hbm>>
    %dma_start3A_210 = arith.constant 136 : i32
    %dma_start3A_211 = arith.constant 0 : i32
    %dma_start3A_212 = tpu.memref_slice %arg7[%dma_start3A_210, %dma_start3A_211] : memref<256x128xf32, #tpu.memory_space<vmem>> -> memref<8x128xf32, #tpu.memory_space<vmem>>
    %dma_start3A_213 = tpu.memref_slice %arg2[%multiple_of3A, %multiple_of3A_205] : memref<1024x100000xf32, #tpu.memory_space<hbm>> -> memref<8x128xf32, #tpu.memory_space<hbm>>
    tpu.enqueue_dma source(%dma_start3A_213 : memref<8x128xf32, #tpu.memory_space<hbm>>) target(%dma_start3A_212 : memref<8x128xf32, #tpu.memory_space<vmem>>) target_semaphore(%arg9 : memref<!tpu.dma_semaphore, #tpu.memory_space<semaphore_mem>>)
    %slice3A_214 = vector.extract_strided_slice %and3A_191 {offsets = [2], sizes = [1], strides = [1]} : vector<16xi32> to vector<1xi32>
    %squeeze3A_215 = vector.extract %slice3A_214[0] : i32 from vector<1xi32>
    %multiple_of3A_216 = tpu.assume_multiple %squeeze3A_215, 128 : i32
    %dma_start3A_217 = arith.constant 144 : i32
    %dma_start3A_218 = arith.constant 0 : i32
    %dma_start3A_219 = tpu.memref_slice %arg7[%dma_start3A_217, %dma_start3A_218] : memref<256x128xf32, #tpu.memory_space<vmem>> -> memref<8x128xf32, #tpu.memory_space<vmem>>
    %dma_start3A_220 = tpu.memref_slice %arg2[%multiple_of3A, %multiple_of3A_216] : memref<1024x100000xf32, #tpu.memory_space<hbm>> -> memref<8x128xf32, #tpu.memory_space<hbm>>
    %dma_start3A_221 = arith.constant 144 : i32
    %dma_start3A_222 = arith.constant 0 : i32
    %dma_start3A_223 = tpu.memref_slice %arg7[%dma_start3A_221, %dma_start3A_222] : memref<256x128xf32, #tpu.memory_space<vmem>> -> memref<8x128xf32, #tpu.memory_space<vmem>>
    %dma_start3A_224 = tpu.memref_slice %arg2[%multiple_of3A, %multiple_of3A_216] : memref<1024x100000xf32, #tpu.memory_space<hbm>> -> memref<8x128xf32, #tpu.memory_space<hbm>>
    tpu.enqueue_dma source(%dma_start3A_224 : memref<8x128xf32, #tpu.memory_space<hbm>>) target(%dma_start3A_223 : memref<8x128xf32, #tpu.memory_space<vmem>>) target_semaphore(%arg9 : memref<!tpu.dma_semaphore, #tpu.memory_space<semaphore_mem>>)
    %slice3A_225 = vector.extract_strided_slice %and3A_191 {offsets = [3], sizes = [1], strides = [1]} : vector<16xi32> to vector<1xi32>
    %squeeze3A_226 = vector.extract %slice3A_225[0] : i32 from vector<1xi32>
    %multiple_of3A_227 = tpu.assume_multiple %squeeze3A_226, 128 : i32
    %dma_start3A_228 = arith.constant 152 : i32
    %dma_start3A_229 = arith.constant 0 : i32
    %dma_start3A_230 = tpu.memref_slice %arg7[%dma_start3A_228, %dma_start3A_229] : memref<256x128xf32, #tpu.memory_space<vmem>> -> memref<8x128xf32, #tpu.memory_space<vmem>>
    %dma_start3A_231 = tpu.memref_slice %arg2[%multiple_of3A, %multiple_of3A_227] : memref<1024x100000xf32, #tpu.memory_space<hbm>> -> memref<8x128xf32, #tpu.memory_space<hbm>>
    %dma_start3A_232 = arith.constant 152 : i32
    %dma_start3A_233 = arith.constant 0 : i32
    %dma_start3A_234 = tpu.memref_slice %arg7[%dma_start3A_232, %dma_start3A_233] : memref<256x128xf32, #tpu.memory_space<vmem>> -> memref<8x128xf32, #tpu.memory_space<vmem>>
    %dma_start3A_235 = tpu.memref_slice %arg2[%multiple_of3A, %multiple_of3A_227] : memref<1024x100000xf32, #tpu.memory_space<hbm>> -> memref<8x128xf32, #tpu.memory_space<hbm>>
    tpu.enqueue_dma source(%dma_start3A_235 : memref<8x128xf32, #tpu.memory_space<hbm>>) target(%dma_start3A_234 : memref<8x128xf32, #tpu.memory_space<vmem>>) target_semaphore(%arg9 : memref<!tpu.dma_semaphore, #tpu.memory_space<semaphore_mem>>)
    %slice3A_236 = vector.extract_strided_slice %and3A_191 {offsets = [4], sizes = [1], strides = [1]} : vector<16xi32> to vector<1xi32>
    %squeeze3A_237 = vector.extract %slice3A_236[0] : i32 from vector<1xi32>
    %multiple_of3A_238 = tpu.assume_multiple %squeeze3A_237, 128 : i32
    %dma_start3A_239 = arith.constant 160 : i32
    %dma_start3A_240 = arith.constant 0 : i32
    %dma_start3A_241 = tpu.memref_slice %arg7[%dma_start3A_239, %dma_start3A_240] : memref<256x128xf32, #tpu.memory_space<vmem>> -> memref<8x128xf32, #tpu.memory_space<vmem>>
    %dma_start3A_242 = tpu.memref_slice %arg2[%multiple_of3A, %multiple_of3A_238] : memref<1024x100000xf32, #tpu.memory_space<hbm>> -> memref<8x128xf32, #tpu.memory_space<hbm>>
    %dma_start3A_243 = arith.constant 160 : i32
    %dma_start3A_244 = arith.constant 0 : i32
    %dma_start3A_245 = tpu.memref_slice %arg7[%dma_start3A_243, %dma_start3A_244] : memref<256x128xf32, #tpu.memory_space<vmem>> -> memref<8x128xf32, #tpu.memory_space<vmem>>
    %dma_start3A_246 = tpu.memref_slice %arg2[%multiple_of3A, %multiple_of3A_238] : memref<1024x100000xf32, #tpu.memory_space<hbm>> -> memref<8x128xf32, #tpu.memory_space<hbm>>
    tpu.enqueue_dma source(%dma_start3A_246 : memref<8x128xf32, #tpu.memory_space<hbm>>) target(%dma_start3A_245 : memref<8x128xf32, #tpu.memory_space<vmem>>) target_semaphore(%arg9 : memref<!tpu.dma_semaphore, #tpu.memory_space<semaphore_mem>>)
    %slice3A_247 = vector.extract_strided_slice %and3A_191 {offsets = [5], sizes = [1], strides = [1]} : vector<16xi32> to vector<1xi32>
    %squeeze3A_248 = vector.extract %slice3A_247[0] : i32 from vector<1xi32>
    %multiple_of3A_249 = tpu.assume_multiple %squeeze3A_248, 128 : i32
    %dma_start3A_250 = arith.constant 168 : i32
    %dma_start3A_251 = arith.constant 0 : i32
    %dma_start3A_252 = tpu.memref_slice %arg7[%dma_start3A_250, %dma_start3A_251] : memref<256x128xf32, #tpu.memory_space<vmem>> -> memref<8x128xf32, #tpu.memory_space<vmem>>
    %dma_start3A_253 = tpu.memref_slice %arg2[%multiple_of3A, %multiple_of3A_249] : memref<1024x100000xf32, #tpu.memory_space<hbm>> -> memref<8x128xf32, #tpu.memory_space<hbm>>
    %dma_start3A_254 = arith.constant 168 : i32
    %dma_start3A_255 = arith.constant 0 : i32
    %dma_start3A_256 = tpu.memref_slice %arg7[%dma_start3A_254, %dma_start3A_255] : memref<256x128xf32, #tpu.memory_space<vmem>> -> memref<8x128xf32, #tpu.memory_space<vmem>>
    %dma_start3A_257 = tpu.memref_slice %arg2[%multiple_of3A, %multiple_of3A_249] : memref<1024x100000xf32, #tpu.memory_space<hbm>> -> memref<8x128xf32, #tpu.memory_space<hbm>>
    tpu.enqueue_dma source(%dma_start3A_257 : memref<8x128xf32, #tpu.memory_space<hbm>>) target(%dma_start3A_256 : memref<8x128xf32, #tpu.memory_space<vmem>>) target_semaphore(%arg9 : memref<!tpu.dma_semaphore, #tpu.memory_space<semaphore_mem>>)
    %slice3A_258 = vector.extract_strided_slice %and3A_191 {offsets = [6], sizes = [1], strides = [1]} : vector<16xi32> to vector<1xi32>
    %squeeze3A_259 = vector.extract %slice3A_258[0] : i32 from vector<1xi32>
    %multiple_of3A_260 = tpu.assume_multiple %squeeze3A_259, 128 : i32
    %dma_start3A_261 = arith.constant 176 : i32
    %dma_start3A_262 = arith.constant 0 : i32
    %dma_start3A_263 = tpu.memref_slice %arg7[%dma_start3A_261, %dma_start3A_262] : memref<256x128xf32, #tpu.memory_space<vmem>> -> memref<8x128xf32, #tpu.memory_space<vmem>>
    %dma_start3A_264 = tpu.memref_slice %arg2[%multiple_of3A, %multiple_of3A_260] : memref<1024x100000xf32, #tpu.memory_space<hbm>> -> memref<8x128xf32, #tpu.memory_space<hbm>>
    %dma_start3A_265 = arith.constant 176 : i32
    %dma_start3A_266 = arith.constant 0 : i32
    %dma_start3A_267 = tpu.memref_slice %arg7[%dma_start3A_265, %dma_start3A_266] : memref<256x128xf32, #tpu.memory_space<vmem>> -> memref<8x128xf32, #tpu.memory_space<vmem>>
    %dma_start3A_268 = tpu.memref_slice %arg2[%multiple_of3A, %multiple_of3A_260] : memref<1024x100000xf32, #tpu.memory_space<hbm>> -> memref<8x128xf32, #tpu.memory_space<hbm>>
    tpu.enqueue_dma source(%dma_start3A_268 : memref<8x128xf32, #tpu.memory_space<hbm>>) target(%dma_start3A_267 : memref<8x128xf32, #tpu.memory_space<vmem>>) target_semaphore(%arg9 : memref<!tpu.dma_semaphore, #tpu.memory_space<semaphore_mem>>)
    %slice3A_269 = vector.extract_strided_slice %and3A_191 {offsets = [7], sizes = [1], strides = [1]} : vector<16xi32> to vector<1xi32>
    %squeeze3A_270 = vector.extract %slice3A_269[0] : i32 from vector<1xi32>
    %multiple_of3A_271 = tpu.assume_multiple %squeeze3A_270, 128 : i32
    %dma_start3A_272 = arith.constant 184 : i32
    %dma_start3A_273 = arith.constant 0 : i32
    %dma_start3A_274 = tpu.memref_slice %arg7[%dma_start3A_272, %dma_start3A_273] : memref<256x128xf32, #tpu.memory_space<vmem>> -> memref<8x128xf32, #tpu.memory_space<vmem>>
    %dma_start3A_275 = tpu.memref_slice %arg2[%multiple_of3A, %multiple_of3A_271] : memref<1024x100000xf32, #tpu.memory_space<hbm>> -> memref<8x128xf32, #tpu.memory_space<hbm>>
    %dma_start3A_276 = arith.constant 184 : i32
    %dma_start3A_277 = arith.constant 0 : i32
    %dma_start3A_278 = tpu.memref_slice %arg7[%dma_start3A_276, %dma_start3A_277] : memref<256x128xf32, #tpu.memory_space<vmem>> -> memref<8x128xf32, #tpu.memory_space<vmem>>
    %dma_start3A_279 = tpu.memref_slice %arg2[%multiple_of3A, %multiple_of3A_271] : memref<1024x100000xf32, #tpu.memory_space<hbm>> -> memref<8x128xf32, #tpu.memory_space<hbm>>
    tpu.enqueue_dma source(%dma_start3A_279 : memref<8x128xf32, #tpu.memory_space<hbm>>) target(%dma_start3A_278 : memref<8x128xf32, #tpu.memory_space<vmem>>) target_semaphore(%arg9 : memref<!tpu.dma_semaphore, #tpu.memory_space<semaphore_mem>>)
    %slice3A_280 = vector.extract_strided_slice %and3A_191 {offsets = [8], sizes = [1], strides = [1]} : vector<16xi32> to vector<1xi32>
    %squeeze3A_281 = vector.extract %slice3A_280[0] : i32 from vector<1xi32>
    %multiple_of3A_282 = tpu.assume_multiple %squeeze3A_281, 128 : i32
    %dma_start3A_283 = arith.constant 192 : i32
    %dma_start3A_284 = arith.constant 0 : i32
    %dma_start3A_285 = tpu.memref_slice %arg7[%dma_start3A_283, %dma_start3A_284] : memref<256x128xf32, #tpu.memory_space<vmem>> -> memref<8x128xf32, #tpu.memory_space<vmem>>
    %dma_start3A_286 = tpu.memref_slice %arg2[%multiple_of3A, %multiple_of3A_282] : memref<1024x100000xf32, #tpu.memory_space<hbm>> -> memref<8x128xf32, #tpu.memory_space<hbm>>
    %dma_start3A_287 = arith.constant 192 : i32
    %dma_start3A_288 = arith.constant 0 : i32
    %dma_start3A_289 = tpu.memref_slice %arg7[%dma_start3A_287, %dma_start3A_288] : memref<256x128xf32, #tpu.memory_space<vmem>> -> memref<8x128xf32, #tpu.memory_space<vmem>>
    %dma_start3A_290 = tpu.memref_slice %arg2[%multiple_of3A, %multiple_of3A_282] : memref<1024x100000xf32, #tpu.memory_space<hbm>> -> memref<8x128xf32, #tpu.memory_space<hbm>>
    tpu.enqueue_dma source(%dma_start3A_290 : memref<8x128xf32, #tpu.memory_space<hbm>>) target(%dma_start3A_289 : memref<8x128xf32, #tpu.memory_space<vmem>>) target_semaphore(%arg9 : memref<!tpu.dma_semaphore, #tpu.memory_space<semaphore_mem>>)
    %slice3A_291 = vector.extract_strided_slice %and3A_191 {offsets = [9], sizes = [1], strides = [1]} : vector<16xi32> to vector<1xi32>
    %squeeze3A_292 = vector.extract %slice3A_291[0] : i32 from vector<1xi32>
    %multiple_of3A_293 = tpu.assume_multiple %squeeze3A_292, 128 : i32
    %dma_start3A_294 = arith.constant 200 : i32
    %dma_start3A_295 = arith.constant 0 : i32
    %dma_start3A_296 = tpu.memref_slice %arg7[%dma_start3A_294, %dma_start3A_295] : memref<256x128xf32, #tpu.memory_space<vmem>> -> memref<8x128xf32, #tpu.memory_space<vmem>>
    %dma_start3A_297 = tpu.memref_slice %arg2[%multiple_of3A, %multiple_of3A_293] : memref<1024x100000xf32, #tpu.memory_space<hbm>> -> memref<8x128xf32, #tpu.memory_space<hbm>>
    %dma_start3A_298 = arith.constant 200 : i32
    %dma_start3A_299 = arith.constant 0 : i32
    %dma_start3A_300 = tpu.memref_slice %arg7[%dma_start3A_298, %dma_start3A_299] : memref<256x128xf32, #tpu.memory_space<vmem>> -> memref<8x128xf32, #tpu.memory_space<vmem>>
    %dma_start3A_301 = tpu.memref_slice %arg2[%multiple_of3A, %multiple_of3A_293] : memref<1024x100000xf32, #tpu.memory_space<hbm>> -> memref<8x128xf32, #tpu.memory_space<hbm>>
    tpu.enqueue_dma source(%dma_start3A_301 : memref<8x128xf32, #tpu.memory_space<hbm>>) target(%dma_start3A_300 : memref<8x128xf32, #tpu.memory_space<vmem>>) target_semaphore(%arg9 : memref<!tpu.dma_semaphore, #tpu.memory_space<semaphore_mem>>)
    %slice3A_302 = vector.extract_strided_slice %and3A_191 {offsets = [10], sizes = [1], strides = [1]} : vector<16xi32> to vector<1xi32>
    %squeeze3A_303 = vector.extract %slice3A_302[0] : i32 from vector<1xi32>
    %multiple_of3A_304 = tpu.assume_multiple %squeeze3A_303, 128 : i32
    %dma_start3A_305 = arith.constant 208 : i32
    %dma_start3A_306 = arith.constant 0 : i32
    %dma_start3A_307 = tpu.memref_slice %arg7[%dma_start3A_305, %dma_start3A_306] : memref<256x128xf32, #tpu.memory_space<vmem>> -> memref<8x128xf32, #tpu.memory_space<vmem>>
    %dma_start3A_308 = tpu.memref_slice %arg2[%multiple_of3A, %multiple_of3A_304] : memref<1024x100000xf32, #tpu.memory_space<hbm>> -> memref<8x128xf32, #tpu.memory_space<hbm>>
    %dma_start3A_309 = arith.constant 208 : i32
    %dma_start3A_310 = arith.constant 0 : i32
    %dma_start3A_311 = tpu.memref_slice %arg7[%dma_start3A_309, %dma_start3A_310] : memref<256x128xf32, #tpu.memory_space<vmem>> -> memref<8x128xf32, #tpu.memory_space<vmem>>
    %dma_start3A_312 = tpu.memref_slice %arg2[%multiple_of3A, %multiple_of3A_304] : memref<1024x100000xf32, #tpu.memory_space<hbm>> -> memref<8x128xf32, #tpu.memory_space<hbm>>
    tpu.enqueue_dma source(%dma_start3A_312 : memref<8x128xf32, #tpu.memory_space<hbm>>) target(%dma_start3A_311 : memref<8x128xf32, #tpu.memory_space<vmem>>) target_semaphore(%arg9 : memref<!tpu.dma_semaphore, #tpu.memory_space<semaphore_mem>>)
    %slice3A_313 = vector.extract_strided_slice %and3A_191 {offsets = [11], sizes = [1], strides = [1]} : vector<16xi32> to vector<1xi32>
    %squeeze3A_314 = vector.extract %slice3A_313[0] : i32 from vector<1xi32>
    %multiple_of3A_315 = tpu.assume_multiple %squeeze3A_314, 128 : i32
    %dma_start3A_316 = arith.constant 216 : i32
    %dma_start3A_317 = arith.constant 0 : i32
    %dma_start3A_318 = tpu.memref_slice %arg7[%dma_start3A_316, %dma_start3A_317] : memref<256x128xf32, #tpu.memory_space<vmem>> -> memref<8x128xf32, #tpu.memory_space<vmem>>
    %dma_start3A_319 = tpu.memref_slice %arg2[%multiple_of3A, %multiple_of3A_315] : memref<1024x100000xf32, #tpu.memory_space<hbm>> -> memref<8x128xf32, #tpu.memory_space<hbm>>
    %dma_start3A_320 = arith.constant 216 : i32
    %dma_start3A_321 = arith.constant 0 : i32
    %dma_start3A_322 = tpu.memref_slice %arg7[%dma_start3A_320, %dma_start3A_321] : memref<256x128xf32, #tpu.memory_space<vmem>> -> memref<8x128xf32, #tpu.memory_space<vmem>>
    %dma_start3A_323 = tpu.memref_slice %arg2[%multiple_of3A, %multiple_of3A_315] : memref<1024x100000xf32, #tpu.memory_space<hbm>> -> memref<8x128xf32, #tpu.memory_space<hbm>>
    tpu.enqueue_dma source(%dma_start3A_323 : memref<8x128xf32, #tpu.memory_space<hbm>>) target(%dma_start3A_322 : memref<8x128xf32, #tpu.memory_space<vmem>>) target_semaphore(%arg9 : memref<!tpu.dma_semaphore, #tpu.memory_space<semaphore_mem>>)
    %slice3A_324 = vector.extract_strided_slice %and3A_191 {offsets = [12], sizes = [1], strides = [1]} : vector<16xi32> to vector<1xi32>
    %squeeze3A_325 = vector.extract %slice3A_324[0] : i32 from vector<1xi32>
    %multiple_of3A_326 = tpu.assume_multiple %squeeze3A_325, 128 : i32
    %dma_start3A_327 = arith.constant 224 : i32
    %dma_start3A_328 = arith.constant 0 : i32
    %dma_start3A_329 = tpu.memref_slice %arg7[%dma_start3A_327, %dma_start3A_328] : memref<256x128xf32, #tpu.memory_space<vmem>> -> memref<8x128xf32, #tpu.memory_space<vmem>>
    %dma_start3A_330 = tpu.memref_slice %arg2[%multiple_of3A, %multiple_of3A_326] : memref<1024x100000xf32, #tpu.memory_space<hbm>> -> memref<8x128xf32, #tpu.memory_space<hbm>>
    %dma_start3A_331 = arith.constant 224 : i32
    %dma_start3A_332 = arith.constant 0 : i32
    %dma_start3A_333 = tpu.memref_slice %arg7[%dma_start3A_331, %dma_start3A_332] : memref<256x128xf32, #tpu.memory_space<vmem>> -> memref<8x128xf32, #tpu.memory_space<vmem>>
    %dma_start3A_334 = tpu.memref_slice %arg2[%multiple_of3A, %multiple_of3A_326] : memref<1024x100000xf32, #tpu.memory_space<hbm>> -> memref<8x128xf32, #tpu.memory_space<hbm>>
    tpu.enqueue_dma source(%dma_start3A_334 : memref<8x128xf32, #tpu.memory_space<hbm>>) target(%dma_start3A_333 : memref<8x128xf32, #tpu.memory_space<vmem>>) target_semaphore(%arg9 : memref<!tpu.dma_semaphore, #tpu.memory_space<semaphore_mem>>)
    %slice3A_335 = vector.extract_strided_slice %and3A_191 {offsets = [13], sizes = [1], strides = [1]} : vector<16xi32> to vector<1xi32>
    %squeeze3A_336 = vector.extract %slice3A_335[0] : i32 from vector<1xi32>
    %multiple_of3A_337 = tpu.assume_multiple %squeeze3A_336, 128 : i32
    %dma_start3A_338 = arith.constant 232 : i32
    %dma_start3A_339 = arith.constant 0 : i32
    %dma_start3A_340 = tpu.memref_slice %arg7[%dma_start3A_338, %dma_start3A_339] : memref<256x128xf32, #tpu.memory_space<vmem>> -> memref<8x128xf32, #tpu.memory_space<vmem>>
    %dma_start3A_341 = tpu.memref_slice %arg2[%multiple_of3A, %multiple_of3A_337] : memref<1024x100000xf32, #tpu.memory_space<hbm>> -> memref<8x128xf32, #tpu.memory_space<hbm>>
    %dma_start3A_342 = arith.constant 232 : i32
    %dma_start3A_343 = arith.constant 0 : i32
    %dma_start3A_344 = tpu.memref_slice %arg7[%dma_start3A_342, %dma_start3A_343] : memref<256x128xf32, #tpu.memory_space<vmem>> -> memref<8x128xf32, #tpu.memory_space<vmem>>
    %dma_start3A_345 = tpu.memref_slice %arg2[%multiple_of3A, %multiple_of3A_337] : memref<1024x100000xf32, #tpu.memory_space<hbm>> -> memref<8x128xf32, #tpu.memory_space<hbm>>
    tpu.enqueue_dma source(%dma_start3A_345 : memref<8x128xf32, #tpu.memory_space<hbm>>) target(%dma_start3A_344 : memref<8x128xf32, #tpu.memory_space<vmem>>) target_semaphore(%arg9 : memref<!tpu.dma_semaphore, #tpu.memory_space<semaphore_mem>>)
    %slice3A_346 = vector.extract_strided_slice %and3A_191 {offsets = [14], sizes = [1], strides = [1]} : vector<16xi32> to vector<1xi32>
    %squeeze3A_347 = vector.extract %slice3A_346[0] : i32 from vector<1xi32>
    %multiple_of3A_348 = tpu.assume_multiple %squeeze3A_347, 128 : i32
    %dma_start3A_349 = arith.constant 240 : i32
    %dma_start3A_350 = arith.constant 0 : i32
    %dma_start3A_351 = tpu.memref_slice %arg7[%dma_start3A_349, %dma_start3A_350] : memref<256x128xf32, #tpu.memory_space<vmem>> -> memref<8x128xf32, #tpu.memory_space<vmem>>
    %dma_start3A_352 = tpu.memref_slice %arg2[%multiple_of3A, %multiple_of3A_348] : memref<1024x100000xf32, #tpu.memory_space<hbm>> -> memref<8x128xf32, #tpu.memory_space<hbm>>
    %dma_start3A_353 = arith.constant 240 : i32
    %dma_start3A_354 = arith.constant 0 : i32
    %dma_start3A_355 = tpu.memref_slice %arg7[%dma_start3A_353, %dma_start3A_354] : memref<256x128xf32, #tpu.memory_space<vmem>> -> memref<8x128xf32, #tpu.memory_space<vmem>>
    %dma_start3A_356 = tpu.memref_slice %arg2[%multiple_of3A, %multiple_of3A_348] : memref<1024x100000xf32, #tpu.memory_space<hbm>> -> memref<8x128xf32, #tpu.memory_space<hbm>>
    tpu.enqueue_dma source(%dma_start3A_356 : memref<8x128xf32, #tpu.memory_space<hbm>>) target(%dma_start3A_355 : memref<8x128xf32, #tpu.memory_space<vmem>>) target_semaphore(%arg9 : memref<!tpu.dma_semaphore, #tpu.memory_space<semaphore_mem>>)
    %slice3A_357 = vector.extract_strided_slice %and3A_191 {offsets = [15], sizes = [1], strides = [1]} : vector<16xi32> to vector<1xi32>
    %squeeze3A_358 = vector.extract %slice3A_357[0] : i32 from vector<1xi32>
    %multiple_of3A_359 = tpu.assume_multiple %squeeze3A_358, 128 : i32
    %dma_start3A_360 = arith.constant 248 : i32
    %dma_start3A_361 = arith.constant 0 : i32
    %dma_start3A_362 = tpu.memref_slice %arg7[%dma_start3A_360, %dma_start3A_361] : memref<256x128xf32, #tpu.memory_space<vmem>> -> memref<8x128xf32, #tpu.memory_space<vmem>>
    %dma_start3A_363 = tpu.memref_slice %arg2[%multiple_of3A, %multiple_of3A_359] : memref<1024x100000xf32, #tpu.memory_space<hbm>> -> memref<8x128xf32, #tpu.memory_space<hbm>>
    %dma_start3A_364 = arith.constant 248 : i32
    %dma_start3A_365 = arith.constant 0 : i32
    %dma_start3A_366 = tpu.memref_slice %arg7[%dma_start3A_364, %dma_start3A_365] : memref<256x128xf32, #tpu.memory_space<vmem>> -> memref<8x128xf32, #tpu.memory_space<vmem>>
    %dma_start3A_367 = tpu.memref_slice %arg2[%multiple_of3A, %multiple_of3A_359] : memref<1024x100000xf32, #tpu.memory_space<hbm>> -> memref<8x128xf32, #tpu.memory_space<hbm>>
    tpu.enqueue_dma source(%dma_start3A_367 : memref<8x128xf32, #tpu.memory_space<hbm>>) target(%dma_start3A_366 : memref<8x128xf32, #tpu.memory_space<vmem>>) target_semaphore(%arg9 : memref<!tpu.dma_semaphore, #tpu.memory_space<semaphore_mem>>)
    %add3A_368 = arith.constant 0 : i32
    %add3A_369 = arith.addi %mul3A_4, %add3A_368 : i32
    %and3A_370 = arith.constant -8 : i32
    %and3A_371 = arith.andi %add3A_369, %and3A_370 : i32
    %multiple_of3A_372 = tpu.assume_multiple %and3A_371, 8 : i32
    %get3A_373 = arith.constant 32 : index
    %get3A_374 = tpu.vector_load %arg5[%get3A_373] {strides = array<i32>} : memref<2048xi32, #tpu.memory_space<vmem>>, vector<16xi32>,
    %get3A_375 = vector.shape_cast %get3A_374 : vector<16xi32> to vector<16xi32>
    %and3A_376 = arith.constant -128 : i32
    %and3A_377 = vector.broadcast %and3A_376 : i32 to vector<16xi32>
    %and3A_378 = arith.andi %get3A_375, %and3A_377 : vector<16xi32>
    %slice3A_379 = vector.extract_strided_slice %and3A_378 {offsets = [0], sizes = [1], strides = [1]} : vector<16xi32> to vector<1xi32>
    %squeeze3A_380 = vector.extract %slice3A_379[0] : i32 from vector<1xi32>
    %multiple_of3A_381 = tpu.assume_multiple %squeeze3A_380, 128 : i32
    %dma_start3A_382 = arith.constant 0 : i32
    %dma_start3A_383 = arith.constant 0 : i32
    %dma_start3A_384 = tpu.memref_slice %arg8[%dma_start3A_382, %dma_start3A_383] : memref<256x128xf32, #tpu.memory_space<vmem>> -> memref<8x128xf32, #tpu.memory_space<vmem>>
    %dma_start3A_385 = tpu.memref_slice %arg2[%multiple_of3A_372, %multiple_of3A_381] : memref<1024x100000xf32, #tpu.memory_space<hbm>> -> memref<8x128xf32, #tpu.memory_space<hbm>>
    %dma_start3A_386 = arith.constant 0 : i32
    %dma_start3A_387 = arith.constant 0 : i32
    %dma_start3A_388 = tpu.memref_slice %arg8[%dma_start3A_386, %dma_start3A_387] : memref<256x128xf32, #tpu.memory_space<vmem>> -> memref<8x128xf32, #tpu.memory_space<vmem>>
    %dma_start3A_389 = tpu.memref_slice %arg2[%multiple_of3A_372, %multiple_of3A_381] : memref<1024x100000xf32, #tpu.memory_space<hbm>> -> memref<8x128xf32, #tpu.memory_space<hbm>>
    tpu.enqueue_dma source(%dma_start3A_389 : memref<8x128xf32, #tpu.memory_space<hbm>>) target(%dma_start3A_388 : memref<8x128xf32, #tpu.memory_space<vmem>>) target_semaphore(%arg10 : memref<!tpu.dma_semaphore, #tpu.memory_space<semaphore_mem>>)
    %slice3A_390 = vector.extract_strided_slice %and3A_378 {offsets = [1], sizes = [1], strides = [1]} : vector<16xi32> to vector<1xi32>
    %squeeze3A_391 = vector.extract %slice3A_390[0] : i32 from vector<1xi32>
    %multiple_of3A_392 = tpu.assume_multiple %squeeze3A_391, 128 : i32
    %dma_start3A_393 = arith.constant 8 : i32
    %dma_start3A_394 = arith.constant 0 : i32
    %dma_start3A_395 = tpu.memref_slice %arg8[%dma_start3A_393, %dma_start3A_394] : memref<256x128xf32, #tpu.memory_space<vmem>> -> memref<8x128xf32, #tpu.memory_space<vmem>>
    %dma_start3A_396 = tpu.memref_slice %arg2[%multiple_of3A_372, %multiple_of3A_392] : memref<1024x100000xf32, #tpu.memory_space<hbm>> -> memref<8x128xf32, #tpu.memory_space<hbm>>
    %dma_start3A_397 = arith.constant 8 : i32
    %dma_start3A_398 = arith.constant 0 : i32
    %dma_start3A_399 = tpu.memref_slice %arg8[%dma_start3A_397, %dma_start3A_398] : memref<256x128xf32, #tpu.memory_space<vmem>> -> memref<8x128xf32, #tpu.memory_space<vmem>>
    %dma_start3A_400 = tpu.memref_slice %arg2[%multiple_of3A_372, %multiple_of3A_392] : memref<1024x100000xf32, #tpu.memory_space<hbm>> -> memref<8x128xf32, #tpu.memory_space<hbm>>
    tpu.enqueue_dma source(%dma_start3A_400 : memref<8x128xf32, #tpu.memory_space<hbm>>) target(%dma_start3A_399 : memref<8x128xf32, #tpu.memory_space<vmem>>) target_semaphore(%arg10 : memref<!tpu.dma_semaphore, #tpu.memory_space<semaphore_mem>>)
    %slice3A_401 = vector.extract_strided_slice %and3A_378 {offsets = [2], sizes = [1], strides = [1]} : vector<16xi32> to vector<1xi32>
    %squeeze3A_402 = vector.extract %slice3A_401[0] : i32 from vector<1xi32>
    %multiple_of3A_403 = tpu.assume_multiple %squeeze3A_402, 128 : i32
    %dma_start3A_404 = arith.constant 16 : i32
    %dma_start3A_405 = arith.constant 0 : i32
    %dma_start3A_406 = tpu.memref_slice %arg8[%dma_start3A_404, %dma_start3A_405] : memref<256x128xf32, #tpu.memory_space<vmem>> -> memref<8x128xf32, #tpu.memory_space<vmem>>
    %dma_start3A_407 = tpu.memref_slice %arg2[%multiple_of3A_372, %multiple_of3A_403] : memref<1024x100000xf32, #tpu.memory_space<hbm>> -> memref<8x128xf32, #tpu.memory_space<hbm>>
    %dma_start3A_408 = arith.constant 16 : i32
    %dma_start3A_409 = arith.constant 0 : i32
    %dma_start3A_410 = tpu.memref_slice %arg8[%dma_start3A_408, %dma_start3A_409] : memref<256x128xf32, #tpu.memory_space<vmem>> -> memref<8x128xf32, #tpu.memory_space<vmem>>
    %dma_start3A_411 = tpu.memref_slice %arg2[%multiple_of3A_372, %multiple_of3A_403] : memref<1024x100000xf32, #tpu.memory_space<hbm>> -> memref<8x128xf32, #tpu.memory_space<hbm>>
    tpu.enqueue_dma source(%dma_start3A_411 : memref<8x128xf32, #tpu.memory_space<hbm>>) target(%dma_start3A_410 : memref<8x128xf32, #tpu.memory_space<vmem>>) target_semaphore(%arg10 : memref<!tpu.dma_semaphore, #tpu.memory_space<semaphore_mem>>)
    %slice3A_412 = vector.extract_strided_slice %and3A_378 {offsets = [3], sizes = [1], strides = [1]} : vector<16xi32> to vector<1xi32>
    %squeeze3A_413 = vector.extract %slice3A_412[0] : i32 from vector<1xi32>
    %multiple_of3A_414 = tpu.assume_multiple %squeeze3A_413, 128 : i32
    %dma_start3A_415 = arith.constant 24 : i32
    %dma_start3A_416 = arith.constant 0 : i32
    %dma_start3A_417 = tpu.memref_slice %arg8[%dma_start3A_415, %dma_start3A_416] : memref<256x128xf32, #tpu.memory_space<vmem>> -> memref<8x128xf32, #tpu.memory_space<vmem>>
    %dma_start3A_418 = tpu.memref_slice %arg2[%multiple_of3A_372, %multiple_of3A_414] : memref<1024x100000xf32, #tpu.memory_space<hbm>> -> memref<8x128xf32, #tpu.memory_space<hbm>>
    %dma_start3A_419 = arith.constant 24 : i32
    %dma_start3A_420 = arith.constant 0 : i32
    %dma_start3A_421 = tpu.memref_slice %arg8[%dma_start3A_419, %dma_start3A_420] : memref<256x128xf32, #tpu.memory_space<vmem>> -> memref<8x128xf32, #tpu.memory_space<vmem>>
    %dma_start3A_422 = tpu.memref_slice %arg2[%multiple_of3A_372, %multiple_of3A_414] : memref<1024x100000xf32, #tpu.memory_space<hbm>> -> memref<8x128xf32, #tpu.memory_space<hbm>>
    tpu.enqueue_dma source(%dma_start3A_422 : memref<8x128xf32, #tpu.memory_space<hbm>>) target(%dma_start3A_421 : memref<8x128xf32, #tpu.memory_space<vmem>>) target_semaphore(%arg10 : memref<!tpu.dma_semaphore, #tpu.memory_space<semaphore_mem>>)
    %slice3A_423 = vector.extract_strided_slice %and3A_378 {offsets = [4], sizes = [1], strides = [1]} : vector<16xi32> to vector<1xi32>
    %squeeze3A_424 = vector.extract %slice3A_423[0] : i32 from vector<1xi32>
    %multiple_of3A_425 = tpu.assume_multiple %squeeze3A_424, 128 : i32
    %dma_start3A_426 = arith.constant 32 : i32
    %dma_start3A_427 = arith.constant 0 : i32
    %dma_start3A_428 = tpu.memref_slice %arg8[%dma_start3A_426, %dma_start3A_427] : memref<256x128xf32, #tpu.memory_space<vmem>> -> memref<8x128xf32, #tpu.memory_space<vmem>>
    %dma_start3A_429 = tpu.memref_slice %arg2[%multiple_of3A_372, %multiple_of3A_425] : memref<1024x100000xf32, #tpu.memory_space<hbm>> -> memref<8x128xf32, #tpu.memory_space<hbm>>
    %dma_start3A_430 = arith.constant 32 : i32
    %dma_start3A_431 = arith.constant 0 : i32
    %dma_start3A_432 = tpu.memref_slice %arg8[%dma_start3A_430, %dma_start3A_431] : memref<256x128xf32, #tpu.memory_space<vmem>> -> memref<8x128xf32, #tpu.memory_space<vmem>>
    %dma_start3A_433 = tpu.memref_slice %arg2[%multiple_of3A_372, %multiple_of3A_425] : memref<1024x100000xf32, #tpu.memory_space<hbm>> -> memref<8x128xf32, #tpu.memory_space<hbm>>
    tpu.enqueue_dma source(%dma_start3A_433 : memref<8x128xf32, #tpu.memory_space<hbm>>) target(%dma_start3A_432 : memref<8x128xf32, #tpu.memory_space<vmem>>) target_semaphore(%arg10 : memref<!tpu.dma_semaphore, #tpu.memory_space<semaphore_mem>>)
    %slice3A_434 = vector.extract_strided_slice %and3A_378 {offsets = [5], sizes = [1], strides = [1]} : vector<16xi32> to vector<1xi32>
    %squeeze3A_435 = vector.extract %slice3A_434[0] : i32 from vector<1xi32>
    %multiple_of3A_436 = tpu.assume_multiple %squeeze3A_435, 128 : i32
    %dma_start3A_437 = arith.constant 40 : i32
    %dma_start3A_438 = arith.constant 0 : i32
    %dma_start3A_439 = tpu.memref_slice %arg8[%dma_start3A_437, %dma_start3A_438] : memref<256x128xf32, #tpu.memory_space<vmem>> -> memref<8x128xf32, #tpu.memory_space<vmem>>
    %dma_start3A_440 = tpu.memref_slice %arg2[%multiple_of3A_372, %multiple_of3A_436] : memref<1024x100000xf32, #tpu.memory_space<hbm>> -> memref<8x128xf32, #tpu.memory_space<hbm>>
    %dma_start3A_441 = arith.constant 40 : i32
    %dma_start3A_442 = arith.constant 0 : i32
    %dma_start3A_443 = tpu.memref_slice %arg8[%dma_start3A_441, %dma_start3A_442] : memref<256x128xf32, #tpu.memory_space<vmem>> -> memref<8x128xf32, #tpu.memory_space<vmem>>
    %dma_start3A_444 = tpu.memref_slice %arg2[%multiple_of3A_372, %multiple_of3A_436] : memref<1024x100000xf32, #tpu.memory_space<hbm>> -> memref<8x128xf32, #tpu.memory_space<hbm>>
    tpu.enqueue_dma source(%dma_start3A_444 : memref<8x128xf32, #tpu.memory_space<hbm>>) target(%dma_start3A_443 : memref<8x128xf32, #tpu.memory_space<vmem>>) target_semaphore(%arg10 : memref<!tpu.dma_semaphore, #tpu.memory_space<semaphore_mem>>)
    %slice3A_445 = vector.extract_strided_slice %and3A_378 {offsets = [6], sizes = [1], strides = [1]} : vector<16xi32> to vector<1xi32>
    %squeeze3A_446 = vector.extract %slice3A_445[0] : i32 from vector<1xi32>
    %multiple_of3A_447 = tpu.assume_multiple %squeeze3A_446, 128 : i32
    %dma_start3A_448 = arith.constant 48 : i32
    %dma_start3A_449 = arith.constant 0 : i32
    %dma_start3A_450 = tpu.memref_slice %arg8[%dma_start3A_448, %dma_start3A_449] : memref<256x128xf32, #tpu.memory_space<vmem>> -> memref<8x128xf32, #tpu.memory_space<vmem>>
    %dma_start3A_451 = tpu.memref_slice %arg2[%multiple_of3A_372, %multiple_of3A_447] : memref<1024x100000xf32, #tpu.memory_space<hbm>> -> memref<8x128xf32, #tpu.memory_space<hbm>>
    %dma_start3A_452 = arith.constant 48 : i32
    %dma_start3A_453 = arith.constant 0 : i32
    %dma_start3A_454 = tpu.memref_slice %arg8[%dma_start3A_452, %dma_start3A_453] : memref<256x128xf32, #tpu.memory_space<vmem>> -> memref<8x128xf32, #tpu.memory_space<vmem>>
    %dma_start3A_455 = tpu.memref_slice %arg2[%multiple_of3A_372, %multiple_of3A_447] : memref<1024x100000xf32, #tpu.memory_space<hbm>> -> memref<8x128xf32, #tpu.memory_space<hbm>>
    tpu.enqueue_dma source(%dma_start3A_455 : memref<8x128xf32, #tpu.memory_space<hbm>>) target(%dma_start3A_454 : memref<8x128xf32, #tpu.memory_space<vmem>>) target_semaphore(%arg10 : memref<!tpu.dma_semaphore, #tpu.memory_space<semaphore_mem>>)
    %slice3A_456 = vector.extract_strided_slice %and3A_378 {offsets = [7], sizes = [1], strides = [1]} : vector<16xi32> to vector<1xi32>
    %squeeze3A_457 = vector.extract %slice3A_456[0] : i32 from vector<1xi32>
    %multiple_of3A_458 = tpu.assume_multiple %squeeze3A_457, 128 : i32
    %dma_start3A_459 = arith.constant 56 : i32
    %dma_start3A_460 = arith.constant 0 : i32
    %dma_start3A_461 = tpu.memref_slice %arg8[%dma_start3A_459, %dma_start3A_460] : memref<256x128xf32, #tpu.memory_space<vmem>> -> memref<8x128xf32, #tpu.memory_space<vmem>>
    %dma_start3A_462 = tpu.memref_slice %arg2[%multiple_of3A_372, %multiple_of3A_458] : memref<1024x100000xf32, #tpu.memory_space<hbm>> -> memref<8x128xf32, #tpu.memory_space<hbm>>
    %dma_start3A_463 = arith.constant 56 : i32
    %dma_start3A_464 = arith.constant 0 : i32
    %dma_start3A_465 = tpu.memref_slice %arg8[%dma_start3A_463, %dma_start3A_464] : memref<256x128xf32, #tpu.memory_space<vmem>> -> memref<8x128xf32, #tpu.memory_space<vmem>>
    %dma_start3A_466 = tpu.memref_slice %arg2[%multiple_of3A_372, %multiple_of3A_458] : memref<1024x100000xf32, #tpu.memory_space<hbm>> -> memref<8x128xf32, #tpu.memory_space<hbm>>
    tpu.enqueue_dma source(%dma_start3A_466 : memref<8x128xf32, #tpu.memory_space<hbm>>) target(%dma_start3A_465 : memref<8x128xf32, #tpu.memory_space<vmem>>) target_semaphore(%arg10 : memref<!tpu.dma_semaphore, #tpu.memory_space<semaphore_mem>>)
    %slice3A_467 = vector.extract_strided_slice %and3A_378 {offsets = [8], sizes = [1], strides = [1]} : vector<16xi32> to vector<1xi32>
    %squeeze3A_468 = vector.extract %slice3A_467[0] : i32 from vector<1xi32>
    %multiple_of3A_469 = tpu.assume_multiple %squeeze3A_468, 128 : i32
    %dma_start3A_470 = arith.constant 64 : i32
    %dma_start3A_471 = arith.constant 0 : i32
    %dma_start3A_472 = tpu.memref_slice %arg8[%dma_start3A_470, %dma_start3A_471] : memref<256x128xf32, #tpu.memory_space<vmem>> -> memref<8x128xf32, #tpu.memory_space<vmem>>
    %dma_start3A_473 = tpu.memref_slice %arg2[%multiple_of3A_372, %multiple_of3A_469] : memref<1024x100000xf32, #tpu.memory_space<hbm>> -> memref<8x128xf32, #tpu.memory_space<hbm>>
    %dma_start3A_474 = arith.constant 64 : i32
    %dma_start3A_475 = arith.constant 0 : i32
    %dma_start3A_476 = tpu.memref_slice %arg8[%dma_start3A_474, %dma_start3A_475] : memref<256x128xf32, #tpu.memory_space<vmem>> -> memref<8x128xf32, #tpu.memory_space<vmem>>
    %dma_start3A_477 = tpu.memref_slice %arg2[%multiple_of3A_372, %multiple_of3A_469] : memref<1024x100000xf32, #tpu.memory_space<hbm>> -> memref<8x128xf32, #tpu.memory_space<hbm>>
    tpu.enqueue_dma source(%dma_start3A_477 : memref<8x128xf32, #tpu.memory_space<hbm>>) target(%dma_start3A_476 : memref<8x128xf32, #tpu.memory_space<vmem>>) target_semaphore(%arg10 : memref<!tpu.dma_semaphore, #tpu.memory_space<semaphore_mem>>)
    %slice3A_478 = vector.extract_strided_slice %and3A_378 {offsets = [9], sizes = [1], strides = [1]} : vector<16xi32> to vector<1xi32>
    %squeeze3A_479 = vector.extract %slice3A_478[0] : i32 from vector<1xi32>
    %multiple_of3A_480 = tpu.assume_multiple %squeeze3A_479, 128 : i32
    %dma_start3A_481 = arith.constant 72 : i32
    %dma_start3A_482 = arith.constant 0 : i32
    %dma_start3A_483 = tpu.memref_slice %arg8[%dma_start3A_481, %dma_start3A_482] : memref<256x128xf32, #tpu.memory_space<vmem>> -> memref<8x128xf32, #tpu.memory_space<vmem>>
    %dma_start3A_484 = tpu.memref_slice %arg2[%multiple_of3A_372, %multiple_of3A_480] : memref<1024x100000xf32, #tpu.memory_space<hbm>> -> memref<8x128xf32, #tpu.memory_space<hbm>>
    %dma_start3A_485 = arith.constant 72 : i32
    %dma_start3A_486 = arith.constant 0 : i32
    %dma_start3A_487 = tpu.memref_slice %arg8[%dma_start3A_485, %dma_start3A_486] : memref<256x128xf32, #tpu.memory_space<vmem>> -> memref<8x128xf32, #tpu.memory_space<vmem>>
    %dma_start3A_488 = tpu.memref_slice %arg2[%multiple_of3A_372, %multiple_of3A_480] : memref<1024x100000xf32, #tpu.memory_space<hbm>> -> memref<8x128xf32, #tpu.memory_space<hbm>>
    tpu.enqueue_dma source(%dma_start3A_488 : memref<8x128xf32, #tpu.memory_space<hbm>>) target(%dma_start3A_487 : memref<8x128xf32, #tpu.memory_space<vmem>>) target_semaphore(%arg10 : memref<!tpu.dma_semaphore, #tpu.memory_space<semaphore_mem>>)
    %slice3A_489 = vector.extract_strided_slice %and3A_378 {offsets = [10], sizes = [1], strides = [1]} : vector<16xi32> to vector<1xi32>
    %squeeze3A_490 = vector.extract %slice3A_489[0] : i32 from vector<1xi32>
    %multiple_of3A_491 = tpu.assume_multiple %squeeze3A_490, 128 : i32
    %dma_start3A_492 = arith.constant 80 : i32
    %dma_start3A_493 = arith.constant 0 : i32
    %dma_start3A_494 = tpu.memref_slice %arg8[%dma_start3A_492, %dma_start3A_493] : memref<256x128xf32, #tpu.memory_space<vmem>> -> memref<8x128xf32, #tpu.memory_space<vmem>>
    %dma_start3A_495 = tpu.memref_slice %arg2[%multiple_of3A_372, %multiple_of3A_491] : memref<1024x100000xf32, #tpu.memory_space<hbm>> -> memref<8x128xf32, #tpu.memory_space<hbm>>
    %dma_start3A_496 = arith.constant 80 : i32
    %dma_start3A_497 = arith.constant 0 : i32
    %dma_start3A_498 = tpu.memref_slice %arg8[%dma_start3A_496, %dma_start3A_497] : memref<256x128xf32, #tpu.memory_space<vmem>> -> memref<8x128xf32, #tpu.memory_space<vmem>>
    %dma_start3A_499 = tpu.memref_slice %arg2[%multiple_of3A_372, %multiple_of3A_491] : memref<1024x100000xf32, #tpu.memory_space<hbm>> -> memref<8x128xf32, #tpu.memory_space<hbm>>
    tpu.enqueue_dma source(%dma_start3A_499 : memref<8x128xf32, #tpu.memory_space<hbm>>) target(%dma_start3A_498 : memref<8x128xf32, #tpu.memory_space<vmem>>) target_semaphore(%arg10 : memref<!tpu.dma_semaphore, #tpu.memory_space<semaphore_mem>>)
    %slice3A_500 = vector.extract_strided_slice %and3A_378 {offsets = [11], sizes = [1], strides = [1]} : vector<16xi32> to vector<1xi32>
    %squeeze3A_501 = vector.extract %slice3A_500[0] : i32 from vector<1xi32>
    %multiple_of3A_502 = tpu.assume_multiple %squeeze3A_501, 128 : i32
    %dma_start3A_503 = arith.constant 88 : i32
    %dma_start3A_504 = arith.constant 0 : i32
    %dma_start3A_505 = tpu.memref_slice %arg8[%dma_start3A_503, %dma_start3A_504] : memref<256x128xf32, #tpu.memory_space<vmem>> -> memref<8x128xf32, #tpu.memory_space<vmem>>
    %dma_start3A_506 = tpu.memref_slice %arg2[%multiple_of3A_372, %multiple_of3A_502] : memref<1024x100000xf32, #tpu.memory_space<hbm>> -> memref<8x128xf32, #tpu.memory_space<hbm>>
    %dma_start3A_507 = arith.constant 88 : i32
    %dma_start3A_508 = arith.constant 0 : i32
    %dma_start3A_509 = tpu.memref_slice %arg8[%dma_start3A_507, %dma_start3A_508] : memref<256x128xf32, #tpu.memory_space<vmem>> -> memref<8x128xf32, #tpu.memory_space<vmem>>
    %dma_start3A_510 = tpu.memref_slice %arg2[%multiple_of3A_372, %multiple_of3A_502] : memref<1024x100000xf32, #tpu.memory_space<hbm>> -> memref<8x128xf32, #tpu.memory_space<hbm>>
    tpu.enqueue_dma source(%dma_start3A_510 : memref<8x128xf32, #tpu.memory_space<hbm>>) target(%dma_start3A_509 : memref<8x128xf32, #tpu.memory_space<vmem>>) target_semaphore(%arg10 : memref<!tpu.dma_semaphore, #tpu.memory_space<semaphore_mem>>)
    %slice3A_511 = vector.extract_strided_slice %and3A_378 {offsets = [12], sizes = [1], strides = [1]} : vector<16xi32> to vector<1xi32>
    %squeeze3A_512 = vector.extract %slice3A_511[0] : i32 from vector<1xi32>
    %multiple_of3A_513 = tpu.assume_multiple %squeeze3A_512, 128 : i32
    %dma_start3A_514 = arith.constant 96 : i32
    %dma_start3A_515 = arith.constant 0 : i32
    %dma_start3A_516 = tpu.memref_slice %arg8[%dma_start3A_514, %dma_start3A_515] : memref<256x128xf32, #tpu.memory_space<vmem>> -> memref<8x128xf32, #tpu.memory_space<vmem>>
    %dma_start3A_517 = tpu.memref_slice %arg2[%multiple_of3A_372, %multiple_of3A_513] : memref<1024x100000xf32, #tpu.memory_space<hbm>> -> memref<8x128xf32, #tpu.memory_space<hbm>>
    %dma_start3A_518 = arith.constant 96 : i32
    %dma_start3A_519 = arith.constant 0 : i32
    %dma_start3A_520 = tpu.memref_slice %arg8[%dma_start3A_518, %dma_start3A_519] : memref<256x128xf32, #tpu.memory_space<vmem>> -> memref<8x128xf32, #tpu.memory_space<vmem>>
    %dma_start3A_521 = tpu.memref_slice %arg2[%multiple_of3A_372, %multiple_of3A_513] : memref<1024x100000xf32, #tpu.memory_space<hbm>> -> memref<8x128xf32, #tpu.memory_space<hbm>>
    tpu.enqueue_dma source(%dma_start3A_521 : memref<8x128xf32, #tpu.memory_space<hbm>>) target(%dma_start3A_520 : memref<8x128xf32, #tpu.memory_space<vmem>>) target_semaphore(%arg10 : memref<!tpu.dma_semaphore, #tpu.memory_space<semaphore_mem>>)
    %slice3A_522 = vector.extract_strided_slice %and3A_378 {offsets = [13], sizes = [1], strides = [1]} : vector<16xi32> to vector<1xi32>
    %squeeze3A_523 = vector.extract %slice3A_522[0] : i32 from vector<1xi32>
    %multiple_of3A_524 = tpu.assume_multiple %squeeze3A_523, 128 : i32
    %dma_start3A_525 = arith.constant 104 : i32
    %dma_start3A_526 = arith.constant 0 : i32
    %dma_start3A_527 = tpu.memref_slice %arg8[%dma_start3A_525, %dma_start3A_526] : memref<256x128xf32, #tpu.memory_space<vmem>> -> memref<8x128xf32, #tpu.memory_space<vmem>>
    %dma_start3A_528 = tpu.memref_slice %arg2[%multiple_of3A_372, %multiple_of3A_524] : memref<1024x100000xf32, #tpu.memory_space<hbm>> -> memref<8x128xf32, #tpu.memory_space<hbm>>
    %dma_start3A_529 = arith.constant 104 : i32
    %dma_start3A_530 = arith.constant 0 : i32
    %dma_start3A_531 = tpu.memref_slice %arg8[%dma_start3A_529, %dma_start3A_530] : memref<256x128xf32, #tpu.memory_space<vmem>> -> memref<8x128xf32, #tpu.memory_space<vmem>>
    %dma_start3A_532 = tpu.memref_slice %arg2[%multiple_of3A_372, %multiple_of3A_524] : memref<1024x100000xf32, #tpu.memory_space<hbm>> -> memref<8x128xf32, #tpu.memory_space<hbm>>
    tpu.enqueue_dma source(%dma_start3A_532 : memref<8x128xf32, #tpu.memory_space<hbm>>) target(%dma_start3A_531 : memref<8x128xf32, #tpu.memory_space<vmem>>) target_semaphore(%arg10 : memref<!tpu.dma_semaphore, #tpu.memory_space<semaphore_mem>>)
    %slice3A_533 = vector.extract_strided_slice %and3A_378 {offsets = [14], sizes = [1], strides = [1]} : vector<16xi32> to vector<1xi32>
    %squeeze3A_534 = vector.extract %slice3A_533[0] : i32 from vector<1xi32>
    %multiple_of3A_535 = tpu.assume_multiple %squeeze3A_534, 128 : i32
    %dma_start3A_536 = arith.constant 112 : i32
    %dma_start3A_537 = arith.constant 0 : i32
    %dma_start3A_538 = tpu.memref_slice %arg8[%dma_start3A_536, %dma_start3A_537] : memref<256x128xf32, #tpu.memory_space<vmem>> -> memref<8x128xf32, #tpu.memory_space<vmem>>
    %dma_start3A_539 = tpu.memref_slice %arg2[%multiple_of3A_372, %multiple_of3A_535] : memref<1024x100000xf32, #tpu.memory_space<hbm>> -> memref<8x128xf32, #tpu.memory_space<hbm>>
    %dma_start3A_540 = arith.constant 112 : i32
    %dma_start3A_541 = arith.constant 0 : i32
    %dma_start3A_542 = tpu.memref_slice %arg8[%dma_start3A_540, %dma_start3A_541] : memref<256x128xf32, #tpu.memory_space<vmem>> -> memref<8x128xf32, #tpu.memory_space<vmem>>
    %dma_start3A_543 = tpu.memref_slice %arg2[%multiple_of3A_372, %multiple_of3A_535] : memref<1024x100000xf32, #tpu.memory_space<hbm>> -> memref<8x128xf32, #tpu.memory_space<hbm>>
    tpu.enqueue_dma source(%dma_start3A_543 : memref<8x128xf32, #tpu.memory_space<hbm>>) target(%dma_start3A_542 : memref<8x128xf32, #tpu.memory_space<vmem>>) target_semaphore(%arg10 : memref<!tpu.dma_semaphore, #tpu.memory_space<semaphore_mem>>)
    %slice3A_544 = vector.extract_strided_slice %and3A_378 {offsets = [15], sizes = [1], strides = [1]} : vector<16xi32> to vector<1xi32>
    %squeeze3A_545 = vector.extract %slice3A_544[0] : i32 from vector<1xi32>
    %multiple_of3A_546 = tpu.assume_multiple %squeeze3A_545, 128 : i32
    %dma_start3A_547 = arith.constant 120 : i32
    %dma_start3A_548 = arith.constant 0 : i32
    %dma_start3A_549 = tpu.memref_slice %arg8[%dma_start3A_547, %dma_start3A_548] : memref<256x128xf32, #tpu.memory_space<vmem>> -> memref<8x128xf32, #tpu.memory_space<vmem>>
    %dma_start3A_550 = tpu.memref_slice %arg2[%multiple_of3A_372, %multiple_of3A_546] : memref<1024x100000xf32, #tpu.memory_space<hbm>> -> memref<8x128xf32, #tpu.memory_space<hbm>>
    %dma_start3A_551 = arith.constant 120 : i32
    %dma_start3A_552 = arith.constant 0 : i32
    %dma_start3A_553 = tpu.memref_slice %arg8[%dma_start3A_551, %dma_start3A_552] : memref<256x128xf32, #tpu.memory_space<vmem>> -> memref<8x128xf32, #tpu.memory_space<vmem>>
    %dma_start3A_554 = tpu.memref_slice %arg2[%multiple_of3A_372, %multiple_of3A_546] : memref<1024x100000xf32, #tpu.memory_space<hbm>> -> memref<8x128xf32, #tpu.memory_space<hbm>>
    tpu.enqueue_dma source(%dma_start3A_554 : memref<8x128xf32, #tpu.memory_space<hbm>>) target(%dma_start3A_553 : memref<8x128xf32, #tpu.memory_space<vmem>>) target_semaphore(%arg10 : memref<!tpu.dma_semaphore, #tpu.memory_space<semaphore_mem>>)
    %get3A_555 = arith.constant 48 : index
    %get3A_556 = tpu.vector_load %arg5[%get3A_555] {strides = array<i32>} : memref<2048xi32, #tpu.memory_space<vmem>>, vector<16xi32>,
    %get3A_557 = vector.shape_cast %get3A_556 : vector<16xi32> to vector<16xi32>
    %and3A_558 = arith.constant -128 : i32
    %and3A_559 = vector.broadcast %and3A_558 : i32 to vector<16xi32>
    %and3A_560 = arith.andi %get3A_557, %and3A_559 : vector<16xi32>
    %slice3A_561 = vector.extract_strided_slice %and3A_560 {offsets = [0], sizes = [1], strides = [1]} : vector<16xi32> to vector<1xi32>
    %squeeze3A_562 = vector.extract %slice3A_561[0] : i32 from vector<1xi32>
    %multiple_of3A_563 = tpu.assume_multiple %squeeze3A_562, 128 : i32
    %dma_start3A_564 = arith.constant 128 : i32
    %dma_start3A_565 = arith.constant 0 : i32
    %dma_start3A_566 = tpu.memref_slice %arg8[%dma_start3A_564, %dma_start3A_565] : memref<256x128xf32, #tpu.memory_space<vmem>> -> memref<8x128xf32, #tpu.memory_space<vmem>>
    %dma_start3A_567 = tpu.memref_slice %arg2[%multiple_of3A_372, %multiple_of3A_563] : memref<1024x100000xf32, #tpu.memory_space<hbm>> -> memref<8x128xf32, #tpu.memory_space<hbm>>
    %dma_start3A_568 = arith.constant 128 : i32
    %dma_start3A_569 = arith.constant 0 : i32
    %dma_start3A_570 = tpu.memref_slice %arg8[%dma_start3A_568, %dma_start3A_569] : memref<256x128xf32, #tpu.memory_space<vmem>> -> memref<8x128xf32, #tpu.memory_space<vmem>>
    %dma_start3A_571 = tpu.memref_slice %arg2[%multiple_of3A_372, %multiple_of3A_563] : memref<1024x100000xf32, #tpu.memory_space<hbm>> -> memref<8x128xf32, #tpu.memory_space<hbm>>
    tpu.enqueue_dma source(%dma_start3A_571 : memref<8x128xf32, #tpu.memory_space<hbm>>) target(%dma_start3A_570 : memref<8x128xf32, #tpu.memory_space<vmem>>) target_semaphore(%arg10 : memref<!tpu.dma_semaphore, #tpu.memory_space<semaphore_mem>>)
    %slice3A_572 = vector.extract_strided_slice %and3A_560 {offsets = [1], sizes = [1], strides = [1]} : vector<16xi32> to vector<1xi32>
    %squeeze3A_573 = vector.extract %slice3A_572[0] : i32 from vector<1xi32>
    %multiple_of3A_574 = tpu.assume_multiple %squeeze3A_573, 128 : i32
    %dma_start3A_575 = arith.constant 136 : i32
    %dma_start3A_576 = arith.constant 0 : i32
    %dma_start3A_577 = tpu.memref_slice %arg8[%dma_start3A_575, %dma_start3A_576] : memref<256x128xf32, #tpu.memory_space<vmem>> -> memref<8x128xf32, #tpu.memory_space<vmem>>
    %dma_start3A_578 = tpu.memref_slice %arg2[%multiple_of3A_372, %multiple_of3A_574] : memref<1024x100000xf32, #tpu.memory_space<hbm>> -> memref<8x128xf32, #tpu.memory_space<hbm>>
    %dma_start3A_579 = arith.constant 136 : i32
    %dma_start3A_580 = arith.constant 0 : i32
    %dma_start3A_581 = tpu.memref_slice %arg8[%dma_start3A_579, %dma_start3A_580] : memref<256x128xf32, #tpu.memory_space<vmem>> -> memref<8x128xf32, #tpu.memory_space<vmem>>
    %dma_start3A_582 = tpu.memref_slice %arg2[%multiple_of3A_372, %multiple_of3A_574] : memref<1024x100000xf32, #tpu.memory_space<hbm>> -> memref<8x128xf32, #tpu.memory_space<hbm>>
    tpu.enqueue_dma source(%dma_start3A_582 : memref<8x128xf32, #tpu.memory_space<hbm>>) target(%dma_start3A_581 : memref<8x128xf32, #tpu.memory_space<vmem>>) target_semaphore(%arg10 : memref<!tpu.dma_semaphore, #tpu.memory_space<semaphore_mem>>)
    %slice3A_583 = vector.extract_strided_slice %and3A_560 {offsets = [2], sizes = [1], strides = [1]} : vector<16xi32> to vector<1xi32>
    %squeeze3A_584 = vector.extract %slice3A_583[0] : i32 from vector<1xi32>
    %multiple_of3A_585 = tpu.assume_multiple %squeeze3A_584, 128 : i32
    %dma_start3A_586 = arith.constant 144 : i32
    %dma_start3A_587 = arith.constant 0 : i32
    %dma_start3A_588 = tpu.memref_slice %arg8[%dma_start3A_586, %dma_start3A_587] : memref<256x128xf32, #tpu.memory_space<vmem>> -> memref<8x128xf32, #tpu.memory_space<vmem>>
    %dma_start3A_589 = tpu.memref_slice %arg2[%multiple_of3A_372, %multiple_of3A_585] : memref<1024x100000xf32, #tpu.memory_space<hbm>> -> memref<8x128xf32, #tpu.memory_space<hbm>>
    %dma_start3A_590 = arith.constant 144 : i32
    %dma_start3A_591 = arith.constant 0 : i32
    %dma_start3A_592 = tpu.memref_slice %arg8[%dma_start3A_590, %dma_start3A_591] : memref<256x128xf32, #tpu.memory_space<vmem>> -> memref<8x128xf32, #tpu.memory_space<vmem>>
    %dma_start3A_593 = tpu.memref_slice %arg2[%multiple_of3A_372, %multiple_of3A_585] : memref<1024x100000xf32, #tpu.memory_space<hbm>> -> memref<8x128xf32, #tpu.memory_space<hbm>>
    tpu.enqueue_dma source(%dma_start3A_593 : memref<8x128xf32, #tpu.memory_space<hbm>>) target(%dma_start3A_592 : memref<8x128xf32, #tpu.memory_space<vmem>>) target_semaphore(%arg10 : memref<!tpu.dma_semaphore, #tpu.memory_space<semaphore_mem>>)
    %slice3A_594 = vector.extract_strided_slice %and3A_560 {offsets = [3], sizes = [1], strides = [1]} : vector<16xi32> to vector<1xi32>
    %squeeze3A_595 = vector.extract %slice3A_594[0] : i32 from vector<1xi32>
    %multiple_of3A_596 = tpu.assume_multiple %squeeze3A_595, 128 : i32
    %dma_start3A_597 = arith.constant 152 : i32
    %dma_start3A_598 = arith.constant 0 : i32
    %dma_start3A_599 = tpu.memref_slice %arg8[%dma_start3A_597, %dma_start3A_598] : memref<256x128xf32, #tpu.memory_space<vmem>> -> memref<8x128xf32, #tpu.memory_space<vmem>>
    %dma_start3A_600 = tpu.memref_slice %arg2[%multiple_of3A_372, %multiple_of3A_596] : memref<1024x100000xf32, #tpu.memory_space<hbm>> -> memref<8x128xf32, #tpu.memory_space<hbm>>
    %dma_start3A_601 = arith.constant 152 : i32
    %dma_start3A_602 = arith.constant 0 : i32
    %dma_start3A_603 = tpu.memref_slice %arg8[%dma_start3A_601, %dma_start3A_602] : memref<256x128xf32, #tpu.memory_space<vmem>> -> memref<8x128xf32, #tpu.memory_space<vmem>>
    %dma_start3A_604 = tpu.memref_slice %arg2[%multiple_of3A_372, %multiple_of3A_596] : memref<1024x100000xf32, #tpu.memory_space<hbm>> -> memref<8x128xf32, #tpu.memory_space<hbm>>
    tpu.enqueue_dma source(%dma_start3A_604 : memref<8x128xf32, #tpu.memory_space<hbm>>) target(%dma_start3A_603 : memref<8x128xf32, #tpu.memory_space<vmem>>) target_semaphore(%arg10 : memref<!tpu.dma_semaphore, #tpu.memory_space<semaphore_mem>>)
    %slice3A_605 = vector.extract_strided_slice %and3A_560 {offsets = [4], sizes = [1], strides = [1]} : vector<16xi32> to vector<1xi32>
    %squeeze3A_606 = vector.extract %slice3A_605[0] : i32 from vector<1xi32>
    %multiple_of3A_607 = tpu.assume_multiple %squeeze3A_606, 128 : i32
    %dma_start3A_608 = arith.constant 160 : i32
    %dma_start3A_609 = arith.constant 0 : i32
    %dma_start3A_610 = tpu.memref_slice %arg8[%dma_start3A_608, %dma_start3A_609] : memref<256x128xf32, #tpu.memory_space<vmem>> -> memref<8x128xf32, #tpu.memory_space<vmem>>
    %dma_start3A_611 = tpu.memref_slice %arg2[%multiple_of3A_372, %multiple_of3A_607] : memref<1024x100000xf32, #tpu.memory_space<hbm>> -> memref<8x128xf32, #tpu.memory_space<hbm>>
    %dma_start3A_612 = arith.constant 160 : i32
    %dma_start3A_613 = arith.constant 0 : i32
    %dma_start3A_614 = tpu.memref_slice %arg8[%dma_start3A_612, %dma_start3A_613] : memref<256x128xf32, #tpu.memory_space<vmem>> -> memref<8x128xf32, #tpu.memory_space<vmem>>
    %dma_start3A_615 = tpu.memref_slice %arg2[%multiple_of3A_372, %multiple_of3A_607] : memref<1024x100000xf32, #tpu.memory_space<hbm>> -> memref<8x128xf32, #tpu.memory_space<hbm>>
    tpu.enqueue_dma source(%dma_start3A_615 : memref<8x128xf32, #tpu.memory_space<hbm>>) target(%dma_start3A_614 : memref<8x128xf32, #tpu.memory_space<vmem>>) target_semaphore(%arg10 : memref<!tpu.dma_semaphore, #tpu.memory_space<semaphore_mem>>)
    %slice3A_616 = vector.extract_strided_slice %and3A_560 {offsets = [5], sizes = [1], strides = [1]} : vector<16xi32> to vector<1xi32>
    %squeeze3A_617 = vector.extract %slice3A_616[0] : i32 from vector<1xi32>
    %multiple_of3A_618 = tpu.assume_multiple %squeeze3A_617, 128 : i32
    %dma_start3A_619 = arith.constant 168 : i32
    %dma_start3A_620 = arith.constant 0 : i32
    %dma_start3A_621 = tpu.memref_slice %arg8[%dma_start3A_619, %dma_start3A_620] : memref<256x128xf32, #tpu.memory_space<vmem>> -> memref<8x128xf32, #tpu.memory_space<vmem>>
    %dma_start3A_622 = tpu.memref_slice %arg2[%multiple_of3A_372, %multiple_of3A_618] : memref<1024x100000xf32, #tpu.memory_space<hbm>> -> memref<8x128xf32, #tpu.memory_space<hbm>>
    %dma_start3A_623 = arith.constant 168 : i32
    %dma_start3A_624 = arith.constant 0 : i32
    %dma_start3A_625 = tpu.memref_slice %arg8[%dma_start3A_623, %dma_start3A_624] : memref<256x128xf32, #tpu.memory_space<vmem>> -> memref<8x128xf32, #tpu.memory_space<vmem>>
    %dma_start3A_626 = tpu.memref_slice %arg2[%multiple_of3A_372, %multiple_of3A_618] : memref<1024x100000xf32, #tpu.memory_space<hbm>> -> memref<8x128xf32, #tpu.memory_space<hbm>>
    tpu.enqueue_dma source(%dma_start3A_626 : memref<8x128xf32, #tpu.memory_space<hbm>>) target(%dma_start3A_625 : memref<8x128xf32, #tpu.memory_space<vmem>>) target_semaphore(%arg10 : memref<!tpu.dma_semaphore, #tpu.memory_space<semaphore_mem>>)
    %slice3A_627 = vector.extract_strided_slice %and3A_560 {offsets = [6], sizes = [1], strides = [1]} : vector<16xi32> to vector<1xi32>
    %squeeze3A_628 = vector.extract %slice3A_627[0] : i32 from vector<1xi32>
    %multiple_of3A_629 = tpu.assume_multiple %squeeze3A_628, 128 : i32
    %dma_start3A_630 = arith.constant 176 : i32
    %dma_start3A_631 = arith.constant 0 : i32
    %dma_start3A_632 = tpu.memref_slice %arg8[%dma_start3A_630, %dma_start3A_631] : memref<256x128xf32, #tpu.memory_space<vmem>> -> memref<8x128xf32, #tpu.memory_space<vmem>>
    %dma_start3A_633 = tpu.memref_slice %arg2[%multiple_of3A_372, %multiple_of3A_629] : memref<1024x100000xf32, #tpu.memory_space<hbm>> -> memref<8x128xf32, #tpu.memory_space<hbm>>
    %dma_start3A_634 = arith.constant 176 : i32
    %dma_start3A_635 = arith.constant 0 : i32
    %dma_start3A_636 = tpu.memref_slice %arg8[%dma_start3A_634, %dma_start3A_635] : memref<256x128xf32, #tpu.memory_space<vmem>> -> memref<8x128xf32, #tpu.memory_space<vmem>>
    %dma_start3A_637 = tpu.memref_slice %arg2[%multiple_of3A_372, %multiple_of3A_629] : memref<1024x100000xf32, #tpu.memory_space<hbm>> -> memref<8x128xf32, #tpu.memory_space<hbm>>
    tpu.enqueue_dma source(%dma_start3A_637 : memref<8x128xf32, #tpu.memory_space<hbm>>) target(%dma_start3A_636 : memref<8x128xf32, #tpu.memory_space<vmem>>) target_semaphore(%arg10 : memref<!tpu.dma_semaphore, #tpu.memory_space<semaphore_mem>>)
    %slice3A_638 = vector.extract_strided_slice %and3A_560 {offsets = [7], sizes = [1], strides = [1]} : vector<16xi32> to vector<1xi32>
    %squeeze3A_639 = vector.extract %slice3A_638[0] : i32 from vector<1xi32>
    %multiple_of3A_640 = tpu.assume_multiple %squeeze3A_639, 128 : i32
    %dma_start3A_641 = arith.constant 184 : i32
    %dma_start3A_642 = arith.constant 0 : i32
    %dma_start3A_643 = tpu.memref_slice %arg8[%dma_start3A_641, %dma_start3A_642] : memref<256x128xf32, #tpu.memory_space<vmem>> -> memref<8x128xf32, #tpu.memory_space<vmem>>
    %dma_start3A_644 = tpu.memref_slice %arg2[%multiple_of3A_372, %multiple_of3A_640] : memref<1024x100000xf32, #tpu.memory_space<hbm>> -> memref<8x128xf32, #tpu.memory_space<hbm>>
    %dma_start3A_645 = arith.constant 184 : i32
    %dma_start3A_646 = arith.constant 0 : i32
    %dma_start3A_647 = tpu.memref_slice %arg8[%dma_start3A_645, %dma_start3A_646] : memref<256x128xf32, #tpu.memory_space<vmem>> -> memref<8x128xf32, #tpu.memory_space<vmem>>
    %dma_start3A_648 = tpu.memref_slice %arg2[%multiple_of3A_372, %multiple_of3A_640] : memref<1024x100000xf32, #tpu.memory_space<hbm>> -> memref<8x128xf32, #tpu.memory_space<hbm>>
    tpu.enqueue_dma source(%dma_start3A_648 : memref<8x128xf32, #tpu.memory_space<hbm>>) target(%dma_start3A_647 : memref<8x128xf32, #tpu.memory_space<vmem>>) target_semaphore(%arg10 : memref<!tpu.dma_semaphore, #tpu.memory_space<semaphore_mem>>)
    %slice3A_649 = vector.extract_strided_slice %and3A_560 {offsets = [8], sizes = [1], strides = [1]} : vector<16xi32> to vector<1xi32>
    %squeeze3A_650 = vector.extract %slice3A_649[0] : i32 from vector<1xi32>
    %multiple_of3A_651 = tpu.assume_multiple %squeeze3A_650, 128 : i32
    %dma_start3A_652 = arith.constant 192 : i32
    %dma_start3A_653 = arith.constant 0 : i32
    %dma_start3A_654 = tpu.memref_slice %arg8[%dma_start3A_652, %dma_start3A_653] : memref<256x128xf32, #tpu.memory_space<vmem>> -> memref<8x128xf32, #tpu.memory_space<vmem>>
    %dma_start3A_655 = tpu.memref_slice %arg2[%multiple_of3A_372, %multiple_of3A_651] : memref<1024x100000xf32, #tpu.memory_space<hbm>> -> memref<8x128xf32, #tpu.memory_space<hbm>>
    %dma_start3A_656 = arith.constant 192 : i32
    %dma_start3A_657 = arith.constant 0 : i32
    %dma_start3A_658 = tpu.memref_slice %arg8[%dma_start3A_656, %dma_start3A_657] : memref<256x128xf32, #tpu.memory_space<vmem>> -> memref<8x128xf32, #tpu.memory_space<vmem>>
    %dma_start3A_659 = tpu.memref_slice %arg2[%multiple_of3A_372, %multiple_of3A_651] : memref<1024x100000xf32, #tpu.memory_space<hbm>> -> memref<8x128xf32, #tpu.memory_space<hbm>>
    tpu.enqueue_dma source(%dma_start3A_659 : memref<8x128xf32, #tpu.memory_space<hbm>>) target(%dma_start3A_658 : memref<8x128xf32, #tpu.memory_space<vmem>>) target_semaphore(%arg10 : memref<!tpu.dma_semaphore, #tpu.memory_space<semaphore_mem>>)
    %slice3A_660 = vector.extract_strided_slice %and3A_560 {offsets = [9], sizes = [1], strides = [1]} : vector<16xi32> to vector<1xi32>
    %squeeze3A_661 = vector.extract %slice3A_660[0] : i32 from vector<1xi32>
    %multiple_of3A_662 = tpu.assume_multiple %squeeze3A_661, 128 : i32
    %dma_start3A_663 = arith.constant 200 : i32
    %dma_start3A_664 = arith.constant 0 : i32
    %dma_start3A_665 = tpu.memref_slice %arg8[%dma_start3A_663, %dma_start3A_664] : memref<256x128xf32, #tpu.memory_space<vmem>> -> memref<8x128xf32, #tpu.memory_space<vmem>>
    %dma_start3A_666 = tpu.memref_slice %arg2[%multiple_of3A_372, %multiple_of3A_662] : memref<1024x100000xf32, #tpu.memory_space<hbm>> -> memref<8x128xf32, #tpu.memory_space<hbm>>
    %dma_start3A_667 = arith.constant 200 : i32
    %dma_start3A_668 = arith.constant 0 : i32
    %dma_start3A_669 = tpu.memref_slice %arg8[%dma_start3A_667, %dma_start3A_668] : memref<256x128xf32, #tpu.memory_space<vmem>> -> memref<8x128xf32, #tpu.memory_space<vmem>>
    %dma_start3A_670 = tpu.memref_slice %arg2[%multiple_of3A_372, %multiple_of3A_662] : memref<1024x100000xf32, #tpu.memory_space<hbm>> -> memref<8x128xf32, #tpu.memory_space<hbm>>
    tpu.enqueue_dma source(%dma_start3A_670 : memref<8x128xf32, #tpu.memory_space<hbm>>) target(%dma_start3A_669 : memref<8x128xf32, #tpu.memory_space<vmem>>) target_semaphore(%arg10 : memref<!tpu.dma_semaphore, #tpu.memory_space<semaphore_mem>>)
    %slice3A_671 = vector.extract_strided_slice %and3A_560 {offsets = [10], sizes = [1], strides = [1]} : vector<16xi32> to vector<1xi32>
    %squeeze3A_672 = vector.extract %slice3A_671[0] : i32 from vector<1xi32>
    %multiple_of3A_673 = tpu.assume_multiple %squeeze3A_672, 128 : i32
    %dma_start3A_674 = arith.constant 208 : i32
    %dma_start3A_675 = arith.constant 0 : i32
    %dma_start3A_676 = tpu.memref_slice %arg8[%dma_start3A_674, %dma_start3A_675] : memref<256x128xf32, #tpu.memory_space<vmem>> -> memref<8x128xf32, #tpu.memory_space<vmem>>
    %dma_start3A_677 = tpu.memref_slice %arg2[%multiple_of3A_372, %multiple_of3A_673] : memref<1024x100000xf32, #tpu.memory_space<hbm>> -> memref<8x128xf32, #tpu.memory_space<hbm>>
    %dma_start3A_678 = arith.constant 208 : i32
    %dma_start3A_679 = arith.constant 0 : i32
    %dma_start3A_680 = tpu.memref_slice %arg8[%dma_start3A_678, %dma_start3A_679] : memref<256x128xf32, #tpu.memory_space<vmem>> -> memref<8x128xf32, #tpu.memory_space<vmem>>
    %dma_start3A_681 = tpu.memref_slice %arg2[%multiple_of3A_372, %multiple_of3A_673] : memref<1024x100000xf32, #tpu.memory_space<hbm>> -> memref<8x128xf32, #tpu.memory_space<hbm>>
    tpu.enqueue_dma source(%dma_start3A_681 : memref<8x128xf32, #tpu.memory_space<hbm>>) target(%dma_start3A_680 : memref<8x128xf32, #tpu.memory_space<vmem>>) target_semaphore(%arg10 : memref<!tpu.dma_semaphore, #tpu.memory_space<semaphore_mem>>)
    %slice3A_682 = vector.extract_strided_slice %and3A_560 {offsets = [11], sizes = [1], strides = [1]} : vector<16xi32> to vector<1xi32>
    %squeeze3A_683 = vector.extract %slice3A_682[0] : i32 from vector<1xi32>
    %multiple_of3A_684 = tpu.assume_multiple %squeeze3A_683, 128 : i32
    %dma_start3A_685 = arith.constant 216 : i32
    %dma_start3A_686 = arith.constant 0 : i32
    %dma_start3A_687 = tpu.memref_slice %arg8[%dma_start3A_685, %dma_start3A_686] : memref<256x128xf32, #tpu.memory_space<vmem>> -> memref<8x128xf32, #tpu.memory_space<vmem>>
    %dma_start3A_688 = tpu.memref_slice %arg2[%multiple_of3A_372, %multiple_of3A_684] : memref<1024x100000xf32, #tpu.memory_space<hbm>> -> memref<8x128xf32, #tpu.memory_space<hbm>>
    %dma_start3A_689 = arith.constant 216 : i32
    %dma_start3A_690 = arith.constant 0 : i32
    %dma_start3A_691 = tpu.memref_slice %arg8[%dma_start3A_689, %dma_start3A_690] : memref<256x128xf32, #tpu.memory_space<vmem>> -> memref<8x128xf32, #tpu.memory_space<vmem>>
    %dma_start3A_692 = tpu.memref_slice %arg2[%multiple_of3A_372, %multiple_of3A_684] : memref<1024x100000xf32, #tpu.memory_space<hbm>> -> memref<8x128xf32, #tpu.memory_space<hbm>>
    tpu.enqueue_dma source(%dma_start3A_692 : memref<8x128xf32, #tpu.memory_space<hbm>>) target(%dma_start3A_691 : memref<8x128xf32, #tpu.memory_space<vmem>>) target_semaphore(%arg10 : memref<!tpu.dma_semaphore, #tpu.memory_space<semaphore_mem>>)
    %slice3A_693 = vector.extract_strided_slice %and3A_560 {offsets = [12], sizes = [1], strides = [1]} : vector<16xi32> to vector<1xi32>
    %squeeze3A_694 = vector.extract %slice3A_693[0] : i32 from vector<1xi32>
    %multiple_of3A_695 = tpu.assume_multiple %squeeze3A_694, 128 : i32
    %dma_start3A_696 = arith.constant 224 : i32
    %dma_start3A_697 = arith.constant 0 : i32
    %dma_start3A_698 = tpu.memref_slice %arg8[%dma_start3A_696, %dma_start3A_697] : memref<256x128xf32, #tpu.memory_space<vmem>> -> memref<8x128xf32, #tpu.memory_space<vmem>>
    %dma_start3A_699 = tpu.memref_slice %arg2[%multiple_of3A_372, %multiple_of3A_695] : memref<1024x100000xf32, #tpu.memory_space<hbm>> -> memref<8x128xf32, #tpu.memory_space<hbm>>
    %dma_start3A_700 = arith.constant 224 : i32
    %dma_start3A_701 = arith.constant 0 : i32
    %dma_start3A_702 = tpu.memref_slice %arg8[%dma_start3A_700, %dma_start3A_701] : memref<256x128xf32, #tpu.memory_space<vmem>> -> memref<8x128xf32, #tpu.memory_space<vmem>>
    %dma_start3A_703 = tpu.memref_slice %arg2[%multiple_of3A_372, %multiple_of3A_695] : memref<1024x100000xf32, #tpu.memory_space<hbm>> -> memref<8x128xf32, #tpu.memory_space<hbm>>
    tpu.enqueue_dma source(%dma_start3A_703 : memref<8x128xf32, #tpu.memory_space<hbm>>) target(%dma_start3A_702 : memref<8x128xf32, #tpu.memory_space<vmem>>) target_semaphore(%arg10 : memref<!tpu.dma_semaphore, #tpu.memory_space<semaphore_mem>>)
    %slice3A_704 = vector.extract_strided_slice %and3A_560 {offsets = [13], sizes = [1], strides = [1]} : vector<16xi32> to vector<1xi32>
    %squeeze3A_705 = vector.extract %slice3A_704[0] : i32 from vector<1xi32>
    %multiple_of3A_706 = tpu.assume_multiple %squeeze3A_705, 128 : i32
    %dma_start3A_707 = arith.constant 232 : i32
    %dma_start3A_708 = arith.constant 0 : i32
    %dma_start3A_709 = tpu.memref_slice %arg8[%dma_start3A_707, %dma_start3A_708] : memref<256x128xf32, #tpu.memory_space<vmem>> -> memref<8x128xf32, #tpu.memory_space<vmem>>
    %dma_start3A_710 = tpu.memref_slice %arg2[%multiple_of3A_372, %multiple_of3A_706] : memref<1024x100000xf32, #tpu.memory_space<hbm>> -> memref<8x128xf32, #tpu.memory_space<hbm>>
    %dma_start3A_711 = arith.constant 232 : i32
    %dma_start3A_712 = arith.constant 0 : i32
    %dma_start3A_713 = tpu.memref_slice %arg8[%dma_start3A_711, %dma_start3A_712] : memref<256x128xf32, #tpu.memory_space<vmem>> -> memref<8x128xf32, #tpu.memory_space<vmem>>
    %dma_start3A_714 = tpu.memref_slice %arg2[%multiple_of3A_372, %multiple_of3A_706] : memref<1024x100000xf32, #tpu.memory_space<hbm>> -> memref<8x128xf32, #tpu.memory_space<hbm>>
    tpu.enqueue_dma source(%dma_start3A_714 : memref<8x128xf32, #tpu.memory_space<hbm>>) target(%dma_start3A_713 : memref<8x128xf32, #tpu.memory_space<vmem>>) target_semaphore(%arg10 : memref<!tpu.dma_semaphore, #tpu.memory_space<semaphore_mem>>)
    %slice3A_715 = vector.extract_strided_slice %and3A_560 {offsets = [14], sizes = [1], strides = [1]} : vector<16xi32> to vector<1xi32>
    %squeeze3A_716 = vector.extract %slice3A_715[0] : i32 from vector<1xi32>
    %multiple_of3A_717 = tpu.assume_multiple %squeeze3A_716, 128 : i32
    %dma_start3A_718 = arith.constant 240 : i32
    %dma_start3A_719 = arith.constant 0 : i32
    %dma_start3A_720 = tpu.memref_slice %arg8[%dma_start3A_718, %dma_start3A_719] : memref<256x128xf32, #tpu.memory_space<vmem>> -> memref<8x128xf32, #tpu.memory_space<vmem>>
    %dma_start3A_721 = tpu.memref_slice %arg2[%multiple_of3A_372, %multiple_of3A_717] : memref<1024x100000xf32, #tpu.memory_space<hbm>> -> memref<8x128xf32, #tpu.memory_space<hbm>>
    %dma_start3A_722 = arith.constant 240 : i32
    %dma_start3A_723 = arith.constant 0 : i32
    %dma_start3A_724 = tpu.memref_slice %arg8[%dma_start3A_722, %dma_start3A_723] : memref<256x128xf32, #tpu.memory_space<vmem>> -> memref<8x128xf32, #tpu.memory_space<vmem>>
    %dma_start3A_725 = tpu.memref_slice %arg2[%multiple_of3A_372, %multiple_of3A_717] : memref<1024x100000xf32, #tpu.memory_space<hbm>> -> memref<8x128xf32, #tpu.memory_space<hbm>>
    tpu.enqueue_dma source(%dma_start3A_725 : memref<8x128xf32, #tpu.memory_space<hbm>>) target(%dma_start3A_724 : memref<8x128xf32, #tpu.memory_space<vmem>>) target_semaphore(%arg10 : memref<!tpu.dma_semaphore, #tpu.memory_space<semaphore_mem>>)
    %slice3A_726 = vector.extract_strided_slice %and3A_560 {offsets = [15], sizes = [1], strides = [1]} : vector<16xi32> to vector<1xi32>
    %squeeze3A_727 = vector.extract %slice3A_726[0] : i32 from vector<1xi32>
    %multiple_of3A_728 = tpu.assume_multiple %squeeze3A_727, 128 : i32
    %dma_start3A_729 = arith.constant 248 : i32
    %dma_start3A_730 = arith.constant 0 : i32
    %dma_start3A_731 = tpu.memref_slice %arg8[%dma_start3A_729, %dma_start3A_730] : memref<256x128xf32, #tpu.memory_space<vmem>> -> memref<8x128xf32, #tpu.memory_space<vmem>>
    %dma_start3A_732 = tpu.memref_slice %arg2[%multiple_of3A_372, %multiple_of3A_728] : memref<1024x100000xf32, #tpu.memory_space<hbm>> -> memref<8x128xf32, #tpu.memory_space<hbm>>
    %dma_start3A_733 = arith.constant 248 : i32
    %dma_start3A_734 = arith.constant 0 : i32
    %dma_start3A_735 = tpu.memref_slice %arg8[%dma_start3A_733, %dma_start3A_734] : memref<256x128xf32, #tpu.memory_space<vmem>> -> memref<8x128xf32, #tpu.memory_space<vmem>>
    %dma_start3A_736 = tpu.memref_slice %arg2[%multiple_of3A_372, %multiple_of3A_728] : memref<1024x100000xf32, #tpu.memory_space<hbm>> -> memref<8x128xf32, #tpu.memory_space<hbm>>
    tpu.enqueue_dma source(%dma_start3A_736 : memref<8x128xf32, #tpu.memory_space<hbm>>) target(%dma_start3A_735 : memref<8x128xf32, #tpu.memory_space<vmem>>) target_semaphore(%arg10 : memref<!tpu.dma_semaphore, #tpu.memory_space<semaphore_mem>>)
    %scan3A = arith.constant 0 : i32
    %scan3A_737 = arith.constant 31 : i32
    %scan3A_738 = arith.addi %scan3A, %scan3A_737 : i32
    %scan3A_739 = arith.constant 1 : i32
    scf.for %scan3A_1999 = %scan3A to %scan3A_738 step %scan3A_739  : i32 {
      %mul3A_2000 = arith.constant 1 : i32
      %mul3A_2001 = arith.muli %scan3A_1999, %mul3A_2000 : i32
      %add3A_2002 = arith.constant 0 : i32
      %add3A_2003 = arith.addi %add3A_2002, %mul3A_2001 : i32
      %mul3A_2004 = arith.constant 2 : i32
      %mul3A_2005 = arith.muli %mul3A_2004, %add3A_2003 : i32
      %dma_wait3A_2006 = arith.constant 0 : i32
      %dma_wait3A_2007 = arith.constant 0 : i32
      %dma_wait3A_2008 = tpu.memref_slice %arg2[%dma_wait3A_2006, %dma_wait3A_2007] : memref<1024x100000xf32, #tpu.memory_space<hbm>> -> memref<256x128xf32, #tpu.memory_space<hbm>>
      %dma_wait3A_2009 = arith.constant 0 : i32
      %dma_wait3A_2010 = arith.constant 0 : i32
      %dma_wait3A_2011 = tpu.memref_slice %arg2[%dma_wait3A_2009, %dma_wait3A_2010] : memref<1024x100000xf32, #tpu.memory_space<hbm>> -> memref<256x128xf32, #tpu.memory_space<hbm>>
      tpu.wait_dma2 semaphore(%arg9 : memref<!tpu.dma_semaphore, #tpu.memory_space<semaphore_mem>>) src(%dma_wait3A_2011 : memref<256x128xf32, #tpu.memory_space<hbm>>) dst(%arg7 : memref<256x128xf32, #tpu.memory_space<vmem>>)
      %shift_right_arithmetic3A = arith.constant 1 : i32
      %shift_right_arithmetic3A_2012 = arith.shrsi %mul3A_2005, %shift_right_arithmetic3A : i32
      %and3A_2013 = arith.constant 7 : i32
      %and3A_2014 = arith.andi %shift_right_arithmetic3A_2012, %and3A_2013 : i32
      %mul3A_2015 = arith.constant 32 : i32
      %mul3A_2016 = arith.muli %mul3A_2005, %mul3A_2015 : i32
      %add3A_2017 = arith.constant 0 : i32
      %add3A_2018 = arith.addi %mul3A_2016, %add3A_2017 : i32
      %get3A_2019 = arith.index_cast %add3A_2018 : i32 to index
      %get3A_2020 = tpu.vector_load %arg5[%get3A_2019] {strides = array<i32>} : memref<2048xi32, #tpu.memory_space<vmem>>, vector<16xi32>,
      %get3A_2021 = vector.shape_cast %get3A_2020 : vector<16xi32> to vector<16xi32>
      %broadcast_in_dim3A_2022 = arith.constant 0.000000e+00 : f32
      %broadcast_in_dim3A_2023 = vector.broadcast %broadcast_in_dim3A_2022 : f32 to vector<16xf32>
      %slice3A_2024 = vector.extract_strided_slice %get3A_2021 {offsets = [0], sizes = [1], strides = [1]} : vector<16xi32> to vector<1xi32>
      %squeeze3A_2025 = vector.extract %slice3A_2024[0] : i32 from vector<1xi32>
      %add3A_2026 = arith.constant 0 : i32
      %add3A_2027 = arith.addi %add3A_2026, %and3A_2014 : i32
      %and3A_2028 = arith.constant 112 : i32
      %and3A_2029 = arith.andi %squeeze3A_2025, %and3A_2028 : i32
      %get3A_2030 = arith.index_cast %add3A_2027 : i32 to index
      %get3A_2031 = arith.index_cast %and3A_2029 : i32 to index
      %get3A_2032 = tpu.vector_load %arg7[%get3A_2030, %get3A_2031] {strides = array<i32>} : memref<256x128xf32, #tpu.memory_space<vmem>>, vector<1x16xf32>,
      %get3A_2033 = vector.shape_cast %get3A_2032 : vector<1x16xf32> to vector<16xf32>
      %and3A_2034 = arith.constant 15 : i32
      %and3A_2035 = arith.andi %squeeze3A_2025, %and3A_2034 : i32
      %broadcast_in_dim3A_2036 = vector.broadcast %and3A_2035 : i32 to vector<16xi32>
      %broadcast_in_dim3A_2037 = vector.shape_cast %broadcast_in_dim3A_2036 : vector<16xi32> to vector<16x1xi32>
      %gather3A_2038 = vector.shape_cast %broadcast_in_dim3A_2037 : vector<16x1xi32> to vector<16xi32>
      %gather3A_2039 = tpu.dynamic_gather %get3A_2033[%gather3A_2038] in [0] : vector<16xf32>, vector<16xi32> -> vector<16xf32>
      %eq3A_2040 = arith.constant 0 : i32
      %eq3A_2041 = vector.broadcast %eq3A_2040 : i32 to vector<16xi32>
      %eq3A_2042 = arith.cmpi eq, %iota3A, %eq3A_2041 : vector<16xi32>
      %select_n3A_2043 = arith.select %eq3A_2042, %gather3A_2039, %broadcast_in_dim3A_2023 : vector<16xi1>, vector<16xf32>
      %slice3A_2044 = vector.extract_strided_slice %get3A_2021 {offsets = [1], sizes = [1], strides = [1]} : vector<16xi32> to vector<1xi32>
      %squeeze3A_2045 = vector.extract %slice3A_2044[0] : i32 from vector<1xi32>
      %add3A_2046 = arith.constant 8 : i32
      %add3A_2047 = arith.addi %add3A_2046, %and3A_2014 : i32
      %and3A_2048 = arith.constant 112 : i32
      %and3A_2049 = arith.andi %squeeze3A_2045, %and3A_2048 : i32
      %get3A_2050 = arith.index_cast %add3A_2047 : i32 to index
      %get3A_2051 = arith.index_cast %and3A_2049 : i32 to index
      %get3A_2052 = tpu.vector_load %arg7[%get3A_2050, %get3A_2051] {strides = array<i32>} : memref<256x128xf32, #tpu.memory_space<vmem>>, vector<1x16xf32>,
      %get3A_2053 = vector.shape_cast %get3A_2052 : vector<1x16xf32> to vector<16xf32>
      %and3A_2054 = arith.constant 15 : i32
      %and3A_2055 = arith.andi %squeeze3A_2045, %and3A_2054 : i32
      %broadcast_in_dim3A_2056 = vector.broadcast %and3A_2055 : i32 to vector<16xi32>
      %broadcast_in_dim3A_2057 = vector.shape_cast %broadcast_in_dim3A_2056 : vector<16xi32> to vector<16x1xi32>
      %gather3A_2058 = vector.shape_cast %broadcast_in_dim3A_2057 : vector<16x1xi32> to vector<16xi32>
      %gather3A_2059 = tpu.dynamic_gather %get3A_2053[%gather3A_2058] in [0] : vector<16xf32>, vector<16xi32> -> vector<16xf32>
      %eq3A_2060 = arith.constant 1 : i32
      %eq3A_2061 = vector.broadcast %eq3A_2060 : i32 to vector<16xi32>
      %eq3A_2062 = arith.cmpi eq, %iota3A, %eq3A_2061 : vector<16xi32>
      %select_n3A_2063 = arith.select %eq3A_2062, %gather3A_2059, %select_n3A_2043 : vector<16xi1>, vector<16xf32>
      %slice3A_2064 = vector.extract_strided_slice %get3A_2021 {offsets = [2], sizes = [1], strides = [1]} : vector<16xi32> to vector<1xi32>
      %squeeze3A_2065 = vector.extract %slice3A_2064[0] : i32 from vector<1xi32>
      %add3A_2066 = arith.constant 16 : i32
      %add3A_2067 = arith.addi %add3A_2066, %and3A_2014 : i32
      %and3A_2068 = arith.constant 112 : i32
      %and3A_2069 = arith.andi %squeeze3A_2065, %and3A_2068 : i32
      %get3A_2070 = arith.index_cast %add3A_2067 : i32 to index
      %get3A_2071 = arith.index_cast %and3A_2069 : i32 to index
      %get3A_2072 = tpu.vector_load %arg7[%get3A_2070, %get3A_2071] {strides = array<i32>} : memref<256x128xf32, #tpu.memory_space<vmem>>, vector<1x16xf32>,
      %get3A_2073 = vector.shape_cast %get3A_2072 : vector<1x16xf32> to vector<16xf32>
      %and3A_2074 = arith.constant 15 : i32
      %and3A_2075 = arith.andi %squeeze3A_2065, %and3A_2074 : i32
      %broadcast_in_dim3A_2076 = vector.broadcast %and3A_2075 : i32 to vector<16xi32>
      %broadcast_in_dim3A_2077 = vector.shape_cast %broadcast_in_dim3A_2076 : vector<16xi32> to vector<16x1xi32>
      %gather3A_2078 = vector.shape_cast %broadcast_in_dim3A_2077 : vector<16x1xi32> to vector<16xi32>
      %gather3A_2079 = tpu.dynamic_gather %get3A_2073[%gather3A_2078] in [0] : vector<16xf32>, vector<16xi32> -> vector<16xf32>
      %eq3A_2080 = arith.constant 2 : i32
      %eq3A_2081 = vector.broadcast %eq3A_2080 : i32 to vector<16xi32>
      %eq3A_2082 = arith.cmpi eq, %iota3A, %eq3A_2081 : vector<16xi32>
      %select_n3A_2083 = arith.select %eq3A_2082, %gather3A_2079, %select_n3A_2063 : vector<16xi1>, vector<16xf32>
      %slice3A_2084 = vector.extract_strided_slice %get3A_2021 {offsets = [3], sizes = [1], strides = [1]} : vector<16xi32> to vector<1xi32>
      %squeeze3A_2085 = vector.extract %slice3A_2084[0] : i32 from vector<1xi32>
      %add3A_2086 = arith.constant 24 : i32
      %add3A_2087 = arith.addi %add3A_2086, %and3A_2014 : i32
      %and3A_2088 = arith.constant 112 : i32
      %and3A_2089 = arith.andi %squeeze3A_2085, %and3A_2088 : i32
      %get3A_2090 = arith.index_cast %add3A_2087 : i32 to index
      %get3A_2091 = arith.index_cast %and3A_2089 : i32 to index
      %get3A_2092 = tpu.vector_load %arg7[%get3A_2090, %get3A_2091] {strides = array<i32>} : memref<256x128xf32, #tpu.memory_space<vmem>>, vector<1x16xf32>,
      %get3A_2093 = vector.shape_cast %get3A_2092 : vector<1x16xf32> to vector<16xf32>
      %and3A_2094 = arith.constant 15 : i32
      %and3A_2095 = arith.andi %squeeze3A_2085, %and3A_2094 : i32
      %broadcast_in_dim3A_2096 = vector.broadcast %and3A_2095 : i32 to vector<16xi32>
      %broadcast_in_dim3A_2097 = vector.shape_cast %broadcast_in_dim3A_2096 : vector<16xi32> to vector<16x1xi32>
      %gather3A_2098 = vector.shape_cast %broadcast_in_dim3A_2097 : vector<16x1xi32> to vector<16xi32>
      %gather3A_2099 = tpu.dynamic_gather %get3A_2093[%gather3A_2098] in [0] : vector<16xf32>, vector<16xi32> -> vector<16xf32>
      %eq3A_2100 = arith.constant 3 : i32
      %eq3A_2101 = vector.broadcast %eq3A_2100 : i32 to vector<16xi32>
      %eq3A_2102 = arith.cmpi eq, %iota3A, %eq3A_2101 : vector<16xi32>
      %select_n3A_2103 = arith.select %eq3A_2102, %gather3A_2099, %select_n3A_2083 : vector<16xi1>, vector<16xf32>
      %slice3A_2104 = vector.extract_strided_slice %get3A_2021 {offsets = [4], sizes = [1], strides = [1]} : vector<16xi32> to vector<1xi32>
      %squeeze3A_2105 = vector.extract %slice3A_2104[0] : i32 from vector<1xi32>
      %add3A_2106 = arith.constant 32 : i32
      %add3A_2107 = arith.addi %add3A_2106, %and3A_2014 : i32
      %and3A_2108 = arith.constant 112 : i32
      %and3A_2109 = arith.andi %squeeze3A_2105, %and3A_2108 : i32
      %get3A_2110 = arith.index_cast %add3A_2107 : i32 to index
      %get3A_2111 = arith.index_cast %and3A_2109 : i32 to index
      %get3A_2112 = tpu.vector_load %arg7[%get3A_2110, %get3A_2111] {strides = array<i32>} : memref<256x128xf32, #tpu.memory_space<vmem>>, vector<1x16xf32>,
      %get3A_2113 = vector.shape_cast %get3A_2112 : vector<1x16xf32> to vector<16xf32>
      %and3A_2114 = arith.constant 15 : i32
      %and3A_2115 = arith.andi %squeeze3A_2105, %and3A_2114 : i32
      %broadcast_in_dim3A_2116 = vector.broadcast %and3A_2115 : i32 to vector<16xi32>
      %broadcast_in_dim3A_2117 = vector.shape_cast %broadcast_in_dim3A_2116 : vector<16xi32> to vector<16x1xi32>
      %gather3A_2118 = vector.shape_cast %broadcast_in_dim3A_2117 : vector<16x1xi32> to vector<16xi32>
      %gather3A_2119 = tpu.dynamic_gather %get3A_2113[%gather3A_2118] in [0] : vector<16xf32>, vector<16xi32> -> vector<16xf32>
      %eq3A_2120 = arith.constant 4 : i32
      %eq3A_2121 = vector.broadcast %eq3A_2120 : i32 to vector<16xi32>
      %eq3A_2122 = arith.cmpi eq, %iota3A, %eq3A_2121 : vector<16xi32>
      %select_n3A_2123 = arith.select %eq3A_2122, %gather3A_2119, %select_n3A_2103 : vector<16xi1>, vector<16xf32>
      %slice3A_2124 = vector.extract_strided_slice %get3A_2021 {offsets = [5], sizes = [1], strides = [1]} : vector<16xi32> to vector<1xi32>
      %squeeze3A_2125 = vector.extract %slice3A_2124[0] : i32 from vector<1xi32>
      %add3A_2126 = arith.constant 40 : i32
      %add3A_2127 = arith.addi %add3A_2126, %and3A_2014 : i32
      %and3A_2128 = arith.constant 112 : i32
      %and3A_2129 = arith.andi %squeeze3A_2125, %and3A_2128 : i32
      %get3A_2130 = arith.index_cast %add3A_2127 : i32 to index
      %get3A_2131 = arith.index_cast %and3A_2129 : i32 to index
      %get3A_2132 = tpu.vector_load %arg7[%get3A_2130, %get3A_2131] {strides = array<i32>} : memref<256x128xf32, #tpu.memory_space<vmem>>, vector<1x16xf32>,
      %get3A_2133 = vector.shape_cast %get3A_2132 : vector<1x16xf32> to vector<16xf32>
      %and3A_2134 = arith.constant 15 : i32
      %and3A_2135 = arith.andi %squeeze3A_2125, %and3A_2134 : i32
      %broadcast_in_dim3A_2136 = vector.broadcast %and3A_2135 : i32 to vector<16xi32>
      %broadcast_in_dim3A_2137 = vector.shape_cast %broadcast_in_dim3A_2136 : vector<16xi32> to vector<16x1xi32>
      %gather3A_2138 = vector.shape_cast %broadcast_in_dim3A_2137 : vector<16x1xi32> to vector<16xi32>
      %gather3A_2139 = tpu.dynamic_gather %get3A_2133[%gather3A_2138] in [0] : vector<16xf32>, vector<16xi32> -> vector<16xf32>
      %eq3A_2140 = arith.constant 5 : i32
      %eq3A_2141 = vector.broadcast %eq3A_2140 : i32 to vector<16xi32>
      %eq3A_2142 = arith.cmpi eq, %iota3A, %eq3A_2141 : vector<16xi32>
      %select_n3A_2143 = arith.select %eq3A_2142, %gather3A_2139, %select_n3A_2123 : vector<16xi1>, vector<16xf32>
      %slice3A_2144 = vector.extract_strided_slice %get3A_2021 {offsets = [6], sizes = [1], strides = [1]} : vector<16xi32> to vector<1xi32>
      %squeeze3A_2145 = vector.extract %slice3A_2144[0] : i32 from vector<1xi32>
      %add3A_2146 = arith.constant 48 : i32
      %add3A_2147 = arith.addi %add3A_2146, %and3A_2014 : i32
      %and3A_2148 = arith.constant 112 : i32
      %and3A_2149 = arith.andi %squeeze3A_2145, %and3A_2148 : i32
      %get3A_2150 = arith.index_cast %add3A_2147 : i32 to index
      %get3A_2151 = arith.index_cast %and3A_2149 : i32 to index
      %get3A_2152 = tpu.vector_load %arg7[%get3A_2150, %get3A_2151] {strides = array<i32>} : memref<256x128xf32, #tpu.memory_space<vmem>>, vector<1x16xf32>,
      %get3A_2153 = vector.shape_cast %get3A_2152 : vector<1x16xf32> to vector<16xf32>
      %and3A_2154 = arith.constant 15 : i32
      %and3A_2155 = arith.andi %squeeze3A_2145, %and3A_2154 : i32
      %broadcast_in_dim3A_2156 = vector.broadcast %and3A_2155 : i32 to vector<16xi32>
      %broadcast_in_dim3A_2157 = vector.shape_cast %broadcast_in_dim3A_2156 : vector<16xi32> to vector<16x1xi32>
      %gather3A_2158 = vector.shape_cast %broadcast_in_dim3A_2157 : vector<16x1xi32> to vector<16xi32>
      %gather3A_2159 = tpu.dynamic_gather %get3A_2153[%gather3A_2158] in [0] : vector<16xf32>, vector<16xi32> -> vector<16xf32>
      %eq3A_2160 = arith.constant 6 : i32
      %eq3A_2161 = vector.broadcast %eq3A_2160 : i32 to vector<16xi32>
      %eq3A_2162 = arith.cmpi eq, %iota3A, %eq3A_2161 : vector<16xi32>
      %select_n3A_2163 = arith.select %eq3A_2162, %gather3A_2159, %select_n3A_2143 : vector<16xi1>, vector<16xf32>
      %slice3A_2164 = vector.extract_strided_slice %get3A_2021 {offsets = [7], sizes = [1], strides = [1]} : vector<16xi32> to vector<1xi32>
      %squeeze3A_2165 = vector.extract %slice3A_2164[0] : i32 from vector<1xi32>
      %add3A_2166 = arith.constant 56 : i32
      %add3A_2167 = arith.addi %add3A_2166, %and3A_2014 : i32
      %and3A_2168 = arith.constant 112 : i32
      %and3A_2169 = arith.andi %squeeze3A_2165, %and3A_2168 : i32
      %get3A_2170 = arith.index_cast %add3A_2167 : i32 to index
      %get3A_2171 = arith.index_cast %and3A_2169 : i32 to index
      %get3A_2172 = tpu.vector_load %arg7[%get3A_2170, %get3A_2171] {strides = array<i32>} : memref<256x128xf32, #tpu.memory_space<vmem>>, vector<1x16xf32>,
      %get3A_2173 = vector.shape_cast %get3A_2172 : vector<1x16xf32> to vector<16xf32>
      %and3A_2174 = arith.constant 15 : i32
      %and3A_2175 = arith.andi %squeeze3A_2165, %and3A_2174 : i32
      %broadcast_in_dim3A_2176 = vector.broadcast %and3A_2175 : i32 to vector<16xi32>
      %broadcast_in_dim3A_2177 = vector.shape_cast %broadcast_in_dim3A_2176 : vector<16xi32> to vector<16x1xi32>
      %gather3A_2178 = vector.shape_cast %broadcast_in_dim3A_2177 : vector<16x1xi32> to vector<16xi32>
      %gather3A_2179 = tpu.dynamic_gather %get3A_2173[%gather3A_2178] in [0] : vector<16xf32>, vector<16xi32> -> vector<16xf32>
      %eq3A_2180 = arith.constant 7 : i32
      %eq3A_2181 = vector.broadcast %eq3A_2180 : i32 to vector<16xi32>
      %eq3A_2182 = arith.cmpi eq, %iota3A, %eq3A_2181 : vector<16xi32>
      %select_n3A_2183 = arith.select %eq3A_2182, %gather3A_2179, %select_n3A_2163 : vector<16xi1>, vector<16xf32>
      %slice3A_2184 = vector.extract_strided_slice %get3A_2021 {offsets = [8], sizes = [1], strides = [1]} : vector<16xi32> to vector<1xi32>
      %squeeze3A_2185 = vector.extract %slice3A_2184[0] : i32 from vector<1xi32>
      %add3A_2186 = arith.constant 64 : i32
      %add3A_2187 = arith.addi %add3A_2186, %and3A_2014 : i32
      %and3A_2188 = arith.constant 112 : i32
      %and3A_2189 = arith.andi %squeeze3A_2185, %and3A_2188 : i32
      %get3A_2190 = arith.index_cast %add3A_2187 : i32 to index
      %get3A_2191 = arith.index_cast %and3A_2189 : i32 to index
      %get3A_2192 = tpu.vector_load %arg7[%get3A_2190, %get3A_2191] {strides = array<i32>} : memref<256x128xf32, #tpu.memory_space<vmem>>, vector<1x16xf32>,
      %get3A_2193 = vector.shape_cast %get3A_2192 : vector<1x16xf32> to vector<16xf32>
      %and3A_2194 = arith.constant 15 : i32
      %and3A_2195 = arith.andi %squeeze3A_2185, %and3A_2194 : i32
      %broadcast_in_dim3A_2196 = vector.broadcast %and3A_2195 : i32 to vector<16xi32>
      %broadcast_in_dim3A_2197 = vector.shape_cast %broadcast_in_dim3A_2196 : vector<16xi32> to vector<16x1xi32>
      %gather3A_2198 = vector.shape_cast %broadcast_in_dim3A_2197 : vector<16x1xi32> to vector<16xi32>
      %gather3A_2199 = tpu.dynamic_gather %get3A_2193[%gather3A_2198] in [0] : vector<16xf32>, vector<16xi32> -> vector<16xf32>
      %eq3A_2200 = arith.constant 8 : i32
      %eq3A_2201 = vector.broadcast %eq3A_2200 : i32 to vector<16xi32>
      %eq3A_2202 = arith.cmpi eq, %iota3A, %eq3A_2201 : vector<16xi32>
      %select_n3A_2203 = arith.select %eq3A_2202, %gather3A_2199, %select_n3A_2183 : vector<16xi1>, vector<16xf32>
      %slice3A_2204 = vector.extract_strided_slice %get3A_2021 {offsets = [9], sizes = [1], strides = [1]} : vector<16xi32> to vector<1xi32>
      %squeeze3A_2205 = vector.extract %slice3A_2204[0] : i32 from vector<1xi32>
      %add3A_2206 = arith.constant 72 : i32
      %add3A_2207 = arith.addi %add3A_2206, %and3A_2014 : i32
      %and3A_2208 = arith.constant 112 : i32
      %and3A_2209 = arith.andi %squeeze3A_2205, %and3A_2208 : i32
      %get3A_2210 = arith.index_cast %add3A_2207 : i32 to index
      %get3A_2211 = arith.index_cast %and3A_2209 : i32 to index
      %get3A_2212 = tpu.vector_load %arg7[%get3A_2210, %get3A_2211] {strides = array<i32>} : memref<256x128xf32, #tpu.memory_space<vmem>>, vector<1x16xf32>,
      %get3A_2213 = vector.shape_cast %get3A_2212 : vector<1x16xf32> to vector<16xf32>
      %and3A_2214 = arith.constant 15 : i32
      %and3A_2215 = arith.andi %squeeze3A_2205, %and3A_2214 : i32
      %broadcast_in_dim3A_2216 = vector.broadcast %and3A_2215 : i32 to vector<16xi32>
      %broadcast_in_dim3A_2217 = vector.shape_cast %broadcast_in_dim3A_2216 : vector<16xi32> to vector<16x1xi32>
      %gather3A_2218 = vector.shape_cast %broadcast_in_dim3A_2217 : vector<16x1xi32> to vector<16xi32>
      %gather3A_2219 = tpu.dynamic_gather %get3A_2213[%gather3A_2218] in [0] : vector<16xf32>, vector<16xi32> -> vector<16xf32>
      %eq3A_2220 = arith.constant 9 : i32
      %eq3A_2221 = vector.broadcast %eq3A_2220 : i32 to vector<16xi32>
      %eq3A_2222 = arith.cmpi eq, %iota3A, %eq3A_2221 : vector<16xi32>
      %select_n3A_2223 = arith.select %eq3A_2222, %gather3A_2219, %select_n3A_2203 : vector<16xi1>, vector<16xf32>
      %slice3A_2224 = vector.extract_strided_slice %get3A_2021 {offsets = [10], sizes = [1], strides = [1]} : vector<16xi32> to vector<1xi32>
      %squeeze3A_2225 = vector.extract %slice3A_2224[0] : i32 from vector<1xi32>
      %add3A_2226 = arith.constant 80 : i32
      %add3A_2227 = arith.addi %add3A_2226, %and3A_2014 : i32
      %and3A_2228 = arith.constant 112 : i32
      %and3A_2229 = arith.andi %squeeze3A_2225, %and3A_2228 : i32
      %get3A_2230 = arith.index_cast %add3A_2227 : i32 to index
      %get3A_2231 = arith.index_cast %and3A_2229 : i32 to index
      %get3A_2232 = tpu.vector_load %arg7[%get3A_2230, %get3A_2231] {strides = array<i32>} : memref<256x128xf32, #tpu.memory_space<vmem>>, vector<1x16xf32>,
      %get3A_2233 = vector.shape_cast %get3A_2232 : vector<1x16xf32> to vector<16xf32>
      %and3A_2234 = arith.constant 15 : i32
      %and3A_2235 = arith.andi %squeeze3A_2225, %and3A_2234 : i32
      %broadcast_in_dim3A_2236 = vector.broadcast %and3A_2235 : i32 to vector<16xi32>
      %broadcast_in_dim3A_2237 = vector.shape_cast %broadcast_in_dim3A_2236 : vector<16xi32> to vector<16x1xi32>
      %gather3A_2238 = vector.shape_cast %broadcast_in_dim3A_2237 : vector<16x1xi32> to vector<16xi32>
      %gather3A_2239 = tpu.dynamic_gather %get3A_2233[%gather3A_2238] in [0] : vector<16xf32>, vector<16xi32> -> vector<16xf32>
      %eq3A_2240 = arith.constant 10 : i32
      %eq3A_2241 = vector.broadcast %eq3A_2240 : i32 to vector<16xi32>
      %eq3A_2242 = arith.cmpi eq, %iota3A, %eq3A_2241 : vector<16xi32>
      %select_n3A_2243 = arith.select %eq3A_2242, %gather3A_2239, %select_n3A_2223 : vector<16xi1>, vector<16xf32>
      %slice3A_2244 = vector.extract_strided_slice %get3A_2021 {offsets = [11], sizes = [1], strides = [1]} : vector<16xi32> to vector<1xi32>
      %squeeze3A_2245 = vector.extract %slice3A_2244[0] : i32 from vector<1xi32>
      %add3A_2246 = arith.constant 88 : i32
      %add3A_2247 = arith.addi %add3A_2246, %and3A_2014 : i32
      %and3A_2248 = arith.constant 112 : i32
      %and3A_2249 = arith.andi %squeeze3A_2245, %and3A_2248 : i32
      %get3A_2250 = arith.index_cast %add3A_2247 : i32 to index
      %get3A_2251 = arith.index_cast %and3A_2249 : i32 to index
      %get3A_2252 = tpu.vector_load %arg7[%get3A_2250, %get3A_2251] {strides = array<i32>} : memref<256x128xf32, #tpu.memory_space<vmem>>, vector<1x16xf32>,
      %get3A_2253 = vector.shape_cast %get3A_2252 : vector<1x16xf32> to vector<16xf32>
      %and3A_2254 = arith.constant 15 : i32
      %and3A_2255 = arith.andi %squeeze3A_2245, %and3A_2254 : i32
      %broadcast_in_dim3A_2256 = vector.broadcast %and3A_2255 : i32 to vector<16xi32>
      %broadcast_in_dim3A_2257 = vector.shape_cast %broadcast_in_dim3A_2256 : vector<16xi32> to vector<16x1xi32>
      %gather3A_2258 = vector.shape_cast %broadcast_in_dim3A_2257 : vector<16x1xi32> to vector<16xi32>
      %gather3A_2259 = tpu.dynamic_gather %get3A_2253[%gather3A_2258] in [0] : vector<16xf32>, vector<16xi32> -> vector<16xf32>
      %eq3A_2260 = arith.constant 11 : i32
      %eq3A_2261 = vector.broadcast %eq3A_2260 : i32 to vector<16xi32>
      %eq3A_2262 = arith.cmpi eq, %iota3A, %eq3A_2261 : vector<16xi32>
      %select_n3A_2263 = arith.select %eq3A_2262, %gather3A_2259, %select_n3A_2243 : vector<16xi1>, vector<16xf32>
      %slice3A_2264 = vector.extract_strided_slice %get3A_2021 {offsets = [12], sizes = [1], strides = [1]} : vector<16xi32> to vector<1xi32>
      %squeeze3A_2265 = vector.extract %slice3A_2264[0] : i32 from vector<1xi32>
      %add3A_2266 = arith.constant 96 : i32
      %add3A_2267 = arith.addi %add3A_2266, %and3A_2014 : i32
      %and3A_2268 = arith.constant 112 : i32
      %and3A_2269 = arith.andi %squeeze3A_2265, %and3A_2268 : i32
      %get3A_2270 = arith.index_cast %add3A_2267 : i32 to index
      %get3A_2271 = arith.index_cast %and3A_2269 : i32 to index
      %get3A_2272 = tpu.vector_load %arg7[%get3A_2270, %get3A_2271] {strides = array<i32>} : memref<256x128xf32, #tpu.memory_space<vmem>>, vector<1x16xf32>,
      %get3A_2273 = vector.shape_cast %get3A_2272 : vector<1x16xf32> to vector<16xf32>
      %and3A_2274 = arith.constant 15 : i32
      %and3A_2275 = arith.andi %squeeze3A_2265, %and3A_2274 : i32
      %broadcast_in_dim3A_2276 = vector.broadcast %and3A_2275 : i32 to vector<16xi32>
      %broadcast_in_dim3A_2277 = vector.shape_cast %broadcast_in_dim3A_2276 : vector<16xi32> to vector<16x1xi32>
      %gather3A_2278 = vector.shape_cast %broadcast_in_dim3A_2277 : vector<16x1xi32> to vector<16xi32>
      %gather3A_2279 = tpu.dynamic_gather %get3A_2273[%gather3A_2278] in [0] : vector<16xf32>, vector<16xi32> -> vector<16xf32>
      %eq3A_2280 = arith.constant 12 : i32
      %eq3A_2281 = vector.broadcast %eq3A_2280 : i32 to vector<16xi32>
      %eq3A_2282 = arith.cmpi eq, %iota3A, %eq3A_2281 : vector<16xi32>
      %select_n3A_2283 = arith.select %eq3A_2282, %gather3A_2279, %select_n3A_2263 : vector<16xi1>, vector<16xf32>
      %slice3A_2284 = vector.extract_strided_slice %get3A_2021 {offsets = [13], sizes = [1], strides = [1]} : vector<16xi32> to vector<1xi32>
      %squeeze3A_2285 = vector.extract %slice3A_2284[0] : i32 from vector<1xi32>
      %add3A_2286 = arith.constant 104 : i32
      %add3A_2287 = arith.addi %add3A_2286, %and3A_2014 : i32
      %and3A_2288 = arith.constant 112 : i32
      %and3A_2289 = arith.andi %squeeze3A_2285, %and3A_2288 : i32
      %get3A_2290 = arith.index_cast %add3A_2287 : i32 to index
      %get3A_2291 = arith.index_cast %and3A_2289 : i32 to index
      %get3A_2292 = tpu.vector_load %arg7[%get3A_2290, %get3A_2291] {strides = array<i32>} : memref<256x128xf32, #tpu.memory_space<vmem>>, vector<1x16xf32>,
      %get3A_2293 = vector.shape_cast %get3A_2292 : vector<1x16xf32> to vector<16xf32>
      %and3A_2294 = arith.constant 15 : i32
      %and3A_2295 = arith.andi %squeeze3A_2285, %and3A_2294 : i32
      %broadcast_in_dim3A_2296 = vector.broadcast %and3A_2295 : i32 to vector<16xi32>
      %broadcast_in_dim3A_2297 = vector.shape_cast %broadcast_in_dim3A_2296 : vector<16xi32> to vector<16x1xi32>
      %gather3A_2298 = vector.shape_cast %broadcast_in_dim3A_2297 : vector<16x1xi32> to vector<16xi32>
      %gather3A_2299 = tpu.dynamic_gather %get3A_2293[%gather3A_2298] in [0] : vector<16xf32>, vector<16xi32> -> vector<16xf32>
      %eq3A_2300 = arith.constant 13 : i32
      %eq3A_2301 = vector.broadcast %eq3A_2300 : i32 to vector<16xi32>
      %eq3A_2302 = arith.cmpi eq, %iota3A, %eq3A_2301 : vector<16xi32>
      %select_n3A_2303 = arith.select %eq3A_2302, %gather3A_2299, %select_n3A_2283 : vector<16xi1>, vector<16xf32>
      %slice3A_2304 = vector.extract_strided_slice %get3A_2021 {offsets = [14], sizes = [1], strides = [1]} : vector<16xi32> to vector<1xi32>
      %squeeze3A_2305 = vector.extract %slice3A_2304[0] : i32 from vector<1xi32>
      %add3A_2306 = arith.constant 112 : i32
      %add3A_2307 = arith.addi %add3A_2306, %and3A_2014 : i32
      %and3A_2308 = arith.constant 112 : i32
      %and3A_2309 = arith.andi %squeeze3A_2305, %and3A_2308 : i32
      %get3A_2310 = arith.index_cast %add3A_2307 : i32 to index
      %get3A_2311 = arith.index_cast %and3A_2309 : i32 to index
      %get3A_2312 = tpu.vector_load %arg7[%get3A_2310, %get3A_2311] {strides = array<i32>} : memref<256x128xf32, #tpu.memory_space<vmem>>, vector<1x16xf32>,
      %get3A_2313 = vector.shape_cast %get3A_2312 : vector<1x16xf32> to vector<16xf32>
      %and3A_2314 = arith.constant 15 : i32
      %and3A_2315 = arith.andi %squeeze3A_2305, %and3A_2314 : i32
      %broadcast_in_dim3A_2316 = vector.broadcast %and3A_2315 : i32 to vector<16xi32>
      %broadcast_in_dim3A_2317 = vector.shape_cast %broadcast_in_dim3A_2316 : vector<16xi32> to vector<16x1xi32>
      %gather3A_2318 = vector.shape_cast %broadcast_in_dim3A_2317 : vector<16x1xi32> to vector<16xi32>
      %gather3A_2319 = tpu.dynamic_gather %get3A_2313[%gather3A_2318] in [0] : vector<16xf32>, vector<16xi32> -> vector<16xf32>
      %eq3A_2320 = arith.constant 14 : i32
      %eq3A_2321 = vector.broadcast %eq3A_2320 : i32 to vector<16xi32>
      %eq3A_2322 = arith.cmpi eq, %iota3A, %eq3A_2321 : vector<16xi32>
      %select_n3A_2323 = arith.select %eq3A_2322, %gather3A_2319, %select_n3A_2303 : vector<16xi1>, vector<16xf32>
      %slice3A_2324 = vector.extract_strided_slice %get3A_2021 {offsets = [15], sizes = [1], strides = [1]} : vector<16xi32> to vector<1xi32>
      %squeeze3A_2325 = vector.extract %slice3A_2324[0] : i32 from vector<1xi32>
      %add3A_2326 = arith.constant 120 : i32
      %add3A_2327 = arith.addi %add3A_2326, %and3A_2014 : i32
      %and3A_2328 = arith.constant 112 : i32
      %and3A_2329 = arith.andi %squeeze3A_2325, %and3A_2328 : i32
      %get3A_2330 = arith.index_cast %add3A_2327 : i32 to index
      %get3A_2331 = arith.index_cast %and3A_2329 : i32 to index
      %get3A_2332 = tpu.vector_load %arg7[%get3A_2330, %get3A_2331] {strides = array<i32>} : memref<256x128xf32, #tpu.memory_space<vmem>>, vector<1x16xf32>,
      %get3A_2333 = vector.shape_cast %get3A_2332 : vector<1x16xf32> to vector<16xf32>
      %and3A_2334 = arith.constant 15 : i32
      %and3A_2335 = arith.andi %squeeze3A_2325, %and3A_2334 : i32
      %broadcast_in_dim3A_2336 = vector.broadcast %and3A_2335 : i32 to vector<16xi32>
      %broadcast_in_dim3A_2337 = vector.shape_cast %broadcast_in_dim3A_2336 : vector<16xi32> to vector<16x1xi32>
      %gather3A_2338 = vector.shape_cast %broadcast_in_dim3A_2337 : vector<16x1xi32> to vector<16xi32>
      %gather3A_2339 = tpu.dynamic_gather %get3A_2333[%gather3A_2338] in [0] : vector<16xf32>, vector<16xi32> -> vector<16xf32>
      %eq3A_2340 = arith.constant 15 : i32
      %eq3A_2341 = vector.broadcast %eq3A_2340 : i32 to vector<16xi32>
      %eq3A_2342 = arith.cmpi eq, %iota3A, %eq3A_2341 : vector<16xi32>
      %select_n3A_2343 = arith.select %eq3A_2342, %gather3A_2339, %select_n3A_2323 : vector<16xi1>, vector<16xf32>
      %mul3A_2344 = arith.constant 32 : i32
      %mul3A_2345 = arith.muli %mul3A_2005, %mul3A_2344 : i32
      %add3A_2346 = arith.constant 0 : i32
      %add3A_2347 = arith.addi %mul3A_2345, %add3A_2346 : i32
      %swap3A_2348 = arith.index_cast %add3A_2347 : i32 to index
      %swap3A_2349 = tpu.vector_load %arg6[%swap3A_2348] {strides = array<i32>} : memref<2048xf32, #tpu.memory_space<vmem>>, vector<16xf32>,
      %swap3A_2350 = vector.shape_cast %swap3A_2349 : vector<16xf32> to vector<16xf32>
      %swap3A_2351 = vector.shape_cast %select_n3A_2343 : vector<16xf32> to vector<16xf32>
      tpu.vector_store %arg6[%swap3A_2348], %swap3A_2351 {strides = array<i32>} : memref<2048xf32, #tpu.memory_space<vmem>>, vector<16xf32>,
      %mul3A_2352 = arith.constant 32 : i32
      %mul3A_2353 = arith.muli %mul3A_2005, %mul3A_2352 : i32
      %add3A_2354 = arith.constant 16 : i32
      %add3A_2355 = arith.addi %mul3A_2353, %add3A_2354 : i32
      %get3A_2356 = arith.index_cast %add3A_2355 : i32 to index
      %get3A_2357 = tpu.vector_load %arg5[%get3A_2356] {strides = array<i32>} : memref<2048xi32, #tpu.memory_space<vmem>>, vector<16xi32>,
      %get3A_2358 = vector.shape_cast %get3A_2357 : vector<16xi32> to vector<16xi32>
      %broadcast_in_dim3A_2359 = arith.constant 0.000000e+00 : f32
      %broadcast_in_dim3A_2360 = vector.broadcast %broadcast_in_dim3A_2359 : f32 to vector<16xf32>
      %slice3A_2361 = vector.extract_strided_slice %get3A_2358 {offsets = [0], sizes = [1], strides = [1]} : vector<16xi32> to vector<1xi32>
      %squeeze3A_2362 = vector.extract %slice3A_2361[0] : i32 from vector<1xi32>
      %add3A_2363 = arith.constant 128 : i32
      %add3A_2364 = arith.addi %add3A_2363, %and3A_2014 : i32
      %and3A_2365 = arith.constant 112 : i32
      %and3A_2366 = arith.andi %squeeze3A_2362, %and3A_2365 : i32
      %get3A_2367 = arith.index_cast %add3A_2364 : i32 to index
      %get3A_2368 = arith.index_cast %and3A_2366 : i32 to index
      %get3A_2369 = tpu.vector_load %arg7[%get3A_2367, %get3A_2368] {strides = array<i32>} : memref<256x128xf32, #tpu.memory_space<vmem>>, vector<1x16xf32>,
      %get3A_2370 = vector.shape_cast %get3A_2369 : vector<1x16xf32> to vector<16xf32>
      %and3A_2371 = arith.constant 15 : i32
      %and3A_2372 = arith.andi %squeeze3A_2362, %and3A_2371 : i32
      %broadcast_in_dim3A_2373 = vector.broadcast %and3A_2372 : i32 to vector<16xi32>
      %broadcast_in_dim3A_2374 = vector.shape_cast %broadcast_in_dim3A_2373 : vector<16xi32> to vector<16x1xi32>
      %gather3A_2375 = vector.shape_cast %broadcast_in_dim3A_2374 : vector<16x1xi32> to vector<16xi32>
      %gather3A_2376 = tpu.dynamic_gather %get3A_2370[%gather3A_2375] in [0] : vector<16xf32>, vector<16xi32> -> vector<16xf32>
      %eq3A_2377 = arith.constant 0 : i32
      %eq3A_2378 = vector.broadcast %eq3A_2377 : i32 to vector<16xi32>
      %eq3A_2379 = arith.cmpi eq, %iota3A, %eq3A_2378 : vector<16xi32>
      %select_n3A_2380 = arith.select %eq3A_2379, %gather3A_2376, %broadcast_in_dim3A_2360 : vector<16xi1>, vector<16xf32>
      %slice3A_2381 = vector.extract_strided_slice %get3A_2358 {offsets = [1], sizes = [1], strides = [1]} : vector<16xi32> to vector<1xi32>
      %squeeze3A_2382 = vector.extract %slice3A_2381[0] : i32 from vector<1xi32>
      %add3A_2383 = arith.constant 136 : i32
      %add3A_2384 = arith.addi %add3A_2383, %and3A_2014 : i32
      %and3A_2385 = arith.constant 112 : i32
      %and3A_2386 = arith.andi %squeeze3A_2382, %and3A_2385 : i32
      %get3A_2387 = arith.index_cast %add3A_2384 : i32 to index
      %get3A_2388 = arith.index_cast %and3A_2386 : i32 to index
      %get3A_2389 = tpu.vector_load %arg7[%get3A_2387, %get3A_2388] {strides = array<i32>} : memref<256x128xf32, #tpu.memory_space<vmem>>, vector<1x16xf32>,
      %get3A_2390 = vector.shape_cast %get3A_2389 : vector<1x16xf32> to vector<16xf32>
      %and3A_2391 = arith.constant 15 : i32
      %and3A_2392 = arith.andi %squeeze3A_2382, %and3A_2391 : i32
      %broadcast_in_dim3A_2393 = vector.broadcast %and3A_2392 : i32 to vector<16xi32>
      %broadcast_in_dim3A_2394 = vector.shape_cast %broadcast_in_dim3A_2393 : vector<16xi32> to vector<16x1xi32>
      %gather3A_2395 = vector.shape_cast %broadcast_in_dim3A_2394 : vector<16x1xi32> to vector<16xi32>
      %gather3A_2396 = tpu.dynamic_gather %get3A_2390[%gather3A_2395] in [0] : vector<16xf32>, vector<16xi32> -> vector<16xf32>
      %eq3A_2397 = arith.constant 1 : i32
      %eq3A_2398 = vector.broadcast %eq3A_2397 : i32 to vector<16xi32>
      %eq3A_2399 = arith.cmpi eq, %iota3A, %eq3A_2398 : vector<16xi32>
      %select_n3A_2400 = arith.select %eq3A_2399, %gather3A_2396, %select_n3A_2380 : vector<16xi1>, vector<16xf32>
      %slice3A_2401 = vector.extract_strided_slice %get3A_2358 {offsets = [2], sizes = [1], strides = [1]} : vector<16xi32> to vector<1xi32>
      %squeeze3A_2402 = vector.extract %slice3A_2401[0] : i32 from vector<1xi32>
      %add3A_2403 = arith.constant 144 : i32
      %add3A_2404 = arith.addi %add3A_2403, %and3A_2014 : i32
      %and3A_2405 = arith.constant 112 : i32
      %and3A_2406 = arith.andi %squeeze3A_2402, %and3A_2405 : i32
      %get3A_2407 = arith.index_cast %add3A_2404 : i32 to index
      %get3A_2408 = arith.index_cast %and3A_2406 : i32 to index
      %get3A_2409 = tpu.vector_load %arg7[%get3A_2407, %get3A_2408] {strides = array<i32>} : memref<256x128xf32, #tpu.memory_space<vmem>>, vector<1x16xf32>,
      %get3A_2410 = vector.shape_cast %get3A_2409 : vector<1x16xf32> to vector<16xf32>
      %and3A_2411 = arith.constant 15 : i32
      %and3A_2412 = arith.andi %squeeze3A_2402, %and3A_2411 : i32
      %broadcast_in_dim3A_2413 = vector.broadcast %and3A_2412 : i32 to vector<16xi32>
      %broadcast_in_dim3A_2414 = vector.shape_cast %broadcast_in_dim3A_2413 : vector<16xi32> to vector<16x1xi32>
      %gather3A_2415 = vector.shape_cast %broadcast_in_dim3A_2414 : vector<16x1xi32> to vector<16xi32>
      %gather3A_2416 = tpu.dynamic_gather %get3A_2410[%gather3A_2415] in [0] : vector<16xf32>, vector<16xi32> -> vector<16xf32>
      %eq3A_2417 = arith.constant 2 : i32
      %eq3A_2418 = vector.broadcast %eq3A_2417 : i32 to vector<16xi32>
      %eq3A_2419 = arith.cmpi eq, %iota3A, %eq3A_2418 : vector<16xi32>
      %select_n3A_2420 = arith.select %eq3A_2419, %gather3A_2416, %select_n3A_2400 : vector<16xi1>, vector<16xf32>
      %slice3A_2421 = vector.extract_strided_slice %get3A_2358 {offsets = [3], sizes = [1], strides = [1]} : vector<16xi32> to vector<1xi32>
      %squeeze3A_2422 = vector.extract %slice3A_2421[0] : i32 from vector<1xi32>
      %add3A_2423 = arith.constant 152 : i32
      %add3A_2424 = arith.addi %add3A_2423, %and3A_2014 : i32
      %and3A_2425 = arith.constant 112 : i32
      %and3A_2426 = arith.andi %squeeze3A_2422, %and3A_2425 : i32
      %get3A_2427 = arith.index_cast %add3A_2424 : i32 to index
      %get3A_2428 = arith.index_cast %and3A_2426 : i32 to index
      %get3A_2429 = tpu.vector_load %arg7[%get3A_2427, %get3A_2428] {strides = array<i32>} : memref<256x128xf32, #tpu.memory_space<vmem>>, vector<1x16xf32>,
      %get3A_2430 = vector.shape_cast %get3A_2429 : vector<1x16xf32> to vector<16xf32>
      %and3A_2431 = arith.constant 15 : i32
      %and3A_2432 = arith.andi %squeeze3A_2422, %and3A_2431 : i32
      %broadcast_in_dim3A_2433 = vector.broadcast %and3A_2432 : i32 to vector<16xi32>
      %broadcast_in_dim3A_2434 = vector.shape_cast %broadcast_in_dim3A_2433 : vector<16xi32> to vector<16x1xi32>
      %gather3A_2435 = vector.shape_cast %broadcast_in_dim3A_2434 : vector<16x1xi32> to vector<16xi32>
      %gather3A_2436 = tpu.dynamic_gather %get3A_2430[%gather3A_2435] in [0] : vector<16xf32>, vector<16xi32> -> vector<16xf32>
      %eq3A_2437 = arith.constant 3 : i32
      %eq3A_2438 = vector.broadcast %eq3A_2437 : i32 to vector<16xi32>
      %eq3A_2439 = arith.cmpi eq, %iota3A, %eq3A_2438 : vector<16xi32>
      %select_n3A_2440 = arith.select %eq3A_2439, %gather3A_2436, %select_n3A_2420 : vector<16xi1>, vector<16xf32>
      %slice3A_2441 = vector.extract_strided_slice %get3A_2358 {offsets = [4], sizes = [1], strides = [1]} : vector<16xi32> to vector<1xi32>
      %squeeze3A_2442 = vector.extract %slice3A_2441[0] : i32 from vector<1xi32>
      %add3A_2443 = arith.constant 160 : i32
      %add3A_2444 = arith.addi %add3A_2443, %and3A_2014 : i32
      %and3A_2445 = arith.constant 112 : i32
      %and3A_2446 = arith.andi %squeeze3A_2442, %and3A_2445 : i32
      %get3A_2447 = arith.index_cast %add3A_2444 : i32 to index
      %get3A_2448 = arith.index_cast %and3A_2446 : i32 to index
      %get3A_2449 = tpu.vector_load %arg7[%get3A_2447, %get3A_2448] {strides = array<i32>} : memref<256x128xf32, #tpu.memory_space<vmem>>, vector<1x16xf32>,
      %get3A_2450 = vector.shape_cast %get3A_2449 : vector<1x16xf32> to vector<16xf32>
      %and3A_2451 = arith.constant 15 : i32
      %and3A_2452 = arith.andi %squeeze3A_2442, %and3A_2451 : i32
      %broadcast_in_dim3A_2453 = vector.broadcast %and3A_2452 : i32 to vector<16xi32>
      %broadcast_in_dim3A_2454 = vector.shape_cast %broadcast_in_dim3A_2453 : vector<16xi32> to vector<16x1xi32>
      %gather3A_2455 = vector.shape_cast %broadcast_in_dim3A_2454 : vector<16x1xi32> to vector<16xi32>
      %gather3A_2456 = tpu.dynamic_gather %get3A_2450[%gather3A_2455] in [0] : vector<16xf32>, vector<16xi32> -> vector<16xf32>
      %eq3A_2457 = arith.constant 4 : i32
      %eq3A_2458 = vector.broadcast %eq3A_2457 : i32 to vector<16xi32>
      %eq3A_2459 = arith.cmpi eq, %iota3A, %eq3A_2458 : vector<16xi32>
      %select_n3A_2460 = arith.select %eq3A_2459, %gather3A_2456, %select_n3A_2440 : vector<16xi1>, vector<16xf32>
      %slice3A_2461 = vector.extract_strided_slice %get3A_2358 {offsets = [5], sizes = [1], strides = [1]} : vector<16xi32> to vector<1xi32>
      %squeeze3A_2462 = vector.extract %slice3A_2461[0] : i32 from vector<1xi32>
      %add3A_2463 = arith.constant 168 : i32
      %add3A_2464 = arith.addi %add3A_2463, %and3A_2014 : i32
      %and3A_2465 = arith.constant 112 : i32
      %and3A_2466 = arith.andi %squeeze3A_2462, %and3A_2465 : i32
      %get3A_2467 = arith.index_cast %add3A_2464 : i32 to index
      %get3A_2468 = arith.index_cast %and3A_2466 : i32 to index
      %get3A_2469 = tpu.vector_load %arg7[%get3A_2467, %get3A_2468] {strides = array<i32>} : memref<256x128xf32, #tpu.memory_space<vmem>>, vector<1x16xf32>,
      %get3A_2470 = vector.shape_cast %get3A_2469 : vector<1x16xf32> to vector<16xf32>
      %and3A_2471 = arith.constant 15 : i32
      %and3A_2472 = arith.andi %squeeze3A_2462, %and3A_2471 : i32
      %broadcast_in_dim3A_2473 = vector.broadcast %and3A_2472 : i32 to vector<16xi32>
      %broadcast_in_dim3A_2474 = vector.shape_cast %broadcast_in_dim3A_2473 : vector<16xi32> to vector<16x1xi32>
      %gather3A_2475 = vector.shape_cast %broadcast_in_dim3A_2474 : vector<16x1xi32> to vector<16xi32>
      %gather3A_2476 = tpu.dynamic_gather %get3A_2470[%gather3A_2475] in [0] : vector<16xf32>, vector<16xi32> -> vector<16xf32>
      %eq3A_2477 = arith.constant 5 : i32
      %eq3A_2478 = vector.broadcast %eq3A_2477 : i32 to vector<16xi32>
      %eq3A_2479 = arith.cmpi eq, %iota3A, %eq3A_2478 : vector<16xi32>
      %select_n3A_2480 = arith.select %eq3A_2479, %gather3A_2476, %select_n3A_2460 : vector<16xi1>, vector<16xf32>
      %slice3A_2481 = vector.extract_strided_slice %get3A_2358 {offsets = [6], sizes = [1], strides = [1]} : vector<16xi32> to vector<1xi32>
      %squeeze3A_2482 = vector.extract %slice3A_2481[0] : i32 from vector<1xi32>
      %add3A_2483 = arith.constant 176 : i32
      %add3A_2484 = arith.addi %add3A_2483, %and3A_2014 : i32
      %and3A_2485 = arith.constant 112 : i32
      %and3A_2486 = arith.andi %squeeze3A_2482, %and3A_2485 : i32
      %get3A_2487 = arith.index_cast %add3A_2484 : i32 to index
      %get3A_2488 = arith.index_cast %and3A_2486 : i32 to index
      %get3A_2489 = tpu.vector_load %arg7[%get3A_2487, %get3A_2488] {strides = array<i32>} : memref<256x128xf32, #tpu.memory_space<vmem>>, vector<1x16xf32>,
      %get3A_2490 = vector.shape_cast %get3A_2489 : vector<1x16xf32> to vector<16xf32>
      %and3A_2491 = arith.constant 15 : i32
      %and3A_2492 = arith.andi %squeeze3A_2482, %and3A_2491 : i32
      %broadcast_in_dim3A_2493 = vector.broadcast %and3A_2492 : i32 to vector<16xi32>
      %broadcast_in_dim3A_2494 = vector.shape_cast %broadcast_in_dim3A_2493 : vector<16xi32> to vector<16x1xi32>
      %gather3A_2495 = vector.shape_cast %broadcast_in_dim3A_2494 : vector<16x1xi32> to vector<16xi32>
      %gather3A_2496 = tpu.dynamic_gather %get3A_2490[%gather3A_2495] in [0] : vector<16xf32>, vector<16xi32> -> vector<16xf32>
      %eq3A_2497 = arith.constant 6 : i32
      %eq3A_2498 = vector.broadcast %eq3A_2497 : i32 to vector<16xi32>
      %eq3A_2499 = arith.cmpi eq, %iota3A, %eq3A_2498 : vector<16xi32>
      %select_n3A_2500 = arith.select %eq3A_2499, %gather3A_2496, %select_n3A_2480 : vector<16xi1>, vector<16xf32>
      %slice3A_2501 = vector.extract_strided_slice %get3A_2358 {offsets = [7], sizes = [1], strides = [1]} : vector<16xi32> to vector<1xi32>
      %squeeze3A_2502 = vector.extract %slice3A_2501[0] : i32 from vector<1xi32>
      %add3A_2503 = arith.constant 184 : i32
      %add3A_2504 = arith.addi %add3A_2503, %and3A_2014 : i32
      %and3A_2505 = arith.constant 112 : i32
      %and3A_2506 = arith.andi %squeeze3A_2502, %and3A_2505 : i32
      %get3A_2507 = arith.index_cast %add3A_2504 : i32 to index
      %get3A_2508 = arith.index_cast %and3A_2506 : i32 to index
      %get3A_2509 = tpu.vector_load %arg7[%get3A_2507, %get3A_2508] {strides = array<i32>} : memref<256x128xf32, #tpu.memory_space<vmem>>, vector<1x16xf32>,
      %get3A_2510 = vector.shape_cast %get3A_2509 : vector<1x16xf32> to vector<16xf32>
      %and3A_2511 = arith.constant 15 : i32
      %and3A_2512 = arith.andi %squeeze3A_2502, %and3A_2511 : i32
      %broadcast_in_dim3A_2513 = vector.broadcast %and3A_2512 : i32 to vector<16xi32>
      %broadcast_in_dim3A_2514 = vector.shape_cast %broadcast_in_dim3A_2513 : vector<16xi32> to vector<16x1xi32>
      %gather3A_2515 = vector.shape_cast %broadcast_in_dim3A_2514 : vector<16x1xi32> to vector<16xi32>
      %gather3A_2516 = tpu.dynamic_gather %get3A_2510[%gather3A_2515] in [0] : vector<16xf32>, vector<16xi32> -> vector<16xf32>
      %eq3A_2517 = arith.constant 7 : i32
      %eq3A_2518 = vector.broadcast %eq3A_2517 : i32 to vector<16xi32>
      %eq3A_2519 = arith.cmpi eq, %iota3A, %eq3A_2518 : vector<16xi32>
      %select_n3A_2520 = arith.select %eq3A_2519, %gather3A_2516, %select_n3A_2500 : vector<16xi1>, vector<16xf32>
      %slice3A_2521 = vector.extract_strided_slice %get3A_2358 {offsets = [8], sizes = [1], strides = [1]} : vector<16xi32> to vector<1xi32>
      %squeeze3A_2522 = vector.extract %slice3A_2521[0] : i32 from vector<1xi32>
      %add3A_2523 = arith.constant 192 : i32
      %add3A_2524 = arith.addi %add3A_2523, %and3A_2014 : i32
      %and3A_2525 = arith.constant 112 : i32
      %and3A_2526 = arith.andi %squeeze3A_2522, %and3A_2525 : i32
      %get3A_2527 = arith.index_cast %add3A_2524 : i32 to index
      %get3A_2528 = arith.index_cast %and3A_2526 : i32 to index
      %get3A_2529 = tpu.vector_load %arg7[%get3A_2527, %get3A_2528] {strides = array<i32>} : memref<256x128xf32, #tpu.memory_space<vmem>>, vector<1x16xf32>,
      %get3A_2530 = vector.shape_cast %get3A_2529 : vector<1x16xf32> to vector<16xf32>
      %and3A_2531 = arith.constant 15 : i32
      %and3A_2532 = arith.andi %squeeze3A_2522, %and3A_2531 : i32
      %broadcast_in_dim3A_2533 = vector.broadcast %and3A_2532 : i32 to vector<16xi32>
      %broadcast_in_dim3A_2534 = vector.shape_cast %broadcast_in_dim3A_2533 : vector<16xi32> to vector<16x1xi32>
      %gather3A_2535 = vector.shape_cast %broadcast_in_dim3A_2534 : vector<16x1xi32> to vector<16xi32>
      %gather3A_2536 = tpu.dynamic_gather %get3A_2530[%gather3A_2535] in [0] : vector<16xf32>, vector<16xi32> -> vector<16xf32>
      %eq3A_2537 = arith.constant 8 : i32
      %eq3A_2538 = vector.broadcast %eq3A_2537 : i32 to vector<16xi32>
      %eq3A_2539 = arith.cmpi eq, %iota3A, %eq3A_2538 : vector<16xi32>
      %select_n3A_2540 = arith.select %eq3A_2539, %gather3A_2536, %select_n3A_2520 : vector<16xi1>, vector<16xf32>
      %slice3A_2541 = vector.extract_strided_slice %get3A_2358 {offsets = [9], sizes = [1], strides = [1]} : vector<16xi32> to vector<1xi32>
      %squeeze3A_2542 = vector.extract %slice3A_2541[0] : i32 from vector<1xi32>
      %add3A_2543 = arith.constant 200 : i32
      %add3A_2544 = arith.addi %add3A_2543, %and3A_2014 : i32
      %and3A_2545 = arith.constant 112 : i32
      %and3A_2546 = arith.andi %squeeze3A_2542, %and3A_2545 : i32
      %get3A_2547 = arith.index_cast %add3A_2544 : i32 to index
      %get3A_2548 = arith.index_cast %and3A_2546 : i32 to index
      %get3A_2549 = tpu.vector_load %arg7[%get3A_2547, %get3A_2548] {strides = array<i32>} : memref<256x128xf32, #tpu.memory_space<vmem>>, vector<1x16xf32>,
      %get3A_2550 = vector.shape_cast %get3A_2549 : vector<1x16xf32> to vector<16xf32>
      %and3A_2551 = arith.constant 15 : i32
      %and3A_2552 = arith.andi %squeeze3A_2542, %and3A_2551 : i32
      %broadcast_in_dim3A_2553 = vector.broadcast %and3A_2552 : i32 to vector<16xi32>
      %broadcast_in_dim3A_2554 = vector.shape_cast %broadcast_in_dim3A_2553 : vector<16xi32> to vector<16x1xi32>
      %gather3A_2555 = vector.shape_cast %broadcast_in_dim3A_2554 : vector<16x1xi32> to vector<16xi32>
      %gather3A_2556 = tpu.dynamic_gather %get3A_2550[%gather3A_2555] in [0] : vector<16xf32>, vector<16xi32> -> vector<16xf32>
      %eq3A_2557 = arith.constant 9 : i32
      %eq3A_2558 = vector.broadcast %eq3A_2557 : i32 to vector<16xi32>
      %eq3A_2559 = arith.cmpi eq, %iota3A, %eq3A_2558 : vector<16xi32>
      %select_n3A_2560 = arith.select %eq3A_2559, %gather3A_2556, %select_n3A_2540 : vector<16xi1>, vector<16xf32>
      %slice3A_2561 = vector.extract_strided_slice %get3A_2358 {offsets = [10], sizes = [1], strides = [1]} : vector<16xi32> to vector<1xi32>
      %squeeze3A_2562 = vector.extract %slice3A_2561[0] : i32 from vector<1xi32>
      %add3A_2563 = arith.constant 208 : i32
      %add3A_2564 = arith.addi %add3A_2563, %and3A_2014 : i32
      %and3A_2565 = arith.constant 112 : i32
      %and3A_2566 = arith.andi %squeeze3A_2562, %and3A_2565 : i32
      %get3A_2567 = arith.index_cast %add3A_2564 : i32 to index
      %get3A_2568 = arith.index_cast %and3A_2566 : i32 to index
      %get3A_2569 = tpu.vector_load %arg7[%get3A_2567, %get3A_2568] {strides = array<i32>} : memref<256x128xf32, #tpu.memory_space<vmem>>, vector<1x16xf32>,
      %get3A_2570 = vector.shape_cast %get3A_2569 : vector<1x16xf32> to vector<16xf32>
      %and3A_2571 = arith.constant 15 : i32
      %and3A_2572 = arith.andi %squeeze3A_2562, %and3A_2571 : i32
      %broadcast_in_dim3A_2573 = vector.broadcast %and3A_2572 : i32 to vector<16xi32>
      %broadcast_in_dim3A_2574 = vector.shape_cast %broadcast_in_dim3A_2573 : vector<16xi32> to vector<16x1xi32>
      %gather3A_2575 = vector.shape_cast %broadcast_in_dim3A_2574 : vector<16x1xi32> to vector<16xi32>
      %gather3A_2576 = tpu.dynamic_gather %get3A_2570[%gather3A_2575] in [0] : vector<16xf32>, vector<16xi32> -> vector<16xf32>
      %eq3A_2577 = arith.constant 10 : i32
      %eq3A_2578 = vector.broadcast %eq3A_2577 : i32 to vector<16xi32>
      %eq3A_2579 = arith.cmpi eq, %iota3A, %eq3A_2578 : vector<16xi32>
      %select_n3A_2580 = arith.select %eq3A_2579, %gather3A_2576, %select_n3A_2560 : vector<16xi1>, vector<16xf32>
      %slice3A_2581 = vector.extract_strided_slice %get3A_2358 {offsets = [11], sizes = [1], strides = [1]} : vector<16xi32> to vector<1xi32>
      %squeeze3A_2582 = vector.extract %slice3A_2581[0] : i32 from vector<1xi32>
      %add3A_2583 = arith.constant 216 : i32
      %add3A_2584 = arith.addi %add3A_2583, %and3A_2014 : i32
      %and3A_2585 = arith.constant 112 : i32
      %and3A_2586 = arith.andi %squeeze3A_2582, %and3A_2585 : i32
      %get3A_2587 = arith.index_cast %add3A_2584 : i32 to index
      %get3A_2588 = arith.index_cast %and3A_2586 : i32 to index
      %get3A_2589 = tpu.vector_load %arg7[%get3A_2587, %get3A_2588] {strides = array<i32>} : memref<256x128xf32, #tpu.memory_space<vmem>>, vector<1x16xf32>,
      %get3A_2590 = vector.shape_cast %get3A_2589 : vector<1x16xf32> to vector<16xf32>
      %and3A_2591 = arith.constant 15 : i32
      %and3A_2592 = arith.andi %squeeze3A_2582, %and3A_2591 : i32
      %broadcast_in_dim3A_2593 = vector.broadcast %and3A_2592 : i32 to vector<16xi32>
      %broadcast_in_dim3A_2594 = vector.shape_cast %broadcast_in_dim3A_2593 : vector<16xi32> to vector<16x1xi32>
      %gather3A_2595 = vector.shape_cast %broadcast_in_dim3A_2594 : vector<16x1xi32> to vector<16xi32>
      %gather3A_2596 = tpu.dynamic_gather %get3A_2590[%gather3A_2595] in [0] : vector<16xf32>, vector<16xi32> -> vector<16xf32>
      %eq3A_2597 = arith.constant 11 : i32
      %eq3A_2598 = vector.broadcast %eq3A_2597 : i32 to vector<16xi32>
      %eq3A_2599 = arith.cmpi eq, %iota3A, %eq3A_2598 : vector<16xi32>
      %select_n3A_2600 = arith.select %eq3A_2599, %gather3A_2596, %select_n3A_2580 : vector<16xi1>, vector<16xf32>
      %slice3A_2601 = vector.extract_strided_slice %get3A_2358 {offsets = [12], sizes = [1], strides = [1]} : vector<16xi32> to vector<1xi32>
      %squeeze3A_2602 = vector.extract %slice3A_2601[0] : i32 from vector<1xi32>
      %add3A_2603 = arith.constant 224 : i32
      %add3A_2604 = arith.addi %add3A_2603, %and3A_2014 : i32
      %and3A_2605 = arith.constant 112 : i32
      %and3A_2606 = arith.andi %squeeze3A_2602, %and3A_2605 : i32
      %get3A_2607 = arith.index_cast %add3A_2604 : i32 to index
      %get3A_2608 = arith.index_cast %and3A_2606 : i32 to index
      %get3A_2609 = tpu.vector_load %arg7[%get3A_2607, %get3A_2608] {strides = array<i32>} : memref<256x128xf32, #tpu.memory_space<vmem>>, vector<1x16xf32>,
      %get3A_2610 = vector.shape_cast %get3A_2609 : vector<1x16xf32> to vector<16xf32>
      %and3A_2611 = arith.constant 15 : i32
      %and3A_2612 = arith.andi %squeeze3A_2602, %and3A_2611 : i32
      %broadcast_in_dim3A_2613 = vector.broadcast %and3A_2612 : i32 to vector<16xi32>
      %broadcast_in_dim3A_2614 = vector.shape_cast %broadcast_in_dim3A_2613 : vector<16xi32> to vector<16x1xi32>
      %gather3A_2615 = vector.shape_cast %broadcast_in_dim3A_2614 : vector<16x1xi32> to vector<16xi32>
      %gather3A_2616 = tpu.dynamic_gather %get3A_2610[%gather3A_2615] in [0] : vector<16xf32>, vector<16xi32> -> vector<16xf32>
      %eq3A_2617 = arith.constant 12 : i32
      %eq3A_2618 = vector.broadcast %eq3A_2617 : i32 to vector<16xi32>
      %eq3A_2619 = arith.cmpi eq, %iota3A, %eq3A_2618 : vector<16xi32>
      %select_n3A_2620 = arith.select %eq3A_2619, %gather3A_2616, %select_n3A_2600 : vector<16xi1>, vector<16xf32>
      %slice3A_2621 = vector.extract_strided_slice %get3A_2358 {offsets = [13], sizes = [1], strides = [1]} : vector<16xi32> to vector<1xi32>
      %squeeze3A_2622 = vector.extract %slice3A_2621[0] : i32 from vector<1xi32>
      %add3A_2623 = arith.constant 232 : i32
      %add3A_2624 = arith.addi %add3A_2623, %and3A_2014 : i32
      %and3A_2625 = arith.constant 112 : i32
      %and3A_2626 = arith.andi %squeeze3A_2622, %and3A_2625 : i32
      %get3A_2627 = arith.index_cast %add3A_2624 : i32 to index
      %get3A_2628 = arith.index_cast %and3A_2626 : i32 to index
      %get3A_2629 = tpu.vector_load %arg7[%get3A_2627, %get3A_2628] {strides = array<i32>} : memref<256x128xf32, #tpu.memory_space<vmem>>, vector<1x16xf32>,
      %get3A_2630 = vector.shape_cast %get3A_2629 : vector<1x16xf32> to vector<16xf32>
      %and3A_2631 = arith.constant 15 : i32
      %and3A_2632 = arith.andi %squeeze3A_2622, %and3A_2631 : i32
      %broadcast_in_dim3A_2633 = vector.broadcast %and3A_2632 : i32 to vector<16xi32>
      %broadcast_in_dim3A_2634 = vector.shape_cast %broadcast_in_dim3A_2633 : vector<16xi32> to vector<16x1xi32>
      %gather3A_2635 = vector.shape_cast %broadcast_in_dim3A_2634 : vector<16x1xi32> to vector<16xi32>
      %gather3A_2636 = tpu.dynamic_gather %get3A_2630[%gather3A_2635] in [0] : vector<16xf32>, vector<16xi32> -> vector<16xf32>
      %eq3A_2637 = arith.constant 13 : i32
      %eq3A_2638 = vector.broadcast %eq3A_2637 : i32 to vector<16xi32>
      %eq3A_2639 = arith.cmpi eq, %iota3A, %eq3A_2638 : vector<16xi32>
      %select_n3A_2640 = arith.select %eq3A_2639, %gather3A_2636, %select_n3A_2620 : vector<16xi1>, vector<16xf32>
      %slice3A_2641 = vector.extract_strided_slice %get3A_2358 {offsets = [14], sizes = [1], strides = [1]} : vector<16xi32> to vector<1xi32>
      %squeeze3A_2642 = vector.extract %slice3A_2641[0] : i32 from vector<1xi32>
      %add3A_2643 = arith.constant 240 : i32
      %add3A_2644 = arith.addi %add3A_2643, %and3A_2014 : i32
      %and3A_2645 = arith.constant 112 : i32
      %and3A_2646 = arith.andi %squeeze3A_2642, %and3A_2645 : i32
      %get3A_2647 = arith.index_cast %add3A_2644 : i32 to index
      %get3A_2648 = arith.index_cast %and3A_2646 : i32 to index
      %get3A_2649 = tpu.vector_load %arg7[%get3A_2647, %get3A_2648] {strides = array<i32>} : memref<256x128xf32, #tpu.memory_space<vmem>>, vector<1x16xf32>,
      %get3A_2650 = vector.shape_cast %get3A_2649 : vector<1x16xf32> to vector<16xf32>
      %and3A_2651 = arith.constant 15 : i32
      %and3A_2652 = arith.andi %squeeze3A_2642, %and3A_2651 : i32
      %broadcast_in_dim3A_2653 = vector.broadcast %and3A_2652 : i32 to vector<16xi32>
      %broadcast_in_dim3A_2654 = vector.shape_cast %broadcast_in_dim3A_2653 : vector<16xi32> to vector<16x1xi32>
      %gather3A_2655 = vector.shape_cast %broadcast_in_dim3A_2654 : vector<16x1xi32> to vector<16xi32>
      %gather3A_2656 = tpu.dynamic_gather %get3A_2650[%gather3A_2655] in [0] : vector<16xf32>, vector<16xi32> -> vector<16xf32>
      %eq3A_2657 = arith.constant 14 : i32
      %eq3A_2658 = vector.broadcast %eq3A_2657 : i32 to vector<16xi32>
      %eq3A_2659 = arith.cmpi eq, %iota3A, %eq3A_2658 : vector<16xi32>
      %select_n3A_2660 = arith.select %eq3A_2659, %gather3A_2656, %select_n3A_2640 : vector<16xi1>, vector<16xf32>
      %slice3A_2661 = vector.extract_strided_slice %get3A_2358 {offsets = [15], sizes = [1], strides = [1]} : vector<16xi32> to vector<1xi32>
      %squeeze3A_2662 = vector.extract %slice3A_2661[0] : i32 from vector<1xi32>
      %add3A_2663 = arith.constant 248 : i32
      %add3A_2664 = arith.addi %add3A_2663, %and3A_2014 : i32
      %and3A_2665 = arith.constant 112 : i32
      %and3A_2666 = arith.andi %squeeze3A_2662, %and3A_2665 : i32
      %get3A_2667 = arith.index_cast %add3A_2664 : i32 to index
      %get3A_2668 = arith.index_cast %and3A_2666 : i32 to index
      %get3A_2669 = tpu.vector_load %arg7[%get3A_2667, %get3A_2668] {strides = array<i32>} : memref<256x128xf32, #tpu.memory_space<vmem>>, vector<1x16xf32>,
      %get3A_2670 = vector.shape_cast %get3A_2669 : vector<1x16xf32> to vector<16xf32>
      %and3A_2671 = arith.constant 15 : i32
      %and3A_2672 = arith.andi %squeeze3A_2662, %and3A_2671 : i32
      %broadcast_in_dim3A_2673 = vector.broadcast %and3A_2672 : i32 to vector<16xi32>
      %broadcast_in_dim3A_2674 = vector.shape_cast %broadcast_in_dim3A_2673 : vector<16xi32> to vector<16x1xi32>
      %gather3A_2675 = vector.shape_cast %broadcast_in_dim3A_2674 : vector<16x1xi32> to vector<16xi32>
      %gather3A_2676 = tpu.dynamic_gather %get3A_2670[%gather3A_2675] in [0] : vector<16xf32>, vector<16xi32> -> vector<16xf32>
      %eq3A_2677 = arith.constant 15 : i32
      %eq3A_2678 = vector.broadcast %eq3A_2677 : i32 to vector<16xi32>
      %eq3A_2679 = arith.cmpi eq, %iota3A, %eq3A_2678 : vector<16xi32>
      %select_n3A_2680 = arith.select %eq3A_2679, %gather3A_2676, %select_n3A_2660 : vector<16xi1>, vector<16xf32>
      %mul3A_2681 = arith.constant 32 : i32
      %mul3A_2682 = arith.muli %mul3A_2005, %mul3A_2681 : i32
      %add3A_2683 = arith.constant 16 : i32
      %add3A_2684 = arith.addi %mul3A_2682, %add3A_2683 : i32
      %swap3A_2685 = arith.index_cast %add3A_2684 : i32 to index
      %swap3A_2686 = tpu.vector_load %arg6[%swap3A_2685] {strides = array<i32>} : memref<2048xf32, #tpu.memory_space<vmem>>, vector<16xf32>,
      %swap3A_2687 = vector.shape_cast %swap3A_2686 : vector<16xf32> to vector<16xf32>
      %swap3A_2688 = vector.shape_cast %select_n3A_2680 : vector<16xf32> to vector<16xf32>
      tpu.vector_store %arg6[%swap3A_2685], %swap3A_2688 {strides = array<i32>} : memref<2048xf32, #tpu.memory_space<vmem>>, vector<16xf32>,
      %add3A_2689 = arith.constant 2 : i32
      %add3A_2690 = arith.addi %mul3A_2005, %add3A_2689 : i32
      %shift_right_arithmetic3A_2691 = arith.constant 1 : i32
      %shift_right_arithmetic3A_2692 = arith.shrsi %add3A_2690, %shift_right_arithmetic3A_2691 : i32
      %add3A_2693 = arith.addi %mul3A_4, %shift_right_arithmetic3A_2692 : i32
      %and3A_2694 = arith.constant -8 : i32
      %and3A_2695 = arith.andi %add3A_2693, %and3A_2694 : i32
      %multiple_of3A_2696 = tpu.assume_multiple %and3A_2695, 8 : i32
      %mul3A_2697 = arith.constant 32 : i32
      %mul3A_2698 = arith.muli %add3A_2690, %mul3A_2697 : i32
      %add3A_2699 = arith.constant 0 : i32
      %add3A_2700 = arith.addi %mul3A_2698, %add3A_2699 : i32
      %get3A_2701 = arith.index_cast %add3A_2700 : i32 to index
      %get3A_2702 = tpu.vector_load %arg5[%get3A_2701] {strides = array<i32>} : memref<2048xi32, #tpu.memory_space<vmem>>, vector<16xi32>,
      %get3A_2703 = vector.shape_cast %get3A_2702 : vector<16xi32> to vector<16xi32>
      %and3A_2704 = arith.constant -128 : i32
      %and3A_2705 = vector.broadcast %and3A_2704 : i32 to vector<16xi32>
      %and3A_2706 = arith.andi %get3A_2703, %and3A_2705 : vector<16xi32>
      %slice3A_2707 = vector.extract_strided_slice %and3A_2706 {offsets = [0], sizes = [1], strides = [1]} : vector<16xi32> to vector<1xi32>
      %squeeze3A_2708 = vector.extract %slice3A_2707[0] : i32 from vector<1xi32>
      %multiple_of3A_2709 = tpu.assume_multiple %squeeze3A_2708, 128 : i32
      %dma_start3A_2710 = arith.constant 0 : i32
      %dma_start3A_2711 = arith.constant 0 : i32
      %dma_start3A_2712 = tpu.memref_slice %arg7[%dma_start3A_2710, %dma_start3A_2711] : memref<256x128xf32, #tpu.memory_space<vmem>> -> memref<8x128xf32, #tpu.memory_space<vmem>>
      %dma_start3A_2713 = tpu.memref_slice %arg2[%multiple_of3A_2696, %multiple_of3A_2709] : memref<1024x100000xf32, #tpu.memory_space<hbm>> -> memref<8x128xf32, #tpu.memory_space<hbm>>
      %dma_start3A_2714 = arith.constant 0 : i32
      %dma_start3A_2715 = arith.constant 0 : i32
      %dma_start3A_2716 = tpu.memref_slice %arg7[%dma_start3A_2714, %dma_start3A_2715] : memref<256x128xf32, #tpu.memory_space<vmem>> -> memref<8x128xf32, #tpu.memory_space<vmem>>
      %dma_start3A_2717 = tpu.memref_slice %arg2[%multiple_of3A_2696, %multiple_of3A_2709] : memref<1024x100000xf32, #tpu.memory_space<hbm>> -> memref<8x128xf32, #tpu.memory_space<hbm>>
      tpu.enqueue_dma source(%dma_start3A_2717 : memref<8x128xf32, #tpu.memory_space<hbm>>) target(%dma_start3A_2716 : memref<8x128xf32, #tpu.memory_space<vmem>>) target_semaphore(%arg9 : memref<!tpu.dma_semaphore, #tpu.memory_space<semaphore_mem>>)
      %slice3A_2718 = vector.extract_strided_slice %and3A_2706 {offsets = [1], sizes = [1], strides = [1]} : vector<16xi32> to vector<1xi32>
      %squeeze3A_2719 = vector.extract %slice3A_2718[0] : i32 from vector<1xi32>
      %multiple_of3A_2720 = tpu.assume_multiple %squeeze3A_2719, 128 : i32
      %dma_start3A_2721 = arith.constant 8 : i32
      %dma_start3A_2722 = arith.constant 0 : i32
      %dma_start3A_2723 = tpu.memref_slice %arg7[%dma_start3A_2721, %dma_start3A_2722] : memref<256x128xf32, #tpu.memory_space<vmem>> -> memref<8x128xf32, #tpu.memory_space<vmem>>
      %dma_start3A_2724 = tpu.memref_slice %arg2[%multiple_of3A_2696, %multiple_of3A_2720] : memref<1024x100000xf32, #tpu.memory_space<hbm>> -> memref<8x128xf32, #tpu.memory_space<hbm>>
      %dma_start3A_2725 = arith.constant 8 : i32
      %dma_start3A_2726 = arith.constant 0 : i32
      %dma_start3A_2727 = tpu.memref_slice %arg7[%dma_start3A_2725, %dma_start3A_2726] : memref<256x128xf32, #tpu.memory_space<vmem>> -> memref<8x128xf32, #tpu.memory_space<vmem>>
      %dma_start3A_2728 = tpu.memref_slice %arg2[%multiple_of3A_2696, %multiple_of3A_2720] : memref<1024x100000xf32, #tpu.memory_space<hbm>> -> memref<8x128xf32, #tpu.memory_space<hbm>>
      tpu.enqueue_dma source(%dma_start3A_2728 : memref<8x128xf32, #tpu.memory_space<hbm>>) target(%dma_start3A_2727 : memref<8x128xf32, #tpu.memory_space<vmem>>) target_semaphore(%arg9 : memref<!tpu.dma_semaphore, #tpu.memory_space<semaphore_mem>>)
      %slice3A_2729 = vector.extract_strided_slice %and3A_2706 {offsets = [2], sizes = [1], strides = [1]} : vector<16xi32> to vector<1xi32>
      %squeeze3A_2730 = vector.extract %slice3A_2729[0] : i32 from vector<1xi32>
      %multiple_of3A_2731 = tpu.assume_multiple %squeeze3A_2730, 128 : i32
      %dma_start3A_2732 = arith.constant 16 : i32
      %dma_start3A_2733 = arith.constant 0 : i32
      %dma_start3A_2734 = tpu.memref_slice %arg7[%dma_start3A_2732, %dma_start3A_2733] : memref<256x128xf32, #tpu.memory_space<vmem>> -> memref<8x128xf32, #tpu.memory_space<vmem>>
      %dma_start3A_2735 = tpu.memref_slice %arg2[%multiple_of3A_2696, %multiple_of3A_2731] : memref<1024x100000xf32, #tpu.memory_space<hbm>> -> memref<8x128xf32, #tpu.memory_space<hbm>>
      %dma_start3A_2736 = arith.constant 16 : i32
      %dma_start3A_2737 = arith.constant 0 : i32
      %dma_start3A_2738 = tpu.memref_slice %arg7[%dma_start3A_2736, %dma_start3A_2737] : memref<256x128xf32, #tpu.memory_space<vmem>> -> memref<8x128xf32, #tpu.memory_space<vmem>>
      %dma_start3A_2739 = tpu.memref_slice %arg2[%multiple_of3A_2696, %multiple_of3A_2731] : memref<1024x100000xf32, #tpu.memory_space<hbm>> -> memref<8x128xf32, #tpu.memory_space<hbm>>
      tpu.enqueue_dma source(%dma_start3A_2739 : memref<8x128xf32, #tpu.memory_space<hbm>>) target(%dma_start3A_2738 : memref<8x128xf32, #tpu.memory_space<vmem>>) target_semaphore(%arg9 : memref<!tpu.dma_semaphore, #tpu.memory_space<semaphore_mem>>)
      %slice3A_2740 = vector.extract_strided_slice %and3A_2706 {offsets = [3], sizes = [1], strides = [1]} : vector<16xi32> to vector<1xi32>
      %squeeze3A_2741 = vector.extract %slice3A_2740[0] : i32 from vector<1xi32>
      %multiple_of3A_2742 = tpu.assume_multiple %squeeze3A_2741, 128 : i32
      %dma_start3A_2743 = arith.constant 24 : i32
      %dma_start3A_2744 = arith.constant 0 : i32
      %dma_start3A_2745 = tpu.memref_slice %arg7[%dma_start3A_2743, %dma_start3A_2744] : memref<256x128xf32, #tpu.memory_space<vmem>> -> memref<8x128xf32, #tpu.memory_space<vmem>>
      %dma_start3A_2746 = tpu.memref_slice %arg2[%multiple_of3A_2696, %multiple_of3A_2742] : memref<1024x100000xf32, #tpu.memory_space<hbm>> -> memref<8x128xf32, #tpu.memory_space<hbm>>
      %dma_start3A_2747 = arith.constant 24 : i32
      %dma_start3A_2748 = arith.constant 0 : i32
      %dma_start3A_2749 = tpu.memref_slice %arg7[%dma_start3A_2747, %dma_start3A_2748] : memref<256x128xf32, #tpu.memory_space<vmem>> -> memref<8x128xf32, #tpu.memory_space<vmem>>
      %dma_start3A_2750 = tpu.memref_slice %arg2[%multiple_of3A_2696, %multiple_of3A_2742] : memref<1024x100000xf32, #tpu.memory_space<hbm>> -> memref<8x128xf32, #tpu.memory_space<hbm>>
      tpu.enqueue_dma source(%dma_start3A_2750 : memref<8x128xf32, #tpu.memory_space<hbm>>) target(%dma_start3A_2749 : memref<8x128xf32, #tpu.memory_space<vmem>>) target_semaphore(%arg9 : memref<!tpu.dma_semaphore, #tpu.memory_space<semaphore_mem>>)
      %slice3A_2751 = vector.extract_strided_slice %and3A_2706 {offsets = [4], sizes = [1], strides = [1]} : vector<16xi32> to vector<1xi32>
      %squeeze3A_2752 = vector.extract %slice3A_2751[0] : i32 from vector<1xi32>
      %multiple_of3A_2753 = tpu.assume_multiple %squeeze3A_2752, 128 : i32
      %dma_start3A_2754 = arith.constant 32 : i32
      %dma_start3A_2755 = arith.constant 0 : i32
      %dma_start3A_2756 = tpu.memref_slice %arg7[%dma_start3A_2754, %dma_start3A_2755] : memref<256x128xf32, #tpu.memory_space<vmem>> -> memref<8x128xf32, #tpu.memory_space<vmem>>
      %dma_start3A_2757 = tpu.memref_slice %arg2[%multiple_of3A_2696, %multiple_of3A_2753] : memref<1024x100000xf32, #tpu.memory_space<hbm>> -> memref<8x128xf32, #tpu.memory_space<hbm>>
      %dma_start3A_2758 = arith.constant 32 : i32
      %dma_start3A_2759 = arith.constant 0 : i32
      %dma_start3A_2760 = tpu.memref_slice %arg7[%dma_start3A_2758, %dma_start3A_2759] : memref<256x128xf32, #tpu.memory_space<vmem>> -> memref<8x128xf32, #tpu.memory_space<vmem>>
      %dma_start3A_2761 = tpu.memref_slice %arg2[%multiple_of3A_2696, %multiple_of3A_2753] : memref<1024x100000xf32, #tpu.memory_space<hbm>> -> memref<8x128xf32, #tpu.memory_space<hbm>>
      tpu.enqueue_dma source(%dma_start3A_2761 : memref<8x128xf32, #tpu.memory_space<hbm>>) target(%dma_start3A_2760 : memref<8x128xf32, #tpu.memory_space<vmem>>) target_semaphore(%arg9 : memref<!tpu.dma_semaphore, #tpu.memory_space<semaphore_mem>>)
      %slice3A_2762 = vector.extract_strided_slice %and3A_2706 {offsets = [5], sizes = [1], strides = [1]} : vector<16xi32> to vector<1xi32>
      %squeeze3A_2763 = vector.extract %slice3A_2762[0] : i32 from vector<1xi32>
      %multiple_of3A_2764 = tpu.assume_multiple %squeeze3A_2763, 128 : i32
      %dma_start3A_2765 = arith.constant 40 : i32
      %dma_start3A_2766 = arith.constant 0 : i32
      %dma_start3A_2767 = tpu.memref_slice %arg7[%dma_start3A_2765, %dma_start3A_2766] : memref<256x128xf32, #tpu.memory_space<vmem>> -> memref<8x128xf32, #tpu.memory_space<vmem>>
      %dma_start3A_2768 = tpu.memref_slice %arg2[%multiple_of3A_2696, %multiple_of3A_2764] : memref<1024x100000xf32, #tpu.memory_space<hbm>> -> memref<8x128xf32, #tpu.memory_space<hbm>>
      %dma_start3A_2769 = arith.constant 40 : i32
      %dma_start3A_2770 = arith.constant 0 : i32
      %dma_start3A_2771 = tpu.memref_slice %arg7[%dma_start3A_2769, %dma_start3A_2770] : memref<256x128xf32, #tpu.memory_space<vmem>> -> memref<8x128xf32, #tpu.memory_space<vmem>>
      %dma_start3A_2772 = tpu.memref_slice %arg2[%multiple_of3A_2696, %multiple_of3A_2764] : memref<1024x100000xf32, #tpu.memory_space<hbm>> -> memref<8x128xf32, #tpu.memory_space<hbm>>
      tpu.enqueue_dma source(%dma_start3A_2772 : memref<8x128xf32, #tpu.memory_space<hbm>>) target(%dma_start3A_2771 : memref<8x128xf32, #tpu.memory_space<vmem>>) target_semaphore(%arg9 : memref<!tpu.dma_semaphore, #tpu.memory_space<semaphore_mem>>)
      %slice3A_2773 = vector.extract_strided_slice %and3A_2706 {offsets = [6], sizes = [1], strides = [1]} : vector<16xi32> to vector<1xi32>
      %squeeze3A_2774 = vector.extract %slice3A_2773[0] : i32 from vector<1xi32>
      %multiple_of3A_2775 = tpu.assume_multiple %squeeze3A_2774, 128 : i32
      %dma_start3A_2776 = arith.constant 48 : i32
      %dma_start3A_2777 = arith.constant 0 : i32
      %dma_start3A_2778 = tpu.memref_slice %arg7[%dma_start3A_2776, %dma_start3A_2777] : memref<256x128xf32, #tpu.memory_space<vmem>> -> memref<8x128xf32, #tpu.memory_space<vmem>>
      %dma_start3A_2779 = tpu.memref_slice %arg2[%multiple_of3A_2696, %multiple_of3A_2775] : memref<1024x100000xf32, #tpu.memory_space<hbm>> -> memref<8x128xf32, #tpu.memory_space<hbm>>
      %dma_start3A_2780 = arith.constant 48 : i32
      %dma_start3A_2781 = arith.constant 0 : i32
      %dma_start3A_2782 = tpu.memref_slice %arg7[%dma_start3A_2780, %dma_start3A_2781] : memref<256x128xf32, #tpu.memory_space<vmem>> -> memref<8x128xf32, #tpu.memory_space<vmem>>
      %dma_start3A_2783 = tpu.memref_slice %arg2[%multiple_of3A_2696, %multiple_of3A_2775] : memref<1024x100000xf32, #tpu.memory_space<hbm>> -> memref<8x128xf32, #tpu.memory_space<hbm>>
      tpu.enqueue_dma source(%dma_start3A_2783 : memref<8x128xf32, #tpu.memory_space<hbm>>) target(%dma_start3A_2782 : memref<8x128xf32, #tpu.memory_space<vmem>>) target_semaphore(%arg9 : memref<!tpu.dma_semaphore, #tpu.memory_space<semaphore_mem>>)
      %slice3A_2784 = vector.extract_strided_slice %and3A_2706 {offsets = [7], sizes = [1], strides = [1]} : vector<16xi32> to vector<1xi32>
      %squeeze3A_2785 = vector.extract %slice3A_2784[0] : i32 from vector<1xi32>
      %multiple_of3A_2786 = tpu.assume_multiple %squeeze3A_2785, 128 : i32
      %dma_start3A_2787 = arith.constant 56 : i32
      %dma_start3A_2788 = arith.constant 0 : i32
      %dma_start3A_2789 = tpu.memref_slice %arg7[%dma_start3A_2787, %dma_start3A_2788] : memref<256x128xf32, #tpu.memory_space<vmem>> -> memref<8x128xf32, #tpu.memory_space<vmem>>
      %dma_start3A_2790 = tpu.memref_slice %arg2[%multiple_of3A_2696, %multiple_of3A_2786] : memref<1024x100000xf32, #tpu.memory_space<hbm>> -> memref<8x128xf32, #tpu.memory_space<hbm>>
      %dma_start3A_2791 = arith.constant 56 : i32
      %dma_start3A_2792 = arith.constant 0 : i32
      %dma_start3A_2793 = tpu.memref_slice %arg7[%dma_start3A_2791, %dma_start3A_2792] : memref<256x128xf32, #tpu.memory_space<vmem>> -> memref<8x128xf32, #tpu.memory_space<vmem>>
      %dma_start3A_2794 = tpu.memref_slice %arg2[%multiple_of3A_2696, %multiple_of3A_2786] : memref<1024x100000xf32, #tpu.memory_space<hbm>> -> memref<8x128xf32, #tpu.memory_space<hbm>>
      tpu.enqueue_dma source(%dma_start3A_2794 : memref<8x128xf32, #tpu.memory_space<hbm>>) target(%dma_start3A_2793 : memref<8x128xf32, #tpu.memory_space<vmem>>) target_semaphore(%arg9 : memref<!tpu.dma_semaphore, #tpu.memory_space<semaphore_mem>>)
      %slice3A_2795 = vector.extract_strided_slice %and3A_2706 {offsets = [8], sizes = [1], strides = [1]} : vector<16xi32> to vector<1xi32>
      %squeeze3A_2796 = vector.extract %slice3A_2795[0] : i32 from vector<1xi32>
      %multiple_of3A_2797 = tpu.assume_multiple %squeeze3A_2796, 128 : i32
      %dma_start3A_2798 = arith.constant 64 : i32
      %dma_start3A_2799 = arith.constant 0 : i32
      %dma_start3A_2800 = tpu.memref_slice %arg7[%dma_start3A_2798, %dma_start3A_2799] : memref<256x128xf32, #tpu.memory_space<vmem>> -> memref<8x128xf32, #tpu.memory_space<vmem>>
      %dma_start3A_2801 = tpu.memref_slice %arg2[%multiple_of3A_2696, %multiple_of3A_2797] : memref<1024x100000xf32, #tpu.memory_space<hbm>> -> memref<8x128xf32, #tpu.memory_space<hbm>>
      %dma_start3A_2802 = arith.constant 64 : i32
      %dma_start3A_2803 = arith.constant 0 : i32
      %dma_start3A_2804 = tpu.memref_slice %arg7[%dma_start3A_2802, %dma_start3A_2803] : memref<256x128xf32, #tpu.memory_space<vmem>> -> memref<8x128xf32, #tpu.memory_space<vmem>>
      %dma_start3A_2805 = tpu.memref_slice %arg2[%multiple_of3A_2696, %multiple_of3A_2797] : memref<1024x100000xf32, #tpu.memory_space<hbm>> -> memref<8x128xf32, #tpu.memory_space<hbm>>
      tpu.enqueue_dma source(%dma_start3A_2805 : memref<8x128xf32, #tpu.memory_space<hbm>>) target(%dma_start3A_2804 : memref<8x128xf32, #tpu.memory_space<vmem>>) target_semaphore(%arg9 : memref<!tpu.dma_semaphore, #tpu.memory_space<semaphore_mem>>)
      %slice3A_2806 = vector.extract_strided_slice %and3A_2706 {offsets = [9], sizes = [1], strides = [1]} : vector<16xi32> to vector<1xi32>
      %squeeze3A_2807 = vector.extract %slice3A_2806[0] : i32 from vector<1xi32>
      %multiple_of3A_2808 = tpu.assume_multiple %squeeze3A_2807, 128 : i32
      %dma_start3A_2809 = arith.constant 72 : i32
      %dma_start3A_2810 = arith.constant 0 : i32
      %dma_start3A_2811 = tpu.memref_slice %arg7[%dma_start3A_2809, %dma_start3A_2810] : memref<256x128xf32, #tpu.memory_space<vmem>> -> memref<8x128xf32, #tpu.memory_space<vmem>>
      %dma_start3A_2812 = tpu.memref_slice %arg2[%multiple_of3A_2696, %multiple_of3A_2808] : memref<1024x100000xf32, #tpu.memory_space<hbm>> -> memref<8x128xf32, #tpu.memory_space<hbm>>
      %dma_start3A_2813 = arith.constant 72 : i32
      %dma_start3A_2814 = arith.constant 0 : i32
      %dma_start3A_2815 = tpu.memref_slice %arg7[%dma_start3A_2813, %dma_start3A_2814] : memref<256x128xf32, #tpu.memory_space<vmem>> -> memref<8x128xf32, #tpu.memory_space<vmem>>
      %dma_start3A_2816 = tpu.memref_slice %arg2[%multiple_of3A_2696, %multiple_of3A_2808] : memref<1024x100000xf32, #tpu.memory_space<hbm>> -> memref<8x128xf32, #tpu.memory_space<hbm>>
      tpu.enqueue_dma source(%dma_start3A_2816 : memref<8x128xf32, #tpu.memory_space<hbm>>) target(%dma_start3A_2815 : memref<8x128xf32, #tpu.memory_space<vmem>>) target_semaphore(%arg9 : memref<!tpu.dma_semaphore, #tpu.memory_space<semaphore_mem>>)
      %slice3A_2817 = vector.extract_strided_slice %and3A_2706 {offsets = [10], sizes = [1], strides = [1]} : vector<16xi32> to vector<1xi32>
      %squeeze3A_2818 = vector.extract %slice3A_2817[0] : i32 from vector<1xi32>
      %multiple_of3A_2819 = tpu.assume_multiple %squeeze3A_2818, 128 : i32
      %dma_start3A_2820 = arith.constant 80 : i32
      %dma_start3A_2821 = arith.constant 0 : i32
      %dma_start3A_2822 = tpu.memref_slice %arg7[%dma_start3A_2820, %dma_start3A_2821] : memref<256x128xf32, #tpu.memory_space<vmem>> -> memref<8x128xf32, #tpu.memory_space<vmem>>
      %dma_start3A_2823 = tpu.memref_slice %arg2[%multiple_of3A_2696, %multiple_of3A_2819] : memref<1024x100000xf32, #tpu.memory_space<hbm>> -> memref<8x128xf32, #tpu.memory_space<hbm>>
      %dma_start3A_2824 = arith.constant 80 : i32
      %dma_start3A_2825 = arith.constant 0 : i32
      %dma_start3A_2826 = tpu.memref_slice %arg7[%dma_start3A_2824, %dma_start3A_2825] : memref<256x128xf32, #tpu.memory_space<vmem>> -> memref<8x128xf32, #tpu.memory_space<vmem>>
      %dma_start3A_2827 = tpu.memref_slice %arg2[%multiple_of3A_2696, %multiple_of3A_2819] : memref<1024x100000xf32, #tpu.memory_space<hbm>> -> memref<8x128xf32, #tpu.memory_space<hbm>>
      tpu.enqueue_dma source(%dma_start3A_2827 : memref<8x128xf32, #tpu.memory_space<hbm>>) target(%dma_start3A_2826 : memref<8x128xf32, #tpu.memory_space<vmem>>) target_semaphore(%arg9 : memref<!tpu.dma_semaphore, #tpu.memory_space<semaphore_mem>>)
      %slice3A_2828 = vector.extract_strided_slice %and3A_2706 {offsets = [11], sizes = [1], strides = [1]} : vector<16xi32> to vector<1xi32>
      %squeeze3A_2829 = vector.extract %slice3A_2828[0] : i32 from vector<1xi32>
      %multiple_of3A_2830 = tpu.assume_multiple %squeeze3A_2829, 128 : i32
      %dma_start3A_2831 = arith.constant 88 : i32
      %dma_start3A_2832 = arith.constant 0 : i32
      %dma_start3A_2833 = tpu.memref_slice %arg7[%dma_start3A_2831, %dma_start3A_2832] : memref<256x128xf32, #tpu.memory_space<vmem>> -> memref<8x128xf32, #tpu.memory_space<vmem>>
      %dma_start3A_2834 = tpu.memref_slice %arg2[%multiple_of3A_2696, %multiple_of3A_2830] : memref<1024x100000xf32, #tpu.memory_space<hbm>> -> memref<8x128xf32, #tpu.memory_space<hbm>>
      %dma_start3A_2835 = arith.constant 88 : i32
      %dma_start3A_2836 = arith.constant 0 : i32
      %dma_start3A_2837 = tpu.memref_slice %arg7[%dma_start3A_2835, %dma_start3A_2836] : memref<256x128xf32, #tpu.memory_space<vmem>> -> memref<8x128xf32, #tpu.memory_space<vmem>>
      %dma_start3A_2838 = tpu.memref_slice %arg2[%multiple_of3A_2696, %multiple_of3A_2830] : memref<1024x100000xf32, #tpu.memory_space<hbm>> -> memref<8x128xf32, #tpu.memory_space<hbm>>
      tpu.enqueue_dma source(%dma_start3A_2838 : memref<8x128xf32, #tpu.memory_space<hbm>>) target(%dma_start3A_2837 : memref<8x128xf32, #tpu.memory_space<vmem>>) target_semaphore(%arg9 : memref<!tpu.dma_semaphore, #tpu.memory_space<semaphore_mem>>)
      %slice3A_2839 = vector.extract_strided_slice %and3A_2706 {offsets = [12], sizes = [1], strides = [1]} : vector<16xi32> to vector<1xi32>
      %squeeze3A_2840 = vector.extract %slice3A_2839[0] : i32 from vector<1xi32>
      %multiple_of3A_2841 = tpu.assume_multiple %squeeze3A_2840, 128 : i32
      %dma_start3A_2842 = arith.constant 96 : i32
      %dma_start3A_2843 = arith.constant 0 : i32
      %dma_start3A_2844 = tpu.memref_slice %arg7[%dma_start3A_2842, %dma_start3A_2843] : memref<256x128xf32, #tpu.memory_space<vmem>> -> memref<8x128xf32, #tpu.memory_space<vmem>>
      %dma_start3A_2845 = tpu.memref_slice %arg2[%multiple_of3A_2696, %multiple_of3A_2841] : memref<1024x100000xf32, #tpu.memory_space<hbm>> -> memref<8x128xf32, #tpu.memory_space<hbm>>
      %dma_start3A_2846 = arith.constant 96 : i32
      %dma_start3A_2847 = arith.constant 0 : i32
      %dma_start3A_2848 = tpu.memref_slice %arg7[%dma_start3A_2846, %dma_start3A_2847] : memref<256x128xf32, #tpu.memory_space<vmem>> -> memref<8x128xf32, #tpu.memory_space<vmem>>
      %dma_start3A_2849 = tpu.memref_slice %arg2[%multiple_of3A_2696, %multiple_of3A_2841] : memref<1024x100000xf32, #tpu.memory_space<hbm>> -> memref<8x128xf32, #tpu.memory_space<hbm>>
      tpu.enqueue_dma source(%dma_start3A_2849 : memref<8x128xf32, #tpu.memory_space<hbm>>) target(%dma_start3A_2848 : memref<8x128xf32, #tpu.memory_space<vmem>>) target_semaphore(%arg9 : memref<!tpu.dma_semaphore, #tpu.memory_space<semaphore_mem>>)
      %slice3A_2850 = vector.extract_strided_slice %and3A_2706 {offsets = [13], sizes = [1], strides = [1]} : vector<16xi32> to vector<1xi32>
      %squeeze3A_2851 = vector.extract %slice3A_2850[0] : i32 from vector<1xi32>
      %multiple_of3A_2852 = tpu.assume_multiple %squeeze3A_2851, 128 : i32
      %dma_start3A_2853 = arith.constant 104 : i32
      %dma_start3A_2854 = arith.constant 0 : i32
      %dma_start3A_2855 = tpu.memref_slice %arg7[%dma_start3A_2853, %dma_start3A_2854] : memref<256x128xf32, #tpu.memory_space<vmem>> -> memref<8x128xf32, #tpu.memory_space<vmem>>
      %dma_start3A_2856 = tpu.memref_slice %arg2[%multiple_of3A_2696, %multiple_of3A_2852] : memref<1024x100000xf32, #tpu.memory_space<hbm>> -> memref<8x128xf32, #tpu.memory_space<hbm>>
      %dma_start3A_2857 = arith.constant 104 : i32
      %dma_start3A_2858 = arith.constant 0 : i32
      %dma_start3A_2859 = tpu.memref_slice %arg7[%dma_start3A_2857, %dma_start3A_2858] : memref<256x128xf32, #tpu.memory_space<vmem>> -> memref<8x128xf32, #tpu.memory_space<vmem>>
      %dma_start3A_2860 = tpu.memref_slice %arg2[%multiple_of3A_2696, %multiple_of3A_2852] : memref<1024x100000xf32, #tpu.memory_space<hbm>> -> memref<8x128xf32, #tpu.memory_space<hbm>>
      tpu.enqueue_dma source(%dma_start3A_2860 : memref<8x128xf32, #tpu.memory_space<hbm>>) target(%dma_start3A_2859 : memref<8x128xf32, #tpu.memory_space<vmem>>) target_semaphore(%arg9 : memref<!tpu.dma_semaphore, #tpu.memory_space<semaphore_mem>>)
      %slice3A_2861 = vector.extract_strided_slice %and3A_2706 {offsets = [14], sizes = [1], strides = [1]} : vector<16xi32> to vector<1xi32>
      %squeeze3A_2862 = vector.extract %slice3A_2861[0] : i32 from vector<1xi32>
      %multiple_of3A_2863 = tpu.assume_multiple %squeeze3A_2862, 128 : i32
      %dma_start3A_2864 = arith.constant 112 : i32
      %dma_start3A_2865 = arith.constant 0 : i32
      %dma_start3A_2866 = tpu.memref_slice %arg7[%dma_start3A_2864, %dma_start3A_2865] : memref<256x128xf32, #tpu.memory_space<vmem>> -> memref<8x128xf32, #tpu.memory_space<vmem>>
      %dma_start3A_2867 = tpu.memref_slice %arg2[%multiple_of3A_2696, %multiple_of3A_2863] : memref<1024x100000xf32, #tpu.memory_space<hbm>> -> memref<8x128xf32, #tpu.memory_space<hbm>>
      %dma_start3A_2868 = arith.constant 112 : i32
      %dma_start3A_2869 = arith.constant 0 : i32
      %dma_start3A_2870 = tpu.memref_slice %arg7[%dma_start3A_2868, %dma_start3A_2869] : memref<256x128xf32, #tpu.memory_space<vmem>> -> memref<8x128xf32, #tpu.memory_space<vmem>>
      %dma_start3A_2871 = tpu.memref_slice %arg2[%multiple_of3A_2696, %multiple_of3A_2863] : memref<1024x100000xf32, #tpu.memory_space<hbm>> -> memref<8x128xf32, #tpu.memory_space<hbm>>
      tpu.enqueue_dma source(%dma_start3A_2871 : memref<8x128xf32, #tpu.memory_space<hbm>>) target(%dma_start3A_2870 : memref<8x128xf32, #tpu.memory_space<vmem>>) target_semaphore(%arg9 : memref<!tpu.dma_semaphore, #tpu.memory_space<semaphore_mem>>)
      %slice3A_2872 = vector.extract_strided_slice %and3A_2706 {offsets = [15], sizes = [1], strides = [1]} : vector<16xi32> to vector<1xi32>
      %squeeze3A_2873 = vector.extract %slice3A_2872[0] : i32 from vector<1xi32>
      %multiple_of3A_2874 = tpu.assume_multiple %squeeze3A_2873, 128 : i32
      %dma_start3A_2875 = arith.constant 120 : i32
      %dma_start3A_2876 = arith.constant 0 : i32
      %dma_start3A_2877 = tpu.memref_slice %arg7[%dma_start3A_2875, %dma_start3A_2876] : memref<256x128xf32, #tpu.memory_space<vmem>> -> memref<8x128xf32, #tpu.memory_space<vmem>>
      %dma_start3A_2878 = tpu.memref_slice %arg2[%multiple_of3A_2696, %multiple_of3A_2874] : memref<1024x100000xf32, #tpu.memory_space<hbm>> -> memref<8x128xf32, #tpu.memory_space<hbm>>
      %dma_start3A_2879 = arith.constant 120 : i32
      %dma_start3A_2880 = arith.constant 0 : i32
      %dma_start3A_2881 = tpu.memref_slice %arg7[%dma_start3A_2879, %dma_start3A_2880] : memref<256x128xf32, #tpu.memory_space<vmem>> -> memref<8x128xf32, #tpu.memory_space<vmem>>
      %dma_start3A_2882 = tpu.memref_slice %arg2[%multiple_of3A_2696, %multiple_of3A_2874] : memref<1024x100000xf32, #tpu.memory_space<hbm>> -> memref<8x128xf32, #tpu.memory_space<hbm>>
      tpu.enqueue_dma source(%dma_start3A_2882 : memref<8x128xf32, #tpu.memory_space<hbm>>) target(%dma_start3A_2881 : memref<8x128xf32, #tpu.memory_space<vmem>>) target_semaphore(%arg9 : memref<!tpu.dma_semaphore, #tpu.memory_space<semaphore_mem>>)
      %mul3A_2883 = arith.constant 32 : i32
      %mul3A_2884 = arith.muli %add3A_2690, %mul3A_2883 : i32
      %add3A_2885 = arith.constant 16 : i32
      %add3A_2886 = arith.addi %mul3A_2884, %add3A_2885 : i32
      %get3A_2887 = arith.index_cast %add3A_2886 : i32 to index
      %get3A_2888 = tpu.vector_load %arg5[%get3A_2887] {strides = array<i32>} : memref<2048xi32, #tpu.memory_space<vmem>>, vector<16xi32>,
      %get3A_2889 = vector.shape_cast %get3A_2888 : vector<16xi32> to vector<16xi32>
      %and3A_2890 = arith.constant -128 : i32
      %and3A_2891 = vector.broadcast %and3A_2890 : i32 to vector<16xi32>
      %and3A_2892 = arith.andi %get3A_2889, %and3A_2891 : vector<16xi32>
      %slice3A_2893 = vector.extract_strided_slice %and3A_2892 {offsets = [0], sizes = [1], strides = [1]} : vector<16xi32> to vector<1xi32>
      %squeeze3A_2894 = vector.extract %slice3A_2893[0] : i32 from vector<1xi32>
      %multiple_of3A_2895 = tpu.assume_multiple %squeeze3A_2894, 128 : i32
      %dma_start3A_2896 = arith.constant 128 : i32
      %dma_start3A_2897 = arith.constant 0 : i32
      %dma_start3A_2898 = tpu.memref_slice %arg7[%dma_start3A_2896, %dma_start3A_2897] : memref<256x128xf32, #tpu.memory_space<vmem>> -> memref<8x128xf32, #tpu.memory_space<vmem>>
      %dma_start3A_2899 = tpu.memref_slice %arg2[%multiple_of3A_2696, %multiple_of3A_2895] : memref<1024x100000xf32, #tpu.memory_space<hbm>> -> memref<8x128xf32, #tpu.memory_space<hbm>>
      %dma_start3A_2900 = arith.constant 128 : i32
      %dma_start3A_2901 = arith.constant 0 : i32
      %dma_start3A_2902 = tpu.memref_slice %arg7[%dma_start3A_2900, %dma_start3A_2901] : memref<256x128xf32, #tpu.memory_space<vmem>> -> memref<8x128xf32, #tpu.memory_space<vmem>>
      %dma_start3A_2903 = tpu.memref_slice %arg2[%multiple_of3A_2696, %multiple_of3A_2895] : memref<1024x100000xf32, #tpu.memory_space<hbm>> -> memref<8x128xf32, #tpu.memory_space<hbm>>
      tpu.enqueue_dma source(%dma_start3A_2903 : memref<8x128xf32, #tpu.memory_space<hbm>>) target(%dma_start3A_2902 : memref<8x128xf32, #tpu.memory_space<vmem>>) target_semaphore(%arg9 : memref<!tpu.dma_semaphore, #tpu.memory_space<semaphore_mem>>)
      %slice3A_2904 = vector.extract_strided_slice %and3A_2892 {offsets = [1], sizes = [1], strides = [1]} : vector<16xi32> to vector<1xi32>
      %squeeze3A_2905 = vector.extract %slice3A_2904[0] : i32 from vector<1xi32>
      %multiple_of3A_2906 = tpu.assume_multiple %squeeze3A_2905, 128 : i32
      %dma_start3A_2907 = arith.constant 136 : i32
      %dma_start3A_2908 = arith.constant 0 : i32
      %dma_start3A_2909 = tpu.memref_slice %arg7[%dma_start3A_2907, %dma_start3A_2908] : memref<256x128xf32, #tpu.memory_space<vmem>> -> memref<8x128xf32, #tpu.memory_space<vmem>>
      %dma_start3A_2910 = tpu.memref_slice %arg2[%multiple_of3A_2696, %multiple_of3A_2906] : memref<1024x100000xf32, #tpu.memory_space<hbm>> -> memref<8x128xf32, #tpu.memory_space<hbm>>
      %dma_start3A_2911 = arith.constant 136 : i32
      %dma_start3A_2912 = arith.constant 0 : i32
      %dma_start3A_2913 = tpu.memref_slice %arg7[%dma_start3A_2911, %dma_start3A_2912] : memref<256x128xf32, #tpu.memory_space<vmem>> -> memref<8x128xf32, #tpu.memory_space<vmem>>
      %dma_start3A_2914 = tpu.memref_slice %arg2[%multiple_of3A_2696, %multiple_of3A_2906] : memref<1024x100000xf32, #tpu.memory_space<hbm>> -> memref<8x128xf32, #tpu.memory_space<hbm>>
      tpu.enqueue_dma source(%dma_start3A_2914 : memref<8x128xf32, #tpu.memory_space<hbm>>) target(%dma_start3A_2913 : memref<8x128xf32, #tpu.memory_space<vmem>>) target_semaphore(%arg9 : memref<!tpu.dma_semaphore, #tpu.memory_space<semaphore_mem>>)
      %slice3A_2915 = vector.extract_strided_slice %and3A_2892 {offsets = [2], sizes = [1], strides = [1]} : vector<16xi32> to vector<1xi32>
      %squeeze3A_2916 = vector.extract %slice3A_2915[0] : i32 from vector<1xi32>
      %multiple_of3A_2917 = tpu.assume_multiple %squeeze3A_2916, 128 : i32
      %dma_start3A_2918 = arith.constant 144 : i32
      %dma_start3A_2919 = arith.constant 0 : i32
      %dma_start3A_2920 = tpu.memref_slice %arg7[%dma_start3A_2918, %dma_start3A_2919] : memref<256x128xf32, #tpu.memory_space<vmem>> -> memref<8x128xf32, #tpu.memory_space<vmem>>
      %dma_start3A_2921 = tpu.memref_slice %arg2[%multiple_of3A_2696, %multiple_of3A_2917] : memref<1024x100000xf32, #tpu.memory_space<hbm>> -> memref<8x128xf32, #tpu.memory_space<hbm>>
      %dma_start3A_2922 = arith.constant 144 : i32
      %dma_start3A_2923 = arith.constant 0 : i32
      %dma_start3A_2924 = tpu.memref_slice %arg7[%dma_start3A_2922, %dma_start3A_2923] : memref<256x128xf32, #tpu.memory_space<vmem>> -> memref<8x128xf32, #tpu.memory_space<vmem>>
      %dma_start3A_2925 = tpu.memref_slice %arg2[%multiple_of3A_2696, %multiple_of3A_2917] : memref<1024x100000xf32, #tpu.memory_space<hbm>> -> memref<8x128xf32, #tpu.memory_space<hbm>>
      tpu.enqueue_dma source(%dma_start3A_2925 : memref<8x128xf32, #tpu.memory_space<hbm>>) target(%dma_start3A_2924 : memref<8x128xf32, #tpu.memory_space<vmem>>) target_semaphore(%arg9 : memref<!tpu.dma_semaphore, #tpu.memory_space<semaphore_mem>>)
      %slice3A_2926 = vector.extract_strided_slice %and3A_2892 {offsets = [3], sizes = [1], strides = [1]} : vector<16xi32> to vector<1xi32>
      %squeeze3A_2927 = vector.extract %slice3A_2926[0] : i32 from vector<1xi32>
      %multiple_of3A_2928 = tpu.assume_multiple %squeeze3A_2927, 128 : i32
      %dma_start3A_2929 = arith.constant 152 : i32
      %dma_start3A_2930 = arith.constant 0 : i32
      %dma_start3A_2931 = tpu.memref_slice %arg7[%dma_start3A_2929, %dma_start3A_2930] : memref<256x128xf32, #tpu.memory_space<vmem>> -> memref<8x128xf32, #tpu.memory_space<vmem>>
      %dma_start3A_2932 = tpu.memref_slice %arg2[%multiple_of3A_2696, %multiple_of3A_2928] : memref<1024x100000xf32, #tpu.memory_space<hbm>> -> memref<8x128xf32, #tpu.memory_space<hbm>>
      %dma_start3A_2933 = arith.constant 152 : i32
      %dma_start3A_2934 = arith.constant 0 : i32
      %dma_start3A_2935 = tpu.memref_slice %arg7[%dma_start3A_2933, %dma_start3A_2934] : memref<256x128xf32, #tpu.memory_space<vmem>> -> memref<8x128xf32, #tpu.memory_space<vmem>>
      %dma_start3A_2936 = tpu.memref_slice %arg2[%multiple_of3A_2696, %multiple_of3A_2928] : memref<1024x100000xf32, #tpu.memory_space<hbm>> -> memref<8x128xf32, #tpu.memory_space<hbm>>
      tpu.enqueue_dma source(%dma_start3A_2936 : memref<8x128xf32, #tpu.memory_space<hbm>>) target(%dma_start3A_2935 : memref<8x128xf32, #tpu.memory_space<vmem>>) target_semaphore(%arg9 : memref<!tpu.dma_semaphore, #tpu.memory_space<semaphore_mem>>)
      %slice3A_2937 = vector.extract_strided_slice %and3A_2892 {offsets = [4], sizes = [1], strides = [1]} : vector<16xi32> to vector<1xi32>
      %squeeze3A_2938 = vector.extract %slice3A_2937[0] : i32 from vector<1xi32>
      %multiple_of3A_2939 = tpu.assume_multiple %squeeze3A_2938, 128 : i32
      %dma_start3A_2940 = arith.constant 160 : i32
      %dma_start3A_2941 = arith.constant 0 : i32
      %dma_start3A_2942 = tpu.memref_slice %arg7[%dma_start3A_2940, %dma_start3A_2941] : memref<256x128xf32, #tpu.memory_space<vmem>> -> memref<8x128xf32, #tpu.memory_space<vmem>>
      %dma_start3A_2943 = tpu.memref_slice %arg2[%multiple_of3A_2696, %multiple_of3A_2939] : memref<1024x100000xf32, #tpu.memory_space<hbm>> -> memref<8x128xf32, #tpu.memory_space<hbm>>
      %dma_start3A_2944 = arith.constant 160 : i32
      %dma_start3A_2945 = arith.constant 0 : i32
      %dma_start3A_2946 = tpu.memref_slice %arg7[%dma_start3A_2944, %dma_start3A_2945] : memref<256x128xf32, #tpu.memory_space<vmem>> -> memref<8x128xf32, #tpu.memory_space<vmem>>
      %dma_start3A_2947 = tpu.memref_slice %arg2[%multiple_of3A_2696, %multiple_of3A_2939] : memref<1024x100000xf32, #tpu.memory_space<hbm>> -> memref<8x128xf32, #tpu.memory_space<hbm>>
      tpu.enqueue_dma source(%dma_start3A_2947 : memref<8x128xf32, #tpu.memory_space<hbm>>) target(%dma_start3A_2946 : memref<8x128xf32, #tpu.memory_space<vmem>>) target_semaphore(%arg9 : memref<!tpu.dma_semaphore, #tpu.memory_space<semaphore_mem>>)
      %slice3A_2948 = vector.extract_strided_slice %and3A_2892 {offsets = [5], sizes = [1], strides = [1]} : vector<16xi32> to vector<1xi32>
      %squeeze3A_2949 = vector.extract %slice3A_2948[0] : i32 from vector<1xi32>
      %multiple_of3A_2950 = tpu.assume_multiple %squeeze3A_2949, 128 : i32
      %dma_start3A_2951 = arith.constant 168 : i32
      %dma_start3A_2952 = arith.constant 0 : i32
      %dma_start3A_2953 = tpu.memref_slice %arg7[%dma_start3A_2951, %dma_start3A_2952] : memref<256x128xf32, #tpu.memory_space<vmem>> -> memref<8x128xf32, #tpu.memory_space<vmem>>
      %dma_start3A_2954 = tpu.memref_slice %arg2[%multiple_of3A_2696, %multiple_of3A_2950] : memref<1024x100000xf32, #tpu.memory_space<hbm>> -> memref<8x128xf32, #tpu.memory_space<hbm>>
      %dma_start3A_2955 = arith.constant 168 : i32
      %dma_start3A_2956 = arith.constant 0 : i32
      %dma_start3A_2957 = tpu.memref_slice %arg7[%dma_start3A_2955, %dma_start3A_2956] : memref<256x128xf32, #tpu.memory_space<vmem>> -> memref<8x128xf32, #tpu.memory_space<vmem>>
      %dma_start3A_2958 = tpu.memref_slice %arg2[%multiple_of3A_2696, %multiple_of3A_2950] : memref<1024x100000xf32, #tpu.memory_space<hbm>> -> memref<8x128xf32, #tpu.memory_space<hbm>>
      tpu.enqueue_dma source(%dma_start3A_2958 : memref<8x128xf32, #tpu.memory_space<hbm>>) target(%dma_start3A_2957 : memref<8x128xf32, #tpu.memory_space<vmem>>) target_semaphore(%arg9 : memref<!tpu.dma_semaphore, #tpu.memory_space<semaphore_mem>>)
      %slice3A_2959 = vector.extract_strided_slice %and3A_2892 {offsets = [6], sizes = [1], strides = [1]} : vector<16xi32> to vector<1xi32>
      %squeeze3A_2960 = vector.extract %slice3A_2959[0] : i32 from vector<1xi32>
      %multiple_of3A_2961 = tpu.assume_multiple %squeeze3A_2960, 128 : i32
      %dma_start3A_2962 = arith.constant 176 : i32
      %dma_start3A_2963 = arith.constant 0 : i32
      %dma_start3A_2964 = tpu.memref_slice %arg7[%dma_start3A_2962, %dma_start3A_2963] : memref<256x128xf32, #tpu.memory_space<vmem>> -> memref<8x128xf32, #tpu.memory_space<vmem>>
      %dma_start3A_2965 = tpu.memref_slice %arg2[%multiple_of3A_2696, %multiple_of3A_2961] : memref<1024x100000xf32, #tpu.memory_space<hbm>> -> memref<8x128xf32, #tpu.memory_space<hbm>>
      %dma_start3A_2966 = arith.constant 176 : i32
      %dma_start3A_2967 = arith.constant 0 : i32
      %dma_start3A_2968 = tpu.memref_slice %arg7[%dma_start3A_2966, %dma_start3A_2967] : memref<256x128xf32, #tpu.memory_space<vmem>> -> memref<8x128xf32, #tpu.memory_space<vmem>>
      %dma_start3A_2969 = tpu.memref_slice %arg2[%multiple_of3A_2696, %multiple_of3A_2961] : memref<1024x100000xf32, #tpu.memory_space<hbm>> -> memref<8x128xf32, #tpu.memory_space<hbm>>
      tpu.enqueue_dma source(%dma_start3A_2969 : memref<8x128xf32, #tpu.memory_space<hbm>>) target(%dma_start3A_2968 : memref<8x128xf32, #tpu.memory_space<vmem>>) target_semaphore(%arg9 : memref<!tpu.dma_semaphore, #tpu.memory_space<semaphore_mem>>)
      %slice3A_2970 = vector.extract_strided_slice %and3A_2892 {offsets = [7], sizes = [1], strides = [1]} : vector<16xi32> to vector<1xi32>
      %squeeze3A_2971 = vector.extract %slice3A_2970[0] : i32 from vector<1xi32>
      %multiple_of3A_2972 = tpu.assume_multiple %squeeze3A_2971, 128 : i32
      %dma_start3A_2973 = arith.constant 184 : i32
      %dma_start3A_2974 = arith.constant 0 : i32
      %dma_start3A_2975 = tpu.memref_slice %arg7[%dma_start3A_2973, %dma_start3A_2974] : memref<256x128xf32, #tpu.memory_space<vmem>> -> memref<8x128xf32, #tpu.memory_space<vmem>>
      %dma_start3A_2976 = tpu.memref_slice %arg2[%multiple_of3A_2696, %multiple_of3A_2972] : memref<1024x100000xf32, #tpu.memory_space<hbm>> -> memref<8x128xf32, #tpu.memory_space<hbm>>
      %dma_start3A_2977 = arith.constant 184 : i32
      %dma_start3A_2978 = arith.constant 0 : i32
      %dma_start3A_2979 = tpu.memref_slice %arg7[%dma_start3A_2977, %dma_start3A_2978] : memref<256x128xf32, #tpu.memory_space<vmem>> -> memref<8x128xf32, #tpu.memory_space<vmem>>
      %dma_start3A_2980 = tpu.memref_slice %arg2[%multiple_of3A_2696, %multiple_of3A_2972] : memref<1024x100000xf32, #tpu.memory_space<hbm>> -> memref<8x128xf32, #tpu.memory_space<hbm>>
      tpu.enqueue_dma source(%dma_start3A_2980 : memref<8x128xf32, #tpu.memory_space<hbm>>) target(%dma_start3A_2979 : memref<8x128xf32, #tpu.memory_space<vmem>>) target_semaphore(%arg9 : memref<!tpu.dma_semaphore, #tpu.memory_space<semaphore_mem>>)
      %slice3A_2981 = vector.extract_strided_slice %and3A_2892 {offsets = [8], sizes = [1], strides = [1]} : vector<16xi32> to vector<1xi32>
      %squeeze3A_2982 = vector.extract %slice3A_2981[0] : i32 from vector<1xi32>
      %multiple_of3A_2983 = tpu.assume_multiple %squeeze3A_2982, 128 : i32
      %dma_start3A_2984 = arith.constant 192 : i32
      %dma_start3A_2985 = arith.constant 0 : i32
      %dma_start3A_2986 = tpu.memref_slice %arg7[%dma_start3A_2984, %dma_start3A_2985] : memref<256x128xf32, #tpu.memory_space<vmem>> -> memref<8x128xf32, #tpu.memory_space<vmem>>
      %dma_start3A_2987 = tpu.memref_slice %arg2[%multiple_of3A_2696, %multiple_of3A_2983] : memref<1024x100000xf32, #tpu.memory_space<hbm>> -> memref<8x128xf32, #tpu.memory_space<hbm>>
      %dma_start3A_2988 = arith.constant 192 : i32
      %dma_start3A_2989 = arith.constant 0 : i32
      %dma_start3A_2990 = tpu.memref_slice %arg7[%dma_start3A_2988, %dma_start3A_2989] : memref<256x128xf32, #tpu.memory_space<vmem>> -> memref<8x128xf32, #tpu.memory_space<vmem>>
      %dma_start3A_2991 = tpu.memref_slice %arg2[%multiple_of3A_2696, %multiple_of3A_2983] : memref<1024x100000xf32, #tpu.memory_space<hbm>> -> memref<8x128xf32, #tpu.memory_space<hbm>>
      tpu.enqueue_dma source(%dma_start3A_2991 : memref<8x128xf32, #tpu.memory_space<hbm>>) target(%dma_start3A_2990 : memref<8x128xf32, #tpu.memory_space<vmem>>) target_semaphore(%arg9 : memref<!tpu.dma_semaphore, #tpu.memory_space<semaphore_mem>>)
      %slice3A_2992 = vector.extract_strided_slice %and3A_2892 {offsets = [9], sizes = [1], strides = [1]} : vector<16xi32> to vector<1xi32>
      %squeeze3A_2993 = vector.extract %slice3A_2992[0] : i32 from vector<1xi32>
      %multiple_of3A_2994 = tpu.assume_multiple %squeeze3A_2993, 128 : i32
      %dma_start3A_2995 = arith.constant 200 : i32
      %dma_start3A_2996 = arith.constant 0 : i32
      %dma_start3A_2997 = tpu.memref_slice %arg7[%dma_start3A_2995, %dma_start3A_2996] : memref<256x128xf32, #tpu.memory_space<vmem>> -> memref<8x128xf32, #tpu.memory_space<vmem>>
      %dma_start3A_2998 = tpu.memref_slice %arg2[%multiple_of3A_2696, %multiple_of3A_2994] : memref<1024x100000xf32, #tpu.memory_space<hbm>> -> memref<8x128xf32, #tpu.memory_space<hbm>>
      %dma_start3A_2999 = arith.constant 200 : i32
      %dma_start3A_3000 = arith.constant 0 : i32
      %dma_start3A_3001 = tpu.memref_slice %arg7[%dma_start3A_2999, %dma_start3A_3000] : memref<256x128xf32, #tpu.memory_space<vmem>> -> memref<8x128xf32, #tpu.memory_space<vmem>>
      %dma_start3A_3002 = tpu.memref_slice %arg2[%multiple_of3A_2696, %multiple_of3A_2994] : memref<1024x100000xf32, #tpu.memory_space<hbm>> -> memref<8x128xf32, #tpu.memory_space<hbm>>
      tpu.enqueue_dma source(%dma_start3A_3002 : memref<8x128xf32, #tpu.memory_space<hbm>>) target(%dma_start3A_3001 : memref<8x128xf32, #tpu.memory_space<vmem>>) target_semaphore(%arg9 : memref<!tpu.dma_semaphore, #tpu.memory_space<semaphore_mem>>)
      %slice3A_3003 = vector.extract_strided_slice %and3A_2892 {offsets = [10], sizes = [1], strides = [1]} : vector<16xi32> to vector<1xi32>
      %squeeze3A_3004 = vector.extract %slice3A_3003[0] : i32 from vector<1xi32>
      %multiple_of3A_3005 = tpu.assume_multiple %squeeze3A_3004, 128 : i32
      %dma_start3A_3006 = arith.constant 208 : i32
      %dma_start3A_3007 = arith.constant 0 : i32
      %dma_start3A_3008 = tpu.memref_slice %arg7[%dma_start3A_3006, %dma_start3A_3007] : memref<256x128xf32, #tpu.memory_space<vmem>> -> memref<8x128xf32, #tpu.memory_space<vmem>>
      %dma_start3A_3009 = tpu.memref_slice %arg2[%multiple_of3A_2696, %multiple_of3A_3005] : memref<1024x100000xf32, #tpu.memory_space<hbm>> -> memref<8x128xf32, #tpu.memory_space<hbm>>
      %dma_start3A_3010 = arith.constant 208 : i32
      %dma_start3A_3011 = arith.constant 0 : i32
      %dma_start3A_3012 = tpu.memref_slice %arg7[%dma_start3A_3010, %dma_start3A_3011] : memref<256x128xf32, #tpu.memory_space<vmem>> -> memref<8x128xf32, #tpu.memory_space<vmem>>
      %dma_start3A_3013 = tpu.memref_slice %arg2[%multiple_of3A_2696, %multiple_of3A_3005] : memref<1024x100000xf32, #tpu.memory_space<hbm>> -> memref<8x128xf32, #tpu.memory_space<hbm>>
      tpu.enqueue_dma source(%dma_start3A_3013 : memref<8x128xf32, #tpu.memory_space<hbm>>) target(%dma_start3A_3012 : memref<8x128xf32, #tpu.memory_space<vmem>>) target_semaphore(%arg9 : memref<!tpu.dma_semaphore, #tpu.memory_space<semaphore_mem>>)
      %slice3A_3014 = vector.extract_strided_slice %and3A_2892 {offsets = [11], sizes = [1], strides = [1]} : vector<16xi32> to vector<1xi32>
      %squeeze3A_3015 = vector.extract %slice3A_3014[0] : i32 from vector<1xi32>
      %multiple_of3A_3016 = tpu.assume_multiple %squeeze3A_3015, 128 : i32
      %dma_start3A_3017 = arith.constant 216 : i32
      %dma_start3A_3018 = arith.constant 0 : i32
      %dma_start3A_3019 = tpu.memref_slice %arg7[%dma_start3A_3017, %dma_start3A_3018] : memref<256x128xf32, #tpu.memory_space<vmem>> -> memref<8x128xf32, #tpu.memory_space<vmem>>
      %dma_start3A_3020 = tpu.memref_slice %arg2[%multiple_of3A_2696, %multiple_of3A_3016] : memref<1024x100000xf32, #tpu.memory_space<hbm>> -> memref<8x128xf32, #tpu.memory_space<hbm>>
      %dma_start3A_3021 = arith.constant 216 : i32
      %dma_start3A_3022 = arith.constant 0 : i32
      %dma_start3A_3023 = tpu.memref_slice %arg7[%dma_start3A_3021, %dma_start3A_3022] : memref<256x128xf32, #tpu.memory_space<vmem>> -> memref<8x128xf32, #tpu.memory_space<vmem>>
      %dma_start3A_3024 = tpu.memref_slice %arg2[%multiple_of3A_2696, %multiple_of3A_3016] : memref<1024x100000xf32, #tpu.memory_space<hbm>> -> memref<8x128xf32, #tpu.memory_space<hbm>>
      tpu.enqueue_dma source(%dma_start3A_3024 : memref<8x128xf32, #tpu.memory_space<hbm>>) target(%dma_start3A_3023 : memref<8x128xf32, #tpu.memory_space<vmem>>) target_semaphore(%arg9 : memref<!tpu.dma_semaphore, #tpu.memory_space<semaphore_mem>>)
      %slice3A_3025 = vector.extract_strided_slice %and3A_2892 {offsets = [12], sizes = [1], strides = [1]} : vector<16xi32> to vector<1xi32>
      %squeeze3A_3026 = vector.extract %slice3A_3025[0] : i32 from vector<1xi32>
      %multiple_of3A_3027 = tpu.assume_multiple %squeeze3A_3026, 128 : i32
      %dma_start3A_3028 = arith.constant 224 : i32
      %dma_start3A_3029 = arith.constant 0 : i32
      %dma_start3A_3030 = tpu.memref_slice %arg7[%dma_start3A_3028, %dma_start3A_3029] : memref<256x128xf32, #tpu.memory_space<vmem>> -> memref<8x128xf32, #tpu.memory_space<vmem>>
      %dma_start3A_3031 = tpu.memref_slice %arg2[%multiple_of3A_2696, %multiple_of3A_3027] : memref<1024x100000xf32, #tpu.memory_space<hbm>> -> memref<8x128xf32, #tpu.memory_space<hbm>>
      %dma_start3A_3032 = arith.constant 224 : i32
      %dma_start3A_3033 = arith.constant 0 : i32
      %dma_start3A_3034 = tpu.memref_slice %arg7[%dma_start3A_3032, %dma_start3A_3033] : memref<256x128xf32, #tpu.memory_space<vmem>> -> memref<8x128xf32, #tpu.memory_space<vmem>>
      %dma_start3A_3035 = tpu.memref_slice %arg2[%multiple_of3A_2696, %multiple_of3A_3027] : memref<1024x100000xf32, #tpu.memory_space<hbm>> -> memref<8x128xf32, #tpu.memory_space<hbm>>
      tpu.enqueue_dma source(%dma_start3A_3035 : memref<8x128xf32, #tpu.memory_space<hbm>>) target(%dma_start3A_3034 : memref<8x128xf32, #tpu.memory_space<vmem>>) target_semaphore(%arg9 : memref<!tpu.dma_semaphore, #tpu.memory_space<semaphore_mem>>)
      %slice3A_3036 = vector.extract_strided_slice %and3A_2892 {offsets = [13], sizes = [1], strides = [1]} : vector<16xi32> to vector<1xi32>
      %squeeze3A_3037 = vector.extract %slice3A_3036[0] : i32 from vector<1xi32>
      %multiple_of3A_3038 = tpu.assume_multiple %squeeze3A_3037, 128 : i32
      %dma_start3A_3039 = arith.constant 232 : i32
      %dma_start3A_3040 = arith.constant 0 : i32
      %dma_start3A_3041 = tpu.memref_slice %arg7[%dma_start3A_3039, %dma_start3A_3040] : memref<256x128xf32, #tpu.memory_space<vmem>> -> memref<8x128xf32, #tpu.memory_space<vmem>>
      %dma_start3A_3042 = tpu.memref_slice %arg2[%multiple_of3A_2696, %multiple_of3A_3038] : memref<1024x100000xf32, #tpu.memory_space<hbm>> -> memref<8x128xf32, #tpu.memory_space<hbm>>
      %dma_start3A_3043 = arith.constant 232 : i32
      %dma_start3A_3044 = arith.constant 0 : i32
      %dma_start3A_3045 = tpu.memref_slice %arg7[%dma_start3A_3043, %dma_start3A_3044] : memref<256x128xf32, #tpu.memory_space<vmem>> -> memref<8x128xf32, #tpu.memory_space<vmem>>
      %dma_start3A_3046 = tpu.memref_slice %arg2[%multiple_of3A_2696, %multiple_of3A_3038] : memref<1024x100000xf32, #tpu.memory_space<hbm>> -> memref<8x128xf32, #tpu.memory_space<hbm>>
      tpu.enqueue_dma source(%dma_start3A_3046 : memref<8x128xf32, #tpu.memory_space<hbm>>) target(%dma_start3A_3045 : memref<8x128xf32, #tpu.memory_space<vmem>>) target_semaphore(%arg9 : memref<!tpu.dma_semaphore, #tpu.memory_space<semaphore_mem>>)
      %slice3A_3047 = vector.extract_strided_slice %and3A_2892 {offsets = [14], sizes = [1], strides = [1]} : vector<16xi32> to vector<1xi32>
      %squeeze3A_3048 = vector.extract %slice3A_3047[0] : i32 from vector<1xi32>
      %multiple_of3A_3049 = tpu.assume_multiple %squeeze3A_3048, 128 : i32
      %dma_start3A_3050 = arith.constant 240 : i32
      %dma_start3A_3051 = arith.constant 0 : i32
      %dma_start3A_3052 = tpu.memref_slice %arg7[%dma_start3A_3050, %dma_start3A_3051] : memref<256x128xf32, #tpu.memory_space<vmem>> -> memref<8x128xf32, #tpu.memory_space<vmem>>
      %dma_start3A_3053 = tpu.memref_slice %arg2[%multiple_of3A_2696, %multiple_of3A_3049] : memref<1024x100000xf32, #tpu.memory_space<hbm>> -> memref<8x128xf32, #tpu.memory_space<hbm>>
      %dma_start3A_3054 = arith.constant 240 : i32
      %dma_start3A_3055 = arith.constant 0 : i32
      %dma_start3A_3056 = tpu.memref_slice %arg7[%dma_start3A_3054, %dma_start3A_3055] : memref<256x128xf32, #tpu.memory_space<vmem>> -> memref<8x128xf32, #tpu.memory_space<vmem>>
      %dma_start3A_3057 = tpu.memref_slice %arg2[%multiple_of3A_2696, %multiple_of3A_3049] : memref<1024x100000xf32, #tpu.memory_space<hbm>> -> memref<8x128xf32, #tpu.memory_space<hbm>>
      tpu.enqueue_dma source(%dma_start3A_3057 : memref<8x128xf32, #tpu.memory_space<hbm>>) target(%dma_start3A_3056 : memref<8x128xf32, #tpu.memory_space<vmem>>) target_semaphore(%arg9 : memref<!tpu.dma_semaphore, #tpu.memory_space<semaphore_mem>>)
      %slice3A_3058 = vector.extract_strided_slice %and3A_2892 {offsets = [15], sizes = [1], strides = [1]} : vector<16xi32> to vector<1xi32>
      %squeeze3A_3059 = vector.extract %slice3A_3058[0] : i32 from vector<1xi32>
      %multiple_of3A_3060 = tpu.assume_multiple %squeeze3A_3059, 128 : i32
      %dma_start3A_3061 = arith.constant 248 : i32
      %dma_start3A_3062 = arith.constant 0 : i32
      %dma_start3A_3063 = tpu.memref_slice %arg7[%dma_start3A_3061, %dma_start3A_3062] : memref<256x128xf32, #tpu.memory_space<vmem>> -> memref<8x128xf32, #tpu.memory_space<vmem>>
      %dma_start3A_3064 = tpu.memref_slice %arg2[%multiple_of3A_2696, %multiple_of3A_3060] : memref<1024x100000xf32, #tpu.memory_space<hbm>> -> memref<8x128xf32, #tpu.memory_space<hbm>>
      %dma_start3A_3065 = arith.constant 248 : i32
      %dma_start3A_3066 = arith.constant 0 : i32
      %dma_start3A_3067 = tpu.memref_slice %arg7[%dma_start3A_3065, %dma_start3A_3066] : memref<256x128xf32, #tpu.memory_space<vmem>> -> memref<8x128xf32, #tpu.memory_space<vmem>>
      %dma_start3A_3068 = tpu.memref_slice %arg2[%multiple_of3A_2696, %multiple_of3A_3060] : memref<1024x100000xf32, #tpu.memory_space<hbm>> -> memref<8x128xf32, #tpu.memory_space<hbm>>
      tpu.enqueue_dma source(%dma_start3A_3068 : memref<8x128xf32, #tpu.memory_space<hbm>>) target(%dma_start3A_3067 : memref<8x128xf32, #tpu.memory_space<vmem>>) target_semaphore(%arg9 : memref<!tpu.dma_semaphore, #tpu.memory_space<semaphore_mem>>)
      %dma_wait3A_3069 = arith.constant 0 : i32
      %dma_wait3A_3070 = arith.constant 0 : i32
      %dma_wait3A_3071 = tpu.memref_slice %arg2[%dma_wait3A_3069, %dma_wait3A_3070] : memref<1024x100000xf32, #tpu.memory_space<hbm>> -> memref<256x128xf32, #tpu.memory_space<hbm>>
      %dma_wait3A_3072 = arith.constant 0 : i32
      %dma_wait3A_3073 = arith.constant 0 : i32
      %dma_wait3A_3074 = tpu.memref_slice %arg2[%dma_wait3A_3072, %dma_wait3A_3073] : memref<1024x100000xf32, #tpu.memory_space<hbm>> -> memref<256x128xf32, #tpu.memory_space<hbm>>
      tpu.wait_dma2 semaphore(%arg10 : memref<!tpu.dma_semaphore, #tpu.memory_space<semaphore_mem>>) src(%dma_wait3A_3074 : memref<256x128xf32, #tpu.memory_space<hbm>>) dst(%arg8 : memref<256x128xf32, #tpu.memory_space<vmem>>)
      %add3A_3075 = arith.constant 1 : i32
      %add3A_3076 = arith.addi %mul3A_2005, %add3A_3075 : i32
      %shift_right_arithmetic3A_3077 = arith.constant 1 : i32
      %shift_right_arithmetic3A_3078 = arith.shrsi %add3A_3076, %shift_right_arithmetic3A_3077 : i32
      %and3A_3079 = arith.constant 7 : i32
      %and3A_3080 = arith.andi %shift_right_arithmetic3A_3078, %and3A_3079 : i32
      %mul3A_3081 = arith.constant 32 : i32
      %mul3A_3082 = arith.muli %add3A_3076, %mul3A_3081 : i32
      %add3A_3083 = arith.constant 0 : i32
      %add3A_3084 = arith.addi %mul3A_3082, %add3A_3083 : i32
      %get3A_3085 = arith.index_cast %add3A_3084 : i32 to index
      %get3A_3086 = tpu.vector_load %arg5[%get3A_3085] {strides = array<i32>} : memref<2048xi32, #tpu.memory_space<vmem>>, vector<16xi32>,
      %get3A_3087 = vector.shape_cast %get3A_3086 : vector<16xi32> to vector<16xi32>
      %broadcast_in_dim3A_3088 = arith.constant 0.000000e+00 : f32
      %broadcast_in_dim3A_3089 = vector.broadcast %broadcast_in_dim3A_3088 : f32 to vector<16xf32>
      %slice3A_3090 = vector.extract_strided_slice %get3A_3087 {offsets = [0], sizes = [1], strides = [1]} : vector<16xi32> to vector<1xi32>
      %squeeze3A_3091 = vector.extract %slice3A_3090[0] : i32 from vector<1xi32>
      %add3A_3092 = arith.constant 0 : i32
      %add3A_3093 = arith.addi %add3A_3092, %and3A_3080 : i32
      %and3A_3094 = arith.constant 112 : i32
      %and3A_3095 = arith.andi %squeeze3A_3091, %and3A_3094 : i32
      %get3A_3096 = arith.index_cast %add3A_3093 : i32 to index
      %get3A_3097 = arith.index_cast %and3A_3095 : i32 to index
      %get3A_3098 = tpu.vector_load %arg8[%get3A_3096, %get3A_3097] {strides = array<i32>} : memref<256x128xf32, #tpu.memory_space<vmem>>, vector<1x16xf32>,
      %get3A_3099 = vector.shape_cast %get3A_3098 : vector<1x16xf32> to vector<16xf32>
      %and3A_3100 = arith.constant 15 : i32
      %and3A_3101 = arith.andi %squeeze3A_3091, %and3A_3100 : i32
      %broadcast_in_dim3A_3102 = vector.broadcast %and3A_3101 : i32 to vector<16xi32>
      %broadcast_in_dim3A_3103 = vector.shape_cast %broadcast_in_dim3A_3102 : vector<16xi32> to vector<16x1xi32>
      %gather3A_3104 = vector.shape_cast %broadcast_in_dim3A_3103 : vector<16x1xi32> to vector<16xi32>
      %gather3A_3105 = tpu.dynamic_gather %get3A_3099[%gather3A_3104] in [0] : vector<16xf32>, vector<16xi32> -> vector<16xf32>
      %eq3A_3106 = arith.constant 0 : i32
      %eq3A_3107 = vector.broadcast %eq3A_3106 : i32 to vector<16xi32>
      %eq3A_3108 = arith.cmpi eq, %iota3A, %eq3A_3107 : vector<16xi32>
      %select_n3A_3109 = arith.select %eq3A_3108, %gather3A_3105, %broadcast_in_dim3A_3089 : vector<16xi1>, vector<16xf32>
      %slice3A_3110 = vector.extract_strided_slice %get3A_3087 {offsets = [1], sizes = [1], strides = [1]} : vector<16xi32> to vector<1xi32>
      %squeeze3A_3111 = vector.extract %slice3A_3110[0] : i32 from vector<1xi32>
      %add3A_3112 = arith.constant 8 : i32
      %add3A_3113 = arith.addi %add3A_3112, %and3A_3080 : i32
      %and3A_3114 = arith.constant 112 : i32
      %and3A_3115 = arith.andi %squeeze3A_3111, %and3A_3114 : i32
      %get3A_3116 = arith.index_cast %add3A_3113 : i32 to index
      %get3A_3117 = arith.index_cast %and3A_3115 : i32 to index
      %get3A_3118 = tpu.vector_load %arg8[%get3A_3116, %get3A_3117] {strides = array<i32>} : memref<256x128xf32, #tpu.memory_space<vmem>>, vector<1x16xf32>,
      %get3A_3119 = vector.shape_cast %get3A_3118 : vector<1x16xf32> to vector<16xf32>
      %and3A_3120 = arith.constant 15 : i32
      %and3A_3121 = arith.andi %squeeze3A_3111, %and3A_3120 : i32
      %broadcast_in_dim3A_3122 = vector.broadcast %and3A_3121 : i32 to vector<16xi32>
      %broadcast_in_dim3A_3123 = vector.shape_cast %broadcast_in_dim3A_3122 : vector<16xi32> to vector<16x1xi32>
      %gather3A_3124 = vector.shape_cast %broadcast_in_dim3A_3123 : vector<16x1xi32> to vector<16xi32>
      %gather3A_3125 = tpu.dynamic_gather %get3A_3119[%gather3A_3124] in [0] : vector<16xf32>, vector<16xi32> -> vector<16xf32>
      %eq3A_3126 = arith.constant 1 : i32
      %eq3A_3127 = vector.broadcast %eq3A_3126 : i32 to vector<16xi32>
      %eq3A_3128 = arith.cmpi eq, %iota3A, %eq3A_3127 : vector<16xi32>
      %select_n3A_3129 = arith.select %eq3A_3128, %gather3A_3125, %select_n3A_3109 : vector<16xi1>, vector<16xf32>
      %slice3A_3130 = vector.extract_strided_slice %get3A_3087 {offsets = [2], sizes = [1], strides = [1]} : vector<16xi32> to vector<1xi32>
      %squeeze3A_3131 = vector.extract %slice3A_3130[0] : i32 from vector<1xi32>
      %add3A_3132 = arith.constant 16 : i32
      %add3A_3133 = arith.addi %add3A_3132, %and3A_3080 : i32
      %and3A_3134 = arith.constant 112 : i32
      %and3A_3135 = arith.andi %squeeze3A_3131, %and3A_3134 : i32
      %get3A_3136 = arith.index_cast %add3A_3133 : i32 to index
      %get3A_3137 = arith.index_cast %and3A_3135 : i32 to index
      %get3A_3138 = tpu.vector_load %arg8[%get3A_3136, %get3A_3137] {strides = array<i32>} : memref<256x128xf32, #tpu.memory_space<vmem>>, vector<1x16xf32>,
      %get3A_3139 = vector.shape_cast %get3A_3138 : vector<1x16xf32> to vector<16xf32>
      %and3A_3140 = arith.constant 15 : i32
      %and3A_3141 = arith.andi %squeeze3A_3131, %and3A_3140 : i32
      %broadcast_in_dim3A_3142 = vector.broadcast %and3A_3141 : i32 to vector<16xi32>
      %broadcast_in_dim3A_3143 = vector.shape_cast %broadcast_in_dim3A_3142 : vector<16xi32> to vector<16x1xi32>
      %gather3A_3144 = vector.shape_cast %broadcast_in_dim3A_3143 : vector<16x1xi32> to vector<16xi32>
      %gather3A_3145 = tpu.dynamic_gather %get3A_3139[%gather3A_3144] in [0] : vector<16xf32>, vector<16xi32> -> vector<16xf32>
      %eq3A_3146 = arith.constant 2 : i32
      %eq3A_3147 = vector.broadcast %eq3A_3146 : i32 to vector<16xi32>
      %eq3A_3148 = arith.cmpi eq, %iota3A, %eq3A_3147 : vector<16xi32>
      %select_n3A_3149 = arith.select %eq3A_3148, %gather3A_3145, %select_n3A_3129 : vector<16xi1>, vector<16xf32>
      %slice3A_3150 = vector.extract_strided_slice %get3A_3087 {offsets = [3], sizes = [1], strides = [1]} : vector<16xi32> to vector<1xi32>
      %squeeze3A_3151 = vector.extract %slice3A_3150[0] : i32 from vector<1xi32>
      %add3A_3152 = arith.constant 24 : i32
      %add3A_3153 = arith.addi %add3A_3152, %and3A_3080 : i32
      %and3A_3154 = arith.constant 112 : i32
      %and3A_3155 = arith.andi %squeeze3A_3151, %and3A_3154 : i32
      %get3A_3156 = arith.index_cast %add3A_3153 : i32 to index
      %get3A_3157 = arith.index_cast %and3A_3155 : i32 to index
      %get3A_3158 = tpu.vector_load %arg8[%get3A_3156, %get3A_3157] {strides = array<i32>} : memref<256x128xf32, #tpu.memory_space<vmem>>, vector<1x16xf32>,
      %get3A_3159 = vector.shape_cast %get3A_3158 : vector<1x16xf32> to vector<16xf32>
      %and3A_3160 = arith.constant 15 : i32
      %and3A_3161 = arith.andi %squeeze3A_3151, %and3A_3160 : i32
      %broadcast_in_dim3A_3162 = vector.broadcast %and3A_3161 : i32 to vector<16xi32>
      %broadcast_in_dim3A_3163 = vector.shape_cast %broadcast_in_dim3A_3162 : vector<16xi32> to vector<16x1xi32>
      %gather3A_3164 = vector.shape_cast %broadcast_in_dim3A_3163 : vector<16x1xi32> to vector<16xi32>
      %gather3A_3165 = tpu.dynamic_gather %get3A_3159[%gather3A_3164] in [0] : vector<16xf32>, vector<16xi32> -> vector<16xf32>
      %eq3A_3166 = arith.constant 3 : i32
      %eq3A_3167 = vector.broadcast %eq3A_3166 : i32 to vector<16xi32>
      %eq3A_3168 = arith.cmpi eq, %iota3A, %eq3A_3167 : vector<16xi32>
      %select_n3A_3169 = arith.select %eq3A_3168, %gather3A_3165, %select_n3A_3149 : vector<16xi1>, vector<16xf32>
      %slice3A_3170 = vector.extract_strided_slice %get3A_3087 {offsets = [4], sizes = [1], strides = [1]} : vector<16xi32> to vector<1xi32>
      %squeeze3A_3171 = vector.extract %slice3A_3170[0] : i32 from vector<1xi32>
      %add3A_3172 = arith.constant 32 : i32
      %add3A_3173 = arith.addi %add3A_3172, %and3A_3080 : i32
      %and3A_3174 = arith.constant 112 : i32
      %and3A_3175 = arith.andi %squeeze3A_3171, %and3A_3174 : i32
      %get3A_3176 = arith.index_cast %add3A_3173 : i32 to index
      %get3A_3177 = arith.index_cast %and3A_3175 : i32 to index
      %get3A_3178 = tpu.vector_load %arg8[%get3A_3176, %get3A_3177] {strides = array<i32>} : memref<256x128xf32, #tpu.memory_space<vmem>>, vector<1x16xf32>,
      %get3A_3179 = vector.shape_cast %get3A_3178 : vector<1x16xf32> to vector<16xf32>
      %and3A_3180 = arith.constant 15 : i32
      %and3A_3181 = arith.andi %squeeze3A_3171, %and3A_3180 : i32
      %broadcast_in_dim3A_3182 = vector.broadcast %and3A_3181 : i32 to vector<16xi32>
      %broadcast_in_dim3A_3183 = vector.shape_cast %broadcast_in_dim3A_3182 : vector<16xi32> to vector<16x1xi32>
      %gather3A_3184 = vector.shape_cast %broadcast_in_dim3A_3183 : vector<16x1xi32> to vector<16xi32>
      %gather3A_3185 = tpu.dynamic_gather %get3A_3179[%gather3A_3184] in [0] : vector<16xf32>, vector<16xi32> -> vector<16xf32>
      %eq3A_3186 = arith.constant 4 : i32
      %eq3A_3187 = vector.broadcast %eq3A_3186 : i32 to vector<16xi32>
      %eq3A_3188 = arith.cmpi eq, %iota3A, %eq3A_3187 : vector<16xi32>
      %select_n3A_3189 = arith.select %eq3A_3188, %gather3A_3185, %select_n3A_3169 : vector<16xi1>, vector<16xf32>
      %slice3A_3190 = vector.extract_strided_slice %get3A_3087 {offsets = [5], sizes = [1], strides = [1]} : vector<16xi32> to vector<1xi32>
      %squeeze3A_3191 = vector.extract %slice3A_3190[0] : i32 from vector<1xi32>
      %add3A_3192 = arith.constant 40 : i32
      %add3A_3193 = arith.addi %add3A_3192, %and3A_3080 : i32
      %and3A_3194 = arith.constant 112 : i32
      %and3A_3195 = arith.andi %squeeze3A_3191, %and3A_3194 : i32
      %get3A_3196 = arith.index_cast %add3A_3193 : i32 to index
      %get3A_3197 = arith.index_cast %and3A_3195 : i32 to index
      %get3A_3198 = tpu.vector_load %arg8[%get3A_3196, %get3A_3197] {strides = array<i32>} : memref<256x128xf32, #tpu.memory_space<vmem>>, vector<1x16xf32>,
      %get3A_3199 = vector.shape_cast %get3A_3198 : vector<1x16xf32> to vector<16xf32>
      %and3A_3200 = arith.constant 15 : i32
      %and3A_3201 = arith.andi %squeeze3A_3191, %and3A_3200 : i32
      %broadcast_in_dim3A_3202 = vector.broadcast %and3A_3201 : i32 to vector<16xi32>
      %broadcast_in_dim3A_3203 = vector.shape_cast %broadcast_in_dim3A_3202 : vector<16xi32> to vector<16x1xi32>
      %gather3A_3204 = vector.shape_cast %broadcast_in_dim3A_3203 : vector<16x1xi32> to vector<16xi32>
      %gather3A_3205 = tpu.dynamic_gather %get3A_3199[%gather3A_3204] in [0] : vector<16xf32>, vector<16xi32> -> vector<16xf32>
      %eq3A_3206 = arith.constant 5 : i32
      %eq3A_3207 = vector.broadcast %eq3A_3206 : i32 to vector<16xi32>
      %eq3A_3208 = arith.cmpi eq, %iota3A, %eq3A_3207 : vector<16xi32>
      %select_n3A_3209 = arith.select %eq3A_3208, %gather3A_3205, %select_n3A_3189 : vector<16xi1>, vector<16xf32>
      %slice3A_3210 = vector.extract_strided_slice %get3A_3087 {offsets = [6], sizes = [1], strides = [1]} : vector<16xi32> to vector<1xi32>
      %squeeze3A_3211 = vector.extract %slice3A_3210[0] : i32 from vector<1xi32>
      %add3A_3212 = arith.constant 48 : i32
      %add3A_3213 = arith.addi %add3A_3212, %and3A_3080 : i32
      %and3A_3214 = arith.constant 112 : i32
      %and3A_3215 = arith.andi %squeeze3A_3211, %and3A_3214 : i32
      %get3A_3216 = arith.index_cast %add3A_3213 : i32 to index
      %get3A_3217 = arith.index_cast %and3A_3215 : i32 to index
      %get3A_3218 = tpu.vector_load %arg8[%get3A_3216, %get3A_3217] {strides = array<i32>} : memref<256x128xf32, #tpu.memory_space<vmem>>, vector<1x16xf32>,
      %get3A_3219 = vector.shape_cast %get3A_3218 : vector<1x16xf32> to vector<16xf32>
      %and3A_3220 = arith.constant 15 : i32
      %and3A_3221 = arith.andi %squeeze3A_3211, %and3A_3220 : i32
      %broadcast_in_dim3A_3222 = vector.broadcast %and3A_3221 : i32 to vector<16xi32>
      %broadcast_in_dim3A_3223 = vector.shape_cast %broadcast_in_dim3A_3222 : vector<16xi32> to vector<16x1xi32>
      %gather3A_3224 = vector.shape_cast %broadcast_in_dim3A_3223 : vector<16x1xi32> to vector<16xi32>
      %gather3A_3225 = tpu.dynamic_gather %get3A_3219[%gather3A_3224] in [0] : vector<16xf32>, vector<16xi32> -> vector<16xf32>
      %eq3A_3226 = arith.constant 6 : i32
      %eq3A_3227 = vector.broadcast %eq3A_3226 : i32 to vector<16xi32>
      %eq3A_3228 = arith.cmpi eq, %iota3A, %eq3A_3227 : vector<16xi32>
      %select_n3A_3229 = arith.select %eq3A_3228, %gather3A_3225, %select_n3A_3209 : vector<16xi1>, vector<16xf32>
      %slice3A_3230 = vector.extract_strided_slice %get3A_3087 {offsets = [7], sizes = [1], strides = [1]} : vector<16xi32> to vector<1xi32>
      %squeeze3A_3231 = vector.extract %slice3A_3230[0] : i32 from vector<1xi32>
      %add3A_3232 = arith.constant 56 : i32
      %add3A_3233 = arith.addi %add3A_3232, %and3A_3080 : i32
      %and3A_3234 = arith.constant 112 : i32
      %and3A_3235 = arith.andi %squeeze3A_3231, %and3A_3234 : i32
      %get3A_3236 = arith.index_cast %add3A_3233 : i32 to index
      %get3A_3237 = arith.index_cast %and3A_3235 : i32 to index
      %get3A_3238 = tpu.vector_load %arg8[%get3A_3236, %get3A_3237] {strides = array<i32>} : memref<256x128xf32, #tpu.memory_space<vmem>>, vector<1x16xf32>,
      %get3A_3239 = vector.shape_cast %get3A_3238 : vector<1x16xf32> to vector<16xf32>
      %and3A_3240 = arith.constant 15 : i32
      %and3A_3241 = arith.andi %squeeze3A_3231, %and3A_3240 : i32
      %broadcast_in_dim3A_3242 = vector.broadcast %and3A_3241 : i32 to vector<16xi32>
      %broadcast_in_dim3A_3243 = vector.shape_cast %broadcast_in_dim3A_3242 : vector<16xi32> to vector<16x1xi32>
      %gather3A_3244 = vector.shape_cast %broadcast_in_dim3A_3243 : vector<16x1xi32> to vector<16xi32>
      %gather3A_3245 = tpu.dynamic_gather %get3A_3239[%gather3A_3244] in [0] : vector<16xf32>, vector<16xi32> -> vector<16xf32>
      %eq3A_3246 = arith.constant 7 : i32
      %eq3A_3247 = vector.broadcast %eq3A_3246 : i32 to vector<16xi32>
      %eq3A_3248 = arith.cmpi eq, %iota3A, %eq3A_3247 : vector<16xi32>
      %select_n3A_3249 = arith.select %eq3A_3248, %gather3A_3245, %select_n3A_3229 : vector<16xi1>, vector<16xf32>
      %slice3A_3250 = vector.extract_strided_slice %get3A_3087 {offsets = [8], sizes = [1], strides = [1]} : vector<16xi32> to vector<1xi32>
      %squeeze3A_3251 = vector.extract %slice3A_3250[0] : i32 from vector<1xi32>
      %add3A_3252 = arith.constant 64 : i32
      %add3A_3253 = arith.addi %add3A_3252, %and3A_3080 : i32
      %and3A_3254 = arith.constant 112 : i32
      %and3A_3255 = arith.andi %squeeze3A_3251, %and3A_3254 : i32
      %get3A_3256 = arith.index_cast %add3A_3253 : i32 to index
      %get3A_3257 = arith.index_cast %and3A_3255 : i32 to index
      %get3A_3258 = tpu.vector_load %arg8[%get3A_3256, %get3A_3257] {strides = array<i32>} : memref<256x128xf32, #tpu.memory_space<vmem>>, vector<1x16xf32>,
      %get3A_3259 = vector.shape_cast %get3A_3258 : vector<1x16xf32> to vector<16xf32>
      %and3A_3260 = arith.constant 15 : i32
      %and3A_3261 = arith.andi %squeeze3A_3251, %and3A_3260 : i32
      %broadcast_in_dim3A_3262 = vector.broadcast %and3A_3261 : i32 to vector<16xi32>
      %broadcast_in_dim3A_3263 = vector.shape_cast %broadcast_in_dim3A_3262 : vector<16xi32> to vector<16x1xi32>
      %gather3A_3264 = vector.shape_cast %broadcast_in_dim3A_3263 : vector<16x1xi32> to vector<16xi32>
      %gather3A_3265 = tpu.dynamic_gather %get3A_3259[%gather3A_3264] in [0] : vector<16xf32>, vector<16xi32> -> vector<16xf32>
      %eq3A_3266 = arith.constant 8 : i32
      %eq3A_3267 = vector.broadcast %eq3A_3266 : i32 to vector<16xi32>
      %eq3A_3268 = arith.cmpi eq, %iota3A, %eq3A_3267 : vector<16xi32>
      %select_n3A_3269 = arith.select %eq3A_3268, %gather3A_3265, %select_n3A_3249 : vector<16xi1>, vector<16xf32>
      %slice3A_3270 = vector.extract_strided_slice %get3A_3087 {offsets = [9], sizes = [1], strides = [1]} : vector<16xi32> to vector<1xi32>
      %squeeze3A_3271 = vector.extract %slice3A_3270[0] : i32 from vector<1xi32>
      %add3A_3272 = arith.constant 72 : i32
      %add3A_3273 = arith.addi %add3A_3272, %and3A_3080 : i32
      %and3A_3274 = arith.constant 112 : i32
      %and3A_3275 = arith.andi %squeeze3A_3271, %and3A_3274 : i32
      %get3A_3276 = arith.index_cast %add3A_3273 : i32 to index
      %get3A_3277 = arith.index_cast %and3A_3275 : i32 to index
      %get3A_3278 = tpu.vector_load %arg8[%get3A_3276, %get3A_3277] {strides = array<i32>} : memref<256x128xf32, #tpu.memory_space<vmem>>, vector<1x16xf32>,
      %get3A_3279 = vector.shape_cast %get3A_3278 : vector<1x16xf32> to vector<16xf32>
      %and3A_3280 = arith.constant 15 : i32
      %and3A_3281 = arith.andi %squeeze3A_3271, %and3A_3280 : i32
      %broadcast_in_dim3A_3282 = vector.broadcast %and3A_3281 : i32 to vector<16xi32>
      %broadcast_in_dim3A_3283 = vector.shape_cast %broadcast_in_dim3A_3282 : vector<16xi32> to vector<16x1xi32>
      %gather3A_3284 = vector.shape_cast %broadcast_in_dim3A_3283 : vector<16x1xi32> to vector<16xi32>
      %gather3A_3285 = tpu.dynamic_gather %get3A_3279[%gather3A_3284] in [0] : vector<16xf32>, vector<16xi32> -> vector<16xf32>
      %eq3A_3286 = arith.constant 9 : i32
      %eq3A_3287 = vector.broadcast %eq3A_3286 : i32 to vector<16xi32>
      %eq3A_3288 = arith.cmpi eq, %iota3A, %eq3A_3287 : vector<16xi32>
      %select_n3A_3289 = arith.select %eq3A_3288, %gather3A_3285, %select_n3A_3269 : vector<16xi1>, vector<16xf32>
      %slice3A_3290 = vector.extract_strided_slice %get3A_3087 {offsets = [10], sizes = [1], strides = [1]} : vector<16xi32> to vector<1xi32>
      %squeeze3A_3291 = vector.extract %slice3A_3290[0] : i32 from vector<1xi32>
      %add3A_3292 = arith.constant 80 : i32
      %add3A_3293 = arith.addi %add3A_3292, %and3A_3080 : i32
      %and3A_3294 = arith.constant 112 : i32
      %and3A_3295 = arith.andi %squeeze3A_3291, %and3A_3294 : i32
      %get3A_3296 = arith.index_cast %add3A_3293 : i32 to index
      %get3A_3297 = arith.index_cast %and3A_3295 : i32 to index
      %get3A_3298 = tpu.vector_load %arg8[%get3A_3296, %get3A_3297] {strides = array<i32>} : memref<256x128xf32, #tpu.memory_space<vmem>>, vector<1x16xf32>,
      %get3A_3299 = vector.shape_cast %get3A_3298 : vector<1x16xf32> to vector<16xf32>
      %and3A_3300 = arith.constant 15 : i32
      %and3A_3301 = arith.andi %squeeze3A_3291, %and3A_3300 : i32
      %broadcast_in_dim3A_3302 = vector.broadcast %and3A_3301 : i32 to vector<16xi32>
      %broadcast_in_dim3A_3303 = vector.shape_cast %broadcast_in_dim3A_3302 : vector<16xi32> to vector<16x1xi32>
      %gather3A_3304 = vector.shape_cast %broadcast_in_dim3A_3303 : vector<16x1xi32> to vector<16xi32>
      %gather3A_3305 = tpu.dynamic_gather %get3A_3299[%gather3A_3304] in [0] : vector<16xf32>, vector<16xi32> -> vector<16xf32>
      %eq3A_3306 = arith.constant 10 : i32
      %eq3A_3307 = vector.broadcast %eq3A_3306 : i32 to vector<16xi32>
      %eq3A_3308 = arith.cmpi eq, %iota3A, %eq3A_3307 : vector<16xi32>
      %select_n3A_3309 = arith.select %eq3A_3308, %gather3A_3305, %select_n3A_3289 : vector<16xi1>, vector<16xf32>
      %slice3A_3310 = vector.extract_strided_slice %get3A_3087 {offsets = [11], sizes = [1], strides = [1]} : vector<16xi32> to vector<1xi32>
      %squeeze3A_3311 = vector.extract %slice3A_3310[0] : i32 from vector<1xi32>
      %add3A_3312 = arith.constant 88 : i32
      %add3A_3313 = arith.addi %add3A_3312, %and3A_3080 : i32
      %and3A_3314 = arith.constant 112 : i32
      %and3A_3315 = arith.andi %squeeze3A_3311, %and3A_3314 : i32
      %get3A_3316 = arith.index_cast %add3A_3313 : i32 to index
      %get3A_3317 = arith.index_cast %and3A_3315 : i32 to index
      %get3A_3318 = tpu.vector_load %arg8[%get3A_3316, %get3A_3317] {strides = array<i32>} : memref<256x128xf32, #tpu.memory_space<vmem>>, vector<1x16xf32>,
      %get3A_3319 = vector.shape_cast %get3A_3318 : vector<1x16xf32> to vector<16xf32>
      %and3A_3320 = arith.constant 15 : i32
      %and3A_3321 = arith.andi %squeeze3A_3311, %and3A_3320 : i32
      %broadcast_in_dim3A_3322 = vector.broadcast %and3A_3321 : i32 to vector<16xi32>
      %broadcast_in_dim3A_3323 = vector.shape_cast %broadcast_in_dim3A_3322 : vector<16xi32> to vector<16x1xi32>
      %gather3A_3324 = vector.shape_cast %broadcast_in_dim3A_3323 : vector<16x1xi32> to vector<16xi32>
      %gather3A_3325 = tpu.dynamic_gather %get3A_3319[%gather3A_3324] in [0] : vector<16xf32>, vector<16xi32> -> vector<16xf32>
      %eq3A_3326 = arith.constant 11 : i32
      %eq3A_3327 = vector.broadcast %eq3A_3326 : i32 to vector<16xi32>
      %eq3A_3328 = arith.cmpi eq, %iota3A, %eq3A_3327 : vector<16xi32>
      %select_n3A_3329 = arith.select %eq3A_3328, %gather3A_3325, %select_n3A_3309 : vector<16xi1>, vector<16xf32>
      %slice3A_3330 = vector.extract_strided_slice %get3A_3087 {offsets = [12], sizes = [1], strides = [1]} : vector<16xi32> to vector<1xi32>
      %squeeze3A_3331 = vector.extract %slice3A_3330[0] : i32 from vector<1xi32>
      %add3A_3332 = arith.constant 96 : i32
      %add3A_3333 = arith.addi %add3A_3332, %and3A_3080 : i32
      %and3A_3334 = arith.constant 112 : i32
      %and3A_3335 = arith.andi %squeeze3A_3331, %and3A_3334 : i32
      %get3A_3336 = arith.index_cast %add3A_3333 : i32 to index
      %get3A_3337 = arith.index_cast %and3A_3335 : i32 to index
      %get3A_3338 = tpu.vector_load %arg8[%get3A_3336, %get3A_3337] {strides = array<i32>} : memref<256x128xf32, #tpu.memory_space<vmem>>, vector<1x16xf32>,
      %get3A_3339 = vector.shape_cast %get3A_3338 : vector<1x16xf32> to vector<16xf32>
      %and3A_3340 = arith.constant 15 : i32
      %and3A_3341 = arith.andi %squeeze3A_3331, %and3A_3340 : i32
      %broadcast_in_dim3A_3342 = vector.broadcast %and3A_3341 : i32 to vector<16xi32>
      %broadcast_in_dim3A_3343 = vector.shape_cast %broadcast_in_dim3A_3342 : vector<16xi32> to vector<16x1xi32>
      %gather3A_3344 = vector.shape_cast %broadcast_in_dim3A_3343 : vector<16x1xi32> to vector<16xi32>
      %gather3A_3345 = tpu.dynamic_gather %get3A_3339[%gather3A_3344] in [0] : vector<16xf32>, vector<16xi32> -> vector<16xf32>
      %eq3A_3346 = arith.constant 12 : i32
      %eq3A_3347 = vector.broadcast %eq3A_3346 : i32 to vector<16xi32>
      %eq3A_3348 = arith.cmpi eq, %iota3A, %eq3A_3347 : vector<16xi32>
      %select_n3A_3349 = arith.select %eq3A_3348, %gather3A_3345, %select_n3A_3329 : vector<16xi1>, vector<16xf32>
      %slice3A_3350 = vector.extract_strided_slice %get3A_3087 {offsets = [13], sizes = [1], strides = [1]} : vector<16xi32> to vector<1xi32>
      %squeeze3A_3351 = vector.extract %slice3A_3350[0] : i32 from vector<1xi32>
      %add3A_3352 = arith.constant 104 : i32
      %add3A_3353 = arith.addi %add3A_3352, %and3A_3080 : i32
      %and3A_3354 = arith.constant 112 : i32
      %and3A_3355 = arith.andi %squeeze3A_3351, %and3A_3354 : i32
      %get3A_3356 = arith.index_cast %add3A_3353 : i32 to index
      %get3A_3357 = arith.index_cast %and3A_3355 : i32 to index
      %get3A_3358 = tpu.vector_load %arg8[%get3A_3356, %get3A_3357] {strides = array<i32>} : memref<256x128xf32, #tpu.memory_space<vmem>>, vector<1x16xf32>,
      %get3A_3359 = vector.shape_cast %get3A_3358 : vector<1x16xf32> to vector<16xf32>
      %and3A_3360 = arith.constant 15 : i32
      %and3A_3361 = arith.andi %squeeze3A_3351, %and3A_3360 : i32
      %broadcast_in_dim3A_3362 = vector.broadcast %and3A_3361 : i32 to vector<16xi32>
      %broadcast_in_dim3A_3363 = vector.shape_cast %broadcast_in_dim3A_3362 : vector<16xi32> to vector<16x1xi32>
      %gather3A_3364 = vector.shape_cast %broadcast_in_dim3A_3363 : vector<16x1xi32> to vector<16xi32>
      %gather3A_3365 = tpu.dynamic_gather %get3A_3359[%gather3A_3364] in [0] : vector<16xf32>, vector<16xi32> -> vector<16xf32>
      %eq3A_3366 = arith.constant 13 : i32
      %eq3A_3367 = vector.broadcast %eq3A_3366 : i32 to vector<16xi32>
      %eq3A_3368 = arith.cmpi eq, %iota3A, %eq3A_3367 : vector<16xi32>
      %select_n3A_3369 = arith.select %eq3A_3368, %gather3A_3365, %select_n3A_3349 : vector<16xi1>, vector<16xf32>
      %slice3A_3370 = vector.extract_strided_slice %get3A_3087 {offsets = [14], sizes = [1], strides = [1]} : vector<16xi32> to vector<1xi32>
      %squeeze3A_3371 = vector.extract %slice3A_3370[0] : i32 from vector<1xi32>
      %add3A_3372 = arith.constant 112 : i32
      %add3A_3373 = arith.addi %add3A_3372, %and3A_3080 : i32
      %and3A_3374 = arith.constant 112 : i32
      %and3A_3375 = arith.andi %squeeze3A_3371, %and3A_3374 : i32
      %get3A_3376 = arith.index_cast %add3A_3373 : i32 to index
      %get3A_3377 = arith.index_cast %and3A_3375 : i32 to index
      %get3A_3378 = tpu.vector_load %arg8[%get3A_3376, %get3A_3377] {strides = array<i32>} : memref<256x128xf32, #tpu.memory_space<vmem>>, vector<1x16xf32>,
      %get3A_3379 = vector.shape_cast %get3A_3378 : vector<1x16xf32> to vector<16xf32>
      %and3A_3380 = arith.constant 15 : i32
      %and3A_3381 = arith.andi %squeeze3A_3371, %and3A_3380 : i32
      %broadcast_in_dim3A_3382 = vector.broadcast %and3A_3381 : i32 to vector<16xi32>
      %broadcast_in_dim3A_3383 = vector.shape_cast %broadcast_in_dim3A_3382 : vector<16xi32> to vector<16x1xi32>
      %gather3A_3384 = vector.shape_cast %broadcast_in_dim3A_3383 : vector<16x1xi32> to vector<16xi32>
      %gather3A_3385 = tpu.dynamic_gather %get3A_3379[%gather3A_3384] in [0] : vector<16xf32>, vector<16xi32> -> vector<16xf32>
      %eq3A_3386 = arith.constant 14 : i32
      %eq3A_3387 = vector.broadcast %eq3A_3386 : i32 to vector<16xi32>
      %eq3A_3388 = arith.cmpi eq, %iota3A, %eq3A_3387 : vector<16xi32>
      %select_n3A_3389 = arith.select %eq3A_3388, %gather3A_3385, %select_n3A_3369 : vector<16xi1>, vector<16xf32>
      %slice3A_3390 = vector.extract_strided_slice %get3A_3087 {offsets = [15], sizes = [1], strides = [1]} : vector<16xi32> to vector<1xi32>
      %squeeze3A_3391 = vector.extract %slice3A_3390[0] : i32 from vector<1xi32>
      %add3A_3392 = arith.constant 120 : i32
      %add3A_3393 = arith.addi %add3A_3392, %and3A_3080 : i32
      %and3A_3394 = arith.constant 112 : i32
      %and3A_3395 = arith.andi %squeeze3A_3391, %and3A_3394 : i32
      %get3A_3396 = arith.index_cast %add3A_3393 : i32 to index
      %get3A_3397 = arith.index_cast %and3A_3395 : i32 to index
      %get3A_3398 = tpu.vector_load %arg8[%get3A_3396, %get3A_3397] {strides = array<i32>} : memref<256x128xf32, #tpu.memory_space<vmem>>, vector<1x16xf32>,
      %get3A_3399 = vector.shape_cast %get3A_3398 : vector<1x16xf32> to vector<16xf32>
      %and3A_3400 = arith.constant 15 : i32
      %and3A_3401 = arith.andi %squeeze3A_3391, %and3A_3400 : i32
      %broadcast_in_dim3A_3402 = vector.broadcast %and3A_3401 : i32 to vector<16xi32>
      %broadcast_in_dim3A_3403 = vector.shape_cast %broadcast_in_dim3A_3402 : vector<16xi32> to vector<16x1xi32>
      %gather3A_3404 = vector.shape_cast %broadcast_in_dim3A_3403 : vector<16x1xi32> to vector<16xi32>
      %gather3A_3405 = tpu.dynamic_gather %get3A_3399[%gather3A_3404] in [0] : vector<16xf32>, vector<16xi32> -> vector<16xf32>
      %eq3A_3406 = arith.constant 15 : i32
      %eq3A_3407 = vector.broadcast %eq3A_3406 : i32 to vector<16xi32>
      %eq3A_3408 = arith.cmpi eq, %iota3A, %eq3A_3407 : vector<16xi32>
      %select_n3A_3409 = arith.select %eq3A_3408, %gather3A_3405, %select_n3A_3389 : vector<16xi1>, vector<16xf32>
      %mul3A_3410 = arith.constant 32 : i32
      %mul3A_3411 = arith.muli %add3A_3076, %mul3A_3410 : i32
      %add3A_3412 = arith.constant 0 : i32
      %add3A_3413 = arith.addi %mul3A_3411, %add3A_3412 : i32
      %swap3A_3414 = arith.index_cast %add3A_3413 : i32 to index
      %swap3A_3415 = tpu.vector_load %arg6[%swap3A_3414] {strides = array<i32>} : memref<2048xf32, #tpu.memory_space<vmem>>, vector<16xf32>,
      %swap3A_3416 = vector.shape_cast %swap3A_3415 : vector<16xf32> to vector<16xf32>
      %swap3A_3417 = vector.shape_cast %select_n3A_3409 : vector<16xf32> to vector<16xf32>
      tpu.vector_store %arg6[%swap3A_3414], %swap3A_3417 {strides = array<i32>} : memref<2048xf32, #tpu.memory_space<vmem>>, vector<16xf32>,
      %mul3A_3418 = arith.constant 32 : i32
      %mul3A_3419 = arith.muli %add3A_3076, %mul3A_3418 : i32
      %add3A_3420 = arith.constant 16 : i32
      %add3A_3421 = arith.addi %mul3A_3419, %add3A_3420 : i32
      %get3A_3422 = arith.index_cast %add3A_3421 : i32 to index
      %get3A_3423 = tpu.vector_load %arg5[%get3A_3422] {strides = array<i32>} : memref<2048xi32, #tpu.memory_space<vmem>>, vector<16xi32>,
      %get3A_3424 = vector.shape_cast %get3A_3423 : vector<16xi32> to vector<16xi32>
      %broadcast_in_dim3A_3425 = arith.constant 0.000000e+00 : f32
      %broadcast_in_dim3A_3426 = vector.broadcast %broadcast_in_dim3A_3425 : f32 to vector<16xf32>
      %slice3A_3427 = vector.extract_strided_slice %get3A_3424 {offsets = [0], sizes = [1], strides = [1]} : vector<16xi32> to vector<1xi32>
      %squeeze3A_3428 = vector.extract %slice3A_3427[0] : i32 from vector<1xi32>
      %add3A_3429 = arith.constant 128 : i32
      %add3A_3430 = arith.addi %add3A_3429, %and3A_3080 : i32
      %and3A_3431 = arith.constant 112 : i32
      %and3A_3432 = arith.andi %squeeze3A_3428, %and3A_3431 : i32
      %get3A_3433 = arith.index_cast %add3A_3430 : i32 to index
      %get3A_3434 = arith.index_cast %and3A_3432 : i32 to index
      %get3A_3435 = tpu.vector_load %arg8[%get3A_3433, %get3A_3434] {strides = array<i32>} : memref<256x128xf32, #tpu.memory_space<vmem>>, vector<1x16xf32>,
      %get3A_3436 = vector.shape_cast %get3A_3435 : vector<1x16xf32> to vector<16xf32>
      %and3A_3437 = arith.constant 15 : i32
      %and3A_3438 = arith.andi %squeeze3A_3428, %and3A_3437 : i32
      %broadcast_in_dim3A_3439 = vector.broadcast %and3A_3438 : i32 to vector<16xi32>
      %broadcast_in_dim3A_3440 = vector.shape_cast %broadcast_in_dim3A_3439 : vector<16xi32> to vector<16x1xi32>
      %gather3A_3441 = vector.shape_cast %broadcast_in_dim3A_3440 : vector<16x1xi32> to vector<16xi32>
      %gather3A_3442 = tpu.dynamic_gather %get3A_3436[%gather3A_3441] in [0] : vector<16xf32>, vector<16xi32> -> vector<16xf32>
      %eq3A_3443 = arith.constant 0 : i32
      %eq3A_3444 = vector.broadcast %eq3A_3443 : i32 to vector<16xi32>
      %eq3A_3445 = arith.cmpi eq, %iota3A, %eq3A_3444 : vector<16xi32>
      %select_n3A_3446 = arith.select %eq3A_3445, %gather3A_3442, %broadcast_in_dim3A_3426 : vector<16xi1>, vector<16xf32>
      %slice3A_3447 = vector.extract_strided_slice %get3A_3424 {offsets = [1], sizes = [1], strides = [1]} : vector<16xi32> to vector<1xi32>
      %squeeze3A_3448 = vector.extract %slice3A_3447[0] : i32 from vector<1xi32>
      %add3A_3449 = arith.constant 136 : i32
      %add3A_3450 = arith.addi %add3A_3449, %and3A_3080 : i32
      %and3A_3451 = arith.constant 112 : i32
      %and3A_3452 = arith.andi %squeeze3A_3448, %and3A_3451 : i32
      %get3A_3453 = arith.index_cast %add3A_3450 : i32 to index
      %get3A_3454 = arith.index_cast %and3A_3452 : i32 to index
      %get3A_3455 = tpu.vector_load %arg8[%get3A_3453, %get3A_3454] {strides = array<i32>} : memref<256x128xf32, #tpu.memory_space<vmem>>, vector<1x16xf32>,
      %get3A_3456 = vector.shape_cast %get3A_3455 : vector<1x16xf32> to vector<16xf32>
      %and3A_3457 = arith.constant 15 : i32
      %and3A_3458 = arith.andi %squeeze3A_3448, %and3A_3457 : i32
      %broadcast_in_dim3A_3459 = vector.broadcast %and3A_3458 : i32 to vector<16xi32>
      %broadcast_in_dim3A_3460 = vector.shape_cast %broadcast_in_dim3A_3459 : vector<16xi32> to vector<16x1xi32>
      %gather3A_3461 = vector.shape_cast %broadcast_in_dim3A_3460 : vector<16x1xi32> to vector<16xi32>
      %gather3A_3462 = tpu.dynamic_gather %get3A_3456[%gather3A_3461] in [0] : vector<16xf32>, vector<16xi32> -> vector<16xf32>
      %eq3A_3463 = arith.constant 1 : i32
      %eq3A_3464 = vector.broadcast %eq3A_3463 : i32 to vector<16xi32>
      %eq3A_3465 = arith.cmpi eq, %iota3A, %eq3A_3464 : vector<16xi32>
      %select_n3A_3466 = arith.select %eq3A_3465, %gather3A_3462, %select_n3A_3446 : vector<16xi1>, vector<16xf32>
      %slice3A_3467 = vector.extract_strided_slice %get3A_3424 {offsets = [2], sizes = [1], strides = [1]} : vector<16xi32> to vector<1xi32>
      %squeeze3A_3468 = vector.extract %slice3A_3467[0] : i32 from vector<1xi32>
      %add3A_3469 = arith.constant 144 : i32
      %add3A_3470 = arith.addi %add3A_3469, %and3A_3080 : i32
      %and3A_3471 = arith.constant 112 : i32
      %and3A_3472 = arith.andi %squeeze3A_3468, %and3A_3471 : i32
      %get3A_3473 = arith.index_cast %add3A_3470 : i32 to index
      %get3A_3474 = arith.index_cast %and3A_3472 : i32 to index
      %get3A_3475 = tpu.vector_load %arg8[%get3A_3473, %get3A_3474] {strides = array<i32>} : memref<256x128xf32, #tpu.memory_space<vmem>>, vector<1x16xf32>,
      %get3A_3476 = vector.shape_cast %get3A_3475 : vector<1x16xf32> to vector<16xf32>
      %and3A_3477 = arith.constant 15 : i32
      %and3A_3478 = arith.andi %squeeze3A_3468, %and3A_3477 : i32
      %broadcast_in_dim3A_3479 = vector.broadcast %and3A_3478 : i32 to vector<16xi32>
      %broadcast_in_dim3A_3480 = vector.shape_cast %broadcast_in_dim3A_3479 : vector<16xi32> to vector<16x1xi32>
      %gather3A_3481 = vector.shape_cast %broadcast_in_dim3A_3480 : vector<16x1xi32> to vector<16xi32>
      %gather3A_3482 = tpu.dynamic_gather %get3A_3476[%gather3A_3481] in [0] : vector<16xf32>, vector<16xi32> -> vector<16xf32>
      %eq3A_3483 = arith.constant 2 : i32
      %eq3A_3484 = vector.broadcast %eq3A_3483 : i32 to vector<16xi32>
      %eq3A_3485 = arith.cmpi eq, %iota3A, %eq3A_3484 : vector<16xi32>
      %select_n3A_3486 = arith.select %eq3A_3485, %gather3A_3482, %select_n3A_3466 : vector<16xi1>, vector<16xf32>
      %slice3A_3487 = vector.extract_strided_slice %get3A_3424 {offsets = [3], sizes = [1], strides = [1]} : vector<16xi32> to vector<1xi32>
      %squeeze3A_3488 = vector.extract %slice3A_3487[0] : i32 from vector<1xi32>
      %add3A_3489 = arith.constant 152 : i32
      %add3A_3490 = arith.addi %add3A_3489, %and3A_3080 : i32
      %and3A_3491 = arith.constant 112 : i32
      %and3A_3492 = arith.andi %squeeze3A_3488, %and3A_3491 : i32
      %get3A_3493 = arith.index_cast %add3A_3490 : i32 to index
      %get3A_3494 = arith.index_cast %and3A_3492 : i32 to index
      %get3A_3495 = tpu.vector_load %arg8[%get3A_3493, %get3A_3494] {strides = array<i32>} : memref<256x128xf32, #tpu.memory_space<vmem>>, vector<1x16xf32>,
      %get3A_3496 = vector.shape_cast %get3A_3495 : vector<1x16xf32> to vector<16xf32>
      %and3A_3497 = arith.constant 15 : i32
      %and3A_3498 = arith.andi %squeeze3A_3488, %and3A_3497 : i32
      %broadcast_in_dim3A_3499 = vector.broadcast %and3A_3498 : i32 to vector<16xi32>
      %broadcast_in_dim3A_3500 = vector.shape_cast %broadcast_in_dim3A_3499 : vector<16xi32> to vector<16x1xi32>
      %gather3A_3501 = vector.shape_cast %broadcast_in_dim3A_3500 : vector<16x1xi32> to vector<16xi32>
      %gather3A_3502 = tpu.dynamic_gather %get3A_3496[%gather3A_3501] in [0] : vector<16xf32>, vector<16xi32> -> vector<16xf32>
      %eq3A_3503 = arith.constant 3 : i32
      %eq3A_3504 = vector.broadcast %eq3A_3503 : i32 to vector<16xi32>
      %eq3A_3505 = arith.cmpi eq, %iota3A, %eq3A_3504 : vector<16xi32>
      %select_n3A_3506 = arith.select %eq3A_3505, %gather3A_3502, %select_n3A_3486 : vector<16xi1>, vector<16xf32>
      %slice3A_3507 = vector.extract_strided_slice %get3A_3424 {offsets = [4], sizes = [1], strides = [1]} : vector<16xi32> to vector<1xi32>
      %squeeze3A_3508 = vector.extract %slice3A_3507[0] : i32 from vector<1xi32>
      %add3A_3509 = arith.constant 160 : i32
      %add3A_3510 = arith.addi %add3A_3509, %and3A_3080 : i32
      %and3A_3511 = arith.constant 112 : i32
      %and3A_3512 = arith.andi %squeeze3A_3508, %and3A_3511 : i32
      %get3A_3513 = arith.index_cast %add3A_3510 : i32 to index
      %get3A_3514 = arith.index_cast %and3A_3512 : i32 to index
      %get3A_3515 = tpu.vector_load %arg8[%get3A_3513, %get3A_3514] {strides = array<i32>} : memref<256x128xf32, #tpu.memory_space<vmem>>, vector<1x16xf32>,
      %get3A_3516 = vector.shape_cast %get3A_3515 : vector<1x16xf32> to vector<16xf32>
      %and3A_3517 = arith.constant 15 : i32
      %and3A_3518 = arith.andi %squeeze3A_3508, %and3A_3517 : i32
      %broadcast_in_dim3A_3519 = vector.broadcast %and3A_3518 : i32 to vector<16xi32>
      %broadcast_in_dim3A_3520 = vector.shape_cast %broadcast_in_dim3A_3519 : vector<16xi32> to vector<16x1xi32>
      %gather3A_3521 = vector.shape_cast %broadcast_in_dim3A_3520 : vector<16x1xi32> to vector<16xi32>
      %gather3A_3522 = tpu.dynamic_gather %get3A_3516[%gather3A_3521] in [0] : vector<16xf32>, vector<16xi32> -> vector<16xf32>
      %eq3A_3523 = arith.constant 4 : i32
      %eq3A_3524 = vector.broadcast %eq3A_3523 : i32 to vector<16xi32>
      %eq3A_3525 = arith.cmpi eq, %iota3A, %eq3A_3524 : vector<16xi32>
      %select_n3A_3526 = arith.select %eq3A_3525, %gather3A_3522, %select_n3A_3506 : vector<16xi1>, vector<16xf32>
      %slice3A_3527 = vector.extract_strided_slice %get3A_3424 {offsets = [5], sizes = [1], strides = [1]} : vector<16xi32> to vector<1xi32>
      %squeeze3A_3528 = vector.extract %slice3A_3527[0] : i32 from vector<1xi32>
      %add3A_3529 = arith.constant 168 : i32
      %add3A_3530 = arith.addi %add3A_3529, %and3A_3080 : i32
      %and3A_3531 = arith.constant 112 : i32
      %and3A_3532 = arith.andi %squeeze3A_3528, %and3A_3531 : i32
      %get3A_3533 = arith.index_cast %add3A_3530 : i32 to index
      %get3A_3534 = arith.index_cast %and3A_3532 : i32 to index
      %get3A_3535 = tpu.vector_load %arg8[%get3A_3533, %get3A_3534] {strides = array<i32>} : memref<256x128xf32, #tpu.memory_space<vmem>>, vector<1x16xf32>,
      %get3A_3536 = vector.shape_cast %get3A_3535 : vector<1x16xf32> to vector<16xf32>
      %and3A_3537 = arith.constant 15 : i32
      %and3A_3538 = arith.andi %squeeze3A_3528, %and3A_3537 : i32
      %broadcast_in_dim3A_3539 = vector.broadcast %and3A_3538 : i32 to vector<16xi32>
      %broadcast_in_dim3A_3540 = vector.shape_cast %broadcast_in_dim3A_3539 : vector<16xi32> to vector<16x1xi32>
      %gather3A_3541 = vector.shape_cast %broadcast_in_dim3A_3540 : vector<16x1xi32> to vector<16xi32>
      %gather3A_3542 = tpu.dynamic_gather %get3A_3536[%gather3A_3541] in [0] : vector<16xf32>, vector<16xi32> -> vector<16xf32>
      %eq3A_3543 = arith.constant 5 : i32
      %eq3A_3544 = vector.broadcast %eq3A_3543 : i32 to vector<16xi32>
      %eq3A_3545 = arith.cmpi eq, %iota3A, %eq3A_3544 : vector<16xi32>
      %select_n3A_3546 = arith.select %eq3A_3545, %gather3A_3542, %select_n3A_3526 : vector<16xi1>, vector<16xf32>
      %slice3A_3547 = vector.extract_strided_slice %get3A_3424 {offsets = [6], sizes = [1], strides = [1]} : vector<16xi32> to vector<1xi32>
      %squeeze3A_3548 = vector.extract %slice3A_3547[0] : i32 from vector<1xi32>
      %add3A_3549 = arith.constant 176 : i32
      %add3A_3550 = arith.addi %add3A_3549, %and3A_3080 : i32
      %and3A_3551 = arith.constant 112 : i32
      %and3A_3552 = arith.andi %squeeze3A_3548, %and3A_3551 : i32
      %get3A_3553 = arith.index_cast %add3A_3550 : i32 to index
      %get3A_3554 = arith.index_cast %and3A_3552 : i32 to index
      %get3A_3555 = tpu.vector_load %arg8[%get3A_3553, %get3A_3554] {strides = array<i32>} : memref<256x128xf32, #tpu.memory_space<vmem>>, vector<1x16xf32>,
      %get3A_3556 = vector.shape_cast %get3A_3555 : vector<1x16xf32> to vector<16xf32>
      %and3A_3557 = arith.constant 15 : i32
      %and3A_3558 = arith.andi %squeeze3A_3548, %and3A_3557 : i32
      %broadcast_in_dim3A_3559 = vector.broadcast %and3A_3558 : i32 to vector<16xi32>
      %broadcast_in_dim3A_3560 = vector.shape_cast %broadcast_in_dim3A_3559 : vector<16xi32> to vector<16x1xi32>
      %gather3A_3561 = vector.shape_cast %broadcast_in_dim3A_3560 : vector<16x1xi32> to vector<16xi32>
      %gather3A_3562 = tpu.dynamic_gather %get3A_3556[%gather3A_3561] in [0] : vector<16xf32>, vector<16xi32> -> vector<16xf32>
      %eq3A_3563 = arith.constant 6 : i32
      %eq3A_3564 = vector.broadcast %eq3A_3563 : i32 to vector<16xi32>
      %eq3A_3565 = arith.cmpi eq, %iota3A, %eq3A_3564 : vector<16xi32>
      %select_n3A_3566 = arith.select %eq3A_3565, %gather3A_3562, %select_n3A_3546 : vector<16xi1>, vector<16xf32>
      %slice3A_3567 = vector.extract_strided_slice %get3A_3424 {offsets = [7], sizes = [1], strides = [1]} : vector<16xi32> to vector<1xi32>
      %squeeze3A_3568 = vector.extract %slice3A_3567[0] : i32 from vector<1xi32>
      %add3A_3569 = arith.constant 184 : i32
      %add3A_3570 = arith.addi %add3A_3569, %and3A_3080 : i32
      %and3A_3571 = arith.constant 112 : i32
      %and3A_3572 = arith.andi %squeeze3A_3568, %and3A_3571 : i32
      %get3A_3573 = arith.index_cast %add3A_3570 : i32 to index
      %get3A_3574 = arith.index_cast %and3A_3572 : i32 to index
      %get3A_3575 = tpu.vector_load %arg8[%get3A_3573, %get3A_3574] {strides = array<i32>} : memref<256x128xf32, #tpu.memory_space<vmem>>, vector<1x16xf32>,
      %get3A_3576 = vector.shape_cast %get3A_3575 : vector<1x16xf32> to vector<16xf32>
      %and3A_3577 = arith.constant 15 : i32
      %and3A_3578 = arith.andi %squeeze3A_3568, %and3A_3577 : i32
      %broadcast_in_dim3A_3579 = vector.broadcast %and3A_3578 : i32 to vector<16xi32>
      %broadcast_in_dim3A_3580 = vector.shape_cast %broadcast_in_dim3A_3579 : vector<16xi32> to vector<16x1xi32>
      %gather3A_3581 = vector.shape_cast %broadcast_in_dim3A_3580 : vector<16x1xi32> to vector<16xi32>
      %gather3A_3582 = tpu.dynamic_gather %get3A_3576[%gather3A_3581] in [0] : vector<16xf32>, vector<16xi32> -> vector<16xf32>
      %eq3A_3583 = arith.constant 7 : i32
      %eq3A_3584 = vector.broadcast %eq3A_3583 : i32 to vector<16xi32>
      %eq3A_3585 = arith.cmpi eq, %iota3A, %eq3A_3584 : vector<16xi32>
      %select_n3A_3586 = arith.select %eq3A_3585, %gather3A_3582, %select_n3A_3566 : vector<16xi1>, vector<16xf32>
      %slice3A_3587 = vector.extract_strided_slice %get3A_3424 {offsets = [8], sizes = [1], strides = [1]} : vector<16xi32> to vector<1xi32>
      %squeeze3A_3588 = vector.extract %slice3A_3587[0] : i32 from vector<1xi32>
      %add3A_3589 = arith.constant 192 : i32
      %add3A_3590 = arith.addi %add3A_3589, %and3A_3080 : i32
      %and3A_3591 = arith.constant 112 : i32
      %and3A_3592 = arith.andi %squeeze3A_3588, %and3A_3591 : i32
      %get3A_3593 = arith.index_cast %add3A_3590 : i32 to index
      %get3A_3594 = arith.index_cast %and3A_3592 : i32 to index
      %get3A_3595 = tpu.vector_load %arg8[%get3A_3593, %get3A_3594] {strides = array<i32>} : memref<256x128xf32, #tpu.memory_space<vmem>>, vector<1x16xf32>,
      %get3A_3596 = vector.shape_cast %get3A_3595 : vector<1x16xf32> to vector<16xf32>
      %and3A_3597 = arith.constant 15 : i32
      %and3A_3598 = arith.andi %squeeze3A_3588, %and3A_3597 : i32
      %broadcast_in_dim3A_3599 = vector.broadcast %and3A_3598 : i32 to vector<16xi32>
      %broadcast_in_dim3A_3600 = vector.shape_cast %broadcast_in_dim3A_3599 : vector<16xi32> to vector<16x1xi32>
      %gather3A_3601 = vector.shape_cast %broadcast_in_dim3A_3600 : vector<16x1xi32> to vector<16xi32>
      %gather3A_3602 = tpu.dynamic_gather %get3A_3596[%gather3A_3601] in [0] : vector<16xf32>, vector<16xi32> -> vector<16xf32>
      %eq3A_3603 = arith.constant 8 : i32
      %eq3A_3604 = vector.broadcast %eq3A_3603 : i32 to vector<16xi32>
      %eq3A_3605 = arith.cmpi eq, %iota3A, %eq3A_3604 : vector<16xi32>
      %select_n3A_3606 = arith.select %eq3A_3605, %gather3A_3602, %select_n3A_3586 : vector<16xi1>, vector<16xf32>
      %slice3A_3607 = vector.extract_strided_slice %get3A_3424 {offsets = [9], sizes = [1], strides = [1]} : vector<16xi32> to vector<1xi32>
      %squeeze3A_3608 = vector.extract %slice3A_3607[0] : i32 from vector<1xi32>
      %add3A_3609 = arith.constant 200 : i32
      %add3A_3610 = arith.addi %add3A_3609, %and3A_3080 : i32
      %and3A_3611 = arith.constant 112 : i32
      %and3A_3612 = arith.andi %squeeze3A_3608, %and3A_3611 : i32
      %get3A_3613 = arith.index_cast %add3A_3610 : i32 to index
      %get3A_3614 = arith.index_cast %and3A_3612 : i32 to index
      %get3A_3615 = tpu.vector_load %arg8[%get3A_3613, %get3A_3614] {strides = array<i32>} : memref<256x128xf32, #tpu.memory_space<vmem>>, vector<1x16xf32>,
      %get3A_3616 = vector.shape_cast %get3A_3615 : vector<1x16xf32> to vector<16xf32>
      %and3A_3617 = arith.constant 15 : i32
      %and3A_3618 = arith.andi %squeeze3A_3608, %and3A_3617 : i32
      %broadcast_in_dim3A_3619 = vector.broadcast %and3A_3618 : i32 to vector<16xi32>
      %broadcast_in_dim3A_3620 = vector.shape_cast %broadcast_in_dim3A_3619 : vector<16xi32> to vector<16x1xi32>
      %gather3A_3621 = vector.shape_cast %broadcast_in_dim3A_3620 : vector<16x1xi32> to vector<16xi32>
      %gather3A_3622 = tpu.dynamic_gather %get3A_3616[%gather3A_3621] in [0] : vector<16xf32>, vector<16xi32> -> vector<16xf32>
      %eq3A_3623 = arith.constant 9 : i32
      %eq3A_3624 = vector.broadcast %eq3A_3623 : i32 to vector<16xi32>
      %eq3A_3625 = arith.cmpi eq, %iota3A, %eq3A_3624 : vector<16xi32>
      %select_n3A_3626 = arith.select %eq3A_3625, %gather3A_3622, %select_n3A_3606 : vector<16xi1>, vector<16xf32>
      %slice3A_3627 = vector.extract_strided_slice %get3A_3424 {offsets = [10], sizes = [1], strides = [1]} : vector<16xi32> to vector<1xi32>
      %squeeze3A_3628 = vector.extract %slice3A_3627[0] : i32 from vector<1xi32>
      %add3A_3629 = arith.constant 208 : i32
      %add3A_3630 = arith.addi %add3A_3629, %and3A_3080 : i32
      %and3A_3631 = arith.constant 112 : i32
      %and3A_3632 = arith.andi %squeeze3A_3628, %and3A_3631 : i32
      %get3A_3633 = arith.index_cast %add3A_3630 : i32 to index
      %get3A_3634 = arith.index_cast %and3A_3632 : i32 to index
      %get3A_3635 = tpu.vector_load %arg8[%get3A_3633, %get3A_3634] {strides = array<i32>} : memref<256x128xf32, #tpu.memory_space<vmem>>, vector<1x16xf32>,
      %get3A_3636 = vector.shape_cast %get3A_3635 : vector<1x16xf32> to vector<16xf32>
      %and3A_3637 = arith.constant 15 : i32
      %and3A_3638 = arith.andi %squeeze3A_3628, %and3A_3637 : i32
      %broadcast_in_dim3A_3639 = vector.broadcast %and3A_3638 : i32 to vector<16xi32>
      %broadcast_in_dim3A_3640 = vector.shape_cast %broadcast_in_dim3A_3639 : vector<16xi32> to vector<16x1xi32>
      %gather3A_3641 = vector.shape_cast %broadcast_in_dim3A_3640 : vector<16x1xi32> to vector<16xi32>
      %gather3A_3642 = tpu.dynamic_gather %get3A_3636[%gather3A_3641] in [0] : vector<16xf32>, vector<16xi32> -> vector<16xf32>
      %eq3A_3643 = arith.constant 10 : i32
      %eq3A_3644 = vector.broadcast %eq3A_3643 : i32 to vector<16xi32>
      %eq3A_3645 = arith.cmpi eq, %iota3A, %eq3A_3644 : vector<16xi32>
      %select_n3A_3646 = arith.select %eq3A_3645, %gather3A_3642, %select_n3A_3626 : vector<16xi1>, vector<16xf32>
      %slice3A_3647 = vector.extract_strided_slice %get3A_3424 {offsets = [11], sizes = [1], strides = [1]} : vector<16xi32> to vector<1xi32>
      %squeeze3A_3648 = vector.extract %slice3A_3647[0] : i32 from vector<1xi32>
      %add3A_3649 = arith.constant 216 : i32
      %add3A_3650 = arith.addi %add3A_3649, %and3A_3080 : i32
      %and3A_3651 = arith.constant 112 : i32
      %and3A_3652 = arith.andi %squeeze3A_3648, %and3A_3651 : i32
      %get3A_3653 = arith.index_cast %add3A_3650 : i32 to index
      %get3A_3654 = arith.index_cast %and3A_3652 : i32 to index
      %get3A_3655 = tpu.vector_load %arg8[%get3A_3653, %get3A_3654] {strides = array<i32>} : memref<256x128xf32, #tpu.memory_space<vmem>>, vector<1x16xf32>,
      %get3A_3656 = vector.shape_cast %get3A_3655 : vector<1x16xf32> to vector<16xf32>
      %and3A_3657 = arith.constant 15 : i32
      %and3A_3658 = arith.andi %squeeze3A_3648, %and3A_3657 : i32
      %broadcast_in_dim3A_3659 = vector.broadcast %and3A_3658 : i32 to vector<16xi32>
      %broadcast_in_dim3A_3660 = vector.shape_cast %broadcast_in_dim3A_3659 : vector<16xi32> to vector<16x1xi32>
      %gather3A_3661 = vector.shape_cast %broadcast_in_dim3A_3660 : vector<16x1xi32> to vector<16xi32>
      %gather3A_3662 = tpu.dynamic_gather %get3A_3656[%gather3A_3661] in [0] : vector<16xf32>, vector<16xi32> -> vector<16xf32>
      %eq3A_3663 = arith.constant 11 : i32
      %eq3A_3664 = vector.broadcast %eq3A_3663 : i32 to vector<16xi32>
      %eq3A_3665 = arith.cmpi eq, %iota3A, %eq3A_3664 : vector<16xi32>
      %select_n3A_3666 = arith.select %eq3A_3665, %gather3A_3662, %select_n3A_3646 : vector<16xi1>, vector<16xf32>
      %slice3A_3667 = vector.extract_strided_slice %get3A_3424 {offsets = [12], sizes = [1], strides = [1]} : vector<16xi32> to vector<1xi32>
      %squeeze3A_3668 = vector.extract %slice3A_3667[0] : i32 from vector<1xi32>
      %add3A_3669 = arith.constant 224 : i32
      %add3A_3670 = arith.addi %add3A_3669, %and3A_3080 : i32
      %and3A_3671 = arith.constant 112 : i32
      %and3A_3672 = arith.andi %squeeze3A_3668, %and3A_3671 : i32
      %get3A_3673 = arith.index_cast %add3A_3670 : i32 to index
      %get3A_3674 = arith.index_cast %and3A_3672 : i32 to index
      %get3A_3675 = tpu.vector_load %arg8[%get3A_3673, %get3A_3674] {strides = array<i32>} : memref<256x128xf32, #tpu.memory_space<vmem>>, vector<1x16xf32>,
      %get3A_3676 = vector.shape_cast %get3A_3675 : vector<1x16xf32> to vector<16xf32>
      %and3A_3677 = arith.constant 15 : i32
      %and3A_3678 = arith.andi %squeeze3A_3668, %and3A_3677 : i32
      %broadcast_in_dim3A_3679 = vector.broadcast %and3A_3678 : i32 to vector<16xi32>
      %broadcast_in_dim3A_3680 = vector.shape_cast %broadcast_in_dim3A_3679 : vector<16xi32> to vector<16x1xi32>
      %gather3A_3681 = vector.shape_cast %broadcast_in_dim3A_3680 : vector<16x1xi32> to vector<16xi32>
      %gather3A_3682 = tpu.dynamic_gather %get3A_3676[%gather3A_3681] in [0] : vector<16xf32>, vector<16xi32> -> vector<16xf32>
      %eq3A_3683 = arith.constant 12 : i32
      %eq3A_3684 = vector.broadcast %eq3A_3683 : i32 to vector<16xi32>
      %eq3A_3685 = arith.cmpi eq, %iota3A, %eq3A_3684 : vector<16xi32>
      %select_n3A_3686 = arith.select %eq3A_3685, %gather3A_3682, %select_n3A_3666 : vector<16xi1>, vector<16xf32>
      %slice3A_3687 = vector.extract_strided_slice %get3A_3424 {offsets = [13], sizes = [1], strides = [1]} : vector<16xi32> to vector<1xi32>
      %squeeze3A_3688 = vector.extract %slice3A_3687[0] : i32 from vector<1xi32>
      %add3A_3689 = arith.constant 232 : i32
      %add3A_3690 = arith.addi %add3A_3689, %and3A_3080 : i32
      %and3A_3691 = arith.constant 112 : i32
      %and3A_3692 = arith.andi %squeeze3A_3688, %and3A_3691 : i32
      %get3A_3693 = arith.index_cast %add3A_3690 : i32 to index
      %get3A_3694 = arith.index_cast %and3A_3692 : i32 to index
      %get3A_3695 = tpu.vector_load %arg8[%get3A_3693, %get3A_3694] {strides = array<i32>} : memref<256x128xf32, #tpu.memory_space<vmem>>, vector<1x16xf32>,
      %get3A_3696 = vector.shape_cast %get3A_3695 : vector<1x16xf32> to vector<16xf32>
      %and3A_3697 = arith.constant 15 : i32
      %and3A_3698 = arith.andi %squeeze3A_3688, %and3A_3697 : i32
      %broadcast_in_dim3A_3699 = vector.broadcast %and3A_3698 : i32 to vector<16xi32>
      %broadcast_in_dim3A_3700 = vector.shape_cast %broadcast_in_dim3A_3699 : vector<16xi32> to vector<16x1xi32>
      %gather3A_3701 = vector.shape_cast %broadcast_in_dim3A_3700 : vector<16x1xi32> to vector<16xi32>
      %gather3A_3702 = tpu.dynamic_gather %get3A_3696[%gather3A_3701] in [0] : vector<16xf32>, vector<16xi32> -> vector<16xf32>
      %eq3A_3703 = arith.constant 13 : i32
      %eq3A_3704 = vector.broadcast %eq3A_3703 : i32 to vector<16xi32>
      %eq3A_3705 = arith.cmpi eq, %iota3A, %eq3A_3704 : vector<16xi32>
      %select_n3A_3706 = arith.select %eq3A_3705, %gather3A_3702, %select_n3A_3686 : vector<16xi1>, vector<16xf32>
      %slice3A_3707 = vector.extract_strided_slice %get3A_3424 {offsets = [14], sizes = [1], strides = [1]} : vector<16xi32> to vector<1xi32>
      %squeeze3A_3708 = vector.extract %slice3A_3707[0] : i32 from vector<1xi32>
      %add3A_3709 = arith.constant 240 : i32
      %add3A_3710 = arith.addi %add3A_3709, %and3A_3080 : i32
      %and3A_3711 = arith.constant 112 : i32
      %and3A_3712 = arith.andi %squeeze3A_3708, %and3A_3711 : i32
      %get3A_3713 = arith.index_cast %add3A_3710 : i32 to index
      %get3A_3714 = arith.index_cast %and3A_3712 : i32 to index
      %get3A_3715 = tpu.vector_load %arg8[%get3A_3713, %get3A_3714] {strides = array<i32>} : memref<256x128xf32, #tpu.memory_space<vmem>>, vector<1x16xf32>,
      %get3A_3716 = vector.shape_cast %get3A_3715 : vector<1x16xf32> to vector<16xf32>
      %and3A_3717 = arith.constant 15 : i32
      %and3A_3718 = arith.andi %squeeze3A_3708, %and3A_3717 : i32
      %broadcast_in_dim3A_3719 = vector.broadcast %and3A_3718 : i32 to vector<16xi32>
      %broadcast_in_dim3A_3720 = vector.shape_cast %broadcast_in_dim3A_3719 : vector<16xi32> to vector<16x1xi32>
      %gather3A_3721 = vector.shape_cast %broadcast_in_dim3A_3720 : vector<16x1xi32> to vector<16xi32>
      %gather3A_3722 = tpu.dynamic_gather %get3A_3716[%gather3A_3721] in [0] : vector<16xf32>, vector<16xi32> -> vector<16xf32>
      %eq3A_3723 = arith.constant 14 : i32
      %eq3A_3724 = vector.broadcast %eq3A_3723 : i32 to vector<16xi32>
      %eq3A_3725 = arith.cmpi eq, %iota3A, %eq3A_3724 : vector<16xi32>
      %select_n3A_3726 = arith.select %eq3A_3725, %gather3A_3722, %select_n3A_3706 : vector<16xi1>, vector<16xf32>
      %slice3A_3727 = vector.extract_strided_slice %get3A_3424 {offsets = [15], sizes = [1], strides = [1]} : vector<16xi32> to vector<1xi32>
      %squeeze3A_3728 = vector.extract %slice3A_3727[0] : i32 from vector<1xi32>
      %add3A_3729 = arith.constant 248 : i32
      %add3A_3730 = arith.addi %add3A_3729, %and3A_3080 : i32
      %and3A_3731 = arith.constant 112 : i32
      %and3A_3732 = arith.andi %squeeze3A_3728, %and3A_3731 : i32
      %get3A_3733 = arith.index_cast %add3A_3730 : i32 to index
      %get3A_3734 = arith.index_cast %and3A_3732 : i32 to index
      %get3A_3735 = tpu.vector_load %arg8[%get3A_3733, %get3A_3734] {strides = array<i32>} : memref<256x128xf32, #tpu.memory_space<vmem>>, vector<1x16xf32>,
      %get3A_3736 = vector.shape_cast %get3A_3735 : vector<1x16xf32> to vector<16xf32>
      %and3A_3737 = arith.constant 15 : i32
      %and3A_3738 = arith.andi %squeeze3A_3728, %and3A_3737 : i32
      %broadcast_in_dim3A_3739 = vector.broadcast %and3A_3738 : i32 to vector<16xi32>
      %broadcast_in_dim3A_3740 = vector.shape_cast %broadcast_in_dim3A_3739 : vector<16xi32> to vector<16x1xi32>
      %gather3A_3741 = vector.shape_cast %broadcast_in_dim3A_3740 : vector<16x1xi32> to vector<16xi32>
      %gather3A_3742 = tpu.dynamic_gather %get3A_3736[%gather3A_3741] in [0] : vector<16xf32>, vector<16xi32> -> vector<16xf32>
      %eq3A_3743 = arith.constant 15 : i32
      %eq3A_3744 = vector.broadcast %eq3A_3743 : i32 to vector<16xi32>
      %eq3A_3745 = arith.cmpi eq, %iota3A, %eq3A_3744 : vector<16xi32>
      %select_n3A_3746 = arith.select %eq3A_3745, %gather3A_3742, %select_n3A_3726 : vector<16xi1>, vector<16xf32>
      %mul3A_3747 = arith.constant 32 : i32
      %mul3A_3748 = arith.muli %add3A_3076, %mul3A_3747 : i32
      %add3A_3749 = arith.constant 16 : i32
      %add3A_3750 = arith.addi %mul3A_3748, %add3A_3749 : i32
      %swap3A_3751 = arith.index_cast %add3A_3750 : i32 to index
      %swap3A_3752 = tpu.vector_load %arg6[%swap3A_3751] {strides = array<i32>} : memref<2048xf32, #tpu.memory_space<vmem>>, vector<16xf32>,
      %swap3A_3753 = vector.shape_cast %swap3A_3752 : vector<16xf32> to vector<16xf32>
      %swap3A_3754 = vector.shape_cast %select_n3A_3746 : vector<16xf32> to vector<16xf32>
      tpu.vector_store %arg6[%swap3A_3751], %swap3A_3754 {strides = array<i32>} : memref<2048xf32, #tpu.memory_space<vmem>>, vector<16xf32>,
      %add3A_3755 = arith.constant 3 : i32
      %add3A_3756 = arith.addi %mul3A_2005, %add3A_3755 : i32
      %shift_right_arithmetic3A_3757 = arith.constant 1 : i32
      %shift_right_arithmetic3A_3758 = arith.shrsi %add3A_3756, %shift_right_arithmetic3A_3757 : i32
      %add3A_3759 = arith.addi %mul3A_4, %shift_right_arithmetic3A_3758 : i32
      %and3A_3760 = arith.constant -8 : i32
      %and3A_3761 = arith.andi %add3A_3759, %and3A_3760 : i32
      %multiple_of3A_3762 = tpu.assume_multiple %and3A_3761, 8 : i32
      %mul3A_3763 = arith.constant 32 : i32
      %mul3A_3764 = arith.muli %add3A_3756, %mul3A_3763 : i32
      %add3A_3765 = arith.constant 0 : i32
      %add3A_3766 = arith.addi %mul3A_3764, %add3A_3765 : i32
      %get3A_3767 = arith.index_cast %add3A_3766 : i32 to index
      %get3A_3768 = tpu.vector_load %arg5[%get3A_3767] {strides = array<i32>} : memref<2048xi32, #tpu.memory_space<vmem>>, vector<16xi32>,
      %get3A_3769 = vector.shape_cast %get3A_3768 : vector<16xi32> to vector<16xi32>
      %and3A_3770 = arith.constant -128 : i32
      %and3A_3771 = vector.broadcast %and3A_3770 : i32 to vector<16xi32>
      %and3A_3772 = arith.andi %get3A_3769, %and3A_3771 : vector<16xi32>
      %slice3A_3773 = vector.extract_strided_slice %and3A_3772 {offsets = [0], sizes = [1], strides = [1]} : vector<16xi32> to vector<1xi32>
      %squeeze3A_3774 = vector.extract %slice3A_3773[0] : i32 from vector<1xi32>
      %multiple_of3A_3775 = tpu.assume_multiple %squeeze3A_3774, 128 : i32
      %dma_start3A_3776 = arith.constant 0 : i32
      %dma_start3A_3777 = arith.constant 0 : i32
      %dma_start3A_3778 = tpu.memref_slice %arg8[%dma_start3A_3776, %dma_start3A_3777] : memref<256x128xf32, #tpu.memory_space<vmem>> -> memref<8x128xf32, #tpu.memory_space<vmem>>
      %dma_start3A_3779 = tpu.memref_slice %arg2[%multiple_of3A_3762, %multiple_of3A_3775] : memref<1024x100000xf32, #tpu.memory_space<hbm>> -> memref<8x128xf32, #tpu.memory_space<hbm>>
      %dma_start3A_3780 = arith.constant 0 : i32
      %dma_start3A_3781 = arith.constant 0 : i32
      %dma_start3A_3782 = tpu.memref_slice %arg8[%dma_start3A_3780, %dma_start3A_3781] : memref<256x128xf32, #tpu.memory_space<vmem>> -> memref<8x128xf32, #tpu.memory_space<vmem>>
      %dma_start3A_3783 = tpu.memref_slice %arg2[%multiple_of3A_3762, %multiple_of3A_3775] : memref<1024x100000xf32, #tpu.memory_space<hbm>> -> memref<8x128xf32, #tpu.memory_space<hbm>>
      tpu.enqueue_dma source(%dma_start3A_3783 : memref<8x128xf32, #tpu.memory_space<hbm>>) target(%dma_start3A_3782 : memref<8x128xf32, #tpu.memory_space<vmem>>) target_semaphore(%arg10 : memref<!tpu.dma_semaphore, #tpu.memory_space<semaphore_mem>>)
      %slice3A_3784 = vector.extract_strided_slice %and3A_3772 {offsets = [1], sizes = [1], strides = [1]} : vector<16xi32> to vector<1xi32>
      %squeeze3A_3785 = vector.extract %slice3A_3784[0] : i32 from vector<1xi32>
      %multiple_of3A_3786 = tpu.assume_multiple %squeeze3A_3785, 128 : i32
      %dma_start3A_3787 = arith.constant 8 : i32
      %dma_start3A_3788 = arith.constant 0 : i32
      %dma_start3A_3789 = tpu.memref_slice %arg8[%dma_start3A_3787, %dma_start3A_3788] : memref<256x128xf32, #tpu.memory_space<vmem>> -> memref<8x128xf32, #tpu.memory_space<vmem>>
      %dma_start3A_3790 = tpu.memref_slice %arg2[%multiple_of3A_3762, %multiple_of3A_3786] : memref<1024x100000xf32, #tpu.memory_space<hbm>> -> memref<8x128xf32, #tpu.memory_space<hbm>>
      %dma_start3A_3791 = arith.constant 8 : i32
      %dma_start3A_3792 = arith.constant 0 : i32
      %dma_start3A_3793 = tpu.memref_slice %arg8[%dma_start3A_3791, %dma_start3A_3792] : memref<256x128xf32, #tpu.memory_space<vmem>> -> memref<8x128xf32, #tpu.memory_space<vmem>>
      %dma_start3A_3794 = tpu.memref_slice %arg2[%multiple_of3A_3762, %multiple_of3A_3786] : memref<1024x100000xf32, #tpu.memory_space<hbm>> -> memref<8x128xf32, #tpu.memory_space<hbm>>
      tpu.enqueue_dma source(%dma_start3A_3794 : memref<8x128xf32, #tpu.memory_space<hbm>>) target(%dma_start3A_3793 : memref<8x128xf32, #tpu.memory_space<vmem>>) target_semaphore(%arg10 : memref<!tpu.dma_semaphore, #tpu.memory_space<semaphore_mem>>)
      %slice3A_3795 = vector.extract_strided_slice %and3A_3772 {offsets = [2], sizes = [1], strides = [1]} : vector<16xi32> to vector<1xi32>
      %squeeze3A_3796 = vector.extract %slice3A_3795[0] : i32 from vector<1xi32>
      %multiple_of3A_3797 = tpu.assume_multiple %squeeze3A_3796, 128 : i32
      %dma_start3A_3798 = arith.constant 16 : i32
      %dma_start3A_3799 = arith.constant 0 : i32
      %dma_start3A_3800 = tpu.memref_slice %arg8[%dma_start3A_3798, %dma_start3A_3799] : memref<256x128xf32, #tpu.memory_space<vmem>> -> memref<8x128xf32, #tpu.memory_space<vmem>>
      %dma_start3A_3801 = tpu.memref_slice %arg2[%multiple_of3A_3762, %multiple_of3A_3797] : memref<1024x100000xf32, #tpu.memory_space<hbm>> -> memref<8x128xf32, #tpu.memory_space<hbm>>
      %dma_start3A_3802 = arith.constant 16 : i32
      %dma_start3A_3803 = arith.constant 0 : i32
      %dma_start3A_3804 = tpu.memref_slice %arg8[%dma_start3A_3802, %dma_start3A_3803] : memref<256x128xf32, #tpu.memory_space<vmem>> -> memref<8x128xf32, #tpu.memory_space<vmem>>
      %dma_start3A_3805 = tpu.memref_slice %arg2[%multiple_of3A_3762, %multiple_of3A_3797] : memref<1024x100000xf32, #tpu.memory_space<hbm>> -> memref<8x128xf32, #tpu.memory_space<hbm>>
      tpu.enqueue_dma source(%dma_start3A_3805 : memref<8x128xf32, #tpu.memory_space<hbm>>) target(%dma_start3A_3804 : memref<8x128xf32, #tpu.memory_space<vmem>>) target_semaphore(%arg10 : memref<!tpu.dma_semaphore, #tpu.memory_space<semaphore_mem>>)
      %slice3A_3806 = vector.extract_strided_slice %and3A_3772 {offsets = [3], sizes = [1], strides = [1]} : vector<16xi32> to vector<1xi32>
      %squeeze3A_3807 = vector.extract %slice3A_3806[0] : i32 from vector<1xi32>
      %multiple_of3A_3808 = tpu.assume_multiple %squeeze3A_3807, 128 : i32
      %dma_start3A_3809 = arith.constant 24 : i32
      %dma_start3A_3810 = arith.constant 0 : i32
      %dma_start3A_3811 = tpu.memref_slice %arg8[%dma_start3A_3809, %dma_start3A_3810] : memref<256x128xf32, #tpu.memory_space<vmem>> -> memref<8x128xf32, #tpu.memory_space<vmem>>
      %dma_start3A_3812 = tpu.memref_slice %arg2[%multiple_of3A_3762, %multiple_of3A_3808] : memref<1024x100000xf32, #tpu.memory_space<hbm>> -> memref<8x128xf32, #tpu.memory_space<hbm>>
      %dma_start3A_3813 = arith.constant 24 : i32
      %dma_start3A_3814 = arith.constant 0 : i32
      %dma_start3A_3815 = tpu.memref_slice %arg8[%dma_start3A_3813, %dma_start3A_3814] : memref<256x128xf32, #tpu.memory_space<vmem>> -> memref<8x128xf32, #tpu.memory_space<vmem>>
      %dma_start3A_3816 = tpu.memref_slice %arg2[%multiple_of3A_3762, %multiple_of3A_3808] : memref<1024x100000xf32, #tpu.memory_space<hbm>> -> memref<8x128xf32, #tpu.memory_space<hbm>>
      tpu.enqueue_dma source(%dma_start3A_3816 : memref<8x128xf32, #tpu.memory_space<hbm>>) target(%dma_start3A_3815 : memref<8x128xf32, #tpu.memory_space<vmem>>) target_semaphore(%arg10 : memref<!tpu.dma_semaphore, #tpu.memory_space<semaphore_mem>>)
      %slice3A_3817 = vector.extract_strided_slice %and3A_3772 {offsets = [4], sizes = [1], strides = [1]} : vector<16xi32> to vector<1xi32>
      %squeeze3A_3818 = vector.extract %slice3A_3817[0] : i32 from vector<1xi32>
      %multiple_of3A_3819 = tpu.assume_multiple %squeeze3A_3818, 128 : i32
      %dma_start3A_3820 = arith.constant 32 : i32
      %dma_start3A_3821 = arith.constant 0 : i32
      %dma_start3A_3822 = tpu.memref_slice %arg8[%dma_start3A_3820, %dma_start3A_3821] : memref<256x128xf32, #tpu.memory_space<vmem>> -> memref<8x128xf32, #tpu.memory_space<vmem>>
      %dma_start3A_3823 = tpu.memref_slice %arg2[%multiple_of3A_3762, %multiple_of3A_3819] : memref<1024x100000xf32, #tpu.memory_space<hbm>> -> memref<8x128xf32, #tpu.memory_space<hbm>>
      %dma_start3A_3824 = arith.constant 32 : i32
      %dma_start3A_3825 = arith.constant 0 : i32
      %dma_start3A_3826 = tpu.memref_slice %arg8[%dma_start3A_3824, %dma_start3A_3825] : memref<256x128xf32, #tpu.memory_space<vmem>> -> memref<8x128xf32, #tpu.memory_space<vmem>>
      %dma_start3A_3827 = tpu.memref_slice %arg2[%multiple_of3A_3762, %multiple_of3A_3819] : memref<1024x100000xf32, #tpu.memory_space<hbm>> -> memref<8x128xf32, #tpu.memory_space<hbm>>
      tpu.enqueue_dma source(%dma_start3A_3827 : memref<8x128xf32, #tpu.memory_space<hbm>>) target(%dma_start3A_3826 : memref<8x128xf32, #tpu.memory_space<vmem>>) target_semaphore(%arg10 : memref<!tpu.dma_semaphore, #tpu.memory_space<semaphore_mem>>)
      %slice3A_3828 = vector.extract_strided_slice %and3A_3772 {offsets = [5], sizes = [1], strides = [1]} : vector<16xi32> to vector<1xi32>
      %squeeze3A_3829 = vector.extract %slice3A_3828[0] : i32 from vector<1xi32>
      %multiple_of3A_3830 = tpu.assume_multiple %squeeze3A_3829, 128 : i32
      %dma_start3A_3831 = arith.constant 40 : i32
      %dma_start3A_3832 = arith.constant 0 : i32
      %dma_start3A_3833 = tpu.memref_slice %arg8[%dma_start3A_3831, %dma_start3A_3832] : memref<256x128xf32, #tpu.memory_space<vmem>> -> memref<8x128xf32, #tpu.memory_space<vmem>>
      %dma_start3A_3834 = tpu.memref_slice %arg2[%multiple_of3A_3762, %multiple_of3A_3830] : memref<1024x100000xf32, #tpu.memory_space<hbm>> -> memref<8x128xf32, #tpu.memory_space<hbm>>
      %dma_start3A_3835 = arith.constant 40 : i32
      %dma_start3A_3836 = arith.constant 0 : i32
      %dma_start3A_3837 = tpu.memref_slice %arg8[%dma_start3A_3835, %dma_start3A_3836] : memref<256x128xf32, #tpu.memory_space<vmem>> -> memref<8x128xf32, #tpu.memory_space<vmem>>
      %dma_start3A_3838 = tpu.memref_slice %arg2[%multiple_of3A_3762, %multiple_of3A_3830] : memref<1024x100000xf32, #tpu.memory_space<hbm>> -> memref<8x128xf32, #tpu.memory_space<hbm>>
      tpu.enqueue_dma source(%dma_start3A_3838 : memref<8x128xf32, #tpu.memory_space<hbm>>) target(%dma_start3A_3837 : memref<8x128xf32, #tpu.memory_space<vmem>>) target_semaphore(%arg10 : memref<!tpu.dma_semaphore, #tpu.memory_space<semaphore_mem>>)
      %slice3A_3839 = vector.extract_strided_slice %and3A_3772 {offsets = [6], sizes = [1], strides = [1]} : vector<16xi32> to vector<1xi32>
      %squeeze3A_3840 = vector.extract %slice3A_3839[0] : i32 from vector<1xi32>
      %multiple_of3A_3841 = tpu.assume_multiple %squeeze3A_3840, 128 : i32
      %dma_start3A_3842 = arith.constant 48 : i32
      %dma_start3A_3843 = arith.constant 0 : i32
      %dma_start3A_3844 = tpu.memref_slice %arg8[%dma_start3A_3842, %dma_start3A_3843] : memref<256x128xf32, #tpu.memory_space<vmem>> -> memref<8x128xf32, #tpu.memory_space<vmem>>
      %dma_start3A_3845 = tpu.memref_slice %arg2[%multiple_of3A_3762, %multiple_of3A_3841] : memref<1024x100000xf32, #tpu.memory_space<hbm>> -> memref<8x128xf32, #tpu.memory_space<hbm>>
      %dma_start3A_3846 = arith.constant 48 : i32
      %dma_start3A_3847 = arith.constant 0 : i32
      %dma_start3A_3848 = tpu.memref_slice %arg8[%dma_start3A_3846, %dma_start3A_3847] : memref<256x128xf32, #tpu.memory_space<vmem>> -> memref<8x128xf32, #tpu.memory_space<vmem>>
      %dma_start3A_3849 = tpu.memref_slice %arg2[%multiple_of3A_3762, %multiple_of3A_3841] : memref<1024x100000xf32, #tpu.memory_space<hbm>> -> memref<8x128xf32, #tpu.memory_space<hbm>>
      tpu.enqueue_dma source(%dma_start3A_3849 : memref<8x128xf32, #tpu.memory_space<hbm>>) target(%dma_start3A_3848 : memref<8x128xf32, #tpu.memory_space<vmem>>) target_semaphore(%arg10 : memref<!tpu.dma_semaphore, #tpu.memory_space<semaphore_mem>>)
      %slice3A_3850 = vector.extract_strided_slice %and3A_3772 {offsets = [7], sizes = [1], strides = [1]} : vector<16xi32> to vector<1xi32>
      %squeeze3A_3851 = vector.extract %slice3A_3850[0] : i32 from vector<1xi32>
      %multiple_of3A_3852 = tpu.assume_multiple %squeeze3A_3851, 128 : i32
      %dma_start3A_3853 = arith.constant 56 : i32
      %dma_start3A_3854 = arith.constant 0 : i32
      %dma_start3A_3855 = tpu.memref_slice %arg8[%dma_start3A_3853, %dma_start3A_3854] : memref<256x128xf32, #tpu.memory_space<vmem>> -> memref<8x128xf32, #tpu.memory_space<vmem>>
      %dma_start3A_3856 = tpu.memref_slice %arg2[%multiple_of3A_3762, %multiple_of3A_3852] : memref<1024x100000xf32, #tpu.memory_space<hbm>> -> memref<8x128xf32, #tpu.memory_space<hbm>>
      %dma_start3A_3857 = arith.constant 56 : i32
      %dma_start3A_3858 = arith.constant 0 : i32
      %dma_start3A_3859 = tpu.memref_slice %arg8[%dma_start3A_3857, %dma_start3A_3858] : memref<256x128xf32, #tpu.memory_space<vmem>> -> memref<8x128xf32, #tpu.memory_space<vmem>>
      %dma_start3A_3860 = tpu.memref_slice %arg2[%multiple_of3A_3762, %multiple_of3A_3852] : memref<1024x100000xf32, #tpu.memory_space<hbm>> -> memref<8x128xf32, #tpu.memory_space<hbm>>
      tpu.enqueue_dma source(%dma_start3A_3860 : memref<8x128xf32, #tpu.memory_space<hbm>>) target(%dma_start3A_3859 : memref<8x128xf32, #tpu.memory_space<vmem>>) target_semaphore(%arg10 : memref<!tpu.dma_semaphore, #tpu.memory_space<semaphore_mem>>)
      %slice3A_3861 = vector.extract_strided_slice %and3A_3772 {offsets = [8], sizes = [1], strides = [1]} : vector<16xi32> to vector<1xi32>
      %squeeze3A_3862 = vector.extract %slice3A_3861[0] : i32 from vector<1xi32>
      %multiple_of3A_3863 = tpu.assume_multiple %squeeze3A_3862, 128 : i32
      %dma_start3A_3864 = arith.constant 64 : i32
      %dma_start3A_3865 = arith.constant 0 : i32
      %dma_start3A_3866 = tpu.memref_slice %arg8[%dma_start3A_3864, %dma_start3A_3865] : memref<256x128xf32, #tpu.memory_space<vmem>> -> memref<8x128xf32, #tpu.memory_space<vmem>>
      %dma_start3A_3867 = tpu.memref_slice %arg2[%multiple_of3A_3762, %multiple_of3A_3863] : memref<1024x100000xf32, #tpu.memory_space<hbm>> -> memref<8x128xf32, #tpu.memory_space<hbm>>
      %dma_start3A_3868 = arith.constant 64 : i32
      %dma_start3A_3869 = arith.constant 0 : i32
      %dma_start3A_3870 = tpu.memref_slice %arg8[%dma_start3A_3868, %dma_start3A_3869] : memref<256x128xf32, #tpu.memory_space<vmem>> -> memref<8x128xf32, #tpu.memory_space<vmem>>
      %dma_start3A_3871 = tpu.memref_slice %arg2[%multiple_of3A_3762, %multiple_of3A_3863] : memref<1024x100000xf32, #tpu.memory_space<hbm>> -> memref<8x128xf32, #tpu.memory_space<hbm>>
      tpu.enqueue_dma source(%dma_start3A_3871 : memref<8x128xf32, #tpu.memory_space<hbm>>) target(%dma_start3A_3870 : memref<8x128xf32, #tpu.memory_space<vmem>>) target_semaphore(%arg10 : memref<!tpu.dma_semaphore, #tpu.memory_space<semaphore_mem>>)
      %slice3A_3872 = vector.extract_strided_slice %and3A_3772 {offsets = [9], sizes = [1], strides = [1]} : vector<16xi32> to vector<1xi32>
      %squeeze3A_3873 = vector.extract %slice3A_3872[0] : i32 from vector<1xi32>
      %multiple_of3A_3874 = tpu.assume_multiple %squeeze3A_3873, 128 : i32
      %dma_start3A_3875 = arith.constant 72 : i32
      %dma_start3A_3876 = arith.constant 0 : i32
      %dma_start3A_3877 = tpu.memref_slice %arg8[%dma_start3A_3875, %dma_start3A_3876] : memref<256x128xf32, #tpu.memory_space<vmem>> -> memref<8x128xf32, #tpu.memory_space<vmem>>
      %dma_start3A_3878 = tpu.memref_slice %arg2[%multiple_of3A_3762, %multiple_of3A_3874] : memref<1024x100000xf32, #tpu.memory_space<hbm>> -> memref<8x128xf32, #tpu.memory_space<hbm>>
      %dma_start3A_3879 = arith.constant 72 : i32
      %dma_start3A_3880 = arith.constant 0 : i32
      %dma_start3A_3881 = tpu.memref_slice %arg8[%dma_start3A_3879, %dma_start3A_3880] : memref<256x128xf32, #tpu.memory_space<vmem>> -> memref<8x128xf32, #tpu.memory_space<vmem>>
      %dma_start3A_3882 = tpu.memref_slice %arg2[%multiple_of3A_3762, %multiple_of3A_3874] : memref<1024x100000xf32, #tpu.memory_space<hbm>> -> memref<8x128xf32, #tpu.memory_space<hbm>>
      tpu.enqueue_dma source(%dma_start3A_3882 : memref<8x128xf32, #tpu.memory_space<hbm>>) target(%dma_start3A_3881 : memref<8x128xf32, #tpu.memory_space<vmem>>) target_semaphore(%arg10 : memref<!tpu.dma_semaphore, #tpu.memory_space<semaphore_mem>>)
      %slice3A_3883 = vector.extract_strided_slice %and3A_3772 {offsets = [10], sizes = [1], strides = [1]} : vector<16xi32> to vector<1xi32>
      %squeeze3A_3884 = vector.extract %slice3A_3883[0] : i32 from vector<1xi32>
      %multiple_of3A_3885 = tpu.assume_multiple %squeeze3A_3884, 128 : i32
      %dma_start3A_3886 = arith.constant 80 : i32
      %dma_start3A_3887 = arith.constant 0 : i32
      %dma_start3A_3888 = tpu.memref_slice %arg8[%dma_start3A_3886, %dma_start3A_3887] : memref<256x128xf32, #tpu.memory_space<vmem>> -> memref<8x128xf32, #tpu.memory_space<vmem>>
      %dma_start3A_3889 = tpu.memref_slice %arg2[%multiple_of3A_3762, %multiple_of3A_3885] : memref<1024x100000xf32, #tpu.memory_space<hbm>> -> memref<8x128xf32, #tpu.memory_space<hbm>>
      %dma_start3A_3890 = arith.constant 80 : i32
      %dma_start3A_3891 = arith.constant 0 : i32
      %dma_start3A_3892 = tpu.memref_slice %arg8[%dma_start3A_3890, %dma_start3A_3891] : memref<256x128xf32, #tpu.memory_space<vmem>> -> memref<8x128xf32, #tpu.memory_space<vmem>>
      %dma_start3A_3893 = tpu.memref_slice %arg2[%multiple_of3A_3762, %multiple_of3A_3885] : memref<1024x100000xf32, #tpu.memory_space<hbm>> -> memref<8x128xf32, #tpu.memory_space<hbm>>
      tpu.enqueue_dma source(%dma_start3A_3893 : memref<8x128xf32, #tpu.memory_space<hbm>>) target(%dma_start3A_3892 : memref<8x128xf32, #tpu.memory_space<vmem>>) target_semaphore(%arg10 : memref<!tpu.dma_semaphore, #tpu.memory_space<semaphore_mem>>)
      %slice3A_3894 = vector.extract_strided_slice %and3A_3772 {offsets = [11], sizes = [1], strides = [1]} : vector<16xi32> to vector<1xi32>
      %squeeze3A_3895 = vector.extract %slice3A_3894[0] : i32 from vector<1xi32>
      %multiple_of3A_3896 = tpu.assume_multiple %squeeze3A_3895, 128 : i32
      %dma_start3A_3897 = arith.constant 88 : i32
      %dma_start3A_3898 = arith.constant 0 : i32
      %dma_start3A_3899 = tpu.memref_slice %arg8[%dma_start3A_3897, %dma_start3A_3898] : memref<256x128xf32, #tpu.memory_space<vmem>> -> memref<8x128xf32, #tpu.memory_space<vmem>>
      %dma_start3A_3900 = tpu.memref_slice %arg2[%multiple_of3A_3762, %multiple_of3A_3896] : memref<1024x100000xf32, #tpu.memory_space<hbm>> -> memref<8x128xf32, #tpu.memory_space<hbm>>
      %dma_start3A_3901 = arith.constant 88 : i32
      %dma_start3A_3902 = arith.constant 0 : i32
      %dma_start3A_3903 = tpu.memref_slice %arg8[%dma_start3A_3901, %dma_start3A_3902] : memref<256x128xf32, #tpu.memory_space<vmem>> -> memref<8x128xf32, #tpu.memory_space<vmem>>
      %dma_start3A_3904 = tpu.memref_slice %arg2[%multiple_of3A_3762, %multiple_of3A_3896] : memref<1024x100000xf32, #tpu.memory_space<hbm>> -> memref<8x128xf32, #tpu.memory_space<hbm>>
      tpu.enqueue_dma source(%dma_start3A_3904 : memref<8x128xf32, #tpu.memory_space<hbm>>) target(%dma_start3A_3903 : memref<8x128xf32, #tpu.memory_space<vmem>>) target_semaphore(%arg10 : memref<!tpu.dma_semaphore, #tpu.memory_space<semaphore_mem>>)
      %slice3A_3905 = vector.extract_strided_slice %and3A_3772 {offsets = [12], sizes = [1], strides = [1]} : vector<16xi32> to vector<1xi32>
      %squeeze3A_3906 = vector.extract %slice3A_3905[0] : i32 from vector<1xi32>
      %multiple_of3A_3907 = tpu.assume_multiple %squeeze3A_3906, 128 : i32
      %dma_start3A_3908 = arith.constant 96 : i32
      %dma_start3A_3909 = arith.constant 0 : i32
      %dma_start3A_3910 = tpu.memref_slice %arg8[%dma_start3A_3908, %dma_start3A_3909] : memref<256x128xf32, #tpu.memory_space<vmem>> -> memref<8x128xf32, #tpu.memory_space<vmem>>
      %dma_start3A_3911 = tpu.memref_slice %arg2[%multiple_of3A_3762, %multiple_of3A_3907] : memref<1024x100000xf32, #tpu.memory_space<hbm>> -> memref<8x128xf32, #tpu.memory_space<hbm>>
      %dma_start3A_3912 = arith.constant 96 : i32
      %dma_start3A_3913 = arith.constant 0 : i32
      %dma_start3A_3914 = tpu.memref_slice %arg8[%dma_start3A_3912, %dma_start3A_3913] : memref<256x128xf32, #tpu.memory_space<vmem>> -> memref<8x128xf32, #tpu.memory_space<vmem>>
      %dma_start3A_3915 = tpu.memref_slice %arg2[%multiple_of3A_3762, %multiple_of3A_3907] : memref<1024x100000xf32, #tpu.memory_space<hbm>> -> memref<8x128xf32, #tpu.memory_space<hbm>>
      tpu.enqueue_dma source(%dma_start3A_3915 : memref<8x128xf32, #tpu.memory_space<hbm>>) target(%dma_start3A_3914 : memref<8x128xf32, #tpu.memory_space<vmem>>) target_semaphore(%arg10 : memref<!tpu.dma_semaphore, #tpu.memory_space<semaphore_mem>>)
      %slice3A_3916 = vector.extract_strided_slice %and3A_3772 {offsets = [13], sizes = [1], strides = [1]} : vector<16xi32> to vector<1xi32>
      %squeeze3A_3917 = vector.extract %slice3A_3916[0] : i32 from vector<1xi32>
      %multiple_of3A_3918 = tpu.assume_multiple %squeeze3A_3917, 128 : i32
      %dma_start3A_3919 = arith.constant 104 : i32
      %dma_start3A_3920 = arith.constant 0 : i32
      %dma_start3A_3921 = tpu.memref_slice %arg8[%dma_start3A_3919, %dma_start3A_3920] : memref<256x128xf32, #tpu.memory_space<vmem>> -> memref<8x128xf32, #tpu.memory_space<vmem>>
      %dma_start3A_3922 = tpu.memref_slice %arg2[%multiple_of3A_3762, %multiple_of3A_3918] : memref<1024x100000xf32, #tpu.memory_space<hbm>> -> memref<8x128xf32, #tpu.memory_space<hbm>>
      %dma_start3A_3923 = arith.constant 104 : i32
      %dma_start3A_3924 = arith.constant 0 : i32
      %dma_start3A_3925 = tpu.memref_slice %arg8[%dma_start3A_3923, %dma_start3A_3924] : memref<256x128xf32, #tpu.memory_space<vmem>> -> memref<8x128xf32, #tpu.memory_space<vmem>>
      %dma_start3A_3926 = tpu.memref_slice %arg2[%multiple_of3A_3762, %multiple_of3A_3918] : memref<1024x100000xf32, #tpu.memory_space<hbm>> -> memref<8x128xf32, #tpu.memory_space<hbm>>
      tpu.enqueue_dma source(%dma_start3A_3926 : memref<8x128xf32, #tpu.memory_space<hbm>>) target(%dma_start3A_3925 : memref<8x128xf32, #tpu.memory_space<vmem>>) target_semaphore(%arg10 : memref<!tpu.dma_semaphore, #tpu.memory_space<semaphore_mem>>)
      %slice3A_3927 = vector.extract_strided_slice %and3A_3772 {offsets = [14], sizes = [1], strides = [1]} : vector<16xi32> to vector<1xi32>
      %squeeze3A_3928 = vector.extract %slice3A_3927[0] : i32 from vector<1xi32>
      %multiple_of3A_3929 = tpu.assume_multiple %squeeze3A_3928, 128 : i32
      %dma_start3A_3930 = arith.constant 112 : i32
      %dma_start3A_3931 = arith.constant 0 : i32
      %dma_start3A_3932 = tpu.memref_slice %arg8[%dma_start3A_3930, %dma_start3A_3931] : memref<256x128xf32, #tpu.memory_space<vmem>> -> memref<8x128xf32, #tpu.memory_space<vmem>>
      %dma_start3A_3933 = tpu.memref_slice %arg2[%multiple_of3A_3762, %multiple_of3A_3929] : memref<1024x100000xf32, #tpu.memory_space<hbm>> -> memref<8x128xf32, #tpu.memory_space<hbm>>
      %dma_start3A_3934 = arith.constant 112 : i32
      %dma_start3A_3935 = arith.constant 0 : i32
      %dma_start3A_3936 = tpu.memref_slice %arg8[%dma_start3A_3934, %dma_start3A_3935] : memref<256x128xf32, #tpu.memory_space<vmem>> -> memref<8x128xf32, #tpu.memory_space<vmem>>
      %dma_start3A_3937 = tpu.memref_slice %arg2[%multiple_of3A_3762, %multiple_of3A_3929] : memref<1024x100000xf32, #tpu.memory_space<hbm>> -> memref<8x128xf32, #tpu.memory_space<hbm>>
      tpu.enqueue_dma source(%dma_start3A_3937 : memref<8x128xf32, #tpu.memory_space<hbm>>) target(%dma_start3A_3936 : memref<8x128xf32, #tpu.memory_space<vmem>>) target_semaphore(%arg10 : memref<!tpu.dma_semaphore, #tpu.memory_space<semaphore_mem>>)
      %slice3A_3938 = vector.extract_strided_slice %and3A_3772 {offsets = [15], sizes = [1], strides = [1]} : vector<16xi32> to vector<1xi32>
      %squeeze3A_3939 = vector.extract %slice3A_3938[0] : i32 from vector<1xi32>
      %multiple_of3A_3940 = tpu.assume_multiple %squeeze3A_3939, 128 : i32
      %dma_start3A_3941 = arith.constant 120 : i32
      %dma_start3A_3942 = arith.constant 0 : i32
      %dma_start3A_3943 = tpu.memref_slice %arg8[%dma_start3A_3941, %dma_start3A_3942] : memref<256x128xf32, #tpu.memory_space<vmem>> -> memref<8x128xf32, #tpu.memory_space<vmem>>
      %dma_start3A_3944 = tpu.memref_slice %arg2[%multiple_of3A_3762, %multiple_of3A_3940] : memref<1024x100000xf32, #tpu.memory_space<hbm>> -> memref<8x128xf32, #tpu.memory_space<hbm>>
      %dma_start3A_3945 = arith.constant 120 : i32
      %dma_start3A_3946 = arith.constant 0 : i32
      %dma_start3A_3947 = tpu.memref_slice %arg8[%dma_start3A_3945, %dma_start3A_3946] : memref<256x128xf32, #tpu.memory_space<vmem>> -> memref<8x128xf32, #tpu.memory_space<vmem>>
      %dma_start3A_3948 = tpu.memref_slice %arg2[%multiple_of3A_3762, %multiple_of3A_3940] : memref<1024x100000xf32, #tpu.memory_space<hbm>> -> memref<8x128xf32, #tpu.memory_space<hbm>>
      tpu.enqueue_dma source(%dma_start3A_3948 : memref<8x128xf32, #tpu.memory_space<hbm>>) target(%dma_start3A_3947 : memref<8x128xf32, #tpu.memory_space<vmem>>) target_semaphore(%arg10 : memref<!tpu.dma_semaphore, #tpu.memory_space<semaphore_mem>>)
      %mul3A_3949 = arith.constant 32 : i32
      %mul3A_3950 = arith.muli %add3A_3756, %mul3A_3949 : i32
      %add3A_3951 = arith.constant 16 : i32
      %add3A_3952 = arith.addi %mul3A_3950, %add3A_3951 : i32
      %get3A_3953 = arith.index_cast %add3A_3952 : i32 to index
      %get3A_3954 = tpu.vector_load %arg5[%get3A_3953] {strides = array<i32>} : memref<2048xi32, #tpu.memory_space<vmem>>, vector<16xi32>,
      %get3A_3955 = vector.shape_cast %get3A_3954 : vector<16xi32> to vector<16xi32>
      %and3A_3956 = arith.constant -128 : i32
      %and3A_3957 = vector.broadcast %and3A_3956 : i32 to vector<16xi32>
      %and3A_3958 = arith.andi %get3A_3955, %and3A_3957 : vector<16xi32>
      %slice3A_3959 = vector.extract_strided_slice %and3A_3958 {offsets = [0], sizes = [1], strides = [1]} : vector<16xi32> to vector<1xi32>
      %squeeze3A_3960 = vector.extract %slice3A_3959[0] : i32 from vector<1xi32>
      %multiple_of3A_3961 = tpu.assume_multiple %squeeze3A_3960, 128 : i32
      %dma_start3A_3962 = arith.constant 128 : i32
      %dma_start3A_3963 = arith.constant 0 : i32
      %dma_start3A_3964 = tpu.memref_slice %arg8[%dma_start3A_3962, %dma_start3A_3963] : memref<256x128xf32, #tpu.memory_space<vmem>> -> memref<8x128xf32, #tpu.memory_space<vmem>>
      %dma_start3A_3965 = tpu.memref_slice %arg2[%multiple_of3A_3762, %multiple_of3A_3961] : memref<1024x100000xf32, #tpu.memory_space<hbm>> -> memref<8x128xf32, #tpu.memory_space<hbm>>
      %dma_start3A_3966 = arith.constant 128 : i32
      %dma_start3A_3967 = arith.constant 0 : i32
      %dma_start3A_3968 = tpu.memref_slice %arg8[%dma_start3A_3966, %dma_start3A_3967] : memref<256x128xf32, #tpu.memory_space<vmem>> -> memref<8x128xf32, #tpu.memory_space<vmem>>
      %dma_start3A_3969 = tpu.memref_slice %arg2[%multiple_of3A_3762, %multiple_of3A_3961] : memref<1024x100000xf32, #tpu.memory_space<hbm>> -> memref<8x128xf32, #tpu.memory_space<hbm>>
      tpu.enqueue_dma source(%dma_start3A_3969 : memref<8x128xf32, #tpu.memory_space<hbm>>) target(%dma_start3A_3968 : memref<8x128xf32, #tpu.memory_space<vmem>>) target_semaphore(%arg10 : memref<!tpu.dma_semaphore, #tpu.memory_space<semaphore_mem>>)
      %slice3A_3970 = vector.extract_strided_slice %and3A_3958 {offsets = [1], sizes = [1], strides = [1]} : vector<16xi32> to vector<1xi32>
      %squeeze3A_3971 = vector.extract %slice3A_3970[0] : i32 from vector<1xi32>
      %multiple_of3A_3972 = tpu.assume_multiple %squeeze3A_3971, 128 : i32
      %dma_start3A_3973 = arith.constant 136 : i32
      %dma_start3A_3974 = arith.constant 0 : i32
      %dma_start3A_3975 = tpu.memref_slice %arg8[%dma_start3A_3973, %dma_start3A_3974] : memref<256x128xf32, #tpu.memory_space<vmem>> -> memref<8x128xf32, #tpu.memory_space<vmem>>
      %dma_start3A_3976 = tpu.memref_slice %arg2[%multiple_of3A_3762, %multiple_of3A_3972] : memref<1024x100000xf32, #tpu.memory_space<hbm>> -> memref<8x128xf32, #tpu.memory_space<hbm>>
      %dma_start3A_3977 = arith.constant 136 : i32
      %dma_start3A_3978 = arith.constant 0 : i32
      %dma_start3A_3979 = tpu.memref_slice %arg8[%dma_start3A_3977, %dma_start3A_3978] : memref<256x128xf32, #tpu.memory_space<vmem>> -> memref<8x128xf32, #tpu.memory_space<vmem>>
      %dma_start3A_3980 = tpu.memref_slice %arg2[%multiple_of3A_3762, %multiple_of3A_3972] : memref<1024x100000xf32, #tpu.memory_space<hbm>> -> memref<8x128xf32, #tpu.memory_space<hbm>>
      tpu.enqueue_dma source(%dma_start3A_3980 : memref<8x128xf32, #tpu.memory_space<hbm>>) target(%dma_start3A_3979 : memref<8x128xf32, #tpu.memory_space<vmem>>) target_semaphore(%arg10 : memref<!tpu.dma_semaphore, #tpu.memory_space<semaphore_mem>>)
      %slice3A_3981 = vector.extract_strided_slice %and3A_3958 {offsets = [2], sizes = [1], strides = [1]} : vector<16xi32> to vector<1xi32>
      %squeeze3A_3982 = vector.extract %slice3A_3981[0] : i32 from vector<1xi32>
      %multiple_of3A_3983 = tpu.assume_multiple %squeeze3A_3982, 128 : i32
      %dma_start3A_3984 = arith.constant 144 : i32
      %dma_start3A_3985 = arith.constant 0 : i32
      %dma_start3A_3986 = tpu.memref_slice %arg8[%dma_start3A_3984, %dma_start3A_3985] : memref<256x128xf32, #tpu.memory_space<vmem>> -> memref<8x128xf32, #tpu.memory_space<vmem>>
      %dma_start3A_3987 = tpu.memref_slice %arg2[%multiple_of3A_3762, %multiple_of3A_3983] : memref<1024x100000xf32, #tpu.memory_space<hbm>> -> memref<8x128xf32, #tpu.memory_space<hbm>>
      %dma_start3A_3988 = arith.constant 144 : i32
      %dma_start3A_3989 = arith.constant 0 : i32
      %dma_start3A_3990 = tpu.memref_slice %arg8[%dma_start3A_3988, %dma_start3A_3989] : memref<256x128xf32, #tpu.memory_space<vmem>> -> memref<8x128xf32, #tpu.memory_space<vmem>>
      %dma_start3A_3991 = tpu.memref_slice %arg2[%multiple_of3A_3762, %multiple_of3A_3983] : memref<1024x100000xf32, #tpu.memory_space<hbm>> -> memref<8x128xf32, #tpu.memory_space<hbm>>
      tpu.enqueue_dma source(%dma_start3A_3991 : memref<8x128xf32, #tpu.memory_space<hbm>>) target(%dma_start3A_3990 : memref<8x128xf32, #tpu.memory_space<vmem>>) target_semaphore(%arg10 : memref<!tpu.dma_semaphore, #tpu.memory_space<semaphore_mem>>)
      %slice3A_3992 = vector.extract_strided_slice %and3A_3958 {offsets = [3], sizes = [1], strides = [1]} : vector<16xi32> to vector<1xi32>
      %squeeze3A_3993 = vector.extract %slice3A_3992[0] : i32 from vector<1xi32>
      %multiple_of3A_3994 = tpu.assume_multiple %squeeze3A_3993, 128 : i32
      %dma_start3A_3995 = arith.constant 152 : i32
      %dma_start3A_3996 = arith.constant 0 : i32
      %dma_start3A_3997 = tpu.memref_slice %arg8[%dma_start3A_3995, %dma_start3A_3996] : memref<256x128xf32, #tpu.memory_space<vmem>> -> memref<8x128xf32, #tpu.memory_space<vmem>>
      %dma_start3A_3998 = tpu.memref_slice %arg2[%multiple_of3A_3762, %multiple_of3A_3994] : memref<1024x100000xf32, #tpu.memory_space<hbm>> -> memref<8x128xf32, #tpu.memory_space<hbm>>
      %dma_start3A_3999 = arith.constant 152 : i32
      %dma_start3A_4000 = arith.constant 0 : i32
      %dma_start3A_4001 = tpu.memref_slice %arg8[%dma_start3A_3999, %dma_start3A_4000] : memref<256x128xf32, #tpu.memory_space<vmem>> -> memref<8x128xf32, #tpu.memory_space<vmem>>
      %dma_start3A_4002 = tpu.memref_slice %arg2[%multiple_of3A_3762, %multiple_of3A_3994] : memref<1024x100000xf32, #tpu.memory_space<hbm>> -> memref<8x128xf32, #tpu.memory_space<hbm>>
      tpu.enqueue_dma source(%dma_start3A_4002 : memref<8x128xf32, #tpu.memory_space<hbm>>) target(%dma_start3A_4001 : memref<8x128xf32, #tpu.memory_space<vmem>>) target_semaphore(%arg10 : memref<!tpu.dma_semaphore, #tpu.memory_space<semaphore_mem>>)
      %slice3A_4003 = vector.extract_strided_slice %and3A_3958 {offsets = [4], sizes = [1], strides = [1]} : vector<16xi32> to vector<1xi32>
      %squeeze3A_4004 = vector.extract %slice3A_4003[0] : i32 from vector<1xi32>
      %multiple_of3A_4005 = tpu.assume_multiple %squeeze3A_4004, 128 : i32
      %dma_start3A_4006 = arith.constant 160 : i32
      %dma_start3A_4007 = arith.constant 0 : i32
      %dma_start3A_4008 = tpu.memref_slice %arg8[%dma_start3A_4006, %dma_start3A_4007] : memref<256x128xf32, #tpu.memory_space<vmem>> -> memref<8x128xf32, #tpu.memory_space<vmem>>
      %dma_start3A_4009 = tpu.memref_slice %arg2[%multiple_of3A_3762, %multiple_of3A_4005] : memref<1024x100000xf32, #tpu.memory_space<hbm>> -> memref<8x128xf32, #tpu.memory_space<hbm>>
      %dma_start3A_4010 = arith.constant 160 : i32
      %dma_start3A_4011 = arith.constant 0 : i32
      %dma_start3A_4012 = tpu.memref_slice %arg8[%dma_start3A_4010, %dma_start3A_4011] : memref<256x128xf32, #tpu.memory_space<vmem>> -> memref<8x128xf32, #tpu.memory_space<vmem>>
      %dma_start3A_4013 = tpu.memref_slice %arg2[%multiple_of3A_3762, %multiple_of3A_4005] : memref<1024x100000xf32, #tpu.memory_space<hbm>> -> memref<8x128xf32, #tpu.memory_space<hbm>>
      tpu.enqueue_dma source(%dma_start3A_4013 : memref<8x128xf32, #tpu.memory_space<hbm>>) target(%dma_start3A_4012 : memref<8x128xf32, #tpu.memory_space<vmem>>) target_semaphore(%arg10 : memref<!tpu.dma_semaphore, #tpu.memory_space<semaphore_mem>>)
      %slice3A_4014 = vector.extract_strided_slice %and3A_3958 {offsets = [5], sizes = [1], strides = [1]} : vector<16xi32> to vector<1xi32>
      %squeeze3A_4015 = vector.extract %slice3A_4014[0] : i32 from vector<1xi32>
      %multiple_of3A_4016 = tpu.assume_multiple %squeeze3A_4015, 128 : i32
      %dma_start3A_4017 = arith.constant 168 : i32
      %dma_start3A_4018 = arith.constant 0 : i32
      %dma_start3A_4019 = tpu.memref_slice %arg8[%dma_start3A_4017, %dma_start3A_4018] : memref<256x128xf32, #tpu.memory_space<vmem>> -> memref<8x128xf32, #tpu.memory_space<vmem>>
      %dma_start3A_4020 = tpu.memref_slice %arg2[%multiple_of3A_3762, %multiple_of3A_4016] : memref<1024x100000xf32, #tpu.memory_space<hbm>> -> memref<8x128xf32, #tpu.memory_space<hbm>>
      %dma_start3A_4021 = arith.constant 168 : i32
      %dma_start3A_4022 = arith.constant 0 : i32
      %dma_start3A_4023 = tpu.memref_slice %arg8[%dma_start3A_4021, %dma_start3A_4022] : memref<256x128xf32, #tpu.memory_space<vmem>> -> memref<8x128xf32, #tpu.memory_space<vmem>>
      %dma_start3A_4024 = tpu.memref_slice %arg2[%multiple_of3A_3762, %multiple_of3A_4016] : memref<1024x100000xf32, #tpu.memory_space<hbm>> -> memref<8x128xf32, #tpu.memory_space<hbm>>
      tpu.enqueue_dma source(%dma_start3A_4024 : memref<8x128xf32, #tpu.memory_space<hbm>>) target(%dma_start3A_4023 : memref<8x128xf32, #tpu.memory_space<vmem>>) target_semaphore(%arg10 : memref<!tpu.dma_semaphore, #tpu.memory_space<semaphore_mem>>)
      %slice3A_4025 = vector.extract_strided_slice %and3A_3958 {offsets = [6], sizes = [1], strides = [1]} : vector<16xi32> to vector<1xi32>
      %squeeze3A_4026 = vector.extract %slice3A_4025[0] : i32 from vector<1xi32>
      %multiple_of3A_4027 = tpu.assume_multiple %squeeze3A_4026, 128 : i32
      %dma_start3A_4028 = arith.constant 176 : i32
      %dma_start3A_4029 = arith.constant 0 : i32
      %dma_start3A_4030 = tpu.memref_slice %arg8[%dma_start3A_4028, %dma_start3A_4029] : memref<256x128xf32, #tpu.memory_space<vmem>> -> memref<8x128xf32, #tpu.memory_space<vmem>>
      %dma_start3A_4031 = tpu.memref_slice %arg2[%multiple_of3A_3762, %multiple_of3A_4027] : memref<1024x100000xf32, #tpu.memory_space<hbm>> -> memref<8x128xf32, #tpu.memory_space<hbm>>
      %dma_start3A_4032 = arith.constant 176 : i32
      %dma_start3A_4033 = arith.constant 0 : i32
      %dma_start3A_4034 = tpu.memref_slice %arg8[%dma_start3A_4032, %dma_start3A_4033] : memref<256x128xf32, #tpu.memory_space<vmem>> -> memref<8x128xf32, #tpu.memory_space<vmem>>
      %dma_start3A_4035 = tpu.memref_slice %arg2[%multiple_of3A_3762, %multiple_of3A_4027] : memref<1024x100000xf32, #tpu.memory_space<hbm>> -> memref<8x128xf32, #tpu.memory_space<hbm>>
      tpu.enqueue_dma source(%dma_start3A_4035 : memref<8x128xf32, #tpu.memory_space<hbm>>) target(%dma_start3A_4034 : memref<8x128xf32, #tpu.memory_space<vmem>>) target_semaphore(%arg10 : memref<!tpu.dma_semaphore, #tpu.memory_space<semaphore_mem>>)
      %slice3A_4036 = vector.extract_strided_slice %and3A_3958 {offsets = [7], sizes = [1], strides = [1]} : vector<16xi32> to vector<1xi32>
      %squeeze3A_4037 = vector.extract %slice3A_4036[0] : i32 from vector<1xi32>
      %multiple_of3A_4038 = tpu.assume_multiple %squeeze3A_4037, 128 : i32
      %dma_start3A_4039 = arith.constant 184 : i32
      %dma_start3A_4040 = arith.constant 0 : i32
      %dma_start3A_4041 = tpu.memref_slice %arg8[%dma_start3A_4039, %dma_start3A_4040] : memref<256x128xf32, #tpu.memory_space<vmem>> -> memref<8x128xf32, #tpu.memory_space<vmem>>
      %dma_start3A_4042 = tpu.memref_slice %arg2[%multiple_of3A_3762, %multiple_of3A_4038] : memref<1024x100000xf32, #tpu.memory_space<hbm>> -> memref<8x128xf32, #tpu.memory_space<hbm>>
      %dma_start3A_4043 = arith.constant 184 : i32
      %dma_start3A_4044 = arith.constant 0 : i32
      %dma_start3A_4045 = tpu.memref_slice %arg8[%dma_start3A_4043, %dma_start3A_4044] : memref<256x128xf32, #tpu.memory_space<vmem>> -> memref<8x128xf32, #tpu.memory_space<vmem>>
      %dma_start3A_4046 = tpu.memref_slice %arg2[%multiple_of3A_3762, %multiple_of3A_4038] : memref<1024x100000xf32, #tpu.memory_space<hbm>> -> memref<8x128xf32, #tpu.memory_space<hbm>>
      tpu.enqueue_dma source(%dma_start3A_4046 : memref<8x128xf32, #tpu.memory_space<hbm>>) target(%dma_start3A_4045 : memref<8x128xf32, #tpu.memory_space<vmem>>) target_semaphore(%arg10 : memref<!tpu.dma_semaphore, #tpu.memory_space<semaphore_mem>>)
      %slice3A_4047 = vector.extract_strided_slice %and3A_3958 {offsets = [8], sizes = [1], strides = [1]} : vector<16xi32> to vector<1xi32>
      %squeeze3A_4048 = vector.extract %slice3A_4047[0] : i32 from vector<1xi32>
      %multiple_of3A_4049 = tpu.assume_multiple %squeeze3A_4048, 128 : i32
      %dma_start3A_4050 = arith.constant 192 : i32
      %dma_start3A_4051 = arith.constant 0 : i32
      %dma_start3A_4052 = tpu.memref_slice %arg8[%dma_start3A_4050, %dma_start3A_4051] : memref<256x128xf32, #tpu.memory_space<vmem>> -> memref<8x128xf32, #tpu.memory_space<vmem>>
      %dma_start3A_4053 = tpu.memref_slice %arg2[%multiple_of3A_3762, %multiple_of3A_4049] : memref<1024x100000xf32, #tpu.memory_space<hbm>> -> memref<8x128xf32, #tpu.memory_space<hbm>>
      %dma_start3A_4054 = arith.constant 192 : i32
      %dma_start3A_4055 = arith.constant 0 : i32
      %dma_start3A_4056 = tpu.memref_slice %arg8[%dma_start3A_4054, %dma_start3A_4055] : memref<256x128xf32, #tpu.memory_space<vmem>> -> memref<8x128xf32, #tpu.memory_space<vmem>>
      %dma_start3A_4057 = tpu.memref_slice %arg2[%multiple_of3A_3762, %multiple_of3A_4049] : memref<1024x100000xf32, #tpu.memory_space<hbm>> -> memref<8x128xf32, #tpu.memory_space<hbm>>
      tpu.enqueue_dma source(%dma_start3A_4057 : memref<8x128xf32, #tpu.memory_space<hbm>>) target(%dma_start3A_4056 : memref<8x128xf32, #tpu.memory_space<vmem>>) target_semaphore(%arg10 : memref<!tpu.dma_semaphore, #tpu.memory_space<semaphore_mem>>)
      %slice3A_4058 = vector.extract_strided_slice %and3A_3958 {offsets = [9], sizes = [1], strides = [1]} : vector<16xi32> to vector<1xi32>
      %squeeze3A_4059 = vector.extract %slice3A_4058[0] : i32 from vector<1xi32>
      %multiple_of3A_4060 = tpu.assume_multiple %squeeze3A_4059, 128 : i32
      %dma_start3A_4061 = arith.constant 200 : i32
      %dma_start3A_4062 = arith.constant 0 : i32
      %dma_start3A_4063 = tpu.memref_slice %arg8[%dma_start3A_4061, %dma_start3A_4062] : memref<256x128xf32, #tpu.memory_space<vmem>> -> memref<8x128xf32, #tpu.memory_space<vmem>>
      %dma_start3A_4064 = tpu.memref_slice %arg2[%multiple_of3A_3762, %multiple_of3A_4060] : memref<1024x100000xf32, #tpu.memory_space<hbm>> -> memref<8x128xf32, #tpu.memory_space<hbm>>
      %dma_start3A_4065 = arith.constant 200 : i32
      %dma_start3A_4066 = arith.constant 0 : i32
      %dma_start3A_4067 = tpu.memref_slice %arg8[%dma_start3A_4065, %dma_start3A_4066] : memref<256x128xf32, #tpu.memory_space<vmem>> -> memref<8x128xf32, #tpu.memory_space<vmem>>
      %dma_start3A_4068 = tpu.memref_slice %arg2[%multiple_of3A_3762, %multiple_of3A_4060] : memref<1024x100000xf32, #tpu.memory_space<hbm>> -> memref<8x128xf32, #tpu.memory_space<hbm>>
      tpu.enqueue_dma source(%dma_start3A_4068 : memref<8x128xf32, #tpu.memory_space<hbm>>) target(%dma_start3A_4067 : memref<8x128xf32, #tpu.memory_space<vmem>>) target_semaphore(%arg10 : memref<!tpu.dma_semaphore, #tpu.memory_space<semaphore_mem>>)
      %slice3A_4069 = vector.extract_strided_slice %and3A_3958 {offsets = [10], sizes = [1], strides = [1]} : vector<16xi32> to vector<1xi32>
      %squeeze3A_4070 = vector.extract %slice3A_4069[0] : i32 from vector<1xi32>
      %multiple_of3A_4071 = tpu.assume_multiple %squeeze3A_4070, 128 : i32
      %dma_start3A_4072 = arith.constant 208 : i32
      %dma_start3A_4073 = arith.constant 0 : i32
      %dma_start3A_4074 = tpu.memref_slice %arg8[%dma_start3A_4072, %dma_start3A_4073] : memref<256x128xf32, #tpu.memory_space<vmem>> -> memref<8x128xf32, #tpu.memory_space<vmem>>
      %dma_start3A_4075 = tpu.memref_slice %arg2[%multiple_of3A_3762, %multiple_of3A_4071] : memref<1024x100000xf32, #tpu.memory_space<hbm>> -> memref<8x128xf32, #tpu.memory_space<hbm>>
      %dma_start3A_4076 = arith.constant 208 : i32
      %dma_start3A_4077 = arith.constant 0 : i32
      %dma_start3A_4078 = tpu.memref_slice %arg8[%dma_start3A_4076, %dma_start3A_4077] : memref<256x128xf32, #tpu.memory_space<vmem>> -> memref<8x128xf32, #tpu.memory_space<vmem>>
      %dma_start3A_4079 = tpu.memref_slice %arg2[%multiple_of3A_3762, %multiple_of3A_4071] : memref<1024x100000xf32, #tpu.memory_space<hbm>> -> memref<8x128xf32, #tpu.memory_space<hbm>>
      tpu.enqueue_dma source(%dma_start3A_4079 : memref<8x128xf32, #tpu.memory_space<hbm>>) target(%dma_start3A_4078 : memref<8x128xf32, #tpu.memory_space<vmem>>) target_semaphore(%arg10 : memref<!tpu.dma_semaphore, #tpu.memory_space<semaphore_mem>>)
      %slice3A_4080 = vector.extract_strided_slice %and3A_3958 {offsets = [11], sizes = [1], strides = [1]} : vector<16xi32> to vector<1xi32>
      %squeeze3A_4081 = vector.extract %slice3A_4080[0] : i32 from vector<1xi32>
      %multiple_of3A_4082 = tpu.assume_multiple %squeeze3A_4081, 128 : i32
      %dma_start3A_4083 = arith.constant 216 : i32
      %dma_start3A_4084 = arith.constant 0 : i32
      %dma_start3A_4085 = tpu.memref_slice %arg8[%dma_start3A_4083, %dma_start3A_4084] : memref<256x128xf32, #tpu.memory_space<vmem>> -> memref<8x128xf32, #tpu.memory_space<vmem>>
      %dma_start3A_4086 = tpu.memref_slice %arg2[%multiple_of3A_3762, %multiple_of3A_4082] : memref<1024x100000xf32, #tpu.memory_space<hbm>> -> memref<8x128xf32, #tpu.memory_space<hbm>>
      %dma_start3A_4087 = arith.constant 216 : i32
      %dma_start3A_4088 = arith.constant 0 : i32
      %dma_start3A_4089 = tpu.memref_slice %arg8[%dma_start3A_4087, %dma_start3A_4088] : memref<256x128xf32, #tpu.memory_space<vmem>> -> memref<8x128xf32, #tpu.memory_space<vmem>>
      %dma_start3A_4090 = tpu.memref_slice %arg2[%multiple_of3A_3762, %multiple_of3A_4082] : memref<1024x100000xf32, #tpu.memory_space<hbm>> -> memref<8x128xf32, #tpu.memory_space<hbm>>
      tpu.enqueue_dma source(%dma_start3A_4090 : memref<8x128xf32, #tpu.memory_space<hbm>>) target(%dma_start3A_4089 : memref<8x128xf32, #tpu.memory_space<vmem>>) target_semaphore(%arg10 : memref<!tpu.dma_semaphore, #tpu.memory_space<semaphore_mem>>)
      %slice3A_4091 = vector.extract_strided_slice %and3A_3958 {offsets = [12], sizes = [1], strides = [1]} : vector<16xi32> to vector<1xi32>
      %squeeze3A_4092 = vector.extract %slice3A_4091[0] : i32 from vector<1xi32>
      %multiple_of3A_4093 = tpu.assume_multiple %squeeze3A_4092, 128 : i32
      %dma_start3A_4094 = arith.constant 224 : i32
      %dma_start3A_4095 = arith.constant 0 : i32
      %dma_start3A_4096 = tpu.memref_slice %arg8[%dma_start3A_4094, %dma_start3A_4095] : memref<256x128xf32, #tpu.memory_space<vmem>> -> memref<8x128xf32, #tpu.memory_space<vmem>>
      %dma_start3A_4097 = tpu.memref_slice %arg2[%multiple_of3A_3762, %multiple_of3A_4093] : memref<1024x100000xf32, #tpu.memory_space<hbm>> -> memref<8x128xf32, #tpu.memory_space<hbm>>
      %dma_start3A_4098 = arith.constant 224 : i32
      %dma_start3A_4099 = arith.constant 0 : i32
      %dma_start3A_4100 = tpu.memref_slice %arg8[%dma_start3A_4098, %dma_start3A_4099] : memref<256x128xf32, #tpu.memory_space<vmem>> -> memref<8x128xf32, #tpu.memory_space<vmem>>
      %dma_start3A_4101 = tpu.memref_slice %arg2[%multiple_of3A_3762, %multiple_of3A_4093] : memref<1024x100000xf32, #tpu.memory_space<hbm>> -> memref<8x128xf32, #tpu.memory_space<hbm>>
      tpu.enqueue_dma source(%dma_start3A_4101 : memref<8x128xf32, #tpu.memory_space<hbm>>) target(%dma_start3A_4100 : memref<8x128xf32, #tpu.memory_space<vmem>>) target_semaphore(%arg10 : memref<!tpu.dma_semaphore, #tpu.memory_space<semaphore_mem>>)
      %slice3A_4102 = vector.extract_strided_slice %and3A_3958 {offsets = [13], sizes = [1], strides = [1]} : vector<16xi32> to vector<1xi32>
      %squeeze3A_4103 = vector.extract %slice3A_4102[0] : i32 from vector<1xi32>
      %multiple_of3A_4104 = tpu.assume_multiple %squeeze3A_4103, 128 : i32
      %dma_start3A_4105 = arith.constant 232 : i32
      %dma_start3A_4106 = arith.constant 0 : i32
      %dma_start3A_4107 = tpu.memref_slice %arg8[%dma_start3A_4105, %dma_start3A_4106] : memref<256x128xf32, #tpu.memory_space<vmem>> -> memref<8x128xf32, #tpu.memory_space<vmem>>
      %dma_start3A_4108 = tpu.memref_slice %arg2[%multiple_of3A_3762, %multiple_of3A_4104] : memref<1024x100000xf32, #tpu.memory_space<hbm>> -> memref<8x128xf32, #tpu.memory_space<hbm>>
      %dma_start3A_4109 = arith.constant 232 : i32
      %dma_start3A_4110 = arith.constant 0 : i32
      %dma_start3A_4111 = tpu.memref_slice %arg8[%dma_start3A_4109, %dma_start3A_4110] : memref<256x128xf32, #tpu.memory_space<vmem>> -> memref<8x128xf32, #tpu.memory_space<vmem>>
      %dma_start3A_4112 = tpu.memref_slice %arg2[%multiple_of3A_3762, %multiple_of3A_4104] : memref<1024x100000xf32, #tpu.memory_space<hbm>> -> memref<8x128xf32, #tpu.memory_space<hbm>>
      tpu.enqueue_dma source(%dma_start3A_4112 : memref<8x128xf32, #tpu.memory_space<hbm>>) target(%dma_start3A_4111 : memref<8x128xf32, #tpu.memory_space<vmem>>) target_semaphore(%arg10 : memref<!tpu.dma_semaphore, #tpu.memory_space<semaphore_mem>>)
      %slice3A_4113 = vector.extract_strided_slice %and3A_3958 {offsets = [14], sizes = [1], strides = [1]} : vector<16xi32> to vector<1xi32>
      %squeeze3A_4114 = vector.extract %slice3A_4113[0] : i32 from vector<1xi32>
      %multiple_of3A_4115 = tpu.assume_multiple %squeeze3A_4114, 128 : i32
      %dma_start3A_4116 = arith.constant 240 : i32
      %dma_start3A_4117 = arith.constant 0 : i32
      %dma_start3A_4118 = tpu.memref_slice %arg8[%dma_start3A_4116, %dma_start3A_4117] : memref<256x128xf32, #tpu.memory_space<vmem>> -> memref<8x128xf32, #tpu.memory_space<vmem>>
      %dma_start3A_4119 = tpu.memref_slice %arg2[%multiple_of3A_3762, %multiple_of3A_4115] : memref<1024x100000xf32, #tpu.memory_space<hbm>> -> memref<8x128xf32, #tpu.memory_space<hbm>>
      %dma_start3A_4120 = arith.constant 240 : i32
      %dma_start3A_4121 = arith.constant 0 : i32
      %dma_start3A_4122 = tpu.memref_slice %arg8[%dma_start3A_4120, %dma_start3A_4121] : memref<256x128xf32, #tpu.memory_space<vmem>> -> memref<8x128xf32, #tpu.memory_space<vmem>>
      %dma_start3A_4123 = tpu.memref_slice %arg2[%multiple_of3A_3762, %multiple_of3A_4115] : memref<1024x100000xf32, #tpu.memory_space<hbm>> -> memref<8x128xf32, #tpu.memory_space<hbm>>
      tpu.enqueue_dma source(%dma_start3A_4123 : memref<8x128xf32, #tpu.memory_space<hbm>>) target(%dma_start3A_4122 : memref<8x128xf32, #tpu.memory_space<vmem>>) target_semaphore(%arg10 : memref<!tpu.dma_semaphore, #tpu.memory_space<semaphore_mem>>)
      %slice3A_4124 = vector.extract_strided_slice %and3A_3958 {offsets = [15], sizes = [1], strides = [1]} : vector<16xi32> to vector<1xi32>
      %squeeze3A_4125 = vector.extract %slice3A_4124[0] : i32 from vector<1xi32>
      %multiple_of3A_4126 = tpu.assume_multiple %squeeze3A_4125, 128 : i32
      %dma_start3A_4127 = arith.constant 248 : i32
      %dma_start3A_4128 = arith.constant 0 : i32
      %dma_start3A_4129 = tpu.memref_slice %arg8[%dma_start3A_4127, %dma_start3A_4128] : memref<256x128xf32, #tpu.memory_space<vmem>> -> memref<8x128xf32, #tpu.memory_space<vmem>>
      %dma_start3A_4130 = tpu.memref_slice %arg2[%multiple_of3A_3762, %multiple_of3A_4126] : memref<1024x100000xf32, #tpu.memory_space<hbm>> -> memref<8x128xf32, #tpu.memory_space<hbm>>
      %dma_start3A_4131 = arith.constant 248 : i32
      %dma_start3A_4132 = arith.constant 0 : i32
      %dma_start3A_4133 = tpu.memref_slice %arg8[%dma_start3A_4131, %dma_start3A_4132] : memref<256x128xf32, #tpu.memory_space<vmem>> -> memref<8x128xf32, #tpu.memory_space<vmem>>
      %dma_start3A_4134 = tpu.memref_slice %arg2[%multiple_of3A_3762, %multiple_of3A_4126] : memref<1024x100000xf32, #tpu.memory_space<hbm>> -> memref<8x128xf32, #tpu.memory_space<hbm>>
      tpu.enqueue_dma source(%dma_start3A_4134 : memref<8x128xf32, #tpu.memory_space<hbm>>) target(%dma_start3A_4133 : memref<8x128xf32, #tpu.memory_space<vmem>>) target_semaphore(%arg10 : memref<!tpu.dma_semaphore, #tpu.memory_space<semaphore_mem>>)
    }
    %scan3A_740 = arith.constant 31 : i32
    %dma_wait3A = arith.constant 0 : i32
    %dma_wait3A_741 = arith.constant 0 : i32
    %dma_wait3A_742 = tpu.memref_slice %arg2[%dma_wait3A, %dma_wait3A_741] : memref<1024x100000xf32, #tpu.memory_space<hbm>> -> memref<256x128xf32, #tpu.memory_space<hbm>>
    %dma_wait3A_743 = arith.constant 0 : i32
    %dma_wait3A_744 = arith.constant 0 : i32
    %dma_wait3A_745 = tpu.memref_slice %arg2[%dma_wait3A_743, %dma_wait3A_744] : memref<1024x100000xf32, #tpu.memory_space<hbm>> -> memref<256x128xf32, #tpu.memory_space<hbm>>
    tpu.wait_dma2 semaphore(%arg9 : memref<!tpu.dma_semaphore, #tpu.memory_space<semaphore_mem>>) src(%dma_wait3A_745 : memref<256x128xf32, #tpu.memory_space<hbm>>) dst(%arg7 : memref<256x128xf32, #tpu.memory_space<vmem>>)
    %get3A_746 = arith.constant 1984 : index
    %get3A_747 = tpu.vector_load %arg5[%get3A_746] {strides = array<i32>} : memref<2048xi32, #tpu.memory_space<vmem>>, vector<16xi32>,
    %get3A_748 = vector.shape_cast %get3A_747 : vector<16xi32> to vector<16xi32>
    %broadcast_in_dim3A = arith.constant 0.000000e+00 : f32
    %broadcast_in_dim3A_749 = vector.broadcast %broadcast_in_dim3A : f32 to vector<16xf32>
    %slice3A_750 = vector.extract_strided_slice %get3A_748 {offsets = [0], sizes = [1], strides = [1]} : vector<16xi32> to vector<1xi32>
    %squeeze3A_751 = vector.extract %slice3A_750[0] : i32 from vector<1xi32>
    %and3A_752 = arith.constant 112 : i32
    %and3A_753 = arith.andi %squeeze3A_751, %and3A_752 : i32
    %get3A_754 = arith.constant 7 : i32
    %get3A_755 = arith.index_cast %get3A_754 : i32 to index
    %get3A_756 = arith.index_cast %and3A_753 : i32 to index
    %get3A_757 = tpu.vector_load %arg7[%get3A_755, %get3A_756] {strides = array<i32>} : memref<256x128xf32, #tpu.memory_space<vmem>>, vector<1x16xf32>,
    %get3A_758 = vector.shape_cast %get3A_757 : vector<1x16xf32> to vector<16xf32>
    %and3A_759 = arith.constant 15 : i32
    %and3A_760 = arith.andi %squeeze3A_751, %and3A_759 : i32
    %broadcast_in_dim3A_761 = vector.broadcast %and3A_760 : i32 to vector<16xi32>
    %broadcast_in_dim3A_762 = vector.shape_cast %broadcast_in_dim3A_761 : vector<16xi32> to vector<16x1xi32>
    %gather3A = vector.shape_cast %broadcast_in_dim3A_762 : vector<16x1xi32> to vector<16xi32>
    %gather3A_763 = tpu.dynamic_gather %get3A_758[%gather3A] in [0] : vector<16xf32>, vector<16xi32> -> vector<16xf32>
    %eq3A = arith.constant 0 : i32
    %eq3A_764 = vector.broadcast %eq3A : i32 to vector<16xi32>
    %eq3A_765 = arith.cmpi eq, %iota3A, %eq3A_764 : vector<16xi32>
    %select_n3A = arith.select %eq3A_765, %gather3A_763, %broadcast_in_dim3A_749 : vector<16xi1>, vector<16xf32>
    %slice3A_766 = vector.extract_strided_slice %get3A_748 {offsets = [1], sizes = [1], strides = [1]} : vector<16xi32> to vector<1xi32>
    %squeeze3A_767 = vector.extract %slice3A_766[0] : i32 from vector<1xi32>
    %and3A_768 = arith.constant 112 : i32
    %and3A_769 = arith.andi %squeeze3A_767, %and3A_768 : i32
    %get3A_770 = arith.constant 15 : i32
    %get3A_771 = arith.index_cast %get3A_770 : i32 to index
    %get3A_772 = arith.index_cast %and3A_769 : i32 to index
    %get3A_773 = tpu.vector_load %arg7[%get3A_771, %get3A_772] {strides = array<i32>} : memref<256x128xf32, #tpu.memory_space<vmem>>, vector<1x16xf32>,
    %get3A_774 = vector.shape_cast %get3A_773 : vector<1x16xf32> to vector<16xf32>
    %and3A_775 = arith.constant 15 : i32
    %and3A_776 = arith.andi %squeeze3A_767, %and3A_775 : i32
    %broadcast_in_dim3A_777 = vector.broadcast %and3A_776 : i32 to vector<16xi32>
    %broadcast_in_dim3A_778 = vector.shape_cast %broadcast_in_dim3A_777 : vector<16xi32> to vector<16x1xi32>
    %gather3A_779 = vector.shape_cast %broadcast_in_dim3A_778 : vector<16x1xi32> to vector<16xi32>
    %gather3A_780 = tpu.dynamic_gather %get3A_774[%gather3A_779] in [0] : vector<16xf32>, vector<16xi32> -> vector<16xf32>
    %eq3A_781 = arith.constant 1 : i32
    %eq3A_782 = vector.broadcast %eq3A_781 : i32 to vector<16xi32>
    %eq3A_783 = arith.cmpi eq, %iota3A, %eq3A_782 : vector<16xi32>
    %select_n3A_784 = arith.select %eq3A_783, %gather3A_780, %select_n3A : vector<16xi1>, vector<16xf32>
    %slice3A_785 = vector.extract_strided_slice %get3A_748 {offsets = [2], sizes = [1], strides = [1]} : vector<16xi32> to vector<1xi32>
    %squeeze3A_786 = vector.extract %slice3A_785[0] : i32 from vector<1xi32>
    %and3A_787 = arith.constant 112 : i32
    %and3A_788 = arith.andi %squeeze3A_786, %and3A_787 : i32
    %get3A_789 = arith.constant 23 : i32
    %get3A_790 = arith.index_cast %get3A_789 : i32 to index
    %get3A_791 = arith.index_cast %and3A_788 : i32 to index
    %get3A_792 = tpu.vector_load %arg7[%get3A_790, %get3A_791] {strides = array<i32>} : memref<256x128xf32, #tpu.memory_space<vmem>>, vector<1x16xf32>,
    %get3A_793 = vector.shape_cast %get3A_792 : vector<1x16xf32> to vector<16xf32>
    %and3A_794 = arith.constant 15 : i32
    %and3A_795 = arith.andi %squeeze3A_786, %and3A_794 : i32
    %broadcast_in_dim3A_796 = vector.broadcast %and3A_795 : i32 to vector<16xi32>
    %broadcast_in_dim3A_797 = vector.shape_cast %broadcast_in_dim3A_796 : vector<16xi32> to vector<16x1xi32>
    %gather3A_798 = vector.shape_cast %broadcast_in_dim3A_797 : vector<16x1xi32> to vector<16xi32>
    %gather3A_799 = tpu.dynamic_gather %get3A_793[%gather3A_798] in [0] : vector<16xf32>, vector<16xi32> -> vector<16xf32>
    %eq3A_800 = arith.constant 2 : i32
    %eq3A_801 = vector.broadcast %eq3A_800 : i32 to vector<16xi32>
    %eq3A_802 = arith.cmpi eq, %iota3A, %eq3A_801 : vector<16xi32>
    %select_n3A_803 = arith.select %eq3A_802, %gather3A_799, %select_n3A_784 : vector<16xi1>, vector<16xf32>
    %slice3A_804 = vector.extract_strided_slice %get3A_748 {offsets = [3], sizes = [1], strides = [1]} : vector<16xi32> to vector<1xi32>
    %squeeze3A_805 = vector.extract %slice3A_804[0] : i32 from vector<1xi32>
    %and3A_806 = arith.constant 112 : i32
    %and3A_807 = arith.andi %squeeze3A_805, %and3A_806 : i32
    %get3A_808 = arith.constant 31 : i32
    %get3A_809 = arith.index_cast %get3A_808 : i32 to index
    %get3A_810 = arith.index_cast %and3A_807 : i32 to index
    %get3A_811 = tpu.vector_load %arg7[%get3A_809, %get3A_810] {strides = array<i32>} : memref<256x128xf32, #tpu.memory_space<vmem>>, vector<1x16xf32>,
    %get3A_812 = vector.shape_cast %get3A_811 : vector<1x16xf32> to vector<16xf32>
    %and3A_813 = arith.constant 15 : i32
    %and3A_814 = arith.andi %squeeze3A_805, %and3A_813 : i32
    %broadcast_in_dim3A_815 = vector.broadcast %and3A_814 : i32 to vector<16xi32>
    %broadcast_in_dim3A_816 = vector.shape_cast %broadcast_in_dim3A_815 : vector<16xi32> to vector<16x1xi32>
    %gather3A_817 = vector.shape_cast %broadcast_in_dim3A_816 : vector<16x1xi32> to vector<16xi32>
    %gather3A_818 = tpu.dynamic_gather %get3A_812[%gather3A_817] in [0] : vector<16xf32>, vector<16xi32> -> vector<16xf32>
    %eq3A_819 = arith.constant 3 : i32
    %eq3A_820 = vector.broadcast %eq3A_819 : i32 to vector<16xi32>
    %eq3A_821 = arith.cmpi eq, %iota3A, %eq3A_820 : vector<16xi32>
    %select_n3A_822 = arith.select %eq3A_821, %gather3A_818, %select_n3A_803 : vector<16xi1>, vector<16xf32>
    %slice3A_823 = vector.extract_strided_slice %get3A_748 {offsets = [4], sizes = [1], strides = [1]} : vector<16xi32> to vector<1xi32>
    %squeeze3A_824 = vector.extract %slice3A_823[0] : i32 from vector<1xi32>
    %and3A_825 = arith.constant 112 : i32
    %and3A_826 = arith.andi %squeeze3A_824, %and3A_825 : i32
    %get3A_827 = arith.constant 39 : i32
    %get3A_828 = arith.index_cast %get3A_827 : i32 to index
    %get3A_829 = arith.index_cast %and3A_826 : i32 to index
    %get3A_830 = tpu.vector_load %arg7[%get3A_828, %get3A_829] {strides = array<i32>} : memref<256x128xf32, #tpu.memory_space<vmem>>, vector<1x16xf32>,
    %get3A_831 = vector.shape_cast %get3A_830 : vector<1x16xf32> to vector<16xf32>
    %and3A_832 = arith.constant 15 : i32
    %and3A_833 = arith.andi %squeeze3A_824, %and3A_832 : i32
    %broadcast_in_dim3A_834 = vector.broadcast %and3A_833 : i32 to vector<16xi32>
    %broadcast_in_dim3A_835 = vector.shape_cast %broadcast_in_dim3A_834 : vector<16xi32> to vector<16x1xi32>
    %gather3A_836 = vector.shape_cast %broadcast_in_dim3A_835 : vector<16x1xi32> to vector<16xi32>
    %gather3A_837 = tpu.dynamic_gather %get3A_831[%gather3A_836] in [0] : vector<16xf32>, vector<16xi32> -> vector<16xf32>
    %eq3A_838 = arith.constant 4 : i32
    %eq3A_839 = vector.broadcast %eq3A_838 : i32 to vector<16xi32>
    %eq3A_840 = arith.cmpi eq, %iota3A, %eq3A_839 : vector<16xi32>
    %select_n3A_841 = arith.select %eq3A_840, %gather3A_837, %select_n3A_822 : vector<16xi1>, vector<16xf32>
    %slice3A_842 = vector.extract_strided_slice %get3A_748 {offsets = [5], sizes = [1], strides = [1]} : vector<16xi32> to vector<1xi32>
    %squeeze3A_843 = vector.extract %slice3A_842[0] : i32 from vector<1xi32>
    %and3A_844 = arith.constant 112 : i32
    %and3A_845 = arith.andi %squeeze3A_843, %and3A_844 : i32
    %get3A_846 = arith.constant 47 : i32
    %get3A_847 = arith.index_cast %get3A_846 : i32 to index
    %get3A_848 = arith.index_cast %and3A_845 : i32 to index
    %get3A_849 = tpu.vector_load %arg7[%get3A_847, %get3A_848] {strides = array<i32>} : memref<256x128xf32, #tpu.memory_space<vmem>>, vector<1x16xf32>,
    %get3A_850 = vector.shape_cast %get3A_849 : vector<1x16xf32> to vector<16xf32>
    %and3A_851 = arith.constant 15 : i32
    %and3A_852 = arith.andi %squeeze3A_843, %and3A_851 : i32
    %broadcast_in_dim3A_853 = vector.broadcast %and3A_852 : i32 to vector<16xi32>
    %broadcast_in_dim3A_854 = vector.shape_cast %broadcast_in_dim3A_853 : vector<16xi32> to vector<16x1xi32>
    %gather3A_855 = vector.shape_cast %broadcast_in_dim3A_854 : vector<16x1xi32> to vector<16xi32>
    %gather3A_856 = tpu.dynamic_gather %get3A_850[%gather3A_855] in [0] : vector<16xf32>, vector<16xi32> -> vector<16xf32>
    %eq3A_857 = arith.constant 5 : i32
    %eq3A_858 = vector.broadcast %eq3A_857 : i32 to vector<16xi32>
    %eq3A_859 = arith.cmpi eq, %iota3A, %eq3A_858 : vector<16xi32>
    %select_n3A_860 = arith.select %eq3A_859, %gather3A_856, %select_n3A_841 : vector<16xi1>, vector<16xf32>
    %slice3A_861 = vector.extract_strided_slice %get3A_748 {offsets = [6], sizes = [1], strides = [1]} : vector<16xi32> to vector<1xi32>
    %squeeze3A_862 = vector.extract %slice3A_861[0] : i32 from vector<1xi32>
    %and3A_863 = arith.constant 112 : i32
    %and3A_864 = arith.andi %squeeze3A_862, %and3A_863 : i32
    %get3A_865 = arith.constant 55 : i32
    %get3A_866 = arith.index_cast %get3A_865 : i32 to index
    %get3A_867 = arith.index_cast %and3A_864 : i32 to index
    %get3A_868 = tpu.vector_load %arg7[%get3A_866, %get3A_867] {strides = array<i32>} : memref<256x128xf32, #tpu.memory_space<vmem>>, vector<1x16xf32>,
    %get3A_869 = vector.shape_cast %get3A_868 : vector<1x16xf32> to vector<16xf32>
    %and3A_870 = arith.constant 15 : i32
    %and3A_871 = arith.andi %squeeze3A_862, %and3A_870 : i32
    %broadcast_in_dim3A_872 = vector.broadcast %and3A_871 : i32 to vector<16xi32>
    %broadcast_in_dim3A_873 = vector.shape_cast %broadcast_in_dim3A_872 : vector<16xi32> to vector<16x1xi32>
    %gather3A_874 = vector.shape_cast %broadcast_in_dim3A_873 : vector<16x1xi32> to vector<16xi32>
    %gather3A_875 = tpu.dynamic_gather %get3A_869[%gather3A_874] in [0] : vector<16xf32>, vector<16xi32> -> vector<16xf32>
    %eq3A_876 = arith.constant 6 : i32
    %eq3A_877 = vector.broadcast %eq3A_876 : i32 to vector<16xi32>
    %eq3A_878 = arith.cmpi eq, %iota3A, %eq3A_877 : vector<16xi32>
    %select_n3A_879 = arith.select %eq3A_878, %gather3A_875, %select_n3A_860 : vector<16xi1>, vector<16xf32>
    %slice3A_880 = vector.extract_strided_slice %get3A_748 {offsets = [7], sizes = [1], strides = [1]} : vector<16xi32> to vector<1xi32>
    %squeeze3A_881 = vector.extract %slice3A_880[0] : i32 from vector<1xi32>
    %and3A_882 = arith.constant 112 : i32
    %and3A_883 = arith.andi %squeeze3A_881, %and3A_882 : i32
    %get3A_884 = arith.constant 63 : i32
    %get3A_885 = arith.index_cast %get3A_884 : i32 to index
    %get3A_886 = arith.index_cast %and3A_883 : i32 to index
    %get3A_887 = tpu.vector_load %arg7[%get3A_885, %get3A_886] {strides = array<i32>} : memref<256x128xf32, #tpu.memory_space<vmem>>, vector<1x16xf32>,
    %get3A_888 = vector.shape_cast %get3A_887 : vector<1x16xf32> to vector<16xf32>
    %and3A_889 = arith.constant 15 : i32
    %and3A_890 = arith.andi %squeeze3A_881, %and3A_889 : i32
    %broadcast_in_dim3A_891 = vector.broadcast %and3A_890 : i32 to vector<16xi32>
    %broadcast_in_dim3A_892 = vector.shape_cast %broadcast_in_dim3A_891 : vector<16xi32> to vector<16x1xi32>
    %gather3A_893 = vector.shape_cast %broadcast_in_dim3A_892 : vector<16x1xi32> to vector<16xi32>
    %gather3A_894 = tpu.dynamic_gather %get3A_888[%gather3A_893] in [0] : vector<16xf32>, vector<16xi32> -> vector<16xf32>
    %eq3A_895 = arith.constant 7 : i32
    %eq3A_896 = vector.broadcast %eq3A_895 : i32 to vector<16xi32>
    %eq3A_897 = arith.cmpi eq, %iota3A, %eq3A_896 : vector<16xi32>
    %select_n3A_898 = arith.select %eq3A_897, %gather3A_894, %select_n3A_879 : vector<16xi1>, vector<16xf32>
    %slice3A_899 = vector.extract_strided_slice %get3A_748 {offsets = [8], sizes = [1], strides = [1]} : vector<16xi32> to vector<1xi32>
    %squeeze3A_900 = vector.extract %slice3A_899[0] : i32 from vector<1xi32>
    %and3A_901 = arith.constant 112 : i32
    %and3A_902 = arith.andi %squeeze3A_900, %and3A_901 : i32
    %get3A_903 = arith.constant 71 : i32
    %get3A_904 = arith.index_cast %get3A_903 : i32 to index
    %get3A_905 = arith.index_cast %and3A_902 : i32 to index
    %get3A_906 = tpu.vector_load %arg7[%get3A_904, %get3A_905] {strides = array<i32>} : memref<256x128xf32, #tpu.memory_space<vmem>>, vector<1x16xf32>,
    %get3A_907 = vector.shape_cast %get3A_906 : vector<1x16xf32> to vector<16xf32>
    %and3A_908 = arith.constant 15 : i32
    %and3A_909 = arith.andi %squeeze3A_900, %and3A_908 : i32
    %broadcast_in_dim3A_910 = vector.broadcast %and3A_909 : i32 to vector<16xi32>
    %broadcast_in_dim3A_911 = vector.shape_cast %broadcast_in_dim3A_910 : vector<16xi32> to vector<16x1xi32>
    %gather3A_912 = vector.shape_cast %broadcast_in_dim3A_911 : vector<16x1xi32> to vector<16xi32>
    %gather3A_913 = tpu.dynamic_gather %get3A_907[%gather3A_912] in [0] : vector<16xf32>, vector<16xi32> -> vector<16xf32>
    %eq3A_914 = arith.constant 8 : i32
    %eq3A_915 = vector.broadcast %eq3A_914 : i32 to vector<16xi32>
    %eq3A_916 = arith.cmpi eq, %iota3A, %eq3A_915 : vector<16xi32>
    %select_n3A_917 = arith.select %eq3A_916, %gather3A_913, %select_n3A_898 : vector<16xi1>, vector<16xf32>
    %slice3A_918 = vector.extract_strided_slice %get3A_748 {offsets = [9], sizes = [1], strides = [1]} : vector<16xi32> to vector<1xi32>
    %squeeze3A_919 = vector.extract %slice3A_918[0] : i32 from vector<1xi32>
    %and3A_920 = arith.constant 112 : i32
    %and3A_921 = arith.andi %squeeze3A_919, %and3A_920 : i32
    %get3A_922 = arith.constant 79 : i32
    %get3A_923 = arith.index_cast %get3A_922 : i32 to index
    %get3A_924 = arith.index_cast %and3A_921 : i32 to index
    %get3A_925 = tpu.vector_load %arg7[%get3A_923, %get3A_924] {strides = array<i32>} : memref<256x128xf32, #tpu.memory_space<vmem>>, vector<1x16xf32>,
    %get3A_926 = vector.shape_cast %get3A_925 : vector<1x16xf32> to vector<16xf32>
    %and3A_927 = arith.constant 15 : i32
    %and3A_928 = arith.andi %squeeze3A_919, %and3A_927 : i32
    %broadcast_in_dim3A_929 = vector.broadcast %and3A_928 : i32 to vector<16xi32>
    %broadcast_in_dim3A_930 = vector.shape_cast %broadcast_in_dim3A_929 : vector<16xi32> to vector<16x1xi32>
    %gather3A_931 = vector.shape_cast %broadcast_in_dim3A_930 : vector<16x1xi32> to vector<16xi32>
    %gather3A_932 = tpu.dynamic_gather %get3A_926[%gather3A_931] in [0] : vector<16xf32>, vector<16xi32> -> vector<16xf32>
    %eq3A_933 = arith.constant 9 : i32
    %eq3A_934 = vector.broadcast %eq3A_933 : i32 to vector<16xi32>
    %eq3A_935 = arith.cmpi eq, %iota3A, %eq3A_934 : vector<16xi32>
    %select_n3A_936 = arith.select %eq3A_935, %gather3A_932, %select_n3A_917 : vector<16xi1>, vector<16xf32>
    %slice3A_937 = vector.extract_strided_slice %get3A_748 {offsets = [10], sizes = [1], strides = [1]} : vector<16xi32> to vector<1xi32>
    %squeeze3A_938 = vector.extract %slice3A_937[0] : i32 from vector<1xi32>
    %and3A_939 = arith.constant 112 : i32
    %and3A_940 = arith.andi %squeeze3A_938, %and3A_939 : i32
    %get3A_941 = arith.constant 87 : i32
    %get3A_942 = arith.index_cast %get3A_941 : i32 to index
    %get3A_943 = arith.index_cast %and3A_940 : i32 to index
    %get3A_944 = tpu.vector_load %arg7[%get3A_942, %get3A_943] {strides = array<i32>} : memref<256x128xf32, #tpu.memory_space<vmem>>, vector<1x16xf32>,
    %get3A_945 = vector.shape_cast %get3A_944 : vector<1x16xf32> to vector<16xf32>
    %and3A_946 = arith.constant 15 : i32
    %and3A_947 = arith.andi %squeeze3A_938, %and3A_946 : i32
    %broadcast_in_dim3A_948 = vector.broadcast %and3A_947 : i32 to vector<16xi32>
    %broadcast_in_dim3A_949 = vector.shape_cast %broadcast_in_dim3A_948 : vector<16xi32> to vector<16x1xi32>
    %gather3A_950 = vector.shape_cast %broadcast_in_dim3A_949 : vector<16x1xi32> to vector<16xi32>
    %gather3A_951 = tpu.dynamic_gather %get3A_945[%gather3A_950] in [0] : vector<16xf32>, vector<16xi32> -> vector<16xf32>
    %eq3A_952 = arith.constant 10 : i32
    %eq3A_953 = vector.broadcast %eq3A_952 : i32 to vector<16xi32>
    %eq3A_954 = arith.cmpi eq, %iota3A, %eq3A_953 : vector<16xi32>
    %select_n3A_955 = arith.select %eq3A_954, %gather3A_951, %select_n3A_936 : vector<16xi1>, vector<16xf32>
    %slice3A_956 = vector.extract_strided_slice %get3A_748 {offsets = [11], sizes = [1], strides = [1]} : vector<16xi32> to vector<1xi32>
    %squeeze3A_957 = vector.extract %slice3A_956[0] : i32 from vector<1xi32>
    %and3A_958 = arith.constant 112 : i32
    %and3A_959 = arith.andi %squeeze3A_957, %and3A_958 : i32
    %get3A_960 = arith.constant 95 : i32
    %get3A_961 = arith.index_cast %get3A_960 : i32 to index
    %get3A_962 = arith.index_cast %and3A_959 : i32 to index
    %get3A_963 = tpu.vector_load %arg7[%get3A_961, %get3A_962] {strides = array<i32>} : memref<256x128xf32, #tpu.memory_space<vmem>>, vector<1x16xf32>,
    %get3A_964 = vector.shape_cast %get3A_963 : vector<1x16xf32> to vector<16xf32>
    %and3A_965 = arith.constant 15 : i32
    %and3A_966 = arith.andi %squeeze3A_957, %and3A_965 : i32
    %broadcast_in_dim3A_967 = vector.broadcast %and3A_966 : i32 to vector<16xi32>
    %broadcast_in_dim3A_968 = vector.shape_cast %broadcast_in_dim3A_967 : vector<16xi32> to vector<16x1xi32>
    %gather3A_969 = vector.shape_cast %broadcast_in_dim3A_968 : vector<16x1xi32> to vector<16xi32>
    %gather3A_970 = tpu.dynamic_gather %get3A_964[%gather3A_969] in [0] : vector<16xf32>, vector<16xi32> -> vector<16xf32>
    %eq3A_971 = arith.constant 11 : i32
    %eq3A_972 = vector.broadcast %eq3A_971 : i32 to vector<16xi32>
    %eq3A_973 = arith.cmpi eq, %iota3A, %eq3A_972 : vector<16xi32>
    %select_n3A_974 = arith.select %eq3A_973, %gather3A_970, %select_n3A_955 : vector<16xi1>, vector<16xf32>
    %slice3A_975 = vector.extract_strided_slice %get3A_748 {offsets = [12], sizes = [1], strides = [1]} : vector<16xi32> to vector<1xi32>
    %squeeze3A_976 = vector.extract %slice3A_975[0] : i32 from vector<1xi32>
    %and3A_977 = arith.constant 112 : i32
    %and3A_978 = arith.andi %squeeze3A_976, %and3A_977 : i32
    %get3A_979 = arith.constant 103 : i32
    %get3A_980 = arith.index_cast %get3A_979 : i32 to index
    %get3A_981 = arith.index_cast %and3A_978 : i32 to index
    %get3A_982 = tpu.vector_load %arg7[%get3A_980, %get3A_981] {strides = array<i32>} : memref<256x128xf32, #tpu.memory_space<vmem>>, vector<1x16xf32>,
    %get3A_983 = vector.shape_cast %get3A_982 : vector<1x16xf32> to vector<16xf32>
    %and3A_984 = arith.constant 15 : i32
    %and3A_985 = arith.andi %squeeze3A_976, %and3A_984 : i32
    %broadcast_in_dim3A_986 = vector.broadcast %and3A_985 : i32 to vector<16xi32>
    %broadcast_in_dim3A_987 = vector.shape_cast %broadcast_in_dim3A_986 : vector<16xi32> to vector<16x1xi32>
    %gather3A_988 = vector.shape_cast %broadcast_in_dim3A_987 : vector<16x1xi32> to vector<16xi32>
    %gather3A_989 = tpu.dynamic_gather %get3A_983[%gather3A_988] in [0] : vector<16xf32>, vector<16xi32> -> vector<16xf32>
    %eq3A_990 = arith.constant 12 : i32
    %eq3A_991 = vector.broadcast %eq3A_990 : i32 to vector<16xi32>
    %eq3A_992 = arith.cmpi eq, %iota3A, %eq3A_991 : vector<16xi32>
    %select_n3A_993 = arith.select %eq3A_992, %gather3A_989, %select_n3A_974 : vector<16xi1>, vector<16xf32>
    %slice3A_994 = vector.extract_strided_slice %get3A_748 {offsets = [13], sizes = [1], strides = [1]} : vector<16xi32> to vector<1xi32>
    %squeeze3A_995 = vector.extract %slice3A_994[0] : i32 from vector<1xi32>
    %and3A_996 = arith.constant 112 : i32
    %and3A_997 = arith.andi %squeeze3A_995, %and3A_996 : i32
    %get3A_998 = arith.constant 111 : i32
    %get3A_999 = arith.index_cast %get3A_998 : i32 to index
    %get3A_1000 = arith.index_cast %and3A_997 : i32 to index
    %get3A_1001 = tpu.vector_load %arg7[%get3A_999, %get3A_1000] {strides = array<i32>} : memref<256x128xf32, #tpu.memory_space<vmem>>, vector<1x16xf32>,
    %get3A_1002 = vector.shape_cast %get3A_1001 : vector<1x16xf32> to vector<16xf32>
    %and3A_1003 = arith.constant 15 : i32
    %and3A_1004 = arith.andi %squeeze3A_995, %and3A_1003 : i32
    %broadcast_in_dim3A_1005 = vector.broadcast %and3A_1004 : i32 to vector<16xi32>
    %broadcast_in_dim3A_1006 = vector.shape_cast %broadcast_in_dim3A_1005 : vector<16xi32> to vector<16x1xi32>
    %gather3A_1007 = vector.shape_cast %broadcast_in_dim3A_1006 : vector<16x1xi32> to vector<16xi32>
    %gather3A_1008 = tpu.dynamic_gather %get3A_1002[%gather3A_1007] in [0] : vector<16xf32>, vector<16xi32> -> vector<16xf32>
    %eq3A_1009 = arith.constant 13 : i32
    %eq3A_1010 = vector.broadcast %eq3A_1009 : i32 to vector<16xi32>
    %eq3A_1011 = arith.cmpi eq, %iota3A, %eq3A_1010 : vector<16xi32>
    %select_n3A_1012 = arith.select %eq3A_1011, %gather3A_1008, %select_n3A_993 : vector<16xi1>, vector<16xf32>
    %slice3A_1013 = vector.extract_strided_slice %get3A_748 {offsets = [14], sizes = [1], strides = [1]} : vector<16xi32> to vector<1xi32>
    %squeeze3A_1014 = vector.extract %slice3A_1013[0] : i32 from vector<1xi32>
    %and3A_1015 = arith.constant 112 : i32
    %and3A_1016 = arith.andi %squeeze3A_1014, %and3A_1015 : i32
    %get3A_1017 = arith.constant 119 : i32
    %get3A_1018 = arith.index_cast %get3A_1017 : i32 to index
    %get3A_1019 = arith.index_cast %and3A_1016 : i32 to index
    %get3A_1020 = tpu.vector_load %arg7[%get3A_1018, %get3A_1019] {strides = array<i32>} : memref<256x128xf32, #tpu.memory_space<vmem>>, vector<1x16xf32>,
    %get3A_1021 = vector.shape_cast %get3A_1020 : vector<1x16xf32> to vector<16xf32>
    %and3A_1022 = arith.constant 15 : i32
    %and3A_1023 = arith.andi %squeeze3A_1014, %and3A_1022 : i32
    %broadcast_in_dim3A_1024 = vector.broadcast %and3A_1023 : i32 to vector<16xi32>
    %broadcast_in_dim3A_1025 = vector.shape_cast %broadcast_in_dim3A_1024 : vector<16xi32> to vector<16x1xi32>
    %gather3A_1026 = vector.shape_cast %broadcast_in_dim3A_1025 : vector<16x1xi32> to vector<16xi32>
    %gather3A_1027 = tpu.dynamic_gather %get3A_1021[%gather3A_1026] in [0] : vector<16xf32>, vector<16xi32> -> vector<16xf32>
    %eq3A_1028 = arith.constant 14 : i32
    %eq3A_1029 = vector.broadcast %eq3A_1028 : i32 to vector<16xi32>
    %eq3A_1030 = arith.cmpi eq, %iota3A, %eq3A_1029 : vector<16xi32>
    %select_n3A_1031 = arith.select %eq3A_1030, %gather3A_1027, %select_n3A_1012 : vector<16xi1>, vector<16xf32>
    %slice3A_1032 = vector.extract_strided_slice %get3A_748 {offsets = [15], sizes = [1], strides = [1]} : vector<16xi32> to vector<1xi32>
    %squeeze3A_1033 = vector.extract %slice3A_1032[0] : i32 from vector<1xi32>
    %and3A_1034 = arith.constant 112 : i32
    %and3A_1035 = arith.andi %squeeze3A_1033, %and3A_1034 : i32
    %get3A_1036 = arith.constant 127 : i32
    %get3A_1037 = arith.index_cast %get3A_1036 : i32 to index
    %get3A_1038 = arith.index_cast %and3A_1035 : i32 to index
    %get3A_1039 = tpu.vector_load %arg7[%get3A_1037, %get3A_1038] {strides = array<i32>} : memref<256x128xf32, #tpu.memory_space<vmem>>, vector<1x16xf32>,
    %get3A_1040 = vector.shape_cast %get3A_1039 : vector<1x16xf32> to vector<16xf32>
    %and3A_1041 = arith.constant 15 : i32
    %and3A_1042 = arith.andi %squeeze3A_1033, %and3A_1041 : i32
    %broadcast_in_dim3A_1043 = vector.broadcast %and3A_1042 : i32 to vector<16xi32>
    %broadcast_in_dim3A_1044 = vector.shape_cast %broadcast_in_dim3A_1043 : vector<16xi32> to vector<16x1xi32>
    %gather3A_1045 = vector.shape_cast %broadcast_in_dim3A_1044 : vector<16x1xi32> to vector<16xi32>
    %gather3A_1046 = tpu.dynamic_gather %get3A_1040[%gather3A_1045] in [0] : vector<16xf32>, vector<16xi32> -> vector<16xf32>
    %eq3A_1047 = arith.constant 15 : i32
    %eq3A_1048 = vector.broadcast %eq3A_1047 : i32 to vector<16xi32>
    %eq3A_1049 = arith.cmpi eq, %iota3A, %eq3A_1048 : vector<16xi32>
    %select_n3A_1050 = arith.select %eq3A_1049, %gather3A_1046, %select_n3A_1031 : vector<16xi1>, vector<16xf32>
    %swap3A = arith.constant 1984 : index
    %swap3A_1051 = tpu.vector_load %arg6[%swap3A] {strides = array<i32>} : memref<2048xf32, #tpu.memory_space<vmem>>, vector<16xf32>,
    %swap3A_1052 = vector.shape_cast %swap3A_1051 : vector<16xf32> to vector<16xf32>
    %swap3A_1053 = vector.shape_cast %select_n3A_1050 : vector<16xf32> to vector<16xf32>
    tpu.vector_store %arg6[%swap3A], %swap3A_1053 {strides = array<i32>} : memref<2048xf32, #tpu.memory_space<vmem>>, vector<16xf32>,
    %get3A_1054 = arith.constant 2000 : index
    %get3A_1055 = tpu.vector_load %arg5[%get3A_1054] {strides = array<i32>} : memref<2048xi32, #tpu.memory_space<vmem>>, vector<16xi32>,
    %get3A_1056 = vector.shape_cast %get3A_1055 : vector<16xi32> to vector<16xi32>
    %broadcast_in_dim3A_1057 = arith.constant 0.000000e+00 : f32
    %broadcast_in_dim3A_1058 = vector.broadcast %broadcast_in_dim3A_1057 : f32 to vector<16xf32>
    %slice3A_1059 = vector.extract_strided_slice %get3A_1056 {offsets = [0], sizes = [1], strides = [1]} : vector<16xi32> to vector<1xi32>
    %squeeze3A_1060 = vector.extract %slice3A_1059[0] : i32 from vector<1xi32>
    %and3A_1061 = arith.constant 112 : i32
    %and3A_1062 = arith.andi %squeeze3A_1060, %and3A_1061 : i32
    %get3A_1063 = arith.constant 135 : i32
    %get3A_1064 = arith.index_cast %get3A_1063 : i32 to index
    %get3A_1065 = arith.index_cast %and3A_1062 : i32 to index
    %get3A_1066 = tpu.vector_load %arg7[%get3A_1064, %get3A_1065] {strides = array<i32>} : memref<256x128xf32, #tpu.memory_space<vmem>>, vector<1x16xf32>,
    %get3A_1067 = vector.shape_cast %get3A_1066 : vector<1x16xf32> to vector<16xf32>
    %and3A_1068 = arith.constant 15 : i32
    %and3A_1069 = arith.andi %squeeze3A_1060, %and3A_1068 : i32
    %broadcast_in_dim3A_1070 = vector.broadcast %and3A_1069 : i32 to vector<16xi32>
    %broadcast_in_dim3A_1071 = vector.shape_cast %broadcast_in_dim3A_1070 : vector<16xi32> to vector<16x1xi32>
    %gather3A_1072 = vector.shape_cast %broadcast_in_dim3A_1071 : vector<16x1xi32> to vector<16xi32>
    %gather3A_1073 = tpu.dynamic_gather %get3A_1067[%gather3A_1072] in [0] : vector<16xf32>, vector<16xi32> -> vector<16xf32>
    %eq3A_1074 = arith.constant 0 : i32
    %eq3A_1075 = vector.broadcast %eq3A_1074 : i32 to vector<16xi32>
    %eq3A_1076 = arith.cmpi eq, %iota3A, %eq3A_1075 : vector<16xi32>
    %select_n3A_1077 = arith.select %eq3A_1076, %gather3A_1073, %broadcast_in_dim3A_1058 : vector<16xi1>, vector<16xf32>
    %slice3A_1078 = vector.extract_strided_slice %get3A_1056 {offsets = [1], sizes = [1], strides = [1]} : vector<16xi32> to vector<1xi32>
    %squeeze3A_1079 = vector.extract %slice3A_1078[0] : i32 from vector<1xi32>
    %and3A_1080 = arith.constant 112 : i32
    %and3A_1081 = arith.andi %squeeze3A_1079, %and3A_1080 : i32
    %get3A_1082 = arith.constant 143 : i32
    %get3A_1083 = arith.index_cast %get3A_1082 : i32 to index
    %get3A_1084 = arith.index_cast %and3A_1081 : i32 to index
    %get3A_1085 = tpu.vector_load %arg7[%get3A_1083, %get3A_1084] {strides = array<i32>} : memref<256x128xf32, #tpu.memory_space<vmem>>, vector<1x16xf32>,
    %get3A_1086 = vector.shape_cast %get3A_1085 : vector<1x16xf32> to vector<16xf32>
    %and3A_1087 = arith.constant 15 : i32
    %and3A_1088 = arith.andi %squeeze3A_1079, %and3A_1087 : i32
    %broadcast_in_dim3A_1089 = vector.broadcast %and3A_1088 : i32 to vector<16xi32>
    %broadcast_in_dim3A_1090 = vector.shape_cast %broadcast_in_dim3A_1089 : vector<16xi32> to vector<16x1xi32>
    %gather3A_1091 = vector.shape_cast %broadcast_in_dim3A_1090 : vector<16x1xi32> to vector<16xi32>
    %gather3A_1092 = tpu.dynamic_gather %get3A_1086[%gather3A_1091] in [0] : vector<16xf32>, vector<16xi32> -> vector<16xf32>
    %eq3A_1093 = arith.constant 1 : i32
    %eq3A_1094 = vector.broadcast %eq3A_1093 : i32 to vector<16xi32>
    %eq3A_1095 = arith.cmpi eq, %iota3A, %eq3A_1094 : vector<16xi32>
    %select_n3A_1096 = arith.select %eq3A_1095, %gather3A_1092, %select_n3A_1077 : vector<16xi1>, vector<16xf32>
    %slice3A_1097 = vector.extract_strided_slice %get3A_1056 {offsets = [2], sizes = [1], strides = [1]} : vector<16xi32> to vector<1xi32>
    %squeeze3A_1098 = vector.extract %slice3A_1097[0] : i32 from vector<1xi32>
    %and3A_1099 = arith.constant 112 : i32
    %and3A_1100 = arith.andi %squeeze3A_1098, %and3A_1099 : i32
    %get3A_1101 = arith.constant 151 : i32
    %get3A_1102 = arith.index_cast %get3A_1101 : i32 to index
    %get3A_1103 = arith.index_cast %and3A_1100 : i32 to index
    %get3A_1104 = tpu.vector_load %arg7[%get3A_1102, %get3A_1103] {strides = array<i32>} : memref<256x128xf32, #tpu.memory_space<vmem>>, vector<1x16xf32>,
    %get3A_1105 = vector.shape_cast %get3A_1104 : vector<1x16xf32> to vector<16xf32>
    %and3A_1106 = arith.constant 15 : i32
    %and3A_1107 = arith.andi %squeeze3A_1098, %and3A_1106 : i32
    %broadcast_in_dim3A_1108 = vector.broadcast %and3A_1107 : i32 to vector<16xi32>
    %broadcast_in_dim3A_1109 = vector.shape_cast %broadcast_in_dim3A_1108 : vector<16xi32> to vector<16x1xi32>
    %gather3A_1110 = vector.shape_cast %broadcast_in_dim3A_1109 : vector<16x1xi32> to vector<16xi32>
    %gather3A_1111 = tpu.dynamic_gather %get3A_1105[%gather3A_1110] in [0] : vector<16xf32>, vector<16xi32> -> vector<16xf32>
    %eq3A_1112 = arith.constant 2 : i32
    %eq3A_1113 = vector.broadcast %eq3A_1112 : i32 to vector<16xi32>
    %eq3A_1114 = arith.cmpi eq, %iota3A, %eq3A_1113 : vector<16xi32>
    %select_n3A_1115 = arith.select %eq3A_1114, %gather3A_1111, %select_n3A_1096 : vector<16xi1>, vector<16xf32>
    %slice3A_1116 = vector.extract_strided_slice %get3A_1056 {offsets = [3], sizes = [1], strides = [1]} : vector<16xi32> to vector<1xi32>
    %squeeze3A_1117 = vector.extract %slice3A_1116[0] : i32 from vector<1xi32>
    %and3A_1118 = arith.constant 112 : i32
    %and3A_1119 = arith.andi %squeeze3A_1117, %and3A_1118 : i32
    %get3A_1120 = arith.constant 159 : i32
    %get3A_1121 = arith.index_cast %get3A_1120 : i32 to index
    %get3A_1122 = arith.index_cast %and3A_1119 : i32 to index
    %get3A_1123 = tpu.vector_load %arg7[%get3A_1121, %get3A_1122] {strides = array<i32>} : memref<256x128xf32, #tpu.memory_space<vmem>>, vector<1x16xf32>,
    %get3A_1124 = vector.shape_cast %get3A_1123 : vector<1x16xf32> to vector<16xf32>
    %and3A_1125 = arith.constant 15 : i32
    %and3A_1126 = arith.andi %squeeze3A_1117, %and3A_1125 : i32
    %broadcast_in_dim3A_1127 = vector.broadcast %and3A_1126 : i32 to vector<16xi32>
    %broadcast_in_dim3A_1128 = vector.shape_cast %broadcast_in_dim3A_1127 : vector<16xi32> to vector<16x1xi32>
    %gather3A_1129 = vector.shape_cast %broadcast_in_dim3A_1128 : vector<16x1xi32> to vector<16xi32>
    %gather3A_1130 = tpu.dynamic_gather %get3A_1124[%gather3A_1129] in [0] : vector<16xf32>, vector<16xi32> -> vector<16xf32>
    %eq3A_1131 = arith.constant 3 : i32
    %eq3A_1132 = vector.broadcast %eq3A_1131 : i32 to vector<16xi32>
    %eq3A_1133 = arith.cmpi eq, %iota3A, %eq3A_1132 : vector<16xi32>
    %select_n3A_1134 = arith.select %eq3A_1133, %gather3A_1130, %select_n3A_1115 : vector<16xi1>, vector<16xf32>
    %slice3A_1135 = vector.extract_strided_slice %get3A_1056 {offsets = [4], sizes = [1], strides = [1]} : vector<16xi32> to vector<1xi32>
    %squeeze3A_1136 = vector.extract %slice3A_1135[0] : i32 from vector<1xi32>
    %and3A_1137 = arith.constant 112 : i32
    %and3A_1138 = arith.andi %squeeze3A_1136, %and3A_1137 : i32
    %get3A_1139 = arith.constant 167 : i32
    %get3A_1140 = arith.index_cast %get3A_1139 : i32 to index
    %get3A_1141 = arith.index_cast %and3A_1138 : i32 to index
    %get3A_1142 = tpu.vector_load %arg7[%get3A_1140, %get3A_1141] {strides = array<i32>} : memref<256x128xf32, #tpu.memory_space<vmem>>, vector<1x16xf32>,
    %get3A_1143 = vector.shape_cast %get3A_1142 : vector<1x16xf32> to vector<16xf32>
    %and3A_1144 = arith.constant 15 : i32
    %and3A_1145 = arith.andi %squeeze3A_1136, %and3A_1144 : i32
    %broadcast_in_dim3A_1146 = vector.broadcast %and3A_1145 : i32 to vector<16xi32>
    %broadcast_in_dim3A_1147 = vector.shape_cast %broadcast_in_dim3A_1146 : vector<16xi32> to vector<16x1xi32>
    %gather3A_1148 = vector.shape_cast %broadcast_in_dim3A_1147 : vector<16x1xi32> to vector<16xi32>
    %gather3A_1149 = tpu.dynamic_gather %get3A_1143[%gather3A_1148] in [0] : vector<16xf32>, vector<16xi32> -> vector<16xf32>
    %eq3A_1150 = arith.constant 4 : i32
    %eq3A_1151 = vector.broadcast %eq3A_1150 : i32 to vector<16xi32>
    %eq3A_1152 = arith.cmpi eq, %iota3A, %eq3A_1151 : vector<16xi32>
    %select_n3A_1153 = arith.select %eq3A_1152, %gather3A_1149, %select_n3A_1134 : vector<16xi1>, vector<16xf32>
    %slice3A_1154 = vector.extract_strided_slice %get3A_1056 {offsets = [5], sizes = [1], strides = [1]} : vector<16xi32> to vector<1xi32>
    %squeeze3A_1155 = vector.extract %slice3A_1154[0] : i32 from vector<1xi32>
    %and3A_1156 = arith.constant 112 : i32
    %and3A_1157 = arith.andi %squeeze3A_1155, %and3A_1156 : i32
    %get3A_1158 = arith.constant 175 : i32
    %get3A_1159 = arith.index_cast %get3A_1158 : i32 to index
    %get3A_1160 = arith.index_cast %and3A_1157 : i32 to index
    %get3A_1161 = tpu.vector_load %arg7[%get3A_1159, %get3A_1160] {strides = array<i32>} : memref<256x128xf32, #tpu.memory_space<vmem>>, vector<1x16xf32>,
    %get3A_1162 = vector.shape_cast %get3A_1161 : vector<1x16xf32> to vector<16xf32>
    %and3A_1163 = arith.constant 15 : i32
    %and3A_1164 = arith.andi %squeeze3A_1155, %and3A_1163 : i32
    %broadcast_in_dim3A_1165 = vector.broadcast %and3A_1164 : i32 to vector<16xi32>
    %broadcast_in_dim3A_1166 = vector.shape_cast %broadcast_in_dim3A_1165 : vector<16xi32> to vector<16x1xi32>
    %gather3A_1167 = vector.shape_cast %broadcast_in_dim3A_1166 : vector<16x1xi32> to vector<16xi32>
    %gather3A_1168 = tpu.dynamic_gather %get3A_1162[%gather3A_1167] in [0] : vector<16xf32>, vector<16xi32> -> vector<16xf32>
    %eq3A_1169 = arith.constant 5 : i32
    %eq3A_1170 = vector.broadcast %eq3A_1169 : i32 to vector<16xi32>
    %eq3A_1171 = arith.cmpi eq, %iota3A, %eq3A_1170 : vector<16xi32>
    %select_n3A_1172 = arith.select %eq3A_1171, %gather3A_1168, %select_n3A_1153 : vector<16xi1>, vector<16xf32>
    %slice3A_1173 = vector.extract_strided_slice %get3A_1056 {offsets = [6], sizes = [1], strides = [1]} : vector<16xi32> to vector<1xi32>
    %squeeze3A_1174 = vector.extract %slice3A_1173[0] : i32 from vector<1xi32>
    %and3A_1175 = arith.constant 112 : i32
    %and3A_1176 = arith.andi %squeeze3A_1174, %and3A_1175 : i32
    %get3A_1177 = arith.constant 183 : i32
    %get3A_1178 = arith.index_cast %get3A_1177 : i32 to index
    %get3A_1179 = arith.index_cast %and3A_1176 : i32 to index
    %get3A_1180 = tpu.vector_load %arg7[%get3A_1178, %get3A_1179] {strides = array<i32>} : memref<256x128xf32, #tpu.memory_space<vmem>>, vector<1x16xf32>,
    %get3A_1181 = vector.shape_cast %get3A_1180 : vector<1x16xf32> to vector<16xf32>
    %and3A_1182 = arith.constant 15 : i32
    %and3A_1183 = arith.andi %squeeze3A_1174, %and3A_1182 : i32
    %broadcast_in_dim3A_1184 = vector.broadcast %and3A_1183 : i32 to vector<16xi32>
    %broadcast_in_dim3A_1185 = vector.shape_cast %broadcast_in_dim3A_1184 : vector<16xi32> to vector<16x1xi32>
    %gather3A_1186 = vector.shape_cast %broadcast_in_dim3A_1185 : vector<16x1xi32> to vector<16xi32>
    %gather3A_1187 = tpu.dynamic_gather %get3A_1181[%gather3A_1186] in [0] : vector<16xf32>, vector<16xi32> -> vector<16xf32>
    %eq3A_1188 = arith.constant 6 : i32
    %eq3A_1189 = vector.broadcast %eq3A_1188 : i32 to vector<16xi32>
    %eq3A_1190 = arith.cmpi eq, %iota3A, %eq3A_1189 : vector<16xi32>
    %select_n3A_1191 = arith.select %eq3A_1190, %gather3A_1187, %select_n3A_1172 : vector<16xi1>, vector<16xf32>
    %slice3A_1192 = vector.extract_strided_slice %get3A_1056 {offsets = [7], sizes = [1], strides = [1]} : vector<16xi32> to vector<1xi32>
    %squeeze3A_1193 = vector.extract %slice3A_1192[0] : i32 from vector<1xi32>
    %and3A_1194 = arith.constant 112 : i32
    %and3A_1195 = arith.andi %squeeze3A_1193, %and3A_1194 : i32
    %get3A_1196 = arith.constant 191 : i32
    %get3A_1197 = arith.index_cast %get3A_1196 : i32 to index
    %get3A_1198 = arith.index_cast %and3A_1195 : i32 to index
    %get3A_1199 = tpu.vector_load %arg7[%get3A_1197, %get3A_1198] {strides = array<i32>} : memref<256x128xf32, #tpu.memory_space<vmem>>, vector<1x16xf32>,
    %get3A_1200 = vector.shape_cast %get3A_1199 : vector<1x16xf32> to vector<16xf32>
    %and3A_1201 = arith.constant 15 : i32
    %and3A_1202 = arith.andi %squeeze3A_1193, %and3A_1201 : i32
    %broadcast_in_dim3A_1203 = vector.broadcast %and3A_1202 : i32 to vector<16xi32>
    %broadcast_in_dim3A_1204 = vector.shape_cast %broadcast_in_dim3A_1203 : vector<16xi32> to vector<16x1xi32>
    %gather3A_1205 = vector.shape_cast %broadcast_in_dim3A_1204 : vector<16x1xi32> to vector<16xi32>
    %gather3A_1206 = tpu.dynamic_gather %get3A_1200[%gather3A_1205] in [0] : vector<16xf32>, vector<16xi32> -> vector<16xf32>
    %eq3A_1207 = arith.constant 7 : i32
    %eq3A_1208 = vector.broadcast %eq3A_1207 : i32 to vector<16xi32>
    %eq3A_1209 = arith.cmpi eq, %iota3A, %eq3A_1208 : vector<16xi32>
    %select_n3A_1210 = arith.select %eq3A_1209, %gather3A_1206, %select_n3A_1191 : vector<16xi1>, vector<16xf32>
    %slice3A_1211 = vector.extract_strided_slice %get3A_1056 {offsets = [8], sizes = [1], strides = [1]} : vector<16xi32> to vector<1xi32>
    %squeeze3A_1212 = vector.extract %slice3A_1211[0] : i32 from vector<1xi32>
    %and3A_1213 = arith.constant 112 : i32
    %and3A_1214 = arith.andi %squeeze3A_1212, %and3A_1213 : i32
    %get3A_1215 = arith.constant 199 : i32
    %get3A_1216 = arith.index_cast %get3A_1215 : i32 to index
    %get3A_1217 = arith.index_cast %and3A_1214 : i32 to index
    %get3A_1218 = tpu.vector_load %arg7[%get3A_1216, %get3A_1217] {strides = array<i32>} : memref<256x128xf32, #tpu.memory_space<vmem>>, vector<1x16xf32>,
    %get3A_1219 = vector.shape_cast %get3A_1218 : vector<1x16xf32> to vector<16xf32>
    %and3A_1220 = arith.constant 15 : i32
    %and3A_1221 = arith.andi %squeeze3A_1212, %and3A_1220 : i32
    %broadcast_in_dim3A_1222 = vector.broadcast %and3A_1221 : i32 to vector<16xi32>
    %broadcast_in_dim3A_1223 = vector.shape_cast %broadcast_in_dim3A_1222 : vector<16xi32> to vector<16x1xi32>
    %gather3A_1224 = vector.shape_cast %broadcast_in_dim3A_1223 : vector<16x1xi32> to vector<16xi32>
    %gather3A_1225 = tpu.dynamic_gather %get3A_1219[%gather3A_1224] in [0] : vector<16xf32>, vector<16xi32> -> vector<16xf32>
    %eq3A_1226 = arith.constant 8 : i32
    %eq3A_1227 = vector.broadcast %eq3A_1226 : i32 to vector<16xi32>
    %eq3A_1228 = arith.cmpi eq, %iota3A, %eq3A_1227 : vector<16xi32>
    %select_n3A_1229 = arith.select %eq3A_1228, %gather3A_1225, %select_n3A_1210 : vector<16xi1>, vector<16xf32>
    %slice3A_1230 = vector.extract_strided_slice %get3A_1056 {offsets = [9], sizes = [1], strides = [1]} : vector<16xi32> to vector<1xi32>
    %squeeze3A_1231 = vector.extract %slice3A_1230[0] : i32 from vector<1xi32>
    %and3A_1232 = arith.constant 112 : i32
    %and3A_1233 = arith.andi %squeeze3A_1231, %and3A_1232 : i32
    %get3A_1234 = arith.constant 207 : i32
    %get3A_1235 = arith.index_cast %get3A_1234 : i32 to index
    %get3A_1236 = arith.index_cast %and3A_1233 : i32 to index
    %get3A_1237 = tpu.vector_load %arg7[%get3A_1235, %get3A_1236] {strides = array<i32>} : memref<256x128xf32, #tpu.memory_space<vmem>>, vector<1x16xf32>,
    %get3A_1238 = vector.shape_cast %get3A_1237 : vector<1x16xf32> to vector<16xf32>
    %and3A_1239 = arith.constant 15 : i32
    %and3A_1240 = arith.andi %squeeze3A_1231, %and3A_1239 : i32
    %broadcast_in_dim3A_1241 = vector.broadcast %and3A_1240 : i32 to vector<16xi32>
    %broadcast_in_dim3A_1242 = vector.shape_cast %broadcast_in_dim3A_1241 : vector<16xi32> to vector<16x1xi32>
    %gather3A_1243 = vector.shape_cast %broadcast_in_dim3A_1242 : vector<16x1xi32> to vector<16xi32>
    %gather3A_1244 = tpu.dynamic_gather %get3A_1238[%gather3A_1243] in [0] : vector<16xf32>, vector<16xi32> -> vector<16xf32>
    %eq3A_1245 = arith.constant 9 : i32
    %eq3A_1246 = vector.broadcast %eq3A_1245 : i32 to vector<16xi32>
    %eq3A_1247 = arith.cmpi eq, %iota3A, %eq3A_1246 : vector<16xi32>
    %select_n3A_1248 = arith.select %eq3A_1247, %gather3A_1244, %select_n3A_1229 : vector<16xi1>, vector<16xf32>
    %slice3A_1249 = vector.extract_strided_slice %get3A_1056 {offsets = [10], sizes = [1], strides = [1]} : vector<16xi32> to vector<1xi32>
    %squeeze3A_1250 = vector.extract %slice3A_1249[0] : i32 from vector<1xi32>
    %and3A_1251 = arith.constant 112 : i32
    %and3A_1252 = arith.andi %squeeze3A_1250, %and3A_1251 : i32
    %get3A_1253 = arith.constant 215 : i32
    %get3A_1254 = arith.index_cast %get3A_1253 : i32 to index
    %get3A_1255 = arith.index_cast %and3A_1252 : i32 to index
    %get3A_1256 = tpu.vector_load %arg7[%get3A_1254, %get3A_1255] {strides = array<i32>} : memref<256x128xf32, #tpu.memory_space<vmem>>, vector<1x16xf32>,
    %get3A_1257 = vector.shape_cast %get3A_1256 : vector<1x16xf32> to vector<16xf32>
    %and3A_1258 = arith.constant 15 : i32
    %and3A_1259 = arith.andi %squeeze3A_1250, %and3A_1258 : i32
    %broadcast_in_dim3A_1260 = vector.broadcast %and3A_1259 : i32 to vector<16xi32>
    %broadcast_in_dim3A_1261 = vector.shape_cast %broadcast_in_dim3A_1260 : vector<16xi32> to vector<16x1xi32>
    %gather3A_1262 = vector.shape_cast %broadcast_in_dim3A_1261 : vector<16x1xi32> to vector<16xi32>
    %gather3A_1263 = tpu.dynamic_gather %get3A_1257[%gather3A_1262] in [0] : vector<16xf32>, vector<16xi32> -> vector<16xf32>
    %eq3A_1264 = arith.constant 10 : i32
    %eq3A_1265 = vector.broadcast %eq3A_1264 : i32 to vector<16xi32>
    %eq3A_1266 = arith.cmpi eq, %iota3A, %eq3A_1265 : vector<16xi32>
    %select_n3A_1267 = arith.select %eq3A_1266, %gather3A_1263, %select_n3A_1248 : vector<16xi1>, vector<16xf32>
    %slice3A_1268 = vector.extract_strided_slice %get3A_1056 {offsets = [11], sizes = [1], strides = [1]} : vector<16xi32> to vector<1xi32>
    %squeeze3A_1269 = vector.extract %slice3A_1268[0] : i32 from vector<1xi32>
    %and3A_1270 = arith.constant 112 : i32
    %and3A_1271 = arith.andi %squeeze3A_1269, %and3A_1270 : i32
    %get3A_1272 = arith.constant 223 : i32
    %get3A_1273 = arith.index_cast %get3A_1272 : i32 to index
    %get3A_1274 = arith.index_cast %and3A_1271 : i32 to index
    %get3A_1275 = tpu.vector_load %arg7[%get3A_1273, %get3A_1274] {strides = array<i32>} : memref<256x128xf32, #tpu.memory_space<vmem>>, vector<1x16xf32>,
    %get3A_1276 = vector.shape_cast %get3A_1275 : vector<1x16xf32> to vector<16xf32>
    %and3A_1277 = arith.constant 15 : i32
    %and3A_1278 = arith.andi %squeeze3A_1269, %and3A_1277 : i32
    %broadcast_in_dim3A_1279 = vector.broadcast %and3A_1278 : i32 to vector<16xi32>
    %broadcast_in_dim3A_1280 = vector.shape_cast %broadcast_in_dim3A_1279 : vector<16xi32> to vector<16x1xi32>
    %gather3A_1281 = vector.shape_cast %broadcast_in_dim3A_1280 : vector<16x1xi32> to vector<16xi32>
    %gather3A_1282 = tpu.dynamic_gather %get3A_1276[%gather3A_1281] in [0] : vector<16xf32>, vector<16xi32> -> vector<16xf32>
    %eq3A_1283 = arith.constant 11 : i32
    %eq3A_1284 = vector.broadcast %eq3A_1283 : i32 to vector<16xi32>
    %eq3A_1285 = arith.cmpi eq, %iota3A, %eq3A_1284 : vector<16xi32>
    %select_n3A_1286 = arith.select %eq3A_1285, %gather3A_1282, %select_n3A_1267 : vector<16xi1>, vector<16xf32>
    %slice3A_1287 = vector.extract_strided_slice %get3A_1056 {offsets = [12], sizes = [1], strides = [1]} : vector<16xi32> to vector<1xi32>
    %squeeze3A_1288 = vector.extract %slice3A_1287[0] : i32 from vector<1xi32>
    %and3A_1289 = arith.constant 112 : i32
    %and3A_1290 = arith.andi %squeeze3A_1288, %and3A_1289 : i32
    %get3A_1291 = arith.constant 231 : i32
    %get3A_1292 = arith.index_cast %get3A_1291 : i32 to index
    %get3A_1293 = arith.index_cast %and3A_1290 : i32 to index
    %get3A_1294 = tpu.vector_load %arg7[%get3A_1292, %get3A_1293] {strides = array<i32>} : memref<256x128xf32, #tpu.memory_space<vmem>>, vector<1x16xf32>,
    %get3A_1295 = vector.shape_cast %get3A_1294 : vector<1x16xf32> to vector<16xf32>
    %and3A_1296 = arith.constant 15 : i32
    %and3A_1297 = arith.andi %squeeze3A_1288, %and3A_1296 : i32
    %broadcast_in_dim3A_1298 = vector.broadcast %and3A_1297 : i32 to vector<16xi32>
    %broadcast_in_dim3A_1299 = vector.shape_cast %broadcast_in_dim3A_1298 : vector<16xi32> to vector<16x1xi32>
    %gather3A_1300 = vector.shape_cast %broadcast_in_dim3A_1299 : vector<16x1xi32> to vector<16xi32>
    %gather3A_1301 = tpu.dynamic_gather %get3A_1295[%gather3A_1300] in [0] : vector<16xf32>, vector<16xi32> -> vector<16xf32>
    %eq3A_1302 = arith.constant 12 : i32
    %eq3A_1303 = vector.broadcast %eq3A_1302 : i32 to vector<16xi32>
    %eq3A_1304 = arith.cmpi eq, %iota3A, %eq3A_1303 : vector<16xi32>
    %select_n3A_1305 = arith.select %eq3A_1304, %gather3A_1301, %select_n3A_1286 : vector<16xi1>, vector<16xf32>
    %slice3A_1306 = vector.extract_strided_slice %get3A_1056 {offsets = [13], sizes = [1], strides = [1]} : vector<16xi32> to vector<1xi32>
    %squeeze3A_1307 = vector.extract %slice3A_1306[0] : i32 from vector<1xi32>
    %and3A_1308 = arith.constant 112 : i32
    %and3A_1309 = arith.andi %squeeze3A_1307, %and3A_1308 : i32
    %get3A_1310 = arith.constant 239 : i32
    %get3A_1311 = arith.index_cast %get3A_1310 : i32 to index
    %get3A_1312 = arith.index_cast %and3A_1309 : i32 to index
    %get3A_1313 = tpu.vector_load %arg7[%get3A_1311, %get3A_1312] {strides = array<i32>} : memref<256x128xf32, #tpu.memory_space<vmem>>, vector<1x16xf32>,
    %get3A_1314 = vector.shape_cast %get3A_1313 : vector<1x16xf32> to vector<16xf32>
    %and3A_1315 = arith.constant 15 : i32
    %and3A_1316 = arith.andi %squeeze3A_1307, %and3A_1315 : i32
    %broadcast_in_dim3A_1317 = vector.broadcast %and3A_1316 : i32 to vector<16xi32>
    %broadcast_in_dim3A_1318 = vector.shape_cast %broadcast_in_dim3A_1317 : vector<16xi32> to vector<16x1xi32>
    %gather3A_1319 = vector.shape_cast %broadcast_in_dim3A_1318 : vector<16x1xi32> to vector<16xi32>
    %gather3A_1320 = tpu.dynamic_gather %get3A_1314[%gather3A_1319] in [0] : vector<16xf32>, vector<16xi32> -> vector<16xf32>
    %eq3A_1321 = arith.constant 13 : i32
    %eq3A_1322 = vector.broadcast %eq3A_1321 : i32 to vector<16xi32>
    %eq3A_1323 = arith.cmpi eq, %iota3A, %eq3A_1322 : vector<16xi32>
    %select_n3A_1324 = arith.select %eq3A_1323, %gather3A_1320, %select_n3A_1305 : vector<16xi1>, vector<16xf32>
    %slice3A_1325 = vector.extract_strided_slice %get3A_1056 {offsets = [14], sizes = [1], strides = [1]} : vector<16xi32> to vector<1xi32>
    %squeeze3A_1326 = vector.extract %slice3A_1325[0] : i32 from vector<1xi32>
    %and3A_1327 = arith.constant 112 : i32
    %and3A_1328 = arith.andi %squeeze3A_1326, %and3A_1327 : i32
    %get3A_1329 = arith.constant 247 : i32
    %get3A_1330 = arith.index_cast %get3A_1329 : i32 to index
    %get3A_1331 = arith.index_cast %and3A_1328 : i32 to index
    %get3A_1332 = tpu.vector_load %arg7[%get3A_1330, %get3A_1331] {strides = array<i32>} : memref<256x128xf32, #tpu.memory_space<vmem>>, vector<1x16xf32>,
    %get3A_1333 = vector.shape_cast %get3A_1332 : vector<1x16xf32> to vector<16xf32>
    %and3A_1334 = arith.constant 15 : i32
    %and3A_1335 = arith.andi %squeeze3A_1326, %and3A_1334 : i32
    %broadcast_in_dim3A_1336 = vector.broadcast %and3A_1335 : i32 to vector<16xi32>
    %broadcast_in_dim3A_1337 = vector.shape_cast %broadcast_in_dim3A_1336 : vector<16xi32> to vector<16x1xi32>
    %gather3A_1338 = vector.shape_cast %broadcast_in_dim3A_1337 : vector<16x1xi32> to vector<16xi32>
    %gather3A_1339 = tpu.dynamic_gather %get3A_1333[%gather3A_1338] in [0] : vector<16xf32>, vector<16xi32> -> vector<16xf32>
    %eq3A_1340 = arith.constant 14 : i32
    %eq3A_1341 = vector.broadcast %eq3A_1340 : i32 to vector<16xi32>
    %eq3A_1342 = arith.cmpi eq, %iota3A, %eq3A_1341 : vector<16xi32>
    %select_n3A_1343 = arith.select %eq3A_1342, %gather3A_1339, %select_n3A_1324 : vector<16xi1>, vector<16xf32>
    %slice3A_1344 = vector.extract_strided_slice %get3A_1056 {offsets = [15], sizes = [1], strides = [1]} : vector<16xi32> to vector<1xi32>
    %squeeze3A_1345 = vector.extract %slice3A_1344[0] : i32 from vector<1xi32>
    %and3A_1346 = arith.constant 112 : i32
    %and3A_1347 = arith.andi %squeeze3A_1345, %and3A_1346 : i32
    %get3A_1348 = arith.constant 255 : i32
    %get3A_1349 = arith.index_cast %get3A_1348 : i32 to index
    %get3A_1350 = arith.index_cast %and3A_1347 : i32 to index
    %get3A_1351 = tpu.vector_load %arg7[%get3A_1349, %get3A_1350] {strides = array<i32>} : memref<256x128xf32, #tpu.memory_space<vmem>>, vector<1x16xf32>,
    %get3A_1352 = vector.shape_cast %get3A_1351 : vector<1x16xf32> to vector<16xf32>
    %and3A_1353 = arith.constant 15 : i32
    %and3A_1354 = arith.andi %squeeze3A_1345, %and3A_1353 : i32
    %broadcast_in_dim3A_1355 = vector.broadcast %and3A_1354 : i32 to vector<16xi32>
    %broadcast_in_dim3A_1356 = vector.shape_cast %broadcast_in_dim3A_1355 : vector<16xi32> to vector<16x1xi32>
    %gather3A_1357 = vector.shape_cast %broadcast_in_dim3A_1356 : vector<16x1xi32> to vector<16xi32>
    %gather3A_1358 = tpu.dynamic_gather %get3A_1352[%gather3A_1357] in [0] : vector<16xf32>, vector<16xi32> -> vector<16xf32>
    %eq3A_1359 = arith.constant 15 : i32
    %eq3A_1360 = vector.broadcast %eq3A_1359 : i32 to vector<16xi32>
    %eq3A_1361 = arith.cmpi eq, %iota3A, %eq3A_1360 : vector<16xi32>
    %select_n3A_1362 = arith.select %eq3A_1361, %gather3A_1358, %select_n3A_1343 : vector<16xi1>, vector<16xf32>
    %swap3A_1363 = arith.constant 2000 : index
    %swap3A_1364 = tpu.vector_load %arg6[%swap3A_1363] {strides = array<i32>} : memref<2048xf32, #tpu.memory_space<vmem>>, vector<16xf32>,
    %swap3A_1365 = vector.shape_cast %swap3A_1364 : vector<16xf32> to vector<16xf32>
    %swap3A_1366 = vector.shape_cast %select_n3A_1362 : vector<16xf32> to vector<16xf32>
    tpu.vector_store %arg6[%swap3A_1363], %swap3A_1366 {strides = array<i32>} : memref<2048xf32, #tpu.memory_space<vmem>>, vector<16xf32>,
    %dma_wait3A_1367 = arith.constant 0 : i32
    %dma_wait3A_1368 = arith.constant 0 : i32
    %dma_wait3A_1369 = tpu.memref_slice %arg2[%dma_wait3A_1367, %dma_wait3A_1368] : memref<1024x100000xf32, #tpu.memory_space<hbm>> -> memref<256x128xf32, #tpu.memory_space<hbm>>
    %dma_wait3A_1370 = arith.constant 0 : i32
    %dma_wait3A_1371 = arith.constant 0 : i32
    %dma_wait3A_1372 = tpu.memref_slice %arg2[%dma_wait3A_1370, %dma_wait3A_1371] : memref<1024x100000xf32, #tpu.memory_space<hbm>> -> memref<256x128xf32, #tpu.memory_space<hbm>>
    tpu.wait_dma2 semaphore(%arg10 : memref<!tpu.dma_semaphore, #tpu.memory_space<semaphore_mem>>) src(%dma_wait3A_1372 : memref<256x128xf32, #tpu.memory_space<hbm>>) dst(%arg8 : memref<256x128xf32, #tpu.memory_space<vmem>>)
    %get3A_1373 = arith.constant 2016 : index
    %get3A_1374 = tpu.vector_load %arg5[%get3A_1373] {strides = array<i32>} : memref<2048xi32, #tpu.memory_space<vmem>>, vector<16xi32>,
    %get3A_1375 = vector.shape_cast %get3A_1374 : vector<16xi32> to vector<16xi32>
    %broadcast_in_dim3A_1376 = arith.constant 0.000000e+00 : f32
    %broadcast_in_dim3A_1377 = vector.broadcast %broadcast_in_dim3A_1376 : f32 to vector<16xf32>
    %slice3A_1378 = vector.extract_strided_slice %get3A_1375 {offsets = [0], sizes = [1], strides = [1]} : vector<16xi32> to vector<1xi32>
    %squeeze3A_1379 = vector.extract %slice3A_1378[0] : i32 from vector<1xi32>
    %and3A_1380 = arith.constant 112 : i32
    %and3A_1381 = arith.andi %squeeze3A_1379, %and3A_1380 : i32
    %get3A_1382 = arith.constant 7 : i32
    %get3A_1383 = arith.index_cast %get3A_1382 : i32 to index
    %get3A_1384 = arith.index_cast %and3A_1381 : i32 to index
    %get3A_1385 = tpu.vector_load %arg8[%get3A_1383, %get3A_1384] {strides = array<i32>} : memref<256x128xf32, #tpu.memory_space<vmem>>, vector<1x16xf32>,
    %get3A_1386 = vector.shape_cast %get3A_1385 : vector<1x16xf32> to vector<16xf32>
    %and3A_1387 = arith.constant 15 : i32
    %and3A_1388 = arith.andi %squeeze3A_1379, %and3A_1387 : i32
    %broadcast_in_dim3A_1389 = vector.broadcast %and3A_1388 : i32 to vector<16xi32>
    %broadcast_in_dim3A_1390 = vector.shape_cast %broadcast_in_dim3A_1389 : vector<16xi32> to vector<16x1xi32>
    %gather3A_1391 = vector.shape_cast %broadcast_in_dim3A_1390 : vector<16x1xi32> to vector<16xi32>
    %gather3A_1392 = tpu.dynamic_gather %get3A_1386[%gather3A_1391] in [0] : vector<16xf32>, vector<16xi32> -> vector<16xf32>
    %eq3A_1393 = arith.constant 0 : i32
    %eq3A_1394 = vector.broadcast %eq3A_1393 : i32 to vector<16xi32>
    %eq3A_1395 = arith.cmpi eq, %iota3A, %eq3A_1394 : vector<16xi32>
    %select_n3A_1396 = arith.select %eq3A_1395, %gather3A_1392, %broadcast_in_dim3A_1377 : vector<16xi1>, vector<16xf32>
    %slice3A_1397 = vector.extract_strided_slice %get3A_1375 {offsets = [1], sizes = [1], strides = [1]} : vector<16xi32> to vector<1xi32>
    %squeeze3A_1398 = vector.extract %slice3A_1397[0] : i32 from vector<1xi32>
    %and3A_1399 = arith.constant 112 : i32
    %and3A_1400 = arith.andi %squeeze3A_1398, %and3A_1399 : i32
    %get3A_1401 = arith.constant 15 : i32
    %get3A_1402 = arith.index_cast %get3A_1401 : i32 to index
    %get3A_1403 = arith.index_cast %and3A_1400 : i32 to index
    %get3A_1404 = tpu.vector_load %arg8[%get3A_1402, %get3A_1403] {strides = array<i32>} : memref<256x128xf32, #tpu.memory_space<vmem>>, vector<1x16xf32>,
    %get3A_1405 = vector.shape_cast %get3A_1404 : vector<1x16xf32> to vector<16xf32>
    %and3A_1406 = arith.constant 15 : i32
    %and3A_1407 = arith.andi %squeeze3A_1398, %and3A_1406 : i32
    %broadcast_in_dim3A_1408 = vector.broadcast %and3A_1407 : i32 to vector<16xi32>
    %broadcast_in_dim3A_1409 = vector.shape_cast %broadcast_in_dim3A_1408 : vector<16xi32> to vector<16x1xi32>
    %gather3A_1410 = vector.shape_cast %broadcast_in_dim3A_1409 : vector<16x1xi32> to vector<16xi32>
    %gather3A_1411 = tpu.dynamic_gather %get3A_1405[%gather3A_1410] in [0] : vector<16xf32>, vector<16xi32> -> vector<16xf32>
    %eq3A_1412 = arith.constant 1 : i32
    %eq3A_1413 = vector.broadcast %eq3A_1412 : i32 to vector<16xi32>
    %eq3A_1414 = arith.cmpi eq, %iota3A, %eq3A_1413 : vector<16xi32>
    %select_n3A_1415 = arith.select %eq3A_1414, %gather3A_1411, %select_n3A_1396 : vector<16xi1>, vector<16xf32>
    %slice3A_1416 = vector.extract_strided_slice %get3A_1375 {offsets = [2], sizes = [1], strides = [1]} : vector<16xi32> to vector<1xi32>
    %squeeze3A_1417 = vector.extract %slice3A_1416[0] : i32 from vector<1xi32>
    %and3A_1418 = arith.constant 112 : i32
    %and3A_1419 = arith.andi %squeeze3A_1417, %and3A_1418 : i32
    %get3A_1420 = arith.constant 23 : i32
    %get3A_1421 = arith.index_cast %get3A_1420 : i32 to index
    %get3A_1422 = arith.index_cast %and3A_1419 : i32 to index
    %get3A_1423 = tpu.vector_load %arg8[%get3A_1421, %get3A_1422] {strides = array<i32>} : memref<256x128xf32, #tpu.memory_space<vmem>>, vector<1x16xf32>,
    %get3A_1424 = vector.shape_cast %get3A_1423 : vector<1x16xf32> to vector<16xf32>
    %and3A_1425 = arith.constant 15 : i32
    %and3A_1426 = arith.andi %squeeze3A_1417, %and3A_1425 : i32
    %broadcast_in_dim3A_1427 = vector.broadcast %and3A_1426 : i32 to vector<16xi32>
    %broadcast_in_dim3A_1428 = vector.shape_cast %broadcast_in_dim3A_1427 : vector<16xi32> to vector<16x1xi32>
    %gather3A_1429 = vector.shape_cast %broadcast_in_dim3A_1428 : vector<16x1xi32> to vector<16xi32>
    %gather3A_1430 = tpu.dynamic_gather %get3A_1424[%gather3A_1429] in [0] : vector<16xf32>, vector<16xi32> -> vector<16xf32>
    %eq3A_1431 = arith.constant 2 : i32
    %eq3A_1432 = vector.broadcast %eq3A_1431 : i32 to vector<16xi32>
    %eq3A_1433 = arith.cmpi eq, %iota3A, %eq3A_1432 : vector<16xi32>
    %select_n3A_1434 = arith.select %eq3A_1433, %gather3A_1430, %select_n3A_1415 : vector<16xi1>, vector<16xf32>
    %slice3A_1435 = vector.extract_strided_slice %get3A_1375 {offsets = [3], sizes = [1], strides = [1]} : vector<16xi32> to vector<1xi32>
    %squeeze3A_1436 = vector.extract %slice3A_1435[0] : i32 from vector<1xi32>
    %and3A_1437 = arith.constant 112 : i32
    %and3A_1438 = arith.andi %squeeze3A_1436, %and3A_1437 : i32
    %get3A_1439 = arith.constant 31 : i32
    %get3A_1440 = arith.index_cast %get3A_1439 : i32 to index
    %get3A_1441 = arith.index_cast %and3A_1438 : i32 to index
    %get3A_1442 = tpu.vector_load %arg8[%get3A_1440, %get3A_1441] {strides = array<i32>} : memref<256x128xf32, #tpu.memory_space<vmem>>, vector<1x16xf32>,
    %get3A_1443 = vector.shape_cast %get3A_1442 : vector<1x16xf32> to vector<16xf32>
    %and3A_1444 = arith.constant 15 : i32
    %and3A_1445 = arith.andi %squeeze3A_1436, %and3A_1444 : i32
    %broadcast_in_dim3A_1446 = vector.broadcast %and3A_1445 : i32 to vector<16xi32>
    %broadcast_in_dim3A_1447 = vector.shape_cast %broadcast_in_dim3A_1446 : vector<16xi32> to vector<16x1xi32>
    %gather3A_1448 = vector.shape_cast %broadcast_in_dim3A_1447 : vector<16x1xi32> to vector<16xi32>
    %gather3A_1449 = tpu.dynamic_gather %get3A_1443[%gather3A_1448] in [0] : vector<16xf32>, vector<16xi32> -> vector<16xf32>
    %eq3A_1450 = arith.constant 3 : i32
    %eq3A_1451 = vector.broadcast %eq3A_1450 : i32 to vector<16xi32>
    %eq3A_1452 = arith.cmpi eq, %iota3A, %eq3A_1451 : vector<16xi32>
    %select_n3A_1453 = arith.select %eq3A_1452, %gather3A_1449, %select_n3A_1434 : vector<16xi1>, vector<16xf32>
    %slice3A_1454 = vector.extract_strided_slice %get3A_1375 {offsets = [4], sizes = [1], strides = [1]} : vector<16xi32> to vector<1xi32>
    %squeeze3A_1455 = vector.extract %slice3A_1454[0] : i32 from vector<1xi32>
    %and3A_1456 = arith.constant 112 : i32
    %and3A_1457 = arith.andi %squeeze3A_1455, %and3A_1456 : i32
    %get3A_1458 = arith.constant 39 : i32
    %get3A_1459 = arith.index_cast %get3A_1458 : i32 to index
    %get3A_1460 = arith.index_cast %and3A_1457 : i32 to index
    %get3A_1461 = tpu.vector_load %arg8[%get3A_1459, %get3A_1460] {strides = array<i32>} : memref<256x128xf32, #tpu.memory_space<vmem>>, vector<1x16xf32>,
    %get3A_1462 = vector.shape_cast %get3A_1461 : vector<1x16xf32> to vector<16xf32>
    %and3A_1463 = arith.constant 15 : i32
    %and3A_1464 = arith.andi %squeeze3A_1455, %and3A_1463 : i32
    %broadcast_in_dim3A_1465 = vector.broadcast %and3A_1464 : i32 to vector<16xi32>
    %broadcast_in_dim3A_1466 = vector.shape_cast %broadcast_in_dim3A_1465 : vector<16xi32> to vector<16x1xi32>
    %gather3A_1467 = vector.shape_cast %broadcast_in_dim3A_1466 : vector<16x1xi32> to vector<16xi32>
    %gather3A_1468 = tpu.dynamic_gather %get3A_1462[%gather3A_1467] in [0] : vector<16xf32>, vector<16xi32> -> vector<16xf32>
    %eq3A_1469 = arith.constant 4 : i32
    %eq3A_1470 = vector.broadcast %eq3A_1469 : i32 to vector<16xi32>
    %eq3A_1471 = arith.cmpi eq, %iota3A, %eq3A_1470 : vector<16xi32>
    %select_n3A_1472 = arith.select %eq3A_1471, %gather3A_1468, %select_n3A_1453 : vector<16xi1>, vector<16xf32>
    %slice3A_1473 = vector.extract_strided_slice %get3A_1375 {offsets = [5], sizes = [1], strides = [1]} : vector<16xi32> to vector<1xi32>
    %squeeze3A_1474 = vector.extract %slice3A_1473[0] : i32 from vector<1xi32>
    %and3A_1475 = arith.constant 112 : i32
    %and3A_1476 = arith.andi %squeeze3A_1474, %and3A_1475 : i32
    %get3A_1477 = arith.constant 47 : i32
    %get3A_1478 = arith.index_cast %get3A_1477 : i32 to index
    %get3A_1479 = arith.index_cast %and3A_1476 : i32 to index
    %get3A_1480 = tpu.vector_load %arg8[%get3A_1478, %get3A_1479] {strides = array<i32>} : memref<256x128xf32, #tpu.memory_space<vmem>>, vector<1x16xf32>,
    %get3A_1481 = vector.shape_cast %get3A_1480 : vector<1x16xf32> to vector<16xf32>
    %and3A_1482 = arith.constant 15 : i32
    %and3A_1483 = arith.andi %squeeze3A_1474, %and3A_1482 : i32
    %broadcast_in_dim3A_1484 = vector.broadcast %and3A_1483 : i32 to vector<16xi32>
    %broadcast_in_dim3A_1485 = vector.shape_cast %broadcast_in_dim3A_1484 : vector<16xi32> to vector<16x1xi32>
    %gather3A_1486 = vector.shape_cast %broadcast_in_dim3A_1485 : vector<16x1xi32> to vector<16xi32>
    %gather3A_1487 = tpu.dynamic_gather %get3A_1481[%gather3A_1486] in [0] : vector<16xf32>, vector<16xi32> -> vector<16xf32>
    %eq3A_1488 = arith.constant 5 : i32
    %eq3A_1489 = vector.broadcast %eq3A_1488 : i32 to vector<16xi32>
    %eq3A_1490 = arith.cmpi eq, %iota3A, %eq3A_1489 : vector<16xi32>
    %select_n3A_1491 = arith.select %eq3A_1490, %gather3A_1487, %select_n3A_1472 : vector<16xi1>, vector<16xf32>
    %slice3A_1492 = vector.extract_strided_slice %get3A_1375 {offsets = [6], sizes = [1], strides = [1]} : vector<16xi32> to vector<1xi32>
    %squeeze3A_1493 = vector.extract %slice3A_1492[0] : i32 from vector<1xi32>
    %and3A_1494 = arith.constant 112 : i32
    %and3A_1495 = arith.andi %squeeze3A_1493, %and3A_1494 : i32
    %get3A_1496 = arith.constant 55 : i32
    %get3A_1497 = arith.index_cast %get3A_1496 : i32 to index
    %get3A_1498 = arith.index_cast %and3A_1495 : i32 to index
    %get3A_1499 = tpu.vector_load %arg8[%get3A_1497, %get3A_1498] {strides = array<i32>} : memref<256x128xf32, #tpu.memory_space<vmem>>, vector<1x16xf32>,
    %get3A_1500 = vector.shape_cast %get3A_1499 : vector<1x16xf32> to vector<16xf32>
    %and3A_1501 = arith.constant 15 : i32
    %and3A_1502 = arith.andi %squeeze3A_1493, %and3A_1501 : i32
    %broadcast_in_dim3A_1503 = vector.broadcast %and3A_1502 : i32 to vector<16xi32>
    %broadcast_in_dim3A_1504 = vector.shape_cast %broadcast_in_dim3A_1503 : vector<16xi32> to vector<16x1xi32>
    %gather3A_1505 = vector.shape_cast %broadcast_in_dim3A_1504 : vector<16x1xi32> to vector<16xi32>
    %gather3A_1506 = tpu.dynamic_gather %get3A_1500[%gather3A_1505] in [0] : vector<16xf32>, vector<16xi32> -> vector<16xf32>
    %eq3A_1507 = arith.constant 6 : i32
    %eq3A_1508 = vector.broadcast %eq3A_1507 : i32 to vector<16xi32>
    %eq3A_1509 = arith.cmpi eq, %iota3A, %eq3A_1508 : vector<16xi32>
    %select_n3A_1510 = arith.select %eq3A_1509, %gather3A_1506, %select_n3A_1491 : vector<16xi1>, vector<16xf32>
    %slice3A_1511 = vector.extract_strided_slice %get3A_1375 {offsets = [7], sizes = [1], strides = [1]} : vector<16xi32> to vector<1xi32>
    %squeeze3A_1512 = vector.extract %slice3A_1511[0] : i32 from vector<1xi32>
    %and3A_1513 = arith.constant 112 : i32
    %and3A_1514 = arith.andi %squeeze3A_1512, %and3A_1513 : i32
    %get3A_1515 = arith.constant 63 : i32
    %get3A_1516 = arith.index_cast %get3A_1515 : i32 to index
    %get3A_1517 = arith.index_cast %and3A_1514 : i32 to index
    %get3A_1518 = tpu.vector_load %arg8[%get3A_1516, %get3A_1517] {strides = array<i32>} : memref<256x128xf32, #tpu.memory_space<vmem>>, vector<1x16xf32>,
    %get3A_1519 = vector.shape_cast %get3A_1518 : vector<1x16xf32> to vector<16xf32>
    %and3A_1520 = arith.constant 15 : i32
    %and3A_1521 = arith.andi %squeeze3A_1512, %and3A_1520 : i32
    %broadcast_in_dim3A_1522 = vector.broadcast %and3A_1521 : i32 to vector<16xi32>
    %broadcast_in_dim3A_1523 = vector.shape_cast %broadcast_in_dim3A_1522 : vector<16xi32> to vector<16x1xi32>
    %gather3A_1524 = vector.shape_cast %broadcast_in_dim3A_1523 : vector<16x1xi32> to vector<16xi32>
    %gather3A_1525 = tpu.dynamic_gather %get3A_1519[%gather3A_1524] in [0] : vector<16xf32>, vector<16xi32> -> vector<16xf32>
    %eq3A_1526 = arith.constant 7 : i32
    %eq3A_1527 = vector.broadcast %eq3A_1526 : i32 to vector<16xi32>
    %eq3A_1528 = arith.cmpi eq, %iota3A, %eq3A_1527 : vector<16xi32>
    %select_n3A_1529 = arith.select %eq3A_1528, %gather3A_1525, %select_n3A_1510 : vector<16xi1>, vector<16xf32>
    %slice3A_1530 = vector.extract_strided_slice %get3A_1375 {offsets = [8], sizes = [1], strides = [1]} : vector<16xi32> to vector<1xi32>
    %squeeze3A_1531 = vector.extract %slice3A_1530[0] : i32 from vector<1xi32>
    %and3A_1532 = arith.constant 112 : i32
    %and3A_1533 = arith.andi %squeeze3A_1531, %and3A_1532 : i32
    %get3A_1534 = arith.constant 71 : i32
    %get3A_1535 = arith.index_cast %get3A_1534 : i32 to index
    %get3A_1536 = arith.index_cast %and3A_1533 : i32 to index
    %get3A_1537 = tpu.vector_load %arg8[%get3A_1535, %get3A_1536] {strides = array<i32>} : memref<256x128xf32, #tpu.memory_space<vmem>>, vector<1x16xf32>,
    %get3A_1538 = vector.shape_cast %get3A_1537 : vector<1x16xf32> to vector<16xf32>
    %and3A_1539 = arith.constant 15 : i32
    %and3A_1540 = arith.andi %squeeze3A_1531, %and3A_1539 : i32
    %broadcast_in_dim3A_1541 = vector.broadcast %and3A_1540 : i32 to vector<16xi32>
    %broadcast_in_dim3A_1542 = vector.shape_cast %broadcast_in_dim3A_1541 : vector<16xi32> to vector<16x1xi32>
    %gather3A_1543 = vector.shape_cast %broadcast_in_dim3A_1542 : vector<16x1xi32> to vector<16xi32>
    %gather3A_1544 = tpu.dynamic_gather %get3A_1538[%gather3A_1543] in [0] : vector<16xf32>, vector<16xi32> -> vector<16xf32>
    %eq3A_1545 = arith.constant 8 : i32
    %eq3A_1546 = vector.broadcast %eq3A_1545 : i32 to vector<16xi32>
    %eq3A_1547 = arith.cmpi eq, %iota3A, %eq3A_1546 : vector<16xi32>
    %select_n3A_1548 = arith.select %eq3A_1547, %gather3A_1544, %select_n3A_1529 : vector<16xi1>, vector<16xf32>
    %slice3A_1549 = vector.extract_strided_slice %get3A_1375 {offsets = [9], sizes = [1], strides = [1]} : vector<16xi32> to vector<1xi32>
    %squeeze3A_1550 = vector.extract %slice3A_1549[0] : i32 from vector<1xi32>
    %and3A_1551 = arith.constant 112 : i32
    %and3A_1552 = arith.andi %squeeze3A_1550, %and3A_1551 : i32
    %get3A_1553 = arith.constant 79 : i32
    %get3A_1554 = arith.index_cast %get3A_1553 : i32 to index
    %get3A_1555 = arith.index_cast %and3A_1552 : i32 to index
    %get3A_1556 = tpu.vector_load %arg8[%get3A_1554, %get3A_1555] {strides = array<i32>} : memref<256x128xf32, #tpu.memory_space<vmem>>, vector<1x16xf32>,
    %get3A_1557 = vector.shape_cast %get3A_1556 : vector<1x16xf32> to vector<16xf32>
    %and3A_1558 = arith.constant 15 : i32
    %and3A_1559 = arith.andi %squeeze3A_1550, %and3A_1558 : i32
    %broadcast_in_dim3A_1560 = vector.broadcast %and3A_1559 : i32 to vector<16xi32>
    %broadcast_in_dim3A_1561 = vector.shape_cast %broadcast_in_dim3A_1560 : vector<16xi32> to vector<16x1xi32>
    %gather3A_1562 = vector.shape_cast %broadcast_in_dim3A_1561 : vector<16x1xi32> to vector<16xi32>
    %gather3A_1563 = tpu.dynamic_gather %get3A_1557[%gather3A_1562] in [0] : vector<16xf32>, vector<16xi32> -> vector<16xf32>
    %eq3A_1564 = arith.constant 9 : i32
    %eq3A_1565 = vector.broadcast %eq3A_1564 : i32 to vector<16xi32>
    %eq3A_1566 = arith.cmpi eq, %iota3A, %eq3A_1565 : vector<16xi32>
    %select_n3A_1567 = arith.select %eq3A_1566, %gather3A_1563, %select_n3A_1548 : vector<16xi1>, vector<16xf32>
    %slice3A_1568 = vector.extract_strided_slice %get3A_1375 {offsets = [10], sizes = [1], strides = [1]} : vector<16xi32> to vector<1xi32>
    %squeeze3A_1569 = vector.extract %slice3A_1568[0] : i32 from vector<1xi32>
    %and3A_1570 = arith.constant 112 : i32
    %and3A_1571 = arith.andi %squeeze3A_1569, %and3A_1570 : i32
    %get3A_1572 = arith.constant 87 : i32
    %get3A_1573 = arith.index_cast %get3A_1572 : i32 to index
    %get3A_1574 = arith.index_cast %and3A_1571 : i32 to index
    %get3A_1575 = tpu.vector_load %arg8[%get3A_1573, %get3A_1574] {strides = array<i32>} : memref<256x128xf32, #tpu.memory_space<vmem>>, vector<1x16xf32>,
    %get3A_1576 = vector.shape_cast %get3A_1575 : vector<1x16xf32> to vector<16xf32>
    %and3A_1577 = arith.constant 15 : i32
    %and3A_1578 = arith.andi %squeeze3A_1569, %and3A_1577 : i32
    %broadcast_in_dim3A_1579 = vector.broadcast %and3A_1578 : i32 to vector<16xi32>
    %broadcast_in_dim3A_1580 = vector.shape_cast %broadcast_in_dim3A_1579 : vector<16xi32> to vector<16x1xi32>
    %gather3A_1581 = vector.shape_cast %broadcast_in_dim3A_1580 : vector<16x1xi32> to vector<16xi32>
    %gather3A_1582 = tpu.dynamic_gather %get3A_1576[%gather3A_1581] in [0] : vector<16xf32>, vector<16xi32> -> vector<16xf32>
    %eq3A_1583 = arith.constant 10 : i32
    %eq3A_1584 = vector.broadcast %eq3A_1583 : i32 to vector<16xi32>
    %eq3A_1585 = arith.cmpi eq, %iota3A, %eq3A_1584 : vector<16xi32>
    %select_n3A_1586 = arith.select %eq3A_1585, %gather3A_1582, %select_n3A_1567 : vector<16xi1>, vector<16xf32>
    %slice3A_1587 = vector.extract_strided_slice %get3A_1375 {offsets = [11], sizes = [1], strides = [1]} : vector<16xi32> to vector<1xi32>
    %squeeze3A_1588 = vector.extract %slice3A_1587[0] : i32 from vector<1xi32>
    %and3A_1589 = arith.constant 112 : i32
    %and3A_1590 = arith.andi %squeeze3A_1588, %and3A_1589 : i32
    %get3A_1591 = arith.constant 95 : i32
    %get3A_1592 = arith.index_cast %get3A_1591 : i32 to index
    %get3A_1593 = arith.index_cast %and3A_1590 : i32 to index
    %get3A_1594 = tpu.vector_load %arg8[%get3A_1592, %get3A_1593] {strides = array<i32>} : memref<256x128xf32, #tpu.memory_space<vmem>>, vector<1x16xf32>,
    %get3A_1595 = vector.shape_cast %get3A_1594 : vector<1x16xf32> to vector<16xf32>
    %and3A_1596 = arith.constant 15 : i32
    %and3A_1597 = arith.andi %squeeze3A_1588, %and3A_1596 : i32
    %broadcast_in_dim3A_1598 = vector.broadcast %and3A_1597 : i32 to vector<16xi32>
    %broadcast_in_dim3A_1599 = vector.shape_cast %broadcast_in_dim3A_1598 : vector<16xi32> to vector<16x1xi32>
    %gather3A_1600 = vector.shape_cast %broadcast_in_dim3A_1599 : vector<16x1xi32> to vector<16xi32>
    %gather3A_1601 = tpu.dynamic_gather %get3A_1595[%gather3A_1600] in [0] : vector<16xf32>, vector<16xi32> -> vector<16xf32>
    %eq3A_1602 = arith.constant 11 : i32
    %eq3A_1603 = vector.broadcast %eq3A_1602 : i32 to vector<16xi32>
    %eq3A_1604 = arith.cmpi eq, %iota3A, %eq3A_1603 : vector<16xi32>
    %select_n3A_1605 = arith.select %eq3A_1604, %gather3A_1601, %select_n3A_1586 : vector<16xi1>, vector<16xf32>
    %slice3A_1606 = vector.extract_strided_slice %get3A_1375 {offsets = [12], sizes = [1], strides = [1]} : vector<16xi32> to vector<1xi32>
    %squeeze3A_1607 = vector.extract %slice3A_1606[0] : i32 from vector<1xi32>
    %and3A_1608 = arith.constant 112 : i32
    %and3A_1609 = arith.andi %squeeze3A_1607, %and3A_1608 : i32
    %get3A_1610 = arith.constant 103 : i32
    %get3A_1611 = arith.index_cast %get3A_1610 : i32 to index
    %get3A_1612 = arith.index_cast %and3A_1609 : i32 to index
    %get3A_1613 = tpu.vector_load %arg8[%get3A_1611, %get3A_1612] {strides = array<i32>} : memref<256x128xf32, #tpu.memory_space<vmem>>, vector<1x16xf32>,
    %get3A_1614 = vector.shape_cast %get3A_1613 : vector<1x16xf32> to vector<16xf32>
    %and3A_1615 = arith.constant 15 : i32
    %and3A_1616 = arith.andi %squeeze3A_1607, %and3A_1615 : i32
    %broadcast_in_dim3A_1617 = vector.broadcast %and3A_1616 : i32 to vector<16xi32>
    %broadcast_in_dim3A_1618 = vector.shape_cast %broadcast_in_dim3A_1617 : vector<16xi32> to vector<16x1xi32>
    %gather3A_1619 = vector.shape_cast %broadcast_in_dim3A_1618 : vector<16x1xi32> to vector<16xi32>
    %gather3A_1620 = tpu.dynamic_gather %get3A_1614[%gather3A_1619] in [0] : vector<16xf32>, vector<16xi32> -> vector<16xf32>
    %eq3A_1621 = arith.constant 12 : i32
    %eq3A_1622 = vector.broadcast %eq3A_1621 : i32 to vector<16xi32>
    %eq3A_1623 = arith.cmpi eq, %iota3A, %eq3A_1622 : vector<16xi32>
    %select_n3A_1624 = arith.select %eq3A_1623, %gather3A_1620, %select_n3A_1605 : vector<16xi1>, vector<16xf32>
    %slice3A_1625 = vector.extract_strided_slice %get3A_1375 {offsets = [13], sizes = [1], strides = [1]} : vector<16xi32> to vector<1xi32>
    %squeeze3A_1626 = vector.extract %slice3A_1625[0] : i32 from vector<1xi32>
    %and3A_1627 = arith.constant 112 : i32
    %and3A_1628 = arith.andi %squeeze3A_1626, %and3A_1627 : i32
    %get3A_1629 = arith.constant 111 : i32
    %get3A_1630 = arith.index_cast %get3A_1629 : i32 to index
    %get3A_1631 = arith.index_cast %and3A_1628 : i32 to index
    %get3A_1632 = tpu.vector_load %arg8[%get3A_1630, %get3A_1631] {strides = array<i32>} : memref<256x128xf32, #tpu.memory_space<vmem>>, vector<1x16xf32>,
    %get3A_1633 = vector.shape_cast %get3A_1632 : vector<1x16xf32> to vector<16xf32>
    %and3A_1634 = arith.constant 15 : i32
    %and3A_1635 = arith.andi %squeeze3A_1626, %and3A_1634 : i32
    %broadcast_in_dim3A_1636 = vector.broadcast %and3A_1635 : i32 to vector<16xi32>
    %broadcast_in_dim3A_1637 = vector.shape_cast %broadcast_in_dim3A_1636 : vector<16xi32> to vector<16x1xi32>
    %gather3A_1638 = vector.shape_cast %broadcast_in_dim3A_1637 : vector<16x1xi32> to vector<16xi32>
    %gather3A_1639 = tpu.dynamic_gather %get3A_1633[%gather3A_1638] in [0] : vector<16xf32>, vector<16xi32> -> vector<16xf32>
    %eq3A_1640 = arith.constant 13 : i32
    %eq3A_1641 = vector.broadcast %eq3A_1640 : i32 to vector<16xi32>
    %eq3A_1642 = arith.cmpi eq, %iota3A, %eq3A_1641 : vector<16xi32>
    %select_n3A_1643 = arith.select %eq3A_1642, %gather3A_1639, %select_n3A_1624 : vector<16xi1>, vector<16xf32>
    %slice3A_1644 = vector.extract_strided_slice %get3A_1375 {offsets = [14], sizes = [1], strides = [1]} : vector<16xi32> to vector<1xi32>
    %squeeze3A_1645 = vector.extract %slice3A_1644[0] : i32 from vector<1xi32>
    %and3A_1646 = arith.constant 112 : i32
    %and3A_1647 = arith.andi %squeeze3A_1645, %and3A_1646 : i32
    %get3A_1648 = arith.constant 119 : i32
    %get3A_1649 = arith.index_cast %get3A_1648 : i32 to index
    %get3A_1650 = arith.index_cast %and3A_1647 : i32 to index
    %get3A_1651 = tpu.vector_load %arg8[%get3A_1649, %get3A_1650] {strides = array<i32>} : memref<256x128xf32, #tpu.memory_space<vmem>>, vector<1x16xf32>,
    %get3A_1652 = vector.shape_cast %get3A_1651 : vector<1x16xf32> to vector<16xf32>
    %and3A_1653 = arith.constant 15 : i32
    %and3A_1654 = arith.andi %squeeze3A_1645, %and3A_1653 : i32
    %broadcast_in_dim3A_1655 = vector.broadcast %and3A_1654 : i32 to vector<16xi32>
    %broadcast_in_dim3A_1656 = vector.shape_cast %broadcast_in_dim3A_1655 : vector<16xi32> to vector<16x1xi32>
    %gather3A_1657 = vector.shape_cast %broadcast_in_dim3A_1656 : vector<16x1xi32> to vector<16xi32>
    %gather3A_1658 = tpu.dynamic_gather %get3A_1652[%gather3A_1657] in [0] : vector<16xf32>, vector<16xi32> -> vector<16xf32>
    %eq3A_1659 = arith.constant 14 : i32
    %eq3A_1660 = vector.broadcast %eq3A_1659 : i32 to vector<16xi32>
    %eq3A_1661 = arith.cmpi eq, %iota3A, %eq3A_1660 : vector<16xi32>
    %select_n3A_1662 = arith.select %eq3A_1661, %gather3A_1658, %select_n3A_1643 : vector<16xi1>, vector<16xf32>
    %slice3A_1663 = vector.extract_strided_slice %get3A_1375 {offsets = [15], sizes = [1], strides = [1]} : vector<16xi32> to vector<1xi32>
    %squeeze3A_1664 = vector.extract %slice3A_1663[0] : i32 from vector<1xi32>
    %and3A_1665 = arith.constant 112 : i32
    %and3A_1666 = arith.andi %squeeze3A_1664, %and3A_1665 : i32
    %get3A_1667 = arith.constant 127 : i32
    %get3A_1668 = arith.index_cast %get3A_1667 : i32 to index
    %get3A_1669 = arith.index_cast %and3A_1666 : i32 to index
    %get3A_1670 = tpu.vector_load %arg8[%get3A_1668, %get3A_1669] {strides = array<i32>} : memref<256x128xf32, #tpu.memory_space<vmem>>, vector<1x16xf32>,
    %get3A_1671 = vector.shape_cast %get3A_1670 : vector<1x16xf32> to vector<16xf32>
    %and3A_1672 = arith.constant 15 : i32
    %and3A_1673 = arith.andi %squeeze3A_1664, %and3A_1672 : i32
    %broadcast_in_dim3A_1674 = vector.broadcast %and3A_1673 : i32 to vector<16xi32>
    %broadcast_in_dim3A_1675 = vector.shape_cast %broadcast_in_dim3A_1674 : vector<16xi32> to vector<16x1xi32>
    %gather3A_1676 = vector.shape_cast %broadcast_in_dim3A_1675 : vector<16x1xi32> to vector<16xi32>
    %gather3A_1677 = tpu.dynamic_gather %get3A_1671[%gather3A_1676] in [0] : vector<16xf32>, vector<16xi32> -> vector<16xf32>
    %eq3A_1678 = arith.constant 15 : i32
    %eq3A_1679 = vector.broadcast %eq3A_1678 : i32 to vector<16xi32>
    %eq3A_1680 = arith.cmpi eq, %iota3A, %eq3A_1679 : vector<16xi32>
    %select_n3A_1681 = arith.select %eq3A_1680, %gather3A_1677, %select_n3A_1662 : vector<16xi1>, vector<16xf32>
    %swap3A_1682 = arith.constant 2016 : index
    %swap3A_1683 = tpu.vector_load %arg6[%swap3A_1682] {strides = array<i32>} : memref<2048xf32, #tpu.memory_space<vmem>>, vector<16xf32>,
    %swap3A_1684 = vector.shape_cast %swap3A_1683 : vector<16xf32> to vector<16xf32>
    %swap3A_1685 = vector.shape_cast %select_n3A_1681 : vector<16xf32> to vector<16xf32>
    tpu.vector_store %arg6[%swap3A_1682], %swap3A_1685 {strides = array<i32>} : memref<2048xf32, #tpu.memory_space<vmem>>, vector<16xf32>,
    %get3A_1686 = arith.constant 2032 : index
    %get3A_1687 = tpu.vector_load %arg5[%get3A_1686] {strides = array<i32>} : memref<2048xi32, #tpu.memory_space<vmem>>, vector<16xi32>,
    %get3A_1688 = vector.shape_cast %get3A_1687 : vector<16xi32> to vector<16xi32>
    %broadcast_in_dim3A_1689 = arith.constant 0.000000e+00 : f32
    %broadcast_in_dim3A_1690 = vector.broadcast %broadcast_in_dim3A_1689 : f32 to vector<16xf32>
    %slice3A_1691 = vector.extract_strided_slice %get3A_1688 {offsets = [0], sizes = [1], strides = [1]} : vector<16xi32> to vector<1xi32>
    %squeeze3A_1692 = vector.extract %slice3A_1691[0] : i32 from vector<1xi32>
    %and3A_1693 = arith.constant 112 : i32
    %and3A_1694 = arith.andi %squeeze3A_1692, %and3A_1693 : i32
    %get3A_1695 = arith.constant 135 : i32
    %get3A_1696 = arith.index_cast %get3A_1695 : i32 to index
    %get3A_1697 = arith.index_cast %and3A_1694 : i32 to index
    %get3A_1698 = tpu.vector_load %arg8[%get3A_1696, %get3A_1697] {strides = array<i32>} : memref<256x128xf32, #tpu.memory_space<vmem>>, vector<1x16xf32>,
    %get3A_1699 = vector.shape_cast %get3A_1698 : vector<1x16xf32> to vector<16xf32>
    %and3A_1700 = arith.constant 15 : i32
    %and3A_1701 = arith.andi %squeeze3A_1692, %and3A_1700 : i32
    %broadcast_in_dim3A_1702 = vector.broadcast %and3A_1701 : i32 to vector<16xi32>
    %broadcast_in_dim3A_1703 = vector.shape_cast %broadcast_in_dim3A_1702 : vector<16xi32> to vector<16x1xi32>
    %gather3A_1704 = vector.shape_cast %broadcast_in_dim3A_1703 : vector<16x1xi32> to vector<16xi32>
    %gather3A_1705 = tpu.dynamic_gather %get3A_1699[%gather3A_1704] in [0] : vector<16xf32>, vector<16xi32> -> vector<16xf32>
    %eq3A_1706 = arith.constant 0 : i32
    %eq3A_1707 = vector.broadcast %eq3A_1706 : i32 to vector<16xi32>
    %eq3A_1708 = arith.cmpi eq, %iota3A, %eq3A_1707 : vector<16xi32>
    %select_n3A_1709 = arith.select %eq3A_1708, %gather3A_1705, %broadcast_in_dim3A_1690 : vector<16xi1>, vector<16xf32>
    %slice3A_1710 = vector.extract_strided_slice %get3A_1688 {offsets = [1], sizes = [1], strides = [1]} : vector<16xi32> to vector<1xi32>
    %squeeze3A_1711 = vector.extract %slice3A_1710[0] : i32 from vector<1xi32>
    %and3A_1712 = arith.constant 112 : i32
    %and3A_1713 = arith.andi %squeeze3A_1711, %and3A_1712 : i32
    %get3A_1714 = arith.constant 143 : i32
    %get3A_1715 = arith.index_cast %get3A_1714 : i32 to index
    %get3A_1716 = arith.index_cast %and3A_1713 : i32 to index
    %get3A_1717 = tpu.vector_load %arg8[%get3A_1715, %get3A_1716] {strides = array<i32>} : memref<256x128xf32, #tpu.memory_space<vmem>>, vector<1x16xf32>,
    %get3A_1718 = vector.shape_cast %get3A_1717 : vector<1x16xf32> to vector<16xf32>
    %and3A_1719 = arith.constant 15 : i32
    %and3A_1720 = arith.andi %squeeze3A_1711, %and3A_1719 : i32
    %broadcast_in_dim3A_1721 = vector.broadcast %and3A_1720 : i32 to vector<16xi32>
    %broadcast_in_dim3A_1722 = vector.shape_cast %broadcast_in_dim3A_1721 : vector<16xi32> to vector<16x1xi32>
    %gather3A_1723 = vector.shape_cast %broadcast_in_dim3A_1722 : vector<16x1xi32> to vector<16xi32>
    %gather3A_1724 = tpu.dynamic_gather %get3A_1718[%gather3A_1723] in [0] : vector<16xf32>, vector<16xi32> -> vector<16xf32>
    %eq3A_1725 = arith.constant 1 : i32
    %eq3A_1726 = vector.broadcast %eq3A_1725 : i32 to vector<16xi32>
    %eq3A_1727 = arith.cmpi eq, %iota3A, %eq3A_1726 : vector<16xi32>
    %select_n3A_1728 = arith.select %eq3A_1727, %gather3A_1724, %select_n3A_1709 : vector<16xi1>, vector<16xf32>
    %slice3A_1729 = vector.extract_strided_slice %get3A_1688 {offsets = [2], sizes = [1], strides = [1]} : vector<16xi32> to vector<1xi32>
    %squeeze3A_1730 = vector.extract %slice3A_1729[0] : i32 from vector<1xi32>
    %and3A_1731 = arith.constant 112 : i32
    %and3A_1732 = arith.andi %squeeze3A_1730, %and3A_1731 : i32
    %get3A_1733 = arith.constant 151 : i32
    %get3A_1734 = arith.index_cast %get3A_1733 : i32 to index
    %get3A_1735 = arith.index_cast %and3A_1732 : i32 to index
    %get3A_1736 = tpu.vector_load %arg8[%get3A_1734, %get3A_1735] {strides = array<i32>} : memref<256x128xf32, #tpu.memory_space<vmem>>, vector<1x16xf32>,
    %get3A_1737 = vector.shape_cast %get3A_1736 : vector<1x16xf32> to vector<16xf32>
    %and3A_1738 = arith.constant 15 : i32
    %and3A_1739 = arith.andi %squeeze3A_1730, %and3A_1738 : i32
    %broadcast_in_dim3A_1740 = vector.broadcast %and3A_1739 : i32 to vector<16xi32>
    %broadcast_in_dim3A_1741 = vector.shape_cast %broadcast_in_dim3A_1740 : vector<16xi32> to vector<16x1xi32>
    %gather3A_1742 = vector.shape_cast %broadcast_in_dim3A_1741 : vector<16x1xi32> to vector<16xi32>
    %gather3A_1743 = tpu.dynamic_gather %get3A_1737[%gather3A_1742] in [0] : vector<16xf32>, vector<16xi32> -> vector<16xf32>
    %eq3A_1744 = arith.constant 2 : i32
    %eq3A_1745 = vector.broadcast %eq3A_1744 : i32 to vector<16xi32>
    %eq3A_1746 = arith.cmpi eq, %iota3A, %eq3A_1745 : vector<16xi32>
    %select_n3A_1747 = arith.select %eq3A_1746, %gather3A_1743, %select_n3A_1728 : vector<16xi1>, vector<16xf32>
    %slice3A_1748 = vector.extract_strided_slice %get3A_1688 {offsets = [3], sizes = [1], strides = [1]} : vector<16xi32> to vector<1xi32>
    %squeeze3A_1749 = vector.extract %slice3A_1748[0] : i32 from vector<1xi32>
    %and3A_1750 = arith.constant 112 : i32
    %and3A_1751 = arith.andi %squeeze3A_1749, %and3A_1750 : i32
    %get3A_1752 = arith.constant 159 : i32
    %get3A_1753 = arith.index_cast %get3A_1752 : i32 to index
    %get3A_1754 = arith.index_cast %and3A_1751 : i32 to index
    %get3A_1755 = tpu.vector_load %arg8[%get3A_1753, %get3A_1754] {strides = array<i32>} : memref<256x128xf32, #tpu.memory_space<vmem>>, vector<1x16xf32>,
    %get3A_1756 = vector.shape_cast %get3A_1755 : vector<1x16xf32> to vector<16xf32>
    %and3A_1757 = arith.constant 15 : i32
    %and3A_1758 = arith.andi %squeeze3A_1749, %and3A_1757 : i32
    %broadcast_in_dim3A_1759 = vector.broadcast %and3A_1758 : i32 to vector<16xi32>
    %broadcast_in_dim3A_1760 = vector.shape_cast %broadcast_in_dim3A_1759 : vector<16xi32> to vector<16x1xi32>
    %gather3A_1761 = vector.shape_cast %broadcast_in_dim3A_1760 : vector<16x1xi32> to vector<16xi32>
    %gather3A_1762 = tpu.dynamic_gather %get3A_1756[%gather3A_1761] in [0] : vector<16xf32>, vector<16xi32> -> vector<16xf32>
    %eq3A_1763 = arith.constant 3 : i32
    %eq3A_1764 = vector.broadcast %eq3A_1763 : i32 to vector<16xi32>
    %eq3A_1765 = arith.cmpi eq, %iota3A, %eq3A_1764 : vector<16xi32>
    %select_n3A_1766 = arith.select %eq3A_1765, %gather3A_1762, %select_n3A_1747 : vector<16xi1>, vector<16xf32>
    %slice3A_1767 = vector.extract_strided_slice %get3A_1688 {offsets = [4], sizes = [1], strides = [1]} : vector<16xi32> to vector<1xi32>
    %squeeze3A_1768 = vector.extract %slice3A_1767[0] : i32 from vector<1xi32>
    %and3A_1769 = arith.constant 112 : i32
    %and3A_1770 = arith.andi %squeeze3A_1768, %and3A_1769 : i32
    %get3A_1771 = arith.constant 167 : i32
    %get3A_1772 = arith.index_cast %get3A_1771 : i32 to index
    %get3A_1773 = arith.index_cast %and3A_1770 : i32 to index
    %get3A_1774 = tpu.vector_load %arg8[%get3A_1772, %get3A_1773] {strides = array<i32>} : memref<256x128xf32, #tpu.memory_space<vmem>>, vector<1x16xf32>,
    %get3A_1775 = vector.shape_cast %get3A_1774 : vector<1x16xf32> to vector<16xf32>
    %and3A_1776 = arith.constant 15 : i32
    %and3A_1777 = arith.andi %squeeze3A_1768, %and3A_1776 : i32
    %broadcast_in_dim3A_1778 = vector.broadcast %and3A_1777 : i32 to vector<16xi32>
    %broadcast_in_dim3A_1779 = vector.shape_cast %broadcast_in_dim3A_1778 : vector<16xi32> to vector<16x1xi32>
    %gather3A_1780 = vector.shape_cast %broadcast_in_dim3A_1779 : vector<16x1xi32> to vector<16xi32>
    %gather3A_1781 = tpu.dynamic_gather %get3A_1775[%gather3A_1780] in [0] : vector<16xf32>, vector<16xi32> -> vector<16xf32>
    %eq3A_1782 = arith.constant 4 : i32
    %eq3A_1783 = vector.broadcast %eq3A_1782 : i32 to vector<16xi32>
    %eq3A_1784 = arith.cmpi eq, %iota3A, %eq3A_1783 : vector<16xi32>
    %select_n3A_1785 = arith.select %eq3A_1784, %gather3A_1781, %select_n3A_1766 : vector<16xi1>, vector<16xf32>
    %slice3A_1786 = vector.extract_strided_slice %get3A_1688 {offsets = [5], sizes = [1], strides = [1]} : vector<16xi32> to vector<1xi32>
    %squeeze3A_1787 = vector.extract %slice3A_1786[0] : i32 from vector<1xi32>
    %and3A_1788 = arith.constant 112 : i32
    %and3A_1789 = arith.andi %squeeze3A_1787, %and3A_1788 : i32
    %get3A_1790 = arith.constant 175 : i32
    %get3A_1791 = arith.index_cast %get3A_1790 : i32 to index
    %get3A_1792 = arith.index_cast %and3A_1789 : i32 to index
    %get3A_1793 = tpu.vector_load %arg8[%get3A_1791, %get3A_1792] {strides = array<i32>} : memref<256x128xf32, #tpu.memory_space<vmem>>, vector<1x16xf32>,
    %get3A_1794 = vector.shape_cast %get3A_1793 : vector<1x16xf32> to vector<16xf32>
    %and3A_1795 = arith.constant 15 : i32
    %and3A_1796 = arith.andi %squeeze3A_1787, %and3A_1795 : i32
    %broadcast_in_dim3A_1797 = vector.broadcast %and3A_1796 : i32 to vector<16xi32>
    %broadcast_in_dim3A_1798 = vector.shape_cast %broadcast_in_dim3A_1797 : vector<16xi32> to vector<16x1xi32>
    %gather3A_1799 = vector.shape_cast %broadcast_in_dim3A_1798 : vector<16x1xi32> to vector<16xi32>
    %gather3A_1800 = tpu.dynamic_gather %get3A_1794[%gather3A_1799] in [0] : vector<16xf32>, vector<16xi32> -> vector<16xf32>
    %eq3A_1801 = arith.constant 5 : i32
    %eq3A_1802 = vector.broadcast %eq3A_1801 : i32 to vector<16xi32>
    %eq3A_1803 = arith.cmpi eq, %iota3A, %eq3A_1802 : vector<16xi32>
    %select_n3A_1804 = arith.select %eq3A_1803, %gather3A_1800, %select_n3A_1785 : vector<16xi1>, vector<16xf32>
    %slice3A_1805 = vector.extract_strided_slice %get3A_1688 {offsets = [6], sizes = [1], strides = [1]} : vector<16xi32> to vector<1xi32>
    %squeeze3A_1806 = vector.extract %slice3A_1805[0] : i32 from vector<1xi32>
    %and3A_1807 = arith.constant 112 : i32
    %and3A_1808 = arith.andi %squeeze3A_1806, %and3A_1807 : i32
    %get3A_1809 = arith.constant 183 : i32
    %get3A_1810 = arith.index_cast %get3A_1809 : i32 to index
    %get3A_1811 = arith.index_cast %and3A_1808 : i32 to index
    %get3A_1812 = tpu.vector_load %arg8[%get3A_1810, %get3A_1811] {strides = array<i32>} : memref<256x128xf32, #tpu.memory_space<vmem>>, vector<1x16xf32>,
    %get3A_1813 = vector.shape_cast %get3A_1812 : vector<1x16xf32> to vector<16xf32>
    %and3A_1814 = arith.constant 15 : i32
    %and3A_1815 = arith.andi %squeeze3A_1806, %and3A_1814 : i32
    %broadcast_in_dim3A_1816 = vector.broadcast %and3A_1815 : i32 to vector<16xi32>
    %broadcast_in_dim3A_1817 = vector.shape_cast %broadcast_in_dim3A_1816 : vector<16xi32> to vector<16x1xi32>
    %gather3A_1818 = vector.shape_cast %broadcast_in_dim3A_1817 : vector<16x1xi32> to vector<16xi32>
    %gather3A_1819 = tpu.dynamic_gather %get3A_1813[%gather3A_1818] in [0] : vector<16xf32>, vector<16xi32> -> vector<16xf32>
    %eq3A_1820 = arith.constant 6 : i32
    %eq3A_1821 = vector.broadcast %eq3A_1820 : i32 to vector<16xi32>
    %eq3A_1822 = arith.cmpi eq, %iota3A, %eq3A_1821 : vector<16xi32>
    %select_n3A_1823 = arith.select %eq3A_1822, %gather3A_1819, %select_n3A_1804 : vector<16xi1>, vector<16xf32>
    %slice3A_1824 = vector.extract_strided_slice %get3A_1688 {offsets = [7], sizes = [1], strides = [1]} : vector<16xi32> to vector<1xi32>
    %squeeze3A_1825 = vector.extract %slice3A_1824[0] : i32 from vector<1xi32>
    %and3A_1826 = arith.constant 112 : i32
    %and3A_1827 = arith.andi %squeeze3A_1825, %and3A_1826 : i32
    %get3A_1828 = arith.constant 191 : i32
    %get3A_1829 = arith.index_cast %get3A_1828 : i32 to index
    %get3A_1830 = arith.index_cast %and3A_1827 : i32 to index
    %get3A_1831 = tpu.vector_load %arg8[%get3A_1829, %get3A_1830] {strides = array<i32>} : memref<256x128xf32, #tpu.memory_space<vmem>>, vector<1x16xf32>,
    %get3A_1832 = vector.shape_cast %get3A_1831 : vector<1x16xf32> to vector<16xf32>
    %and3A_1833 = arith.constant 15 : i32
    %and3A_1834 = arith.andi %squeeze3A_1825, %and3A_1833 : i32
    %broadcast_in_dim3A_1835 = vector.broadcast %and3A_1834 : i32 to vector<16xi32>
    %broadcast_in_dim3A_1836 = vector.shape_cast %broadcast_in_dim3A_1835 : vector<16xi32> to vector<16x1xi32>
    %gather3A_1837 = vector.shape_cast %broadcast_in_dim3A_1836 : vector<16x1xi32> to vector<16xi32>
    %gather3A_1838 = tpu.dynamic_gather %get3A_1832[%gather3A_1837] in [0] : vector<16xf32>, vector<16xi32> -> vector<16xf32>
    %eq3A_1839 = arith.constant 7 : i32
    %eq3A_1840 = vector.broadcast %eq3A_1839 : i32 to vector<16xi32>
    %eq3A_1841 = arith.cmpi eq, %iota3A, %eq3A_1840 : vector<16xi32>
    %select_n3A_1842 = arith.select %eq3A_1841, %gather3A_1838, %select_n3A_1823 : vector<16xi1>, vector<16xf32>
    %slice3A_1843 = vector.extract_strided_slice %get3A_1688 {offsets = [8], sizes = [1], strides = [1]} : vector<16xi32> to vector<1xi32>
    %squeeze3A_1844 = vector.extract %slice3A_1843[0] : i32 from vector<1xi32>
    %and3A_1845 = arith.constant 112 : i32
    %and3A_1846 = arith.andi %squeeze3A_1844, %and3A_1845 : i32
    %get3A_1847 = arith.constant 199 : i32
    %get3A_1848 = arith.index_cast %get3A_1847 : i32 to index
    %get3A_1849 = arith.index_cast %and3A_1846 : i32 to index
    %get3A_1850 = tpu.vector_load %arg8[%get3A_1848, %get3A_1849] {strides = array<i32>} : memref<256x128xf32, #tpu.memory_space<vmem>>, vector<1x16xf32>,
    %get3A_1851 = vector.shape_cast %get3A_1850 : vector<1x16xf32> to vector<16xf32>
    %and3A_1852 = arith.constant 15 : i32
    %and3A_1853 = arith.andi %squeeze3A_1844, %and3A_1852 : i32
    %broadcast_in_dim3A_1854 = vector.broadcast %and3A_1853 : i32 to vector<16xi32>
    %broadcast_in_dim3A_1855 = vector.shape_cast %broadcast_in_dim3A_1854 : vector<16xi32> to vector<16x1xi32>
    %gather3A_1856 = vector.shape_cast %broadcast_in_dim3A_1855 : vector<16x1xi32> to vector<16xi32>
    %gather3A_1857 = tpu.dynamic_gather %get3A_1851[%gather3A_1856] in [0] : vector<16xf32>, vector<16xi32> -> vector<16xf32>
    %eq3A_1858 = arith.constant 8 : i32
    %eq3A_1859 = vector.broadcast %eq3A_1858 : i32 to vector<16xi32>
    %eq3A_1860 = arith.cmpi eq, %iota3A, %eq3A_1859 : vector<16xi32>
    %select_n3A_1861 = arith.select %eq3A_1860, %gather3A_1857, %select_n3A_1842 : vector<16xi1>, vector<16xf32>
    %slice3A_1862 = vector.extract_strided_slice %get3A_1688 {offsets = [9], sizes = [1], strides = [1]} : vector<16xi32> to vector<1xi32>
    %squeeze3A_1863 = vector.extract %slice3A_1862[0] : i32 from vector<1xi32>
    %and3A_1864 = arith.constant 112 : i32
    %and3A_1865 = arith.andi %squeeze3A_1863, %and3A_1864 : i32
    %get3A_1866 = arith.constant 207 : i32
    %get3A_1867 = arith.index_cast %get3A_1866 : i32 to index
    %get3A_1868 = arith.index_cast %and3A_1865 : i32 to index
    %get3A_1869 = tpu.vector_load %arg8[%get3A_1867, %get3A_1868] {strides = array<i32>} : memref<256x128xf32, #tpu.memory_space<vmem>>, vector<1x16xf32>,
    %get3A_1870 = vector.shape_cast %get3A_1869 : vector<1x16xf32> to vector<16xf32>
    %and3A_1871 = arith.constant 15 : i32
    %and3A_1872 = arith.andi %squeeze3A_1863, %and3A_1871 : i32
    %broadcast_in_dim3A_1873 = vector.broadcast %and3A_1872 : i32 to vector<16xi32>
    %broadcast_in_dim3A_1874 = vector.shape_cast %broadcast_in_dim3A_1873 : vector<16xi32> to vector<16x1xi32>
    %gather3A_1875 = vector.shape_cast %broadcast_in_dim3A_1874 : vector<16x1xi32> to vector<16xi32>
    %gather3A_1876 = tpu.dynamic_gather %get3A_1870[%gather3A_1875] in [0] : vector<16xf32>, vector<16xi32> -> vector<16xf32>
    %eq3A_1877 = arith.constant 9 : i32
    %eq3A_1878 = vector.broadcast %eq3A_1877 : i32 to vector<16xi32>
    %eq3A_1879 = arith.cmpi eq, %iota3A, %eq3A_1878 : vector<16xi32>
    %select_n3A_1880 = arith.select %eq3A_1879, %gather3A_1876, %select_n3A_1861 : vector<16xi1>, vector<16xf32>
    %slice3A_1881 = vector.extract_strided_slice %get3A_1688 {offsets = [10], sizes = [1], strides = [1]} : vector<16xi32> to vector<1xi32>
    %squeeze3A_1882 = vector.extract %slice3A_1881[0] : i32 from vector<1xi32>
    %and3A_1883 = arith.constant 112 : i32
    %and3A_1884 = arith.andi %squeeze3A_1882, %and3A_1883 : i32
    %get3A_1885 = arith.constant 215 : i32
    %get3A_1886 = arith.index_cast %get3A_1885 : i32 to index
    %get3A_1887 = arith.index_cast %and3A_1884 : i32 to index
    %get3A_1888 = tpu.vector_load %arg8[%get3A_1886, %get3A_1887] {strides = array<i32>} : memref<256x128xf32, #tpu.memory_space<vmem>>, vector<1x16xf32>,
    %get3A_1889 = vector.shape_cast %get3A_1888 : vector<1x16xf32> to vector<16xf32>
    %and3A_1890 = arith.constant 15 : i32
    %and3A_1891 = arith.andi %squeeze3A_1882, %and3A_1890 : i32
    %broadcast_in_dim3A_1892 = vector.broadcast %and3A_1891 : i32 to vector<16xi32>
    %broadcast_in_dim3A_1893 = vector.shape_cast %broadcast_in_dim3A_1892 : vector<16xi32> to vector<16x1xi32>
    %gather3A_1894 = vector.shape_cast %broadcast_in_dim3A_1893 : vector<16x1xi32> to vector<16xi32>
    %gather3A_1895 = tpu.dynamic_gather %get3A_1889[%gather3A_1894] in [0] : vector<16xf32>, vector<16xi32> -> vector<16xf32>
    %eq3A_1896 = arith.constant 10 : i32
    %eq3A_1897 = vector.broadcast %eq3A_1896 : i32 to vector<16xi32>
    %eq3A_1898 = arith.cmpi eq, %iota3A, %eq3A_1897 : vector<16xi32>
    %select_n3A_1899 = arith.select %eq3A_1898, %gather3A_1895, %select_n3A_1880 : vector<16xi1>, vector<16xf32>
    %slice3A_1900 = vector.extract_strided_slice %get3A_1688 {offsets = [11], sizes = [1], strides = [1]} : vector<16xi32> to vector<1xi32>
    %squeeze3A_1901 = vector.extract %slice3A_1900[0] : i32 from vector<1xi32>
    %and3A_1902 = arith.constant 112 : i32
    %and3A_1903 = arith.andi %squeeze3A_1901, %and3A_1902 : i32
    %get3A_1904 = arith.constant 223 : i32
    %get3A_1905 = arith.index_cast %get3A_1904 : i32 to index
    %get3A_1906 = arith.index_cast %and3A_1903 : i32 to index
    %get3A_1907 = tpu.vector_load %arg8[%get3A_1905, %get3A_1906] {strides = array<i32>} : memref<256x128xf32, #tpu.memory_space<vmem>>, vector<1x16xf32>,
    %get3A_1908 = vector.shape_cast %get3A_1907 : vector<1x16xf32> to vector<16xf32>
    %and3A_1909 = arith.constant 15 : i32
    %and3A_1910 = arith.andi %squeeze3A_1901, %and3A_1909 : i32
    %broadcast_in_dim3A_1911 = vector.broadcast %and3A_1910 : i32 to vector<16xi32>
    %broadcast_in_dim3A_1912 = vector.shape_cast %broadcast_in_dim3A_1911 : vector<16xi32> to vector<16x1xi32>
    %gather3A_1913 = vector.shape_cast %broadcast_in_dim3A_1912 : vector<16x1xi32> to vector<16xi32>
    %gather3A_1914 = tpu.dynamic_gather %get3A_1908[%gather3A_1913] in [0] : vector<16xf32>, vector<16xi32> -> vector<16xf32>
    %eq3A_1915 = arith.constant 11 : i32
    %eq3A_1916 = vector.broadcast %eq3A_1915 : i32 to vector<16xi32>
    %eq3A_1917 = arith.cmpi eq, %iota3A, %eq3A_1916 : vector<16xi32>
    %select_n3A_1918 = arith.select %eq3A_1917, %gather3A_1914, %select_n3A_1899 : vector<16xi1>, vector<16xf32>
    %slice3A_1919 = vector.extract_strided_slice %get3A_1688 {offsets = [12], sizes = [1], strides = [1]} : vector<16xi32> to vector<1xi32>
    %squeeze3A_1920 = vector.extract %slice3A_1919[0] : i32 from vector<1xi32>
    %and3A_1921 = arith.constant 112 : i32
    %and3A_1922 = arith.andi %squeeze3A_1920, %and3A_1921 : i32
    %get3A_1923 = arith.constant 231 : i32
    %get3A_1924 = arith.index_cast %get3A_1923 : i32 to index
    %get3A_1925 = arith.index_cast %and3A_1922 : i32 to index
    %get3A_1926 = tpu.vector_load %arg8[%get3A_1924, %get3A_1925] {strides = array<i32>} : memref<256x128xf32, #tpu.memory_space<vmem>>, vector<1x16xf32>,
    %get3A_1927 = vector.shape_cast %get3A_1926 : vector<1x16xf32> to vector<16xf32>
    %and3A_1928 = arith.constant 15 : i32
    %and3A_1929 = arith.andi %squeeze3A_1920, %and3A_1928 : i32
    %broadcast_in_dim3A_1930 = vector.broadcast %and3A_1929 : i32 to vector<16xi32>
    %broadcast_in_dim3A_1931 = vector.shape_cast %broadcast_in_dim3A_1930 : vector<16xi32> to vector<16x1xi32>
    %gather3A_1932 = vector.shape_cast %broadcast_in_dim3A_1931 : vector<16x1xi32> to vector<16xi32>
    %gather3A_1933 = tpu.dynamic_gather %get3A_1927[%gather3A_1932] in [0] : vector<16xf32>, vector<16xi32> -> vector<16xf32>
    %eq3A_1934 = arith.constant 12 : i32
    %eq3A_1935 = vector.broadcast %eq3A_1934 : i32 to vector<16xi32>
    %eq3A_1936 = arith.cmpi eq, %iota3A, %eq3A_1935 : vector<16xi32>
    %select_n3A_1937 = arith.select %eq3A_1936, %gather3A_1933, %select_n3A_1918 : vector<16xi1>, vector<16xf32>
    %slice3A_1938 = vector.extract_strided_slice %get3A_1688 {offsets = [13], sizes = [1], strides = [1]} : vector<16xi32> to vector<1xi32>
    %squeeze3A_1939 = vector.extract %slice3A_1938[0] : i32 from vector<1xi32>
    %and3A_1940 = arith.constant 112 : i32
    %and3A_1941 = arith.andi %squeeze3A_1939, %and3A_1940 : i32
    %get3A_1942 = arith.constant 239 : i32
    %get3A_1943 = arith.index_cast %get3A_1942 : i32 to index
    %get3A_1944 = arith.index_cast %and3A_1941 : i32 to index
    %get3A_1945 = tpu.vector_load %arg8[%get3A_1943, %get3A_1944] {strides = array<i32>} : memref<256x128xf32, #tpu.memory_space<vmem>>, vector<1x16xf32>,
    %get3A_1946 = vector.shape_cast %get3A_1945 : vector<1x16xf32> to vector<16xf32>
    %and3A_1947 = arith.constant 15 : i32
    %and3A_1948 = arith.andi %squeeze3A_1939, %and3A_1947 : i32
    %broadcast_in_dim3A_1949 = vector.broadcast %and3A_1948 : i32 to vector<16xi32>
    %broadcast_in_dim3A_1950 = vector.shape_cast %broadcast_in_dim3A_1949 : vector<16xi32> to vector<16x1xi32>
    %gather3A_1951 = vector.shape_cast %broadcast_in_dim3A_1950 : vector<16x1xi32> to vector<16xi32>
    %gather3A_1952 = tpu.dynamic_gather %get3A_1946[%gather3A_1951] in [0] : vector<16xf32>, vector<16xi32> -> vector<16xf32>
    %eq3A_1953 = arith.constant 13 : i32
    %eq3A_1954 = vector.broadcast %eq3A_1953 : i32 to vector<16xi32>
    %eq3A_1955 = arith.cmpi eq, %iota3A, %eq3A_1954 : vector<16xi32>
    %select_n3A_1956 = arith.select %eq3A_1955, %gather3A_1952, %select_n3A_1937 : vector<16xi1>, vector<16xf32>
    %slice3A_1957 = vector.extract_strided_slice %get3A_1688 {offsets = [14], sizes = [1], strides = [1]} : vector<16xi32> to vector<1xi32>
    %squeeze3A_1958 = vector.extract %slice3A_1957[0] : i32 from vector<1xi32>
    %and3A_1959 = arith.constant 112 : i32
    %and3A_1960 = arith.andi %squeeze3A_1958, %and3A_1959 : i32
    %get3A_1961 = arith.constant 247 : i32
    %get3A_1962 = arith.index_cast %get3A_1961 : i32 to index
    %get3A_1963 = arith.index_cast %and3A_1960 : i32 to index
    %get3A_1964 = tpu.vector_load %arg8[%get3A_1962, %get3A_1963] {strides = array<i32>} : memref<256x128xf32, #tpu.memory_space<vmem>>, vector<1x16xf32>,
    %get3A_1965 = vector.shape_cast %get3A_1964 : vector<1x16xf32> to vector<16xf32>
    %and3A_1966 = arith.constant 15 : i32
    %and3A_1967 = arith.andi %squeeze3A_1958, %and3A_1966 : i32
    %broadcast_in_dim3A_1968 = vector.broadcast %and3A_1967 : i32 to vector<16xi32>
    %broadcast_in_dim3A_1969 = vector.shape_cast %broadcast_in_dim3A_1968 : vector<16xi32> to vector<16x1xi32>
    %gather3A_1970 = vector.shape_cast %broadcast_in_dim3A_1969 : vector<16x1xi32> to vector<16xi32>
    %gather3A_1971 = tpu.dynamic_gather %get3A_1965[%gather3A_1970] in [0] : vector<16xf32>, vector<16xi32> -> vector<16xf32>
    %eq3A_1972 = arith.constant 14 : i32
    %eq3A_1973 = vector.broadcast %eq3A_1972 : i32 to vector<16xi32>
    %eq3A_1974 = arith.cmpi eq, %iota3A, %eq3A_1973 : vector<16xi32>
    %select_n3A_1975 = arith.select %eq3A_1974, %gather3A_1971, %select_n3A_1956 : vector<16xi1>, vector<16xf32>
    %slice3A_1976 = vector.extract_strided_slice %get3A_1688 {offsets = [15], sizes = [1], strides = [1]} : vector<16xi32> to vector<1xi32>
    %squeeze3A_1977 = vector.extract %slice3A_1976[0] : i32 from vector<1xi32>
    %and3A_1978 = arith.constant 112 : i32
    %and3A_1979 = arith.andi %squeeze3A_1977, %and3A_1978 : i32
    %get3A_1980 = arith.constant 255 : i32
    %get3A_1981 = arith.index_cast %get3A_1980 : i32 to index
    %get3A_1982 = arith.index_cast %and3A_1979 : i32 to index
    %get3A_1983 = tpu.vector_load %arg8[%get3A_1981, %get3A_1982] {strides = array<i32>} : memref<256x128xf32, #tpu.memory_space<vmem>>, vector<1x16xf32>,
    %get3A_1984 = vector.shape_cast %get3A_1983 : vector<1x16xf32> to vector<16xf32>
    %and3A_1985 = arith.constant 15 : i32
    %and3A_1986 = arith.andi %squeeze3A_1977, %and3A_1985 : i32
    %broadcast_in_dim3A_1987 = vector.broadcast %and3A_1986 : i32 to vector<16xi32>
    %broadcast_in_dim3A_1988 = vector.shape_cast %broadcast_in_dim3A_1987 : vector<16xi32> to vector<16x1xi32>
    %gather3A_1989 = vector.shape_cast %broadcast_in_dim3A_1988 : vector<16x1xi32> to vector<16xi32>
    %gather3A_1990 = tpu.dynamic_gather %get3A_1984[%gather3A_1989] in [0] : vector<16xf32>, vector<16xi32> -> vector<16xf32>
    %eq3A_1991 = arith.constant 15 : i32
    %eq3A_1992 = vector.broadcast %eq3A_1991 : i32 to vector<16xi32>
    %eq3A_1993 = arith.cmpi eq, %iota3A, %eq3A_1992 : vector<16xi32>
    %select_n3A_1994 = arith.select %eq3A_1993, %gather3A_1990, %select_n3A_1975 : vector<16xi1>, vector<16xf32>
    %swap3A_1995 = arith.constant 2032 : index
    %swap3A_1996 = tpu.vector_load %arg6[%swap3A_1995] {strides = array<i32>} : memref<2048xf32, #tpu.memory_space<vmem>>, vector<16xf32>,
    %swap3A_1997 = vector.shape_cast %swap3A_1996 : vector<16xf32> to vector<16xf32>
    %swap3A_1998 = vector.shape_cast %select_n3A_1994 : vector<16xf32> to vector<16xf32>
    tpu.vector_store %arg6[%swap3A_1995], %swap3A_1998 {strides = array<i32>} : memref<2048xf32, #tpu.memory_space<vmem>>, vector<16xf32>,
    "tpu.region"() ({
      %run_scoped3A = tpu.sem_alloc : memref<!tpu.dma_semaphore, #tpu.memory_space<semaphore_mem>>
      %dma_start3A_1999 = tpu.memref_slice %arg4[%mul3A_2] : memref<65536xf32, #tpu.memory_space<hbm>> -> memref<2048xf32, #tpu.memory_space<hbm>>
      %dma_start3A_2000 = tpu.memref_slice %arg4[%mul3A_2] : memref<65536xf32, #tpu.memory_space<hbm>> -> memref<2048xf32, #tpu.memory_space<hbm>>
      tpu.enqueue_dma source(%arg6 : memref<2048xf32, #tpu.memory_space<vmem>>) target(%dma_start3A_2000 : memref<2048xf32, #tpu.memory_space<hbm>>) target_semaphore(%run_scoped3A : memref<!tpu.dma_semaphore, #tpu.memory_space<semaphore_mem>>)
      %dma_wait3A_2001 = tpu.memref_slice %arg4[%mul3A_2] : memref<65536xf32, #tpu.memory_space<hbm>> -> memref<2048xf32, #tpu.memory_space<hbm>>
      %dma_wait3A_2002 = tpu.memref_slice %arg4[%mul3A_2] : memref<65536xf32, #tpu.memory_space<hbm>> -> memref<2048xf32, #tpu.memory_space<hbm>>
      tpu.wait_dma2 semaphore(%run_scoped3A : memref<!tpu.dma_semaphore, #tpu.memory_space<semaphore_mem>>) src(%arg6 : memref<2048xf32, #tpu.memory_space<vmem>>) dst(%dma_wait3A_2002 : memref<2048xf32, #tpu.memory_space<hbm>>)
      tpu.yield
    }) : () -> ()
    return
  }
}

</mosaic_0001>

<sc_bundles>
// kernel: kernel.3.cloned.1.call-start
scs
__scs_entry_jumppad:
0x0: {  	(pc) =	sbr.rel $0x88, $3  }
0x1: {  	(tag) =	ssettag $0x0;
	lr =	simm.s32 $0x1  }
0x2: {  	[smem:$0x3F9F] =	sst lr;
	_ =	strace $0xD0000000  }
0x3: {  	_ = 	snop  }
0x4: {  	_ = 	snop  }
0x5: {  	_ = 	snop  }
0x6: {  	_ = 	snop  }
0x7: {  	_ = 	snop  }
__scs_overlays_trampoline_lowered:
0x8: {  	[smem:$0x3FAE] =	sst s0  }
0x9: {  	[smem:$0x3FAF] =	sst s1  }
0xa: {  	[smem:$0x3FB0] =	sst s2  }
0xb: {  	[smem:$0x3FB1] =	sst s3  }
0xc: {  	[smem:$0x3FB2] =	sst s4  }
0xd: {  	[smem:$0x3FB3] =	sst s5  }
0xe: {  	[smem:$0x3FB4] =	sst s6  }
0xf: {  	[smem:$0x3FB5] =	sst s7  }
0x10: {  	[smem:$0x3FB6] =	sst s8  }
0x11: {  	[smem:$0x3FB7] =	sst s9;
	s0 =	simm.s32 @!p0 $0x0  }
0x12: {  	s1 =	sld [smem:$0x3F9D];
	s0 =	simm.s32 @p0 $0x1  }
0x13: {  	[smem:$0x3FB8] =	sst s0;
	s0 =	simm.s32 @!p1 $0x0  }
0x14: {  	s2 =	sld [smem:$0x3F9C];
	s0 =	simm.s32 @p1 $0x1  }
0x15: {  	[smem:$0x3FB9] =	sst s0;
	s0 =	simm.s32 @!p2 $0x0  }
0x16: {  	s3 =	sld [smem:$0x3FDB];
	s0 =	simm.s32 @p2 $0x1  }
0x17: {  	s4 =	simm.s32 $0x1BF5;
	[smem:$0x3FBB] =	sst s0  }
0x18: {  	s0 =	sld [smem:$0x3F9E];
	_ =	swait.ge [sflag:s4], $0x0  }
0x19: {  	s7 =	sld [smem:$0x3F9F]  }
0x1a: {  	s8 =	sadd.s32 $0xFFFFE003, lr  }
0x1b: {  	s9 =	sadd.s32 $0xFFFFFEF7, lr;
	s5 =	simm.s32 $0xFFFFFFFF;
	p2 =	slt.u32 s8, $0xFFFFF086  }
0x1c: {  	p1 =	slt.u32 s9, $0xF7A;
	s5 =	simm.s32 @!p2 $0x0  }
0x1d: {  	s5 =	simm.s32 @p1 $0x1;
	p0 =	seq.s32 s7, s2  }
0x1e: {  	s7 =	smul.u32 @!p0 $0xF7A, s2;
	p2 =	seq.s32 @!p0 s5, $0x0  }
0x1f: {  	s9 =	smul.u32 $0xF7A, s1;
	s8 =	simm.s32 @!p0 $0x1BF5;
	p2 =	por !p2, p0  }
0x20: {  	[sflag:s8] =	ssyncset.s32 @!p0 $0xFFFFF086;
	s6 =	sadd.s32 @!p0 s3, s7;
	s7 =	simm.s32 @!p0 $0x108  }
0x21: {  	s3 =	sadd.s32 s3, s9;
	s6 =	sadd.s32 @!p0 $0x88, s6;
	s7 =	simm.s32 @p2 $0x1082  }
0x22: {  	[simem:s7], [sflag:s8] =	dma.local @!p0 [hbm:s6], $0xF7A  }
0x23: {  	s9 =	sor.u32 $0xD0000000, s2;
	s6 =	simm.s32 $0x108;
	_ =	swait.ge @!p0 [sflag:s8], $0x0  }
0x24: {  	s3 =	sadd.s32 $0x88, s3;
	s6 =	simm.s32 @!p1 $0x1082;
	[sflag:s4] =	ssyncset.s32 $0xFFFFF086  }
0x25: {  	[simem:s6], [sflag:s4] =	dma.local [hbm:s3], $0xF7A  }
0x26: {  	[smem:$0x3F9F] =	sst s1;
	(tag) =	ssettag s2;
	_ =	strace s9  }
0x27: {  	s1 =	sld [smem:$0x3FAF]  }
0x28: {  	s2 =	sld [smem:$0x3FB0]  }
0x29: {  	s4 =	sld [smem:$0x3FB2]  }
0x2a: {  	p0 =	seq.s32 s5, $0x0;
	s5 =	sld [smem:$0x3FB3]  }
0x2b: {  	s6 =	sld [smem:$0x3FB4]  }
0x2c: {  	s7 =	sld [smem:$0x3FB5]  }
0x2d: {  	s3 =	simm.s32 $0x108;
	s8 =	sld [smem:$0x3FB6]  }
0x2e: {  	s3 =	simm.s32 @!p0 $0x1082;
	s9 =	sld [smem:$0x3FB7]  }
0x2f: {  	lr =	sadd.s32 s0, s3;
	s0 =	sld [smem:$0x3FAE]  }
0x30: {  	s3 =	sld [smem:$0x3FB1]  }
0x31: {  	[smem:$0x3FBA] =	sst s10  }
0x32: {  	s10 =	sld [smem:$0x3FB8];
	_ =	sdelay $0x3  }
0x33: {  	p0 =	seq.s32 s10, $0x1;
	s10 =	sld [smem:$0x3FBA];
	_ =	sdelay $0x3  }
0x34: {  	[smem:$0x3FBA] =	sst s10  }
0x35: {  	s10 =	sld [smem:$0x3FB9];
	_ =	sdelay $0x3  }
0x36: {  	p1 =	seq.s32 s10, $0x1;
	s10 =	sld [smem:$0x3FBA];
	_ =	sdelay $0x3  }
0x37: {  	[smem:$0x3FBA] =	sst s10  }
0x38: {  	s10 =	sld [smem:$0x3FBB]  }
0x39: {  	_ = 	snop;
	(pc) =	sbr.ind lr, $3  }
0x3a: {  	_ = 	snop  }
0x3b: {  	_ = 	snop  }
0x3c: {  	p2 =	seq.s32 s10, $0x1;
	s10 =	sld [smem:$0x3FBA]  }
0x3d: {  	_ =	shalt  }
0x3e: {  	_ =	shalt  }
0x3f: {  	_ =	shalt  }
0x40: {  	_ =	shalt  }
0x41: {  	_ =	shalt  }
0x42: {  	_ =	shalt  }
0x43: {  	_ =	shalt  }
0x44: {  	_ =	shalt  }
0x45: {  	_ =	shalt  }
0x46: {  	_ =	shalt  }
0x47: {  	_ =	shalt  }
0x48: {  	_ =	shalt  }
0x49: {  	_ =	shalt  }
0x4a: {  	_ =	shalt  }
0x4b: {  	_ =	shalt  }
0x4c: {  	_ =	shalt  }
0x4d: {  	_ =	shalt  }
0x4e: {  	_ =	shalt  }
0x4f: {  	_ =	shalt  }
0x50: {  	_ =	shalt  }
0x51: {  	_ =	shalt  }
0x52: {  	_ =	shalt  }
0x53: {  	_ =	shalt  }
0x54: {  	_ =	shalt  }
0x55: {  	_ =	shalt  }
0x56: {  	_ =	shalt  }
0x57: {  	_ =	shalt  }
0x58: {  	_ =	shalt  }
0x59: {  	_ =	shalt  }
0x5a: {  	_ =	shalt  }
0x5b: {  	_ =	shalt  }
0x5c: {  	_ =	shalt  }
0x5d: {  	_ =	shalt  }
0x5e: {  	_ =	shalt  }
0x5f: {  	_ =	shalt  }
0x60: {  	_ =	shalt  }
0x61: {  	_ =	shalt  }
0x62: {  	_ =	shalt  }
0x63: {  	_ =	shalt  }
0x64: {  	_ =	shalt  }
0x65: {  	_ =	shalt  }
0x66: {  	_ =	shalt  }
0x67: {  	_ =	shalt  }
0x68: {  	_ =	shalt  }
0x69: {  	_ =	shalt  }
0x6a: {  	_ =	shalt  }
0x6b: {  	_ =	shalt  }
0x6c: {  	_ =	shalt  }
0x6d: {  	_ =	shalt  }
0x6e: {  	_ =	shalt  }
0x6f: {  	_ =	shalt  }
0x70: {  	_ =	shalt  }
0x71: {  	_ =	shalt  }
0x72: {  	_ =	shalt  }
0x73: {  	_ =	shalt  }
0x74: {  	_ =	shalt  }
0x75: {  	_ =	shalt  }
0x76: {  	_ =	shalt  }
0x77: {  	_ =	shalt  }
0x78: {  	_ =	shalt  }
0x79: {  	_ =	shalt  }
0x7a: {  	_ =	shalt  }
0x7b: {  	_ =	shalt  }
0x7c: {  	_ =	shalt  }
0x7d: {  	_ =	shalt  }
0x7e: {  	_ =	shalt  }
0x7f: {  	_ =	shalt  }
0x80: {  	_ =	shalt  }
0x81: {  	_ =	shalt  }
0x82: {  	_ =	shalt  }
0x83: {  	_ =	shalt  }
0x84: {  	_ =	shalt  }
0x85: {  	_ =	shalt  }
0x86: {  	_ =	shalt  }
0x87: {  	_ =	shalt  }
.Lfunc_end0:
.L_simem_size_0:
called_computation_lowered:
.L_overlay_start_0:
0x88: {  	s2 =	sld [smem:$0x3FD9]  }
0x89: {  	s3 =	sld [smem:$0x3FFE];
	_ =	sdelay $0x1  }
0x8a: {  	s1 =	srdreg.scid  }
0x8b: {  	s0 =	sand.u32 $0x1, s1  }
0x8c: {  	s17 =	sshll.u32 s0, $0xA;
	s2 =	sadd.s32 s3, s2  }
0x8d: {  	s2 =	sadd.s32 s2, s17  }
0x8e: {  	[smem:$0x3FC6] =	sst s2  }
0x8f: {  	_ = 	snop  }
0x90: {  	s2 =	sld [smem:$0x3FD0];
	(tm) =	ssettm $0x1  }
0x91: {  	s18 =	sld [smem:$0x3FFB];
	_ =	sdelay $0x3  }
0x92: {  	_ =	strace s18  }
0x93: {  	s3 =	sld [smem:$0x3FFC];
	_ =	sdelay $0x3  }
0x94: {  	_ =	strace s3  }
0x95: {  	s3 =	sld [smem:$0x3FFD];
	_ =	sdelay $0x3  }
0x96: {  	_ =	strace s3  }
0x97: {  	_ =	strace $0x8FFFFFFF  }
0x98: {  	s19 =	sld [smem:$0x3FDB];
	_ =	sdelay $0x1  }
0x99: {  	s4 =	simm.s32 $_scs_section_size  }
0x9a: {  	s5 =	simm.s32 $_size__tile_overlayer_lowered;
	s6 =	simm.s32 $_tile_overlayer_lowered  }
0x9b: {  	s22 =	simm.s32 $0x1BFF;
	s21 =	sshll.u32 s6, $0x1;
	s3 =	sadd.s32 s4, s19  }
0x9c: {  	s7 =	simm.s32 $0x0;
	s20 =	sshll.u32 s5, $0x1;
	s5 =	sadd.s32 s21, s3  }
0x9d: {  	[timem:s7], [sflag:s22] =	dma.local [hbm:s5], s20  }
0x9e: {  	_ =	swait.ge [sflag:s22], s20  }
0x9f: {  	s4 =	ssub.s32 $0x0, s20;
	[sflag:s22] =	ssyncset.done $0x0  }
0xa0: {  	[sflag:s22] =	ssyncadd.s32 s4;
	_ =	sdelay $0x1  }
0xa1: {  	s23 =	simm.s32 $0x1B8B  }
0xa2: {  	_ =	swait.ge [sflag:s23], $0x1  }
0xa3: {  	[sflag:s23] =	ssyncset.done $0x0  }
0xa4: {  	s25 =	simm.s32 $0x1B8E;
	s24 =	sld [smem:$0x3FFE];
	[sflag:s23] =	ssyncadd.s32 $0xFFFFFFFF  }
0xa5: {  	s26 =	simm.s32 $execute0_lowered;
	[smem:$0x3FD2] =	sst s25  }
0xa6: {  	s5 =	sshll.u32 s26, $0x1;
	_ =	strace $0x80000046;
	[dreg:$0x1] =	wrdreg $0xFFFFFFFF  }
0xa7: {  	s28 =	simm.s32 $_size_execute0_lowered;
	s3 =	sadd.s32 s3, s5;
	[dreg:$0x0] =	wrdreg $0x0  }
0xa8: {  	s5 =	sshll.u32 s28, $0x1;
	[dreg:$0x2] =	wrdreg s3  }
0xa9: {  	[dreg:$0x3] =	wrdreg s5  }
0xaa: {  	[dreg:$0x4] =	wrdreg $0xC0  }
0xab: {  	_ =	task [dreg:s7], $0x5FFFF  }
0xac: {  	[dreg:$0x1] =	wrdreg $0xFFFFFFFF  }
0xad: {  	[dreg:$0x0] =	wrdreg $0x60  }
0xae: {  	[dreg:$0x2] =	wrdreg s24  }
0xaf: {  	[dreg:$0x3] =	wrdreg s2  }
0xb0: {  	[dreg:$0x4] =	wrdreg $0x9  }
0xb1: {  	_ =	task.clear_ibuf [dreg:s7], $0x5FFFF;
	_ =	strace $0x90000046  }
0xb2: {  	s29 =	simm.s32 $0x9;
	_ =	strace $0x80000048  }
0xb3: {  	_ =	swait.ge [sflag:s29], $0x1  }
0xb4: {  	[sflag:s29] =	ssyncadd.s32 $0xFFFFFFFF  }
0xb5: {  	_ =	strace $0x90000048  }
0xb6: {  	_ =	sfence  }
0xb7: {  	s30 =	sld [smem:$0x0];
	_ =	sdelay $0x2  }
0xb8: {  	s31 =	sshll.u32 s1, $0xD;
	s1 =	sshrl.u32 s1, $0x2  }
0xb9: {  	s3 =	sand.u32 $0x4000, s31;
	s1 =	sadd.s32 s1, s30  }
0xba: {  	s0 =	sor.u32 s3, s0;
	s1 =	sshll.u32 s1, $0x11  }
0xbb: {  	s0 =	sor.u32 s1, s0  }
0xbc: {  	s0 =	sadd.s32 $0x8F2B, s0  }
0xbd: {  	[sflag:s0] =	ssyncadd.remote.s32 $0x1  }
0xbe: {  	_ =	sfence.sel $0xFFFF  }
0xbf: {  	[dreg:$0x0] =	wrdreg $0xFFFFFFFF;
	(pc) =	sbr.abs _section_cstart, $3  }
0xc0: {  	[dreg:$0x1] =	wrdreg $0xFFFFFFFF  }
0xc1: {  	_ =	task.clear_ibuf [dreg:s7], $0x2FFFF;
	_ =	strace $0x9FFFFFFF  }
0xc2: {  	(tm) =	ssettm $0x7FFFFFFF  }
0xc3: {  	_ =	shalt  }
tec
execute0_lowered:
.L_overlay_start_1:
0x0: {  	(tag) =	ssettag $0x1  }
0x1: {  	s0 =	rddreg [dreg:$0x0]  }
0x2: {  	s1 =	rddreg [dreg:$0x1]  }
0x3: {  	s2 =	simm.s32 $0x0;
	s3 =	srdreg.scid;
	s9 =	stileid.u32  }
0x4: {  	s19 =	simm.s32 $0x3;
	s10 =	simm.s32 $0x4000;
	s11 =	simm.s32 $0x4400  }
0x5: {  	s12 =	simm.s32 $0x4800;
	s13 =	simm.s32 $0x4C00;
	s14 =	simm.s32 $0x5000  }
0x6: {  	s15 =	simm.s32 $0x5400;
	s28 =	simm.s32 $0x6800;
	s29 =	simm.s32 $0x6C00  }
0x7: {  	s30 =	simm.s32 $0x7000;
	s31 =	simm.s32 $0x7400;
	s16 =	simm.s32 $0x1  }
0x8: {  	s17 =	simm.s32 $0x2;
	s18 =	simm.s32 $0x0;
	[smem:$0x7FF] =	sst s2  }
0x9: {  	s4 =	sand.u32 $0x1, s3;
	s20 =	sshll.u32 s9, $0x1;
	s21 =	sadd.s32 $0x400, s0  }
0xa: {  	s22 =	sshll.u32 s9, $0x6;
	s9 =	simm.s32 $0x3800;
	s3 =	simm.s32 $0x5800  }
0xb: {  	_ =	strace $0x80000047;
	s5 =	sor.u32 s4, s20;
	s7 =	ssub.s32 $0x2, s4  }
0xc: {  	s4 =	sshll.u32 s4, $0x5;
	[dreg:$0x8] =	wrdreg s21;
	s20 =	simm.s32 $0x1000  }
0xd: {  	[dreg:$0x9] =	wrdreg s18;
	s6 =	sshll.u32 s5, $0x8;
	s8 =	sshrl.u32 s7, $0x1  }
0xe: {  	s5 =	smul.u32 $0x61C00, s5;
	s24 =	sor.u32 s4, s22;
	s22 =	simm.s32 $0x1800  }
0xf: {  	s4 =	simm.s32 $0x2800;
	s0 =	sadd.s32 s6, s0;
	s7 =	ssub.s32 s7, s8  }
0x10: {  	s1 =	sadd.s32 s1, s6;
	s26 =	sor.u32 $0x1, s24;
	s6 =	simm.s32 $0x2C00  }
0x11: {  	s8 =	simm.s32 $0x3400;
	s24 =	simm.s32 $0x5C00;
	[dreg:$0x3] =	wrdreg s1  }
0x12: {  	vm0 =	vmmov $0x1;
	vm1 =	vmmov $0x3;
	vm2 =	vmmov $0x7;
	s23 =	sadd.s32 s21, s5;
	s0 =	sadd.s32 $0xC38400, s0;
	[dreg:$0x7] =	wrdreg s26  }
0x13: {  	vm3 =	vmmov $0xf;
	vm4 =	vmmov $0x1f;
	vm5 =	vmmov $0x3f;
	s25 =	smax.u32 s7, $0x1;
	s21 =	simm.s32 $0x1400;
	[dreg:$0x4] =	wrdreg s23  }
0x14: {  	vm6 =	vmmov $0x7f;
	vm7 =	vmmov $0xff;
	vm8 =	vmmov $0x1ff;
	s1 =	simm.s32 $0x2400;
	s7 =	simm.s32 $0x3000;
	[dreg:$0x5] =	wrdreg s0  }
0x15: {  	vm9 =	vmmov $0x3ff;
	vm10 =	vmmov $0x7ff;
	vm11 =	vmmov $0xfff;
	s5 =	simm.s32 $0x3C00;
	s26 =	simm.s32 $0x6400;
	[dreg:$0x6] =	wrdreg s25  }
0x16: {  	vm12 =	vmmov $0x1fff;
	vm13 =	vmmov $0x3fff;
	vm14 =	vmmov $0x7fff;
	s23 =	simm.s32 $0x1C00;
	s0 =	simm.s32 $0x2000;
	s25 =	simm.s32 $0x6000  }
.LBB2_1:
0x17: {  	s18 =	rddreg [dreg:$0x3]  }
0x18: {  	[tilespmem:s2], [sflag:$0x3] =	stream.linear.gather [hbm4b:s18+s2], $0x800, $0x38;
	[tilespmem:$0x11000] =	vst v63  }
0x19: {  	_ =	swait.ge [sflag:s19], $0x800  }
0x1a: {  	[sflag:s19] =	ssyncset.done $0x0  }
0x1b: {  	[sflag:s19] =	ssyncadd.s32 $0xFFFFF800  }
0x1c: {  	v0 =	vld [tilespmem:$0x0];
	_ =	sdelay $0x4  }
0x1d: {  	s19 =	rddreg [dreg:$0x4];
	v0 =	vand.u32 $0xFFFFFF80, v0  }
0x1e: {  	v0 =	vadd.s32 s19, v0  }
0x1f: {  	(v2sf) =	vpush v0, $0x0;
	_ =	sdelay $0x1  }
0x20: {  	(v2sf) =	vpush v0, $0x1;
	_ =	sdelay $0x1  }
0x21: {  	(v2sf) =	vpush v0, $0x2;
	_ =	sdelay $0x1  }
0x22: {  	(v2sf) =	vpush v0, $0x3;
	_ =	sdelay $0x1  }
0x23: {  	(v2sf) =	vpush v0, $0x4;
	_ =	sdelay $0x1  }
0x24: {  	(v2sf) =	vpush v0, $0x5;
	_ =	sdelay $0x1  }
0x25: {  	(v2sf) =	vpush v0, $0x6;
	_ =	sdelay $0x1  }
0x26: {  	(v2sf) =	vpush v0, $0x7  }
0x27: {  	s18 =	spop (v2sf)  }
0x28: {  	(v2sf) =	vpush v0, $0x8;
	[tilespmem:s20], [sflag:$0x1] =	stream.linear.gather [hbm4b:s18+s2], $0x400, $0x38;
	[tilespmem:$0x11000] =	vst v63  }
0x29: {  	s20 =	spop (v2sf)  }
0x2a: {  	(v2sf) =	vpush v0, $0x9;
	[tilespmem:s21], [sflag:$0x1] =	stream.linear.gather [hbm4b:s20+s2], $0x400, $0x38;
	[tilespmem:$0x11000] =	vst v63  }
0x2b: {  	s21 =	spop (v2sf)  }
0x2c: {  	(v2sf) =	vpush v0, $0xA;
	[tilespmem:s22], [sflag:$0x1] =	stream.linear.gather [hbm4b:s21+s2], $0x400, $0x38;
	[tilespmem:$0x11000] =	vst v63  }
0x2d: {  	s22 =	spop (v2sf)  }
0x2e: {  	(v2sf) =	vpush v0, $0xB;
	[tilespmem:s23], [sflag:$0x1] =	stream.linear.gather [hbm4b:s22+s2], $0x400, $0x38;
	[tilespmem:$0x11000] =	vst v63  }
0x2f: {  	s20 =	spop (v2sf)  }
0x30: {  	(v2sf) =	vpush v0, $0xC;
	[tilespmem:s0], [sflag:$0x1] =	stream.linear.gather [hbm4b:s20+s2], $0x400, $0x38;
	[tilespmem:$0x11000] =	vst v63  }
0x31: {  	s21 =	spop (v2sf)  }
0x32: {  	(v2sf) =	vpush v0, $0xD;
	[tilespmem:s1], [sflag:$0x1] =	stream.linear.gather [hbm4b:s21+s2], $0x400, $0x38;
	[tilespmem:$0x11000] =	vst v63  }
0x33: {  	s22 =	spop (v2sf)  }
0x34: {  	(v2sf) =	vpush v0, $0xE;
	[tilespmem:s4], [sflag:$0x1] =	stream.linear.gather [hbm4b:s22+s2], $0x400, $0x38;
	[tilespmem:$0x11000] =	vst v63  }
0x35: {  	s23 =	spop (v2sf)  }
0x36: {  	(v2sf) =	vpush v0, $0xF;
	[tilespmem:s6], [sflag:$0x1] =	stream.linear.gather [hbm4b:s23+s2], $0x400, $0x38;
	[tilespmem:$0x11000] =	vst v63  }
0x37: {  	s0 =	spop (v2sf)  }
0x38: {  	[tilespmem:s7], [sflag:$0x1] =	stream.linear.gather [hbm4b:s0+s2], $0x400, $0x38;
	[tilespmem:$0x11000] =	vst v63  }
0x39: {  	s1 =	spop (v2sf)  }
0x3a: {  	[tilespmem:s8], [sflag:$0x1] =	stream.linear.gather [hbm4b:s1+s2], $0x400, $0x38;
	[tilespmem:$0x11000] =	vst v63  }
0x3b: {  	s4 =	spop (v2sf)  }
0x3c: {  	[tilespmem:s9], [sflag:$0x1] =	stream.linear.gather [hbm4b:s4+s2], $0x400, $0x38;
	[tilespmem:$0x11000] =	vst v63  }
0x3d: {  	s6 =	spop (v2sf)  }
0x3e: {  	[tilespmem:s5], [sflag:$0x1] =	stream.linear.gather [hbm4b:s6+s2], $0x400, $0x38;
	[tilespmem:$0x11000] =	vst v63  }
0x3f: {  	s7 =	spop (v2sf)  }
0x40: {  	[tilespmem:s10], [sflag:$0x1] =	stream.linear.gather [hbm4b:s7+s2], $0x400, $0x38;
	[tilespmem:$0x11000] =	vst v63  }
0x41: {  	s8 =	spop (v2sf)  }
0x42: {  	[tilespmem:s11], [sflag:$0x1] =	stream.linear.gather [hbm4b:s8+s2], $0x400, $0x38;
	[tilespmem:$0x11000] =	vst v63  }
0x43: {  	s9 =	spop (v2sf)  }
0x44: {  	[tilespmem:s12], [sflag:$0x1] =	stream.linear.gather [hbm4b:s9+s2], $0x400, $0x38;
	[tilespmem:$0x11000] =	vst v63  }
0x45: {  	s10 =	spop (v2sf)  }
0x46: {  	[tilespmem:s13], [sflag:$0x1] =	stream.linear.gather [hbm4b:s10+s2], $0x400, $0x38;
	[tilespmem:$0x11000] =	vst v63  }
0x47: {  	v61 =	vld [tilespmem:$0x10];
	_ =	sdelay $0x4  }
0x48: {  	v0 =	vand.u32 $0xFFFFFF80, v61  }
0x49: {  	v0 =	vadd.s32 s19, v0  }
0x4a: {  	(v2sf) =	vpush v0, $0x0;
	_ =	sdelay $0x1  }
0x4b: {  	(v2sf) =	vpush v0, $0x1;
	_ =	sdelay $0x1  }
0x4c: {  	(v2sf) =	vpush v0, $0x2;
	_ =	sdelay $0x1  }
0x4d: {  	(v2sf) =	vpush v0, $0x3;
	_ =	sdelay $0x1  }
0x4e: {  	(v2sf) =	vpush v0, $0x4;
	_ =	sdelay $0x1  }
0x4f: {  	(v2sf) =	vpush v0, $0x5;
	_ =	sdelay $0x1  }
0x50: {  	(v2sf) =	vpush v0, $0x6;
	_ =	sdelay $0x1  }
0x51: {  	(v2sf) =	vpush v0, $0x7  }
0x52: {  	s11 =	spop (v2sf)  }
0x53: {  	(v2sf) =	vpush v0, $0x8;
	[tilespmem:s14], [sflag:$0x1] =	stream.linear.gather [hbm4b:s11+s2], $0x400, $0x38;
	[tilespmem:$0x11000] =	vst v63  }
0x54: {  	s12 =	spop (v2sf)  }
0x55: {  	(v2sf) =	vpush v0, $0x9;
	[tilespmem:s15], [sflag:$0x1] =	stream.linear.gather [hbm4b:s12+s2], $0x400, $0x38;
	[tilespmem:$0x11000] =	vst v63  }
0x56: {  	s13 =	spop (v2sf)  }
0x57: {  	(v2sf) =	vpush v0, $0xA;
	[tilespmem:s3], [sflag:$0x1] =	stream.linear.gather [hbm4b:s13+s2], $0x400, $0x38;
	[tilespmem:$0x11000] =	vst v63  }
0x58: {  	s14 =	spop (v2sf)  }
0x59: {  	(v2sf) =	vpush v0, $0xB;
	[tilespmem:s24], [sflag:$0x1] =	stream.linear.gather [hbm4b:s14+s2], $0x400, $0x38;
	[tilespmem:$0x11000] =	vst v63  }
0x5a: {  	s15 =	spop (v2sf)  }
0x5b: {  	(v2sf) =	vpush v0, $0xC;
	[tilespmem:s25], [sflag:$0x1] =	stream.linear.gather [hbm4b:s15+s2], $0x400, $0x38;
	[tilespmem:$0x11000] =	vst v63  }
0x5c: {  	s20 =	spop (v2sf)  }
0x5d: {  	(v2sf) =	vpush v0, $0xD;
	[tilespmem:s26], [sflag:$0x1] =	stream.linear.gather [hbm4b:s20+s2], $0x400, $0x38;
	[tilespmem:$0x11000] =	vst v63  }
0x5e: {  	s21 =	spop (v2sf)  }
0x5f: {  	(v2sf) =	vpush v0, $0xE;
	[tilespmem:s28], [sflag:$0x1] =	stream.linear.gather [hbm4b:s21+s2], $0x400, $0x38;
	[tilespmem:$0x11000] =	vst v63  }
0x60: {  	s22 =	spop (v2sf)  }
0x61: {  	(v2sf) =	vpush v0, $0xF;
	[tilespmem:s29], [sflag:$0x1] =	stream.linear.gather [hbm4b:s22+s2], $0x400, $0x38;
	[tilespmem:$0x11000] =	vst v63  }
0x62: {  	s23 =	spop (v2sf)  }
0x63: {  	[tilespmem:s30], [sflag:$0x1] =	stream.linear.gather [hbm4b:s23+s2], $0x400, $0x38;
	[tilespmem:$0x11000] =	vst v63  }
0x64: {  	s24 =	spop (v2sf)  }
0x65: {  	[tilespmem:s31], [sflag:$0x1] =	stream.linear.gather [hbm4b:s24+s2], $0x400, $0x38;
	[tilespmem:$0x11000] =	vst v63  }
0x66: {  	s26 =	simm.s32 $0x7800;
	s25 =	spop (v2sf)  }
0x67: {  	[tilespmem:s26], [sflag:$0x1] =	stream.linear.gather [hbm4b:s25+s2], $0x400, $0x38;
	[tilespmem:$0x11000] =	vst v63  }
0x68: {  	s1 =	simm.s32 $0x7C00;
	s0 =	spop (v2sf)  }
0x69: {  	[tilespmem:s1], [sflag:$0x1] =	stream.linear.gather [hbm4b:s0+s2], $0x400, $0x38;
	[tilespmem:$0x11000] =	vst v63  }
0x6a: {  	s4 =	simm.s32 $0x8000;
	s3 =	spop (v2sf)  }
0x6b: {  	[tilespmem:s4], [sflag:$0x1] =	stream.linear.gather [hbm4b:s3+s2], $0x400, $0x38;
	[tilespmem:$0x11000] =	vst v63  }
0x6c: {  	s6 =	simm.s32 $0x8400;
	s5 =	spop (v2sf)  }
0x6d: {  	[tilespmem:s6], [sflag:$0x1] =	stream.linear.gather [hbm4b:s5+s2], $0x400, $0x38;
	[tilespmem:$0x11000] =	vst v63  }
0x6e: {  	s8 =	simm.s32 $0x8800;
	s7 =	spop (v2sf)  }
0x6f: {  	[tilespmem:s8], [sflag:$0x1] =	stream.linear.gather [hbm4b:s7+s2], $0x400, $0x38;
	[tilespmem:$0x11000] =	vst v63  }
0x70: {  	s10 =	simm.s32 $0x8C00;
	s9 =	spop (v2sf)  }
0x71: {  	[tilespmem:s10], [sflag:$0x1] =	stream.linear.gather [hbm4b:s9+s2], $0x400, $0x38;
	[tilespmem:$0x11000] =	vst v63  }
0x72: {  	v62 =	vld [tilespmem:$0x20];
	_ =	sdelay $0x4  }
0x73: {  	v0 =	vand.u32 $0xFFFFFF80, v62  }
0x74: {  	v0 =	vadd.s32 s19, v0  }
0x75: {  	(v2sf) =	vpush v0, $0x0;
	_ =	sdelay $0x1  }
0x76: {  	(v2sf) =	vpush v0, $0x1;
	_ =	sdelay $0x1  }
0x77: {  	(v2sf) =	vpush v0, $0x2;
	_ =	sdelay $0x1  }
0x78: {  	(v2sf) =	vpush v0, $0x3;
	_ =	sdelay $0x1  }
0x79: {  	(v2sf) =	vpush v0, $0x4;
	_ =	sdelay $0x1  }
0x7a: {  	(v2sf) =	vpush v0, $0x5;
	_ =	sdelay $0x1  }
0x7b: {  	(v2sf) =	vpush v0, $0x6;
	_ =	sdelay $0x1  }
0x7c: {  	(v2sf) =	vpush v0, $0x7  }
0x7d: {  	s12 =	simm.s32 $0x9000;
	s11 =	spop (v2sf)  }
0x7e: {  	(v2sf) =	vpush v0, $0x8;
	[tilespmem:s12], [sflag:$0x2] =	stream.linear.gather [hbm4b:s11+s2], $0x400, $0x38;
	[tilespmem:$0x11000] =	vst v63  }
0x7f: {  	s14 =	simm.s32 $0x9400;
	s13 =	spop (v2sf)  }
0x80: {  	(v2sf) =	vpush v0, $0x9;
	[tilespmem:s14], [sflag:$0x2] =	stream.linear.gather [hbm4b:s13+s2], $0x400, $0x38;
	[tilespmem:$0x11000] =	vst v63  }
0x81: {  	s20 =	simm.s32 $0x9800;
	s15 =	spop (v2sf)  }
0x82: {  	(v2sf) =	vpush v0, $0xA;
	[tilespmem:s20], [sflag:$0x2] =	stream.linear.gather [hbm4b:s15+s2], $0x400, $0x38;
	[tilespmem:$0x11000] =	vst v63  }
0x83: {  	s22 =	simm.s32 $0x9C00;
	s21 =	spop (v2sf)  }
0x84: {  	(v2sf) =	vpush v0, $0xB;
	[tilespmem:s22], [sflag:$0x2] =	stream.linear.gather [hbm4b:s21+s2], $0x400, $0x38;
	[tilespmem:$0x11000] =	vst v63  }
0x85: {  	s24 =	simm.s32 $0xA000;
	s23 =	spop (v2sf)  }
0x86: {  	(v2sf) =	vpush v0, $0xC;
	[tilespmem:s24], [sflag:$0x2] =	stream.linear.gather [hbm4b:s23+s2], $0x400, $0x38;
	[tilespmem:$0x11000] =	vst v63  }
0x87: {  	s26 =	simm.s32 $0xA400;
	s25 =	spop (v2sf)  }
0x88: {  	(v2sf) =	vpush v0, $0xD;
	[tilespmem:s26], [sflag:$0x2] =	stream.linear.gather [hbm4b:s25+s2], $0x400, $0x38;
	[tilespmem:$0x11000] =	vst v63  }
0x89: {  	s1 =	simm.s32 $0xA800;
	s0 =	spop (v2sf)  }
0x8a: {  	(v2sf) =	vpush v0, $0xE;
	[tilespmem:s1], [sflag:$0x2] =	stream.linear.gather [hbm4b:s0+s2], $0x400, $0x38;
	[tilespmem:$0x11000] =	vst v63  }
0x8b: {  	s4 =	simm.s32 $0xAC00;
	s3 =	spop (v2sf)  }
0x8c: {  	(v2sf) =	vpush v0, $0xF;
	[tilespmem:s4], [sflag:$0x2] =	stream.linear.gather [hbm4b:s3+s2], $0x400, $0x38;
	[tilespmem:$0x11000] =	vst v63  }
0x8d: {  	s6 =	simm.s32 $0xB000;
	s5 =	spop (v2sf)  }
0x8e: {  	[tilespmem:s6], [sflag:$0x2] =	stream.linear.gather [hbm4b:s5+s2], $0x400, $0x38;
	[tilespmem:$0x11000] =	vst v63  }
0x8f: {  	s8 =	simm.s32 $0xB400;
	s7 =	spop (v2sf)  }
0x90: {  	[tilespmem:s8], [sflag:$0x2] =	stream.linear.gather [hbm4b:s7+s2], $0x400, $0x38;
	[tilespmem:$0x11000] =	vst v63  }
0x91: {  	s10 =	simm.s32 $0xB800;
	s9 =	spop (v2sf)  }
0x92: {  	[tilespmem:s10], [sflag:$0x2] =	stream.linear.gather [hbm4b:s9+s2], $0x400, $0x38;
	[tilespmem:$0x11000] =	vst v63  }
0x93: {  	s12 =	simm.s32 $0xBC00;
	s11 =	spop (v2sf)  }
0x94: {  	[tilespmem:s12], [sflag:$0x2] =	stream.linear.gather [hbm4b:s11+s2], $0x400, $0x38;
	[tilespmem:$0x11000] =	vst v63  }
0x95: {  	s14 =	simm.s32 $0xC000;
	s13 =	spop (v2sf)  }
0x96: {  	[tilespmem:s14], [sflag:$0x2] =	stream.linear.gather [hbm4b:s13+s2], $0x400, $0x38;
	[tilespmem:$0x11000] =	vst v63  }
0x97: {  	s20 =	simm.s32 $0xC400;
	s15 =	spop (v2sf)  }
0x98: {  	[tilespmem:s20], [sflag:$0x2] =	stream.linear.gather [hbm4b:s15+s2], $0x400, $0x38;
	[tilespmem:$0x11000] =	vst v63  }
0x99: {  	s22 =	simm.s32 $0xC800;
	s21 =	spop (v2sf)  }
0x9a: {  	[tilespmem:s22], [sflag:$0x2] =	stream.linear.gather [hbm4b:s21+s2], $0x400, $0x38;
	[tilespmem:$0x11000] =	vst v63  }
0x9b: {  	s24 =	simm.s32 $0xCC00;
	s23 =	spop (v2sf)  }
0x9c: {  	[tilespmem:s24], [sflag:$0x2] =	stream.linear.gather [hbm4b:s23+s2], $0x400, $0x38;
	[tilespmem:$0x11000] =	vst v63  }
0x9d: {  	v63 =	vld [tilespmem:$0x30];
	_ =	sdelay $0x4  }
0x9e: {  	v0 =	vand.u32 $0xFFFFFF80, v63  }
0x9f: {  	v0 =	vadd.s32 s19, v0  }
0xa0: {  	(v2sf) =	vpush v0, $0x0;
	_ =	sdelay $0x1  }
0xa1: {  	(v2sf) =	vpush v0, $0x1;
	_ =	sdelay $0x1  }
0xa2: {  	(v2sf) =	vpush v0, $0x2;
	_ =	sdelay $0x1  }
0xa3: {  	(v2sf) =	vpush v0, $0x3;
	_ =	sdelay $0x1  }
0xa4: {  	(v2sf) =	vpush v0, $0x4;
	_ =	sdelay $0x1  }
0xa5: {  	(v2sf) =	vpush v0, $0x5;
	_ =	sdelay $0x1  }
0xa6: {  	(v2sf) =	vpush v0, $0x6;
	_ =	sdelay $0x1  }
0xa7: {  	(v2sf) =	vpush v0, $0x7  }
0xa8: {  	s18 =	simm.s32 $0x820;
	s26 =	simm.s32 $0xD000;
	s25 =	spop (v2sf)  }
0xa9: {  	(v2sf) =	vpush v0, $0x8;
	[tilespmem:s26], [sflag:$0x2] =	stream.linear.gather [hbm4b:s25+s2], $0x400, $0x38;
	[tilespmem:$0x11000] =	vst v63  }
0xaa: {  	s28 =	rddreg [dreg:$0x8];
	s1 =	simm.s32 $0xD400;
	s0 =	spop (v2sf)  }
0xab: {  	(v2sf) =	vpush v0, $0x9;
	[tilespmem:s1], [sflag:$0x2] =	stream.linear.gather [hbm4b:s0+s2], $0x400, $0x38;
	[tilespmem:$0x11000] =	vst v63  }
0xac: {  	s29 =	simm.s32 $0x5C00;
	s4 =	simm.s32 $0xD800;
	s3 =	spop (v2sf)  }
0xad: {  	(v2sf) =	vpush v0, $0xA;
	[tilespmem:s4], [sflag:$0x2] =	stream.linear.gather [hbm4b:s3+s2], $0x400, $0x38;
	[tilespmem:$0x11000] =	vst v63  }
0xae: {  	s30 =	simm.s32 $0x6000;
	s6 =	simm.s32 $0xDC00;
	s5 =	spop (v2sf)  }
0xaf: {  	(v2sf) =	vpush v0, $0xB;
	[tilespmem:s6], [sflag:$0x2] =	stream.linear.gather [hbm4b:s5+s2], $0x400, $0x38;
	[tilespmem:$0x11000] =	vst v63  }
0xb0: {  	s31 =	simm.s32 $0x6400;
	s8 =	simm.s32 $0xE000;
	s7 =	spop (v2sf)  }
0xb1: {  	(v2sf) =	vpush v0, $0xC;
	[tilespmem:s8], [sflag:$0x2] =	stream.linear.gather [hbm4b:s7+s2], $0x400, $0x38;
	[tilespmem:$0x11000] =	vst v63  }
0xb2: {  	s10 =	simm.s32 $0xE400;
	s12 =	simm.s32 $0xE800;
	s9 =	spop (v2sf)  }
0xb3: {  	(v2sf) =	vpush v0, $0xD;
	[tilespmem:s10], [sflag:$0x2] =	stream.linear.gather [hbm4b:s9+s2], $0x400, $0x38;
	[tilespmem:$0x11000] =	vst v63  }
0xb4: {  	s14 =	simm.s32 $0xEC00;
	s19 =	simm.s32 $0xF000;
	s11 =	spop (v2sf)  }
0xb5: {  	(v2sf) =	vpush v0, $0xE;
	[tilespmem:s12], [sflag:$0x2] =	stream.linear.gather [hbm4b:s11+s2], $0x400, $0x38;
	[tilespmem:$0x11000] =	vst v63  }
0xb6: {  	s0 =	simm.s32 $0x6800;
	s1 =	simm.s32 $0x6C00;
	s13 =	spop (v2sf)  }
0xb7: {  	(v2sf) =	vpush v0, $0xF;
	[tilespmem:s14], [sflag:$0x2] =	stream.linear.gather [hbm4b:s13+s2], $0x400, $0x38;
	[tilespmem:$0x11000] =	vst v63  }
0xb8: {  	s3 =	simm.s32 $0x5800;
	s4 =	simm.s32 $0x7000;
	s15 =	spop (v2sf)  }
0xb9: {  	[tilespmem:s19], [sflag:$0x2] =	stream.linear.gather [hbm4b:s15+s2], $0x400, $0x38;
	[tilespmem:$0x11000] =	vst v63  }
0xba: {  	s5 =	simm.s32 $0xFC00;
	s8 =	simm.s32 $0xF400;
	s20 =	spop (v2sf)  }
0xbb: {  	[tilespmem:s8], [sflag:$0x2] =	stream.linear.gather [hbm4b:s20+s2], $0x400, $0x38;
	[tilespmem:$0x11000] =	vst v63  }
0xbc: {  	s6 =	simm.s32 $0x7400;
	s9 =	simm.s32 $0xF800;
	s21 =	spop (v2sf)  }
0xbd: {  	[tilespmem:s9], [sflag:$0x2] =	stream.linear.gather [hbm4b:s21+s2], $0x400, $0x38;
	[tilespmem:$0x11000] =	vst v63  }
0xbe: {  	s7 =	simm.s32 $0x10800;
	s10 =	simm.s32 $0x10000;
	s22 =	spop (v2sf)  }
0xbf: {  	[tilespmem:s5], [sflag:$0x2] =	stream.linear.gather [hbm4b:s22+s2], $0x400, $0x38;
	[tilespmem:$0x11000] =	vst v63  }
0xc0: {  	s11 =	simm.s32 $0x10400;
	s12 =	simm.s32 $0x10C00;
	s23 =	spop (v2sf)  }
0xc1: {  	[tilespmem:s10], [sflag:$0x2] =	stream.linear.gather [hbm4b:s23+s2], $0x400, $0x38;
	[tilespmem:$0x11000] =	vst v63  }
0xc2: {  	s13 =	simm.s32 $0x4C00;
	s14 =	simm.s32 $0x5000;
	s24 =	spop (v2sf)  }
0xc3: {  	[tilespmem:s11], [sflag:$0x2] =	stream.linear.gather [hbm4b:s24+s2], $0x400, $0x38;
	[tilespmem:$0x11000] =	vst v63  }
0xc4: {  	s19 =	simm.s32 $0x40;
	s15 =	simm.s32 $0x5400;
	s25 =	spop (v2sf)  }
0xc5: {  	[tilespmem:s7], [sflag:$0x2] =	stream.linear.gather [hbm4b:s25+s2], $0x400, $0x38;
	[tilespmem:$0x11000] =	vst v63  }
0xc6: {  	s20 =	rddreg [dreg:$0x7];
	s21 =	simm.s32 $0x0;
	s26 =	spop (v2sf)  }
0xc7: {  	[tilespmem:s12], [sflag:$0x2] =	stream.linear.gather [hbm4b:s26+s2], $0x400, $0x38;
	[tilespmem:$0x11000] =	vst v63  }
.LBB2_2:
0xc8: {  	_ =	swait.ge [sflag:s16], $0x8000  }
0xc9: {  	[sflag:s16] =	ssyncset.done $0x0  }
0xca: {  	[sflag:s16] =	ssyncadd.s32 $0xFFFF8000  }
0xcb: {  	v0 =	vld [tilespmem:s19+$0xFFFFFFC0];
	_ =	sdelay $0x4  }
0xcc: {  	(v2sf) =	vpush v0, $0x0  }
0xcd: {  	(v2sf) =	vpush v0, $0x1  }
0xce: {  	(v2sf) =	vpush v0, $0x2  }
0xcf: {  	(v2sf) =	vpush v0, $0x3  }
0xd0: {  	(v2sf) =	vpush v0, $0x4  }
0xd1: {  	(v2sf) =	vpush v0, $0x5  }
0xd2: {  	(v2sf) =	vpush v0, $0x6  }
0xd3: {  	(v2sf) =	vpush v0, $0x7  }
0xd4: {  	(v2sf) =	vpush v0, $0x8  }
0xd5: {  	(v2sf) =	vpush v0, $0x9  }
0xd6: {  	(v2sf) =	vpush v0, $0xA  }
0xd7: {  	(v2sf) =	vpush v0, $0xB  }
0xd8: {  	(v2sf) =	vpush v0, $0xC  }
0xd9: {  	(v2sf) =	vpush v0, $0xD  }
0xda: {  	s22 =	sshrl.u32 s21, $0x2;
	(v2sf) =	vpush v0, $0xE  }
0xdb: {  	s23 =	sand.u32 $0x380, s22;
	s24 =	spop (v2sf);
	(v2sf) =	vpush v0, $0xF  }
0xdc: {  	s22 =	sor.u32 $0x1000, s23;
	s24 =	sand.u32 $0x70, s24;
	s25 =	spop (v2sf)  }
0xdd: {  	s24 =	sor.u32 s24, s22;
	s25 =	sand.u32 $0x70, s25;
	s26 =	spop (v2sf)  }
0xde: {  	v1 =	vld [tilespmem:s24+$0x0];
	s24 =	sor.u32 s25, s22;
	s25 =	sand.u32 $0x70, s26;
	s26 =	spop (v2sf)  }
0xdf: {  	v2 =	vld [tilespmem:s24+$0x400];
	s24 =	sor.u32 s25, s22;
	s25 =	sand.u32 $0x70, s26;
	s26 =	spop (v2sf)  }
0xe0: {  	v3 =	vld [tilespmem:s24+$0x800];
	s24 =	sor.u32 s25, s22;
	s25 =	sand.u32 $0x70, s26;
	s26 =	spop (v2sf)  }
0xe1: {  	v5 =	vld [tilespmem:s24+$0xC00];
	s24 =	sor.u32 s25, s22;
	s25 =	sand.u32 $0x70, s26;
	s26 =	spop (v2sf)  }
0xe2: {  	v4 =	vbroadcast v0, $0x0;
	v6 =	vbroadcast v0, $0x1;
	v7 =	vld [tilespmem:s24+$0x1000];
	s24 =	sor.u32 s25, s22;
	s25 =	sand.u32 $0x70, s26;
	s26 =	spop (v2sf)  }
0xe3: {  	v56 =	vbroadcast v0, $0x2;
	v57 =	vbroadcast v0, $0x3;
	v8 =	vld [tilespmem:s24+$0x1400];
	s24 =	sor.u32 s25, s22;
	s25 =	sand.u32 $0x70, s26;
	s26 =	spop (v2sf)  }
0xe4: {  	v1 =	vperm.xlane v1, v4;
	v2 =	vperm.xlane v2, v6;
	v9 =	vld [tilespmem:s24+$0x1800];
	s24 =	sor.u32 s25, s22;
	s25 =	sand.u32 $0x70, s26;
	s26 =	spop (v2sf)  }
0xe5: {  	v58 =	vbroadcast v0, $0x4;
	v3 =	vperm.xlane v3, v56;
	v10 =	vld [tilespmem:s24+$0x1C00];
	s24 =	sor.u32 s25, s22;
	s25 =	sand.u32 $0x70, s26;
	s26 =	spop (v2sf)  }
0xe6: {  	v60 =	vbroadcast v0, $0x5;
	v1 =	vsel vm0, v1, v2;
	v59 =	vperm.xlane v5, v57;
	v61 =	vld [tilespmem:s24+$0x2000];
	s24 =	sor.u32 s25, s22;
	s25 =	sand.u32 $0x70, s26;
	s26 =	spop (v2sf)  }
0xe7: {  	v63 =	vbroadcast v0, $0x6;
	v1 =	vsel vm1, v1, v3;
	v62 =	vperm.xlane v7, v58;
	v12 =	vld [tilespmem:s24+$0x2400];
	s24 =	sor.u32 s25, s22;
	s25 =	sand.u32 $0x70, s26;
	s26 =	spop (v2sf)  }
0xe8: {  	v14 =	vbroadcast v0, $0x7;
	v1 =	vsel vm2, v1, v59;
	v13 =	vperm.xlane v8, v60;
	v15 =	vld [tilespmem:s24+$0x2800];
	s24 =	sor.u32 s25, s22;
	s25 =	sand.u32 $0x70, s26;
	s26 =	spop (v2sf)  }
0xe9: {  	v17 =	vbroadcast v0, $0x8;
	v1 =	vsel vm3, v1, v62;
	v16 =	vperm.xlane v9, v63;
	v18 =	vld [tilespmem:s24+$0x2C00];
	s24 =	sor.u32 s25, s22;
	s25 =	sand.u32 $0x70, s26;
	s26 =	spop (v2sf)  }
0xea: {  	v20 =	vbroadcast v0, $0x9;
	v1 =	vsel vm4, v1, v13;
	v19 =	vperm.xlane v10, v14;
	v21 =	vld [tilespmem:s24+$0x3000];
	s24 =	sor.u32 s25, s22;
	s25 =	sand.u32 $0x70, s26;
	s26 =	spop (v2sf)  }
0xeb: {  	v23 =	vbroadcast v0, $0xA;
	v1 =	vsel vm5, v1, v16;
	v22 =	vperm.xlane v61, v17;
	v24 =	vld [tilespmem:s24+$0x3400];
	s25 =	sor.u32 s25, s22;
	s26 =	sand.u32 $0x70, s26  }
0xec: {  	v26 =	vbroadcast v0, $0xB;
	v1 =	vsel vm6, v1, v19;
	v25 =	vperm.xlane v12, v20;
	v27 =	vld [tilespmem:s25+$0x3800];
	s26 =	sor.u32 s26, s22  }
0xed: {  	v29 =	vbroadcast v0, $0xC;
	v1 =	vsel vm7, v1, v22;
	v28 =	vperm.xlane v15, v23;
	v30 =	vld [tilespmem:s26+$0x3C00]  }
0xee: {  	v32 =	vbroadcast v0, $0xD;
	v1 =	vsel vm8, v1, v25;
	v31 =	vperm.xlane v18, v26  }
0xef: {  	v34 =	vbroadcast v0, $0xE;
	v1 =	vsel vm9, v1, v28;
	v33 =	vperm.xlane v21, v29  }
0xf0: {  	v0 =	vbroadcast v0, $0xF;
	v1 =	vsel vm10, v1, v31;
	v35 =	vperm.xlane v24, v32  }
0xf1: {  	v1 =	vsel vm11, v1, v33;
	v36 =	vperm.xlane v27, v34  }
0xf2: {  	v1 =	vsel vm12, v1, v35;
	v0 =	vperm.xlane v30, v0  }
0xf3: {  	v1 =	vsel vm13, v1, v36  }
0xf4: {  	v0 =	vsel vm14, v1, v0  }
0xf5: {  	[tilespmem:s18+$0xFFFFFFE0] =	vst v0  }
0xf6: {  	v0 =	vld [tilespmem:s19+$0xFFFFFFD0];
	_ =	sdelay $0x4  }
0xf7: {  	(v2sf) =	vpush v0, $0x0  }
0xf8: {  	(v2sf) =	vpush v0, $0x1  }
0xf9: {  	(v2sf) =	vpush v0, $0x2  }
0xfa: {  	(v2sf) =	vpush v0, $0x3  }
0xfb: {  	(v2sf) =	vpush v0, $0x4  }
0xfc: {  	(v2sf) =	vpush v0, $0x5  }
0xfd: {  	(v2sf) =	vpush v0, $0x6  }
0xfe: {  	(v2sf) =	vpush v0, $0x7  }
0xff: {  	(v2sf) =	vpush v0, $0x8  }
0x100: {  	(v2sf) =	vpush v0, $0x9  }
0x101: {  	(v2sf) =	vpush v0, $0xA  }
0x102: {  	(v2sf) =	vpush v0, $0xB  }
0x103: {  	(v2sf) =	vpush v0, $0xC  }
0x104: {  	(v2sf) =	vpush v0, $0xD  }
0x105: {  	(v2sf) =	vpush v0, $0xE  }
0x106: {  	s25 =	spop (v2sf);
	(v2sf) =	vpush v0, $0xF  }
0x107: {  	s24 =	sand.u32 $0x70, s25;
	s26 =	spop (v2sf)  }
0x108: {  	s24 =	sor.u32 s24, s22;
	s25 =	sand.u32 $0x70, s26;
	s26 =	spop (v2sf)  }
0x109: {  	v37 =	vld [tilespmem:s24+$0x4000];
	s24 =	sor.u32 s25, s22;
	s25 =	sand.u32 $0x70, s26;
	s26 =	spop (v2sf)  }
0x10a: {  	v38 =	vld [tilespmem:s24+$0x4400];
	s24 =	sor.u32 s25, s22;
	s25 =	sand.u32 $0x70, s26;
	s26 =	spop (v2sf)  }
0x10b: {  	v39 =	vld [tilespmem:s24+$0x4800];
	s24 =	sor.u32 s25, s22;
	s25 =	sand.u32 $0x70, s26;
	s26 =	spop (v2sf)  }
0x10c: {  	v41 =	vld [tilespmem:s24+$0x4C00];
	s24 =	sor.u32 s25, s22;
	s25 =	sand.u32 $0x70, s26;
	s26 =	spop (v2sf)  }
0x10d: {  	v40 =	vbroadcast v0, $0x0;
	v42 =	vbroadcast v0, $0x1;
	v43 =	vld [tilespmem:s24+$0x5000];
	s24 =	sor.u32 s25, s22;
	s25 =	sand.u32 $0x70, s26;
	s26 =	spop (v2sf)  }
0x10e: {  	v44 =	vbroadcast v0, $0x2;
	v46 =	vbroadcast v0, $0x3;
	v45 =	vld [tilespmem:s24+$0x5400];
	s24 =	sor.u32 s25, s22;
	s25 =	sand.u32 $0x70, s26;
	s26 =	spop (v2sf)  }
0x10f: {  	v1 =	vperm.xlane v37, v40;
	v2 =	vperm.xlane v38, v42;
	v47 =	vld [tilespmem:s24+$0x5800];
	s24 =	sor.u32 s25, s22;
	s25 =	sand.u32 $0x70, s26;
	s26 =	spop (v2sf)  }
0x110: {  	v48 =	vbroadcast v0, $0x4;
	v3 =	vperm.xlane v39, v44;
	v49 =	vld [tilespmem:s24+$0x5C00];
	s24 =	sor.u32 s25, s22;
	s25 =	sand.u32 $0x70, s26;
	s26 =	spop (v2sf)  }
0x111: {  	v51 =	vbroadcast v0, $0x5;
	v1 =	vsel vm0, v1, v2;
	v50 =	vperm.xlane v41, v46;
	v52 =	vld [tilespmem:s24+$0x6000];
	s24 =	sor.u32 s25, s22;
	s25 =	sand.u32 $0x70, s26;
	s26 =	spop (v2sf)  }
0x112: {  	v54 =	vbroadcast v0, $0x6;
	v1 =	vsel vm1, v1, v3;
	v53 =	vperm.xlane v43, v48;
	v55 =	vld [tilespmem:s24+$0x6400];
	s24 =	sor.u32 s25, s22;
	s25 =	sand.u32 $0x70, s26;
	s26 =	spop (v2sf)  }
0x113: {  	v57 =	vbroadcast v0, $0x7;
	v1 =	vsel vm2, v1, v50;
	v56 =	vperm.xlane v45, v51;
	v58 =	vld [tilespmem:s24+$0x6800];
	s24 =	sor.u32 s25, s22;
	s25 =	sand.u32 $0x70, s26;
	s26 =	spop (v2sf)  }
0x114: {  	v60 =	vbroadcast v0, $0x8;
	v1 =	vsel vm3, v1, v53;
	v59 =	vperm.xlane v47, v54;
	v61 =	vld [tilespmem:s24+$0x6C00];
	s24 =	sor.u32 s25, s22;
	s25 =	sand.u32 $0x70, s26;
	s26 =	spop (v2sf)  }
0x115: {  	v63 =	vbroadcast v0, $0x9;
	v1 =	vsel vm4, v1, v56;
	v62 =	vperm.xlane v49, v57;
	v12 =	vld [tilespmem:s24+$0x7000];
	s24 =	sor.u32 s25, s22;
	s25 =	sand.u32 $0x70, s26;
	s26 =	spop (v2sf)  }
0x116: {  	v14 =	vbroadcast v0, $0xA;
	v1 =	vsel vm5, v1, v59;
	v13 =	vperm.xlane v52, v60;
	v15 =	vld [tilespmem:s24+$0x7400];
	s25 =	sor.u32 s25, s22;
	s26 =	sand.u32 $0x70, s26  }
0x117: {  	v17 =	vbroadcast v0, $0xB;
	v1 =	vsel vm6, v1, v62;
	v16 =	vperm.xlane v55, v63;
	v18 =	vld [tilespmem:s25+$0x7800];
	s22 =	sor.u32 s26, s22  }
0x118: {  	v20 =	vbroadcast v0, $0xC;
	v1 =	vsel vm7, v1, v13;
	v19 =	vperm.xlane v58, v14;
	v21 =	vld [tilespmem:s22+$0x7C00]  }
0x119: {  	v23 =	vbroadcast v0, $0xD;
	v1 =	vsel vm8, v1, v16;
	v22 =	vperm.xlane v61, v17  }
0x11a: {  	v25 =	vbroadcast v0, $0xE;
	v1 =	vsel vm9, v1, v19;
	v24 =	vperm.xlane v12, v20  }
0x11b: {  	v0 =	vbroadcast v0, $0xF;
	v1 =	vsel vm10, v1, v22;
	v26 =	vperm.xlane v15, v23  }
0x11c: {  	v1 =	vsel vm11, v1, v24;
	v27 =	vperm.xlane v18, v25  }
0x11d: {  	v1 =	vsel vm12, v1, v26;
	v0 =	vperm.xlane v21, v0  }
0x11e: {  	v1 =	vsel vm13, v1, v27  }
0x11f: {  	v0 =	vsel vm14, v1, v0  }
0x120: {  	[tilespmem:s18+$0xFFFFFFF0] =	vst v0  }
0x121: {  	v0 =	vld [tilespmem:s19+$0x0];
	_ =	sdelay $0x1  }
0x122: {  	s24 =	sshrl.u32 s20, $0x3  }
0x123: {  	s22 =	smul.u32 $0x18700, s24;
	_ =	sdelay $0x1  }
0x124: {  	s22 =	sadd.s32 s28, s22;
	v0 =	vand.u32 $0xFFFFFF80, v0  }
0x125: {  	v0 =	vadd.s32 s22, v0  }
0x126: {  	(v2sf) =	vpush v0, $0x0;
	_ =	sdelay $0x1  }
0x127: {  	(v2sf) =	vpush v0, $0x1;
	_ =	sdelay $0x1  }
0x128: {  	(v2sf) =	vpush v0, $0x2;
	_ =	sdelay $0x1  }
0x129: {  	(v2sf) =	vpush v0, $0x3;
	_ =	sdelay $0x1  }
0x12a: {  	(v2sf) =	vpush v0, $0x4;
	_ =	sdelay $0x1  }
0x12b: {  	(v2sf) =	vpush v0, $0x5;
	_ =	sdelay $0x1  }
0x12c: {  	(v2sf) =	vpush v0, $0x6;
	_ =	sdelay $0x1  }
0x12d: {  	(v2sf) =	vpush v0, $0x7  }
0x12e: {  	s26 =	simm.s32 $0x1000;
	s25 =	spop (v2sf)  }
0x12f: {  	(v2sf) =	vpush v0, $0x8;
	[tilespmem:s26], [sflag:$0x1] =	stream.linear.gather [hbm4b:s25+s2], $0x400, $0x38;
	[tilespmem:$0x11000] =	vst v63  }
0x130: {  	s25 =	spop (v2sf);
	s26 =	simm.s32 $0x1400  }
0x131: {  	(v2sf) =	vpush v0, $0x9;
	[tilespmem:s26], [sflag:$0x1] =	stream.linear.gather [hbm4b:s25+s2], $0x400, $0x38;
	[tilespmem:$0x11000] =	vst v63  }
0x132: {  	s25 =	spop (v2sf);
	s26 =	simm.s32 $0x1800  }
0x133: {  	(v2sf) =	vpush v0, $0xA;
	[tilespmem:s26], [sflag:$0x1] =	stream.linear.gather [hbm4b:s25+s2], $0x400, $0x38;
	[tilespmem:$0x11000] =	vst v63  }
0x134: {  	s25 =	spop (v2sf);
	s26 =	simm.s32 $0x1C00  }
0x135: {  	(v2sf) =	vpush v0, $0xB;
	[tilespmem:s26], [sflag:$0x1] =	stream.linear.gather [hbm4b:s25+s2], $0x400, $0x38;
	[tilespmem:$0x11000] =	vst v63  }
0x136: {  	s25 =	spop (v2sf);
	s26 =	simm.s32 $0x2000  }
0x137: {  	(v2sf) =	vpush v0, $0xC;
	[tilespmem:s26], [sflag:$0x1] =	stream.linear.gather [hbm4b:s25+s2], $0x400, $0x38;
	[tilespmem:$0x11000] =	vst v63  }
0x138: {  	s25 =	spop (v2sf);
	s26 =	simm.s32 $0x2400  }
0x139: {  	(v2sf) =	vpush v0, $0xD;
	[tilespmem:s26], [sflag:$0x1] =	stream.linear.gather [hbm4b:s25+s2], $0x400, $0x38;
	[tilespmem:$0x11000] =	vst v63  }
0x13a: {  	s25 =	spop (v2sf);
	s26 =	simm.s32 $0x2800  }
0x13b: {  	(v2sf) =	vpush v0, $0xE;
	[tilespmem:s26], [sflag:$0x1] =	stream.linear.gather [hbm4b:s25+s2], $0x400, $0x38;
	[tilespmem:$0x11000] =	vst v63  }
0x13c: {  	s25 =	spop (v2sf);
	s26 =	simm.s32 $0x2C00  }
0x13d: {  	(v2sf) =	vpush v0, $0xF;
	[tilespmem:s26], [sflag:$0x1] =	stream.linear.gather [hbm4b:s25+s2], $0x400, $0x38;
	[tilespmem:$0x11000] =	vst v63  }
0x13e: {  	s25 =	spop (v2sf);
	s26 =	simm.s32 $0x3000  }
0x13f: {  	[tilespmem:s26], [sflag:$0x1] =	stream.linear.gather [hbm4b:s25+s2], $0x400, $0x38;
	[tilespmem:$0x11000] =	vst v63  }
0x140: {  	s25 =	spop (v2sf);
	s26 =	simm.s32 $0x3400  }
0x141: {  	[tilespmem:s26], [sflag:$0x1] =	stream.linear.gather [hbm4b:s25+s2], $0x400, $0x38;
	[tilespmem:$0x11000] =	vst v63  }
0x142: {  	s25 =	spop (v2sf);
	s26 =	simm.s32 $0x3800  }
0x143: {  	[tilespmem:s26], [sflag:$0x1] =	stream.linear.gather [hbm4b:s25+s2], $0x400, $0x38;
	[tilespmem:$0x11000] =	vst v63  }
0x144: {  	s25 =	spop (v2sf);
	s26 =	simm.s32 $0x3C00  }
0x145: {  	[tilespmem:s26], [sflag:$0x1] =	stream.linear.gather [hbm4b:s25+s2], $0x400, $0x38;
	[tilespmem:$0x11000] =	vst v63  }
0x146: {  	s25 =	spop (v2sf);
	s26 =	simm.s32 $0x4000  }
0x147: {  	[tilespmem:s26], [sflag:$0x1] =	stream.linear.gather [hbm4b:s25+s2], $0x400, $0x38;
	[tilespmem:$0x11000] =	vst v63  }
0x148: {  	s25 =	spop (v2sf);
	s26 =	simm.s32 $0x4400  }
0x149: {  	[tilespmem:s26], [sflag:$0x1] =	stream.linear.gather [hbm4b:s25+s2], $0x400, $0x38;
	[tilespmem:$0x11000] =	vst v63  }
0x14a: {  	s25 =	spop (v2sf);
	s26 =	simm.s32 $0x4800  }
0x14b: {  	[tilespmem:s26], [sflag:$0x1] =	stream.linear.gather [hbm4b:s25+s2], $0x400, $0x38;
	[tilespmem:$0x11000] =	vst v63  }
0x14c: {  	s26 =	spop (v2sf)  }
0x14d: {  	[tilespmem:s13], [sflag:$0x1] =	stream.linear.gather [hbm4b:s26+s2], $0x400, $0x38;
	[tilespmem:$0x11000] =	vst v63  }
0x14e: {  	v28 =	vld [tilespmem:s19+$0x10];
	_ =	sdelay $0x4  }
0x14f: {  	v0 =	vand.u32 $0xFFFFFF80, v28  }
0x150: {  	v0 =	vadd.s32 s22, v0  }
0x151: {  	(v2sf) =	vpush v0, $0x0;
	_ =	sdelay $0x1  }
0x152: {  	(v2sf) =	vpush v0, $0x1;
	_ =	sdelay $0x1  }
0x153: {  	(v2sf) =	vpush v0, $0x2;
	_ =	sdelay $0x1  }
0x154: {  	(v2sf) =	vpush v0, $0x3;
	_ =	sdelay $0x1  }
0x155: {  	(v2sf) =	vpush v0, $0x4;
	_ =	sdelay $0x1  }
0x156: {  	(v2sf) =	vpush v0, $0x5;
	_ =	sdelay $0x1  }
0x157: {  	(v2sf) =	vpush v0, $0x6;
	_ =	sdelay $0x1  }
0x158: {  	(v2sf) =	vpush v0, $0x7  }
0x159: {  	s25 =	spop (v2sf)  }
0x15a: {  	(v2sf) =	vpush v0, $0x8;
	[tilespmem:s14], [sflag:$0x1] =	stream.linear.gather [hbm4b:s25+s2], $0x400, $0x38;
	[tilespmem:$0x11000] =	vst v63  }
0x15b: {  	s26 =	spop (v2sf)  }
0x15c: {  	(v2sf) =	vpush v0, $0x9;
	[tilespmem:s15], [sflag:$0x1] =	stream.linear.gather [hbm4b:s26+s2], $0x400, $0x38;
	[tilespmem:$0x11000] =	vst v63  }
0x15d: {  	s25 =	spop (v2sf)  }
0x15e: {  	(v2sf) =	vpush v0, $0xA;
	[tilespmem:s3], [sflag:$0x1] =	stream.linear.gather [hbm4b:s25+s2], $0x400, $0x38;
	[tilespmem:$0x11000] =	vst v63  }
0x15f: {  	s26 =	spop (v2sf)  }
0x160: {  	(v2sf) =	vpush v0, $0xB;
	[tilespmem:s29], [sflag:$0x1] =	stream.linear.gather [hbm4b:s26+s2], $0x400, $0x38;
	[tilespmem:$0x11000] =	vst v63  }
0x161: {  	s25 =	spop (v2sf)  }
0x162: {  	(v2sf) =	vpush v0, $0xC;
	[tilespmem:s30], [sflag:$0x1] =	stream.linear.gather [hbm4b:s25+s2], $0x400, $0x38;
	[tilespmem:$0x11000] =	vst v63  }
0x163: {  	s26 =	spop (v2sf)  }
0x164: {  	(v2sf) =	vpush v0, $0xD;
	[tilespmem:s31], [sflag:$0x1] =	stream.linear.gather [hbm4b:s26+s2], $0x400, $0x38;
	[tilespmem:$0x11000] =	vst v63  }
0x165: {  	s25 =	spop (v2sf)  }
0x166: {  	(v2sf) =	vpush v0, $0xE;
	[tilespmem:s0], [sflag:$0x1] =	stream.linear.gather [hbm4b:s25+s2], $0x400, $0x38;
	[tilespmem:$0x11000] =	vst v63  }
0x167: {  	s26 =	spop (v2sf)  }
0x168: {  	(v2sf) =	vpush v0, $0xF;
	[tilespmem:s1], [sflag:$0x1] =	stream.linear.gather [hbm4b:s26+s2], $0x400, $0x38;
	[tilespmem:$0x11000] =	vst v63  }
0x169: {  	s25 =	spop (v2sf)  }
0x16a: {  	[tilespmem:s4], [sflag:$0x1] =	stream.linear.gather [hbm4b:s25+s2], $0x400, $0x38;
	[tilespmem:$0x11000] =	vst v63  }
0x16b: {  	s26 =	spop (v2sf)  }
0x16c: {  	[tilespmem:s6], [sflag:$0x1] =	stream.linear.gather [hbm4b:s26+s2], $0x400, $0x38;
	[tilespmem:$0x11000] =	vst v63  }
0x16d: {  	s25 =	spop (v2sf);
	s26 =	simm.s32 $0x7800  }
0x16e: {  	[tilespmem:s26], [sflag:$0x1] =	stream.linear.gather [hbm4b:s25+s2], $0x400, $0x38;
	[tilespmem:$0x11000] =	vst v63  }
0x16f: {  	s25 =	spop (v2sf);
	s26 =	simm.s32 $0x7C00  }
0x170: {  	[tilespmem:s26], [sflag:$0x1] =	stream.linear.gather [hbm4b:s25+s2], $0x400, $0x38;
	[tilespmem:$0x11000] =	vst v63  }
0x171: {  	s25 =	spop (v2sf);
	s26 =	simm.s32 $0x8000  }
0x172: {  	[tilespmem:s26], [sflag:$0x1] =	stream.linear.gather [hbm4b:s25+s2], $0x400, $0x38;
	[tilespmem:$0x11000] =	vst v63  }
0x173: {  	s25 =	spop (v2sf);
	s26 =	simm.s32 $0x8400  }
0x174: {  	[tilespmem:s26], [sflag:$0x1] =	stream.linear.gather [hbm4b:s25+s2], $0x400, $0x38;
	[tilespmem:$0x11000] =	vst v63  }
0x175: {  	s25 =	spop (v2sf);
	s26 =	simm.s32 $0x8800  }
0x176: {  	[tilespmem:s26], [sflag:$0x1] =	stream.linear.gather [hbm4b:s25+s2], $0x400, $0x38;
	[tilespmem:$0x11000] =	vst v63  }
0x177: {  	s25 =	spop (v2sf);
	s26 =	simm.s32 $0x8C00  }
0x178: {  	[tilespmem:s26], [sflag:$0x1] =	stream.linear.gather [hbm4b:s25+s2], $0x400, $0x38;
	[tilespmem:$0x11000] =	vst v63  }
0x179: {  	_ =	swait.ge [sflag:s17], $0x8000  }
0x17a: {  	[sflag:s17] =	ssyncset.done $0x0  }
0x17b: {  	[sflag:s17] =	ssyncadd.s32 $0xFFFF8000  }
0x17c: {  	v29 =	vld [tilespmem:s19+$0xFFFFFFE0];
	_ =	sdelay $0x4  }
0x17d: {  	(v2sf) =	vpush v29, $0x0  }
0x17e: {  	(v2sf) =	vpush v29, $0x1  }
0x17f: {  	(v2sf) =	vpush v29, $0x2  }
0x180: {  	(v2sf) =	vpush v29, $0x3  }
0x181: {  	(v2sf) =	vpush v29, $0x4  }
0x182: {  	(v2sf) =	vpush v29, $0x5  }
0x183: {  	(v2sf) =	vpush v29, $0x6  }
0x184: {  	(v2sf) =	vpush v29, $0x7  }
0x185: {  	(v2sf) =	vpush v29, $0x8  }
0x186: {  	(v2sf) =	vpush v29, $0x9  }
0x187: {  	(v2sf) =	vpush v29, $0xA  }
0x188: {  	(v2sf) =	vpush v29, $0xB  }
0x189: {  	(v2sf) =	vpush v29, $0xC  }
0x18a: {  	(v2sf) =	vpush v29, $0xD  }
0x18b: {  	(v2sf) =	vpush v29, $0xE  }
0x18c: {  	s25 =	spop (v2sf);
	(v2sf) =	vpush v29, $0xF  }
0x18d: {  	s23 =	sor.u32 $0x9000, s23;
	s24 =	sand.u32 $0x70, s25;
	s26 =	spop (v2sf)  }
0x18e: {  	s24 =	sor.u32 s24, s23;
	s25 =	sand.u32 $0x70, s26;
	s26 =	spop (v2sf)  }
0x18f: {  	v30 =	vld [tilespmem:s24+$0x0];
	s24 =	sor.u32 s25, s23;
	s25 =	sand.u32 $0x70, s26;
	s26 =	spop (v2sf)  }
0x190: {  	v31 =	vld [tilespmem:s24+$0x400];
	s24 =	sor.u32 s25, s23;
	s25 =	sand.u32 $0x70, s26;
	s26 =	spop (v2sf)  }
0x191: {  	v32 =	vld [tilespmem:s24+$0x800];
	s24 =	sor.u32 s25, s23;
	s25 =	sand.u32 $0x70, s26;
	s26 =	spop (v2sf)  }
0x192: {  	v34 =	vld [tilespmem:s24+$0xC00];
	s24 =	sor.u32 s25, s23;
	s25 =	sand.u32 $0x70, s26;
	s26 =	spop (v2sf)  }
0x193: {  	v33 =	vbroadcast v29, $0x0;
	v35 =	vbroadcast v29, $0x1;
	v36 =	vld [tilespmem:s24+$0x1000];
	s24 =	sor.u32 s25, s23;
	s25 =	sand.u32 $0x70, s26;
	s26 =	spop (v2sf)  }
0x194: {  	v37 =	vbroadcast v29, $0x2;
	v39 =	vbroadcast v29, $0x3;
	v38 =	vld [tilespmem:s24+$0x1400];
	s24 =	sor.u32 s25, s23;
	s25 =	sand.u32 $0x70, s26;
	s26 =	spop (v2sf)  }
0x195: {  	v1 =	vperm.xlane v30, v33;
	v2 =	vperm.xlane v31, v35;
	v40 =	vld [tilespmem:s24+$0x1800];
	s24 =	sor.u32 s25, s23;
	s25 =	sand.u32 $0x70, s26;
	s26 =	spop (v2sf)  }
0x196: {  	v41 =	vbroadcast v29, $0x4;
	v3 =	vperm.xlane v32, v37;
	v42 =	vld [tilespmem:s24+$0x1C00];
	s24 =	sor.u32 s25, s23;
	s25 =	sand.u32 $0x70, s26;
	s26 =	spop (v2sf)  }
0x197: {  	v44 =	vbroadcast v29, $0x5;
	v1 =	vsel vm0, v1, v2;
	v43 =	vperm.xlane v34, v39;
	v45 =	vld [tilespmem:s24+$0x2000];
	s24 =	sor.u32 s25, s23;
	s25 =	sand.u32 $0x70, s26;
	s26 =	spop (v2sf)  }
0x198: {  	v47 =	vbroadcast v29, $0x6;
	v1 =	vsel vm1, v1, v3;
	v46 =	vperm.xlane v36, v41;
	v48 =	vld [tilespmem:s24+$0x2400];
	s24 =	sor.u32 s25, s23;
	s25 =	sand.u32 $0x70, s26;
	s26 =	spop (v2sf)  }
0x199: {  	v50 =	vbroadcast v29, $0x7;
	v1 =	vsel vm2, v1, v43;
	v49 =	vperm.xlane v38, v44;
	v51 =	vld [tilespmem:s24+$0x2800];
	s24 =	sor.u32 s25, s23;
	s25 =	sand.u32 $0x70, s26;
	s26 =	spop (v2sf)  }
0x19a: {  	v53 =	vbroadcast v29, $0x8;
	v1 =	vsel vm3, v1, v46;
	v52 =	vperm.xlane v40, v47;
	v54 =	vld [tilespmem:s24+$0x2C00];
	s24 =	sor.u32 s25, s23;
	s25 =	sand.u32 $0x70, s26;
	s26 =	spop (v2sf)  }
0x19b: {  	v56 =	vbroadcast v29, $0x9;
	v1 =	vsel vm4, v1, v49;
	v55 =	vperm.xlane v42, v50;
	v57 =	vld [tilespmem:s24+$0x3000];
	s24 =	sor.u32 s25, s23;
	s25 =	sand.u32 $0x70, s26;
	s26 =	spop (v2sf)  }
0x19c: {  	v59 =	vbroadcast v29, $0xA;
	v1 =	vsel vm5, v1, v52;
	v58 =	vperm.xlane v45, v53;
	v60 =	vld [tilespmem:s24+$0x3400];
	s25 =	sor.u32 s25, s23;
	s26 =	sand.u32 $0x70, s26  }
0x19d: {  	v62 =	vbroadcast v29, $0xB;
	v1 =	vsel vm6, v1, v55;
	v61 =	vperm.xlane v48, v56;
	v63 =	vld [tilespmem:s25+$0x3800];
	s25 =	sor.u32 s26, s23  }
0x19e: {  	v13 =	vbroadcast v29, $0xC;
	v1 =	vsel vm7, v1, v58;
	v12 =	vperm.xlane v51, v59;
	v14 =	vld [tilespmem:s25+$0x3C00]  }
0x19f: {  	v16 =	vbroadcast v29, $0xD;
	v1 =	vsel vm8, v1, v61;
	v15 =	vperm.xlane v54, v62  }
0x1a0: {  	v18 =	vbroadcast v29, $0xE;
	v1 =	vsel vm9, v1, v12;
	v17 =	vperm.xlane v57, v13  }
0x1a1: {  	v0 =	vbroadcast v29, $0xF;
	v1 =	vsel vm10, v1, v15;
	v19 =	vperm.xlane v60, v16  }
0x1a2: {  	v1 =	vsel vm11, v1, v17;
	v20 =	vperm.xlane v63, v18  }
0x1a3: {  	v1 =	vsel vm12, v1, v19;
	v0 =	vperm.xlane v14, v0  }
0x1a4: {  	v1 =	vsel vm13, v1, v20  }
0x1a5: {  	v0 =	vsel vm14, v1, v0  }
0x1a6: {  	[tilespmem:s18+$0x0] =	vst v0  }
0x1a7: {  	v0 =	vld [tilespmem:s19+$0xFFFFFFF0];
	_ =	sdelay $0x4  }
0x1a8: {  	(v2sf) =	vpush v0, $0x0  }
0x1a9: {  	(v2sf) =	vpush v0, $0x1  }
0x1aa: {  	(v2sf) =	vpush v0, $0x2  }
0x1ab: {  	(v2sf) =	vpush v0, $0x3  }
0x1ac: {  	(v2sf) =	vpush v0, $0x4  }
0x1ad: {  	(v2sf) =	vpush v0, $0x5  }
0x1ae: {  	(v2sf) =	vpush v0, $0x6  }
0x1af: {  	(v2sf) =	vpush v0, $0x7  }
0x1b0: {  	(v2sf) =	vpush v0, $0x8  }
0x1b1: {  	(v2sf) =	vpush v0, $0x9  }
0x1b2: {  	(v2sf) =	vpush v0, $0xA  }
0x1b3: {  	(v2sf) =	vpush v0, $0xB  }
0x1b4: {  	(v2sf) =	vpush v0, $0xC  }
0x1b5: {  	(v2sf) =	vpush v0, $0xD  }
0x1b6: {  	(v2sf) =	vpush v0, $0xE  }
0x1b7: {  	s26 =	spop (v2sf);
	(v2sf) =	vpush v0, $0xF  }
0x1b8: {  	s25 =	spop (v2sf);
	s24 =	sand.u32 $0x70, s26  }
0x1b9: {  	s26 =	spop (v2sf);
	s24 =	sor.u32 s24, s23;
	s25 =	sand.u32 $0x70, s25  }
0x1ba: {  	v21 =	vld [tilespmem:s24+$0x4000];
	s24 =	spop (v2sf);
	s25 =	sor.u32 s25, s23;
	s26 =	sand.u32 $0x70, s26  }
0x1bb: {  	v22 =	vld [tilespmem:s25+$0x4400];
	s25 =	spop (v2sf);
	s26 =	sor.u32 s26, s23;
	s24 =	sand.u32 $0x70, s24  }
0x1bc: {  	v23 =	vld [tilespmem:s26+$0x4800];
	s26 =	spop (v2sf);
	s24 =	sor.u32 s24, s23;
	s25 =	sand.u32 $0x70, s25  }
0x1bd: {  	v24 =	vld [tilespmem:s24+$0x4C00];
	s24 =	spop (v2sf);
	s25 =	sor.u32 s25, s23;
	s26 =	sand.u32 $0x70, s26  }
0x1be: {  	v25 =	vbroadcast v0, $0x0;
	v27 =	vbroadcast v0, $0x1;
	v26 =	vld [tilespmem:s25+$0x5000];
	s25 =	spop (v2sf);
	s26 =	sor.u32 s26, s23;
	s24 =	sand.u32 $0x70, s24  }
0x1bf: {  	v28 =	vbroadcast v0, $0x2;
	v30 =	vbroadcast v0, $0x3;
	v29 =	vld [tilespmem:s26+$0x5400];
	s24 =	sor.u32 s24, s23;
	s25 =	sand.u32 $0x70, s25;
	s26 =	spop (v2sf)  }
0x1c0: {  	v1 =	vperm.xlane v21, v25;
	v2 =	vperm.xlane v22, v27;
	v31 =	vld [tilespmem:s24+$0x5800];
	s24 =	sor.u32 s25, s23;
	s25 =	sand.u32 $0x70, s26;
	s26 =	spop (v2sf)  }
0x1c1: {  	v32 =	vbroadcast v0, $0x4;
	v3 =	vperm.xlane v23, v28;
	v33 =	vld [tilespmem:s24+$0x5C00];
	s24 =	sor.u32 s25, s23;
	s25 =	sand.u32 $0x70, s26;
	s26 =	spop (v2sf)  }
0x1c2: {  	v35 =	vbroadcast v0, $0x5;
	v1 =	vsel vm0, v1, v2;
	v34 =	vperm.xlane v24, v30;
	v36 =	vld [tilespmem:s24+$0x6000];
	s24 =	sor.u32 s25, s23;
	s25 =	sand.u32 $0x70, s26;
	s26 =	spop (v2sf)  }
0x1c3: {  	v38 =	vbroadcast v0, $0x6;
	v1 =	vsel vm1, v1, v3;
	v37 =	vperm.xlane v26, v32;
	v39 =	vld [tilespmem:s24+$0x6400];
	s24 =	sor.u32 s25, s23;
	s25 =	sand.u32 $0x70, s26;
	s26 =	spop (v2sf)  }
0x1c4: {  	v41 =	vbroadcast v0, $0x7;
	v1 =	vsel vm2, v1, v34;
	v40 =	vperm.xlane v29, v35;
	v42 =	vld [tilespmem:s24+$0x6800];
	s24 =	sor.u32 s25, s23;
	s25 =	sand.u32 $0x70, s26;
	s26 =	spop (v2sf)  }
0x1c5: {  	v44 =	vbroadcast v0, $0x8;
	v1 =	vsel vm3, v1, v37;
	v43 =	vperm.xlane v31, v38;
	v45 =	vld [tilespmem:s24+$0x6C00];
	s24 =	sor.u32 s25, s23;
	s25 =	sand.u32 $0x70, s26;
	s26 =	spop (v2sf)  }
0x1c6: {  	v47 =	vbroadcast v0, $0x9;
	v1 =	vsel vm4, v1, v40;
	v46 =	vperm.xlane v33, v41;
	v48 =	vld [tilespmem:s24+$0x7000];
	s24 =	sor.u32 s25, s23;
	s25 =	sand.u32 $0x70, s26;
	s26 =	spop (v2sf)  }
0x1c7: {  	v50 =	vbroadcast v0, $0xA;
	v11 =	vld [tilespmem:s24+$0x7400];
	v1 =	vsel vm5, v1, v43;
	v49 =	vperm.xlane v36, v44;
	s25 =	sor.u32 s25, s23;
	s26 =	sand.u32 $0x70, s26  }
0x1c8: {  	v53 =	vbroadcast v0, $0xB;
	v51 =	vld [tilespmem:s25+$0x7800];
	s23 =	sor.u32 s26, s23;
	v1 =	vsel vm6, v1, v46;
	v52 =	vperm.xlane v39, v47  }
0x1c9: {  	v55 =	vbroadcast v0, $0xC;
	v1 =	vsel vm7, v1, v49;
	v54 =	vperm.xlane v42, v50;
	v56 =	vld [tilespmem:s23+$0x7C00]  }
0x1ca: {  	v58 =	vbroadcast v0, $0xD;
	v1 =	vsel vm8, v1, v52;
	v57 =	vperm.xlane v45, v53  }
0x1cb: {  	v60 =	vbroadcast v0, $0xE;
	v1 =	vsel vm9, v1, v54;
	v59 =	vperm.xlane v48, v55  }
0x1cc: {  	v0 =	vbroadcast v0, $0xF;
	v1 =	vsel vm10, v1, v57;
	v61 =	vperm.xlane v11, v58  }
0x1cd: {  	v1 =	vsel vm11, v1, v59;
	v62 =	vperm.xlane v51, v60  }
0x1ce: {  	v1 =	vsel vm12, v1, v61;
	v0 =	vperm.xlane v56, v0  }
0x1cf: {  	v1 =	vsel vm13, v1, v62  }
0x1d0: {  	v0 =	vsel vm14, v1, v0  }
0x1d1: {  	[tilespmem:s18+$0x10] =	vst v0  }
0x1d2: {  	v0 =	vld [tilespmem:s19+$0x20];
	_ =	sdelay $0x4  }
0x1d3: {  	v0 =	vand.u32 $0xFFFFFF80, v0  }
0x1d4: {  	v0 =	vadd.s32 s22, v0  }
0x1d5: {  	(v2sf) =	vpush v0, $0x0;
	_ =	sdelay $0x1  }
0x1d6: {  	(v2sf) =	vpush v0, $0x1;
	_ =	sdelay $0x1  }
0x1d7: {  	(v2sf) =	vpush v0, $0x2;
	_ =	sdelay $0x1  }
0x1d8: {  	(v2sf) =	vpush v0, $0x3;
	_ =	sdelay $0x1  }
0x1d9: {  	(v2sf) =	vpush v0, $0x4;
	_ =	sdelay $0x1  }
0x1da: {  	(v2sf) =	vpush v0, $0x5;
	_ =	sdelay $0x1  }
0x1db: {  	(v2sf) =	vpush v0, $0x6;
	_ =	sdelay $0x1  }
0x1dc: {  	(v2sf) =	vpush v0, $0x7  }
0x1dd: {  	s26 =	simm.s32 $0x9000;
	s25 =	spop (v2sf)  }
0x1de: {  	(v2sf) =	vpush v0, $0x8;
	[tilespmem:s26], [sflag:$0x2] =	stream.linear.gather [hbm4b:s25+s2], $0x400, $0x38;
	[tilespmem:$0x11000] =	vst v63  }
0x1df: {  	s25 =	spop (v2sf);
	s26 =	simm.s32 $0x9400  }
0x1e0: {  	(v2sf) =	vpush v0, $0x9;
	[tilespmem:s26], [sflag:$0x2] =	stream.linear.gather [hbm4b:s25+s2], $0x400, $0x38;
	[tilespmem:$0x11000] =	vst v63  }
0x1e1: {  	s25 =	spop (v2sf);
	s26 =	simm.s32 $0x9800  }
0x1e2: {  	(v2sf) =	vpush v0, $0xA;
	[tilespmem:s26], [sflag:$0x2] =	stream.linear.gather [hbm4b:s25+s2], $0x400, $0x38;
	[tilespmem:$0x11000] =	vst v63  }
0x1e3: {  	s25 =	spop (v2sf);
	s26 =	simm.s32 $0x9C00  }
0x1e4: {  	(v2sf) =	vpush v0, $0xB;
	[tilespmem:s26], [sflag:$0x2] =	stream.linear.gather [hbm4b:s25+s2], $0x400, $0x38;
	[tilespmem:$0x11000] =	vst v63  }
0x1e5: {  	s25 =	spop (v2sf);
	s26 =	simm.s32 $0xA000  }
0x1e6: {  	(v2sf) =	vpush v0, $0xC;
	[tilespmem:s26], [sflag:$0x2] =	stream.linear.gather [hbm4b:s25+s2], $0x400, $0x38;
	[tilespmem:$0x11000] =	vst v63  }
0x1e7: {  	s25 =	spop (v2sf);
	s26 =	simm.s32 $0xA400  }
0x1e8: {  	(v2sf) =	vpush v0, $0xD;
	[tilespmem:s26], [sflag:$0x2] =	stream.linear.gather [hbm4b:s25+s2], $0x400, $0x38;
	[tilespmem:$0x11000] =	vst v63  }
0x1e9: {  	s25 =	spop (v2sf);
	s26 =	simm.s32 $0xA800  }
0x1ea: {  	(v2sf) =	vpush v0, $0xE;
	[tilespmem:s26], [sflag:$0x2] =	stream.linear.gather [hbm4b:s25+s2], $0x400, $0x38;
	[tilespmem:$0x11000] =	vst v63  }
0x1eb: {  	s25 =	spop (v2sf);
	s26 =	simm.s32 $0xAC00  }
0x1ec: {  	(v2sf) =	vpush v0, $0xF;
	[tilespmem:s26], [sflag:$0x2] =	stream.linear.gather [hbm4b:s25+s2], $0x400, $0x38;
	[tilespmem:$0x11000] =	vst v63  }
0x1ed: {  	s25 =	spop (v2sf);
	s26 =	simm.s32 $0xB000  }
0x1ee: {  	[tilespmem:s26], [sflag:$0x2] =	stream.linear.gather [hbm4b:s25+s2], $0x400, $0x38;
	[tilespmem:$0x11000] =	vst v63  }
0x1ef: {  	s25 =	spop (v2sf);
	s26 =	simm.s32 $0xB400  }
0x1f0: {  	[tilespmem:s26], [sflag:$0x2] =	stream.linear.gather [hbm4b:s25+s2], $0x400, $0x38;
	[tilespmem:$0x11000] =	vst v63  }
0x1f1: {  	s25 =	spop (v2sf);
	s26 =	simm.s32 $0xB800  }
0x1f2: {  	[tilespmem:s26], [sflag:$0x2] =	stream.linear.gather [hbm4b:s25+s2], $0x400, $0x38;
	[tilespmem:$0x11000] =	vst v63  }
0x1f3: {  	s25 =	spop (v2sf);
	s26 =	simm.s32 $0xBC00  }
0x1f4: {  	[tilespmem:s26], [sflag:$0x2] =	stream.linear.gather [hbm4b:s25+s2], $0x400, $0x38;
	[tilespmem:$0x11000] =	vst v63  }
0x1f5: {  	s25 =	spop (v2sf);
	s26 =	simm.s32 $0xC000  }
0x1f6: {  	[tilespmem:s26], [sflag:$0x2] =	stream.linear.gather [hbm4b:s25+s2], $0x400, $0x38;
	[tilespmem:$0x11000] =	vst v63  }
0x1f7: {  	s25 =	spop (v2sf);
	s26 =	simm.s32 $0xC400  }
0x1f8: {  	[tilespmem:s26], [sflag:$0x2] =	stream.linear.gather [hbm4b:s25+s2], $0x400, $0x38;
	[tilespmem:$0x11000] =	vst v63  }
0x1f9: {  	s25 =	spop (v2sf);
	s26 =	simm.s32 $0xC800  }
0x1fa: {  	[tilespmem:s26], [sflag:$0x2] =	stream.linear.gather [hbm4b:s25+s2], $0x400, $0x38;
	[tilespmem:$0x11000] =	vst v63  }
0x1fb: {  	s25 =	spop (v2sf);
	s26 =	simm.s32 $0xCC00  }
0x1fc: {  	[tilespmem:s26], [sflag:$0x2] =	stream.linear.gather [hbm4b:s25+s2], $0x400, $0x38;
	[tilespmem:$0x11000] =	vst v63  }
0x1fd: {  	v63 =	vld [tilespmem:s19+$0x30];
	_ =	sdelay $0x4  }
0x1fe: {  	v0 =	vand.u32 $0xFFFFFF80, v63  }
0x1ff: {  	v0 =	vadd.s32 s22, v0  }
0x200: {  	(v2sf) =	vpush v0, $0x0;
	_ =	sdelay $0x1  }
0x201: {  	(v2sf) =	vpush v0, $0x1;
	_ =	sdelay $0x1  }
0x202: {  	(v2sf) =	vpush v0, $0x2;
	_ =	sdelay $0x1  }
0x203: {  	(v2sf) =	vpush v0, $0x3;
	_ =	sdelay $0x1  }
0x204: {  	(v2sf) =	vpush v0, $0x4;
	_ =	sdelay $0x1  }
0x205: {  	(v2sf) =	vpush v0, $0x5;
	_ =	sdelay $0x1  }
0x206: {  	(v2sf) =	vpush v0, $0x6;
	_ =	sdelay $0x1  }
0x207: {  	(v2sf) =	vpush v0, $0x7  }
0x208: {  	s26 =	simm.s32 $0xD000;
	s25 =	spop (v2sf)  }
0x209: {  	(v2sf) =	vpush v0, $0x8;
	[tilespmem:s26], [sflag:$0x2] =	stream.linear.gather [hbm4b:s25+s2], $0x400, $0x38;
	[tilespmem:$0x11000] =	vst v63  }
0x20a: {  	s24 =	simm.s32 $0xD400;
	s23 =	spop (v2sf)  }
0x20b: {  	(v2sf) =	vpush v0, $0x9;
	[tilespmem:s24], [sflag:$0x2] =	stream.linear.gather [hbm4b:s23+s2], $0x400, $0x38;
	[tilespmem:$0x11000] =	vst v63  }
0x20c: {  	s26 =	simm.s32 $0xD800;
	s25 =	spop (v2sf)  }
0x20d: {  	(v2sf) =	vpush v0, $0xA;
	[tilespmem:s26], [sflag:$0x2] =	stream.linear.gather [hbm4b:s25+s2], $0x400, $0x38;
	[tilespmem:$0x11000] =	vst v63  }
0x20e: {  	s23 =	spop (v2sf);
	s24 =	simm.s32 $0xDC00  }
0x20f: {  	(v2sf) =	vpush v0, $0xB;
	[tilespmem:s24], [sflag:$0x2] =	stream.linear.gather [hbm4b:s23+s2], $0x400, $0x38;
	[tilespmem:$0x11000] =	vst v63  }
0x210: {  	s25 =	spop (v2sf);
	s26 =	simm.s32 $0xE000  }
0x211: {  	(v2sf) =	vpush v0, $0xC;
	[tilespmem:s26], [sflag:$0x2] =	stream.linear.gather [hbm4b:s25+s2], $0x400, $0x38;
	[tilespmem:$0x11000] =	vst v63  }
0x212: {  	s23 =	spop (v2sf);
	s24 =	simm.s32 $0xE400  }
0x213: {  	(v2sf) =	vpush v0, $0xD;
	[tilespmem:s24], [sflag:$0x2] =	stream.linear.gather [hbm4b:s23+s2], $0x400, $0x38;
	[tilespmem:$0x11000] =	vst v63  }
0x214: {  	s25 =	spop (v2sf);
	s26 =	simm.s32 $0xE800  }
0x215: {  	[tilespmem:s26], [sflag:$0x2] =	stream.linear.gather [hbm4b:s25+s2], $0x400, $0x38;
	[tilespmem:$0x11000] =	vst v63  }
0x216: {  	(v2sf) =	vpush v0, $0xE;
	s23 =	spop (v2sf);
	s24 =	simm.s32 $0xEC00  }
0x217: {  	[tilespmem:s24], [sflag:$0x2] =	stream.linear.gather [hbm4b:s23+s2], $0x400, $0x38;
	[tilespmem:$0x11000] =	vst v63  }
0x218: {  	(v2sf) =	vpush v0, $0xF;
	s26 =	simm.s32 $0xF000;
	s25 =	spop (v2sf)  }
0x219: {  	[tilespmem:s26], [sflag:$0x2] =	stream.linear.gather [hbm4b:s25+s2], $0x400, $0x38;
	[tilespmem:$0x11000] =	vst v63  }
0x21a: {  	s24 =	spop (v2sf)  }
0x21b: {  	[tilespmem:s8], [sflag:$0x2] =	stream.linear.gather [hbm4b:s24+s2], $0x400, $0x38;
	[tilespmem:$0x11000] =	vst v63  }
0x21c: {  	s25 =	spop (v2sf)  }
0x21d: {  	[tilespmem:s9], [sflag:$0x2] =	stream.linear.gather [hbm4b:s25+s2], $0x400, $0x38;
	[tilespmem:$0x11000] =	vst v63  }
0x21e: {  	s26 =	spop (v2sf)  }
0x21f: {  	[tilespmem:s5], [sflag:$0x2] =	stream.linear.gather [hbm4b:s26+s2], $0x400, $0x38;
	[tilespmem:$0x11000] =	vst v63  }
0x220: {  	s23 =	spop (v2sf)  }
0x221: {  	[tilespmem:s10], [sflag:$0x2] =	stream.linear.gather [hbm4b:s23+s2], $0x400, $0x38;
	[tilespmem:$0x11000] =	vst v63  }
0x222: {  	p0 =	sne.s32 s21, $0x3C00;
	s24 =	spop (v2sf)  }
0x223: {  	[tilespmem:s11], [sflag:$0x2] =	stream.linear.gather [hbm4b:s24+s2], $0x400, $0x38;
	[tilespmem:$0x11000] =	vst v63  }
.Ltmp0:
0x224: {  	_ = 	snop;
	(pc) =	sbr.rel @p0 .LBB2_2-.Ltmp0, $4  }
0x225: {  	s21 =	sadd.s32 $0x200, s21;
	s20 =	sadd.s32 $0x1, s20;
	s25 =	spop (v2sf)  }
0x226: {  	[tilespmem:s7], [sflag:$0x2] =	stream.linear.gather [hbm4b:s25+s2], $0x400, $0x38;
	[tilespmem:$0x11000] =	vst v63  }
0x227: {  	s18 =	sadd.s32 $0x40, s18;
	s19 =	sadd.s32 $0x40, s19;
	s26 =	spop (v2sf)  }
0x228: {  	[tilespmem:s12], [sflag:$0x2] =	stream.linear.gather [hbm4b:s26+s2], $0x400, $0x38;
	[tilespmem:$0x11000] =	vst v63  }
0x229: {  	_ =	swait.ge [sflag:s16], $0x8000  }
0x22a: {  	[sflag:s16] =	ssyncset.done $0x0  }
0x22b: {  	[sflag:s16] =	ssyncadd.s32 $0xFFFF8000  }
0x22c: {  	v1 =	vld [tilespmem:$0x7C0];
	_ =	sdelay $0x4  }
0x22d: {  	(v2sf) =	vpush v1, $0x0  }
0x22e: {  	(v2sf) =	vpush v1, $0x1  }
0x22f: {  	(v2sf) =	vpush v1, $0x2;
	_ =	sdelay $0x5  }
0x230: {  	(v2sf) =	vpush v1, $0x3  }
0x231: {  	(v2sf) =	vpush v1, $0x4  }
0x232: {  	(v2sf) =	vpush v1, $0x5  }
0x233: {  	(v2sf) =	vpush v1, $0x6  }
0x234: {  	(v2sf) =	vpush v1, $0x7  }
0x235: {  	(v2sf) =	vpush v1, $0x8  }
0x236: {  	(v2sf) =	vpush v1, $0x9  }
0x237: {  	(v2sf) =	vpush v1, $0xA;
	s18 =	spop (v2sf)  }
0x238: {  	(v2sf) =	vpush v1, $0xB;
	s19 =	spop (v2sf)  }
0x239: {  	s9 =	spop (v2sf);
	(v2sf) =	vpush v1, $0xC  }
0x23a: {  	s18 =	sand.u32 $0x70, s18;
	(v2sf) =	vpush v1, $0xD  }
0x23b: {  	v0 =	vld [tilespmem:s18+$0x1380];
	(v2sf) =	vpush v1, $0xE  }
0x23c: {  	v5 =	vbroadcast v1, $0x0;
	(v2sf) =	vpush v1, $0xF  }
0x23d: {  	v7 =	vbroadcast v1, $0x1;
	v9 =	vbroadcast v1, $0x2;
	s8 =	sand.u32 $0x70, s19  }
0x23e: {  	v18 =	vbroadcast v1, $0x3;
	v19 =	vbroadcast v1, $0x4;
	v2 =	vld [tilespmem:s8+$0x1780];
	s10 =	sand.u32 $0x70, s9  }
0x23f: {  	v20 =	vbroadcast v1, $0x5;
	v22 =	vbroadcast v1, $0x6;
	s11 =	spop (v2sf);
	v3 =	vld [tilespmem:s10+$0x1B80]  }
0x240: {  	v24 =	vbroadcast v1, $0x7;
	s12 =	sand.u32 $0x70, s11;
	s13 =	spop (v2sf);
	v5 =	vperm.xlane v0, v5;
	v0 =	vld [tilespmem:$0x7D0]  }
0x241: {  	v30 =	vbroadcast v1, $0x8;
	v32 =	vbroadcast v1, $0x9;
	v4 =	vld [tilespmem:s12+$0x1F80];
	s14 =	sand.u32 $0x70, s13;
	s15 =	spop (v2sf)  }
0x242: {  	v33 =	vbroadcast v1, $0xA;
	v34 =	vbroadcast v1, $0xB;
	v6 =	vld [tilespmem:s14+$0x2380];
	s20 =	sand.u32 $0x70, s15;
	s21 =	spop (v2sf)  }
0x243: {  	v40 =	vbroadcast v1, $0xC;
	v42 =	vbroadcast v1, $0xD;
	v8 =	vld [tilespmem:s20+$0x2780];
	s22 =	sand.u32 $0x70, s21;
	s23 =	spop (v2sf)  }
0x244: {  	v43 =	vbroadcast v1, $0xE;
	v10 =	vld [tilespmem:s22+$0x2B80];
	v2 =	vperm.xlane v2, v7;
	s18 =	sand.u32 $0x70, s23;
	s24 =	spop (v2sf)  }
0x245: {  	v1 =	vbroadcast v1, $0xF;
	v3 =	vperm.xlane v3, v9;
	v11 =	vld [tilespmem:s18+$0x2F80];
	s18 =	sand.u32 $0x70, s24;
	s25 =	spop (v2sf);
	(v2sf) =	vpush v0, $0x0  }
0x246: {  	v2 =	vsel vm0, v5, v2;
	v4 =	vperm.xlane v4, v18;
	v25 =	vld [tilespmem:s18+$0x3380];
	s26 =	sand.u32 $0x70, s25;
	s0 =	spop (v2sf);
	(v2sf) =	vpush v0, $0x1  }
0x247: {  	v2 =	vsel vm1, v2, v3;
	v21 =	vperm.xlane v6, v19;
	v27 =	vld [tilespmem:s26+$0x3780];
	s1 =	sand.u32 $0x70, s0;
	s3 =	spop (v2sf);
	(v2sf) =	vpush v0, $0x2  }
0x248: {  	v2 =	vsel vm2, v2, v4;
	v23 =	vperm.xlane v8, v20;
	v29 =	vld [tilespmem:s1+$0x3B80];
	s4 =	sand.u32 $0x70, s3;
	(v2sf) =	vpush v0, $0x3;
	s5 =	spop (v2sf)  }
0x249: {  	v2 =	vsel vm3, v2, v21;
	v26 =	vperm.xlane v10, v22;
	v31 =	vld [tilespmem:s4+$0x3F80];
	(v2sf) =	vpush v0, $0x4;
	s18 =	sand.u32 $0x70, s5;
	s6 =	spop (v2sf)  }
0x24a: {  	v2 =	vsel vm4, v2, v23;
	v28 =	vperm.xlane v11, v24;
	(v2sf) =	vpush v0, $0x5;
	v35 =	vld [tilespmem:s18+$0x4380];
	s7 =	sand.u32 $0x70, s6;
	s8 =	spop (v2sf)  }
0x24b: {  	v2 =	vsel vm5, v2, v26;
	v3 =	vperm.xlane v25, v30;
	(v2sf) =	vpush v0, $0x6;
	v37 =	vld [tilespmem:s7+$0x4780];
	s9 =	sand.u32 $0x70, s8;
	s10 =	spop (v2sf)  }
0x24c: {  	v2 =	vsel vm6, v2, v28;
	v4 =	vperm.xlane v27, v32;
	(v2sf) =	vpush v0, $0x7;
	v39 =	vld [tilespmem:s9+$0x4B80];
	s11 =	sand.u32 $0x70, s10  }
0x24d: {  	v2 =	vsel vm7, v2, v3;
	v36 =	vperm.xlane v29, v33;
	(v2sf) =	vpush v0, $0x8;
	v41 =	vld [tilespmem:s11+$0x4F80]  }
0x24e: {  	v2 =	vsel vm8, v2, v4;
	v38 =	vperm.xlane v31, v34;
	(v2sf) =	vpush v0, $0x9  }
0x24f: {  	v2 =	vsel vm9, v2, v36;
	(v2sf) =	vpush v0, $0xA;
	v3 =	vperm.xlane v35, v40  }
0x250: {  	v2 =	vsel vm10, v2, v38;
	(v2sf) =	vpush v0, $0xB;
	v4 =	vperm.xlane v37, v42  }
0x251: {  	(v2sf) =	vpush v0, $0xC;
	v2 =	vsel vm11, v2, v3;
	v44 =	vperm.xlane v39, v43  }
0x252: {  	(v2sf) =	vpush v0, $0xD;
	v2 =	vsel vm12, v2, v4;
	v1 =	vperm.xlane v41, v1  }
0x253: {  	(v2sf) =	vpush v0, $0xE;
	v2 =	vsel vm13, v2, v44  }
0x254: {  	s12 =	spop (v2sf);
	(v2sf) =	vpush v0, $0xF;
	v1 =	vsel vm14, v2, v1  }
0x255: {  	s18 =	sand.u32 $0x70, s12;
	s13 =	spop (v2sf);
	[tilespmem:$0xFC0] =	vst v1  }
0x256: {  	s14 =	sand.u32 $0x70, s13;
	s15 =	spop (v2sf);
	v1 =	vld [tilespmem:s18+$0x5380]  }
0x257: {  	s20 =	sand.u32 $0x70, s15;
	s21 =	spop (v2sf);
	v45 =	vld [tilespmem:s14+$0x5780]  }
0x258: {  	v46 =	vld [tilespmem:s20+$0x5B80];
	s22 =	sand.u32 $0x70, s21;
	s23 =	spop (v2sf)  }
0x259: {  	v48 =	vld [tilespmem:s22+$0x5F80];
	s24 =	sand.u32 $0x70, s23;
	s25 =	spop (v2sf)  }
0x25a: {  	v47 =	vbroadcast v0, $0x0;
	v49 =	vbroadcast v0, $0x1;
	v50 =	vld [tilespmem:s24+$0x6380];
	s26 =	sand.u32 $0x70, s25;
	s0 =	spop (v2sf)  }
0x25b: {  	v51 =	vbroadcast v0, $0x2;
	v53 =	vbroadcast v0, $0x3;
	v52 =	vld [tilespmem:s26+$0x6780];
	s1 =	sand.u32 $0x70, s0;
	s3 =	spop (v2sf)  }
0x25c: {  	v54 =	vld [tilespmem:s1+$0x6B80];
	s4 =	sand.u32 $0x70, s3;
	s5 =	spop (v2sf);
	v1 =	vperm.xlane v1, v47;
	v2 =	vperm.xlane v45, v49  }
0x25d: {  	v55 =	vbroadcast v0, $0x4;
	v3 =	vperm.xlane v46, v51;
	v56 =	vld [tilespmem:s4+$0x6F80];
	s6 =	sand.u32 $0x70, s5;
	s7 =	spop (v2sf)  }
0x25e: {  	v58 =	vbroadcast v0, $0x5;
	v57 =	vperm.xlane v48, v53;
	v59 =	vld [tilespmem:s6+$0x7380];
	s8 =	sand.u32 $0x70, s7;
	s9 =	spop (v2sf);
	v1 =	vsel vm0, v1, v2  }
0x25f: {  	v61 =	vbroadcast v0, $0x6;
	v60 =	vperm.xlane v50, v55;
	v62 =	vld [tilespmem:s8+$0x7780];
	s10 =	sand.u32 $0x70, s9;
	s11 =	spop (v2sf);
	v1 =	vsel vm1, v1, v3  }
0x260: {  	v12 =	vbroadcast v0, $0x7;
	v63 =	vperm.xlane v52, v58;
	v13 =	vld [tilespmem:s10+$0x7B80];
	s12 =	sand.u32 $0x70, s11;
	s13 =	spop (v2sf);
	v1 =	vsel vm2, v1, v57  }
0x261: {  	v15 =	vbroadcast v0, $0x8;
	v14 =	vperm.xlane v54, v61;
	v16 =	vld [tilespmem:s12+$0x7F80];
	s14 =	sand.u32 $0x70, s13;
	s15 =	spop (v2sf);
	v1 =	vsel vm3, v1, v60  }
0x262: {  	v18 =	vbroadcast v0, $0x9;
	v17 =	vperm.xlane v56, v12;
	v19 =	vld [tilespmem:s14+$0x8380];
	s19 =	sand.u32 $0x70, s15;
	s20 =	spop (v2sf);
	v1 =	vsel vm4, v1, v63  }
0x263: {  	v21 =	vbroadcast v0, $0xA;
	v20 =	vperm.xlane v59, v15;
	v22 =	vld [tilespmem:s19+$0x8780];
	s21 =	sand.u32 $0x70, s20;
	s22 =	spop (v2sf);
	v1 =	vsel vm5, v1, v14  }
0x264: {  	v24 =	vbroadcast v0, $0xB;
	v23 =	vperm.xlane v62, v18;
	v25 =	vld [tilespmem:s21+$0x8B80];
	s23 =	sand.u32 $0x70, s22;
	v1 =	vsel vm6, v1, v17  }
0x265: {  	v27 =	vbroadcast v0, $0xC;
	v26 =	vperm.xlane v13, v21;
	v28 =	vld [tilespmem:s23+$0x8F80];
	v1 =	vsel vm7, v1, v20  }
0x266: {  	v30 =	vbroadcast v0, $0xD;
	v29 =	vperm.xlane v16, v24;
	v1 =	vsel vm8, v1, v23  }
0x267: {  	v32 =	vbroadcast v0, $0xE;
	v31 =	vperm.xlane v19, v27;
	v1 =	vsel vm9, v1, v26  }
0x268: {  	v0 =	vbroadcast v0, $0xF;
	v33 =	vperm.xlane v22, v30;
	v1 =	vsel vm10, v1, v29  }
0x269: {  	v34 =	vperm.xlane v25, v32;
	v1 =	vsel vm11, v1, v31  }
0x26a: {  	v0 =	vperm.xlane v28, v0;
	v1 =	vsel vm12, v1, v33  }
0x26b: {  	v1 =	vsel vm13, v1, v34  }
0x26c: {  	v0 =	vsel vm14, v1, v0  }
0x26d: {  	[tilespmem:$0xFD0] =	vst v0  }
0x26e: {  	_ =	swait.ge [sflag:s17], $0x8000  }
0x26f: {  	[sflag:s17] =	ssyncset.done $0x0  }
0x270: {  	[sflag:s17] =	ssyncadd.s32 $0xFFFF8000  }
0x271: {  	v35 =	vld [tilespmem:$0x7E0];
	_ =	sdelay $0x4  }
0x272: {  	(v2sf) =	vpush v35, $0x0  }
0x273: {  	(v2sf) =	vpush v35, $0x1  }
0x274: {  	(v2sf) =	vpush v35, $0x2  }
0x275: {  	(v2sf) =	vpush v35, $0x3  }
0x276: {  	(v2sf) =	vpush v35, $0x4  }
0x277: {  	(v2sf) =	vpush v35, $0x5;
	_ =	sdelay $0x5  }
0x278: {  	(v2sf) =	vpush v35, $0x6  }
0x279: {  	(v2sf) =	vpush v35, $0x7  }
0x27a: {  	(v2sf) =	vpush v35, $0x8  }
0x27b: {  	(v2sf) =	vpush v35, $0x9  }
0x27c: {  	(v2sf) =	vpush v35, $0xA;
	s24 =	spop (v2sf)  }
0x27d: {  	(v2sf) =	vpush v35, $0xB;
	s25 =	spop (v2sf)  }
0x27e: {  	(v2sf) =	vpush v35, $0xC;
	s0 =	spop (v2sf)  }
0x27f: {  	s3 =	spop (v2sf);
	(v2sf) =	vpush v35, $0xD  }
0x280: {  	s5 =	spop (v2sf);
	(v2sf) =	vpush v35, $0xE  }
0x281: {  	v40 =	vbroadcast v35, $0x0;
	s7 =	spop (v2sf);
	(v2sf) =	vpush v35, $0xF  }
0x282: {  	v0 =	vld [tilespmem:$0x7F0];
	v42 =	vbroadcast v35, $0x1;
	v44 =	vbroadcast v35, $0x2;
	s18 =	sand.u32 $0x70, s24  }
0x283: {  	v46 =	vbroadcast v35, $0x3;
	v47 =	vbroadcast v35, $0x4;
	v36 =	vld [tilespmem:s18+$0x9380];
	s26 =	sand.u32 $0x70, s25  }
0x284: {  	v49 =	vbroadcast v35, $0x5;
	v51 =	vbroadcast v35, $0x6;
	v37 =	vld [tilespmem:s26+$0x9780];
	s1 =	sand.u32 $0x70, s0  }
0x285: {  	v53 =	vbroadcast v35, $0x7;
	v59 =	vbroadcast v35, $0x8;
	v38 =	vld [tilespmem:s1+$0x9B80];
	s4 =	sand.u32 $0x70, s3  }
0x286: {  	v61 =	vbroadcast v35, $0x9;
	v62 =	vbroadcast v35, $0xA;
	v39 =	vld [tilespmem:s4+$0x9F80];
	s6 =	sand.u32 $0x70, s5  }
0x287: {  	v63 =	vbroadcast v35, $0xB;
	v17 =	vbroadcast v35, $0xC;
	v41 =	vld [tilespmem:s6+$0xA380];
	s8 =	sand.u32 $0x70, s7;
	s9 =	spop (v2sf)  }
0x288: {  	v19 =	vbroadcast v35, $0xD;
	v20 =	vbroadcast v35, $0xE;
	v43 =	vld [tilespmem:s8+$0xA780];
	s10 =	sand.u32 $0x70, s9;
	s11 =	spop (v2sf)  }
0x289: {  	v5 =	vperm.xlane v36, v40;
	v45 =	vld [tilespmem:s10+$0xAB80];
	v2 =	vperm.xlane v37, v42;
	s18 =	sand.u32 $0x70, s11;
	s12 =	spop (v2sf)  }
0x28a: {  	v1 =	vbroadcast v35, $0xF;
	(v2sf) =	vpush v0, $0x0;
	v3 =	vperm.xlane v38, v44;
	v48 =	vld [tilespmem:s18+$0xAF80];
	s18 =	sand.u32 $0x70, s12;
	s13 =	spop (v2sf)  }
0x28b: {  	(v2sf) =	vpush v0, $0x1;
	v2 =	vsel vm0, v5, v2;
	v4 =	vperm.xlane v39, v46;
	v54 =	vld [tilespmem:s18+$0xB380];
	s14 =	sand.u32 $0x70, s13;
	s15 =	spop (v2sf)  }
0x28c: {  	(v2sf) =	vpush v0, $0x2;
	v2 =	vsel vm1, v2, v3;
	v50 =	vperm.xlane v41, v47;
	v56 =	vld [tilespmem:s14+$0xB780];
	s19 =	sand.u32 $0x70, s15;
	s20 =	spop (v2sf)  }
0x28d: {  	(v2sf) =	vpush v0, $0x3;
	v2 =	vsel vm2, v2, v4;
	v52 =	vperm.xlane v43, v49;
	v58 =	vld [tilespmem:s19+$0xBB80];
	s21 =	sand.u32 $0x70, s20;
	s22 =	spop (v2sf)  }
0x28e: {  	(v2sf) =	vpush v0, $0x4;
	v2 =	vsel vm3, v2, v50;
	v55 =	vperm.xlane v45, v51;
	v60 =	vld [tilespmem:s21+$0xBF80];
	s18 =	sand.u32 $0x70, s22;
	s23 =	spop (v2sf)  }
0x28f: {  	(v2sf) =	vpush v0, $0x5;
	v2 =	vsel vm4, v2, v52;
	v57 =	vperm.xlane v48, v53;
	v12 =	vld [tilespmem:s18+$0xC380];
	s24 =	sand.u32 $0x70, s23;
	s25 =	spop (v2sf)  }
0x290: {  	(v2sf) =	vpush v0, $0x6;
	v2 =	vsel vm5, v2, v55;
	v3 =	vperm.xlane v54, v59;
	v14 =	vld [tilespmem:s24+$0xC780];
	s26 =	sand.u32 $0x70, s25;
	s0 =	spop (v2sf)  }
0x291: {  	(v2sf) =	vpush v0, $0x7;
	v2 =	vsel vm6, v2, v57;
	v4 =	vperm.xlane v56, v61;
	v16 =	vld [tilespmem:s26+$0xCB80];
	s1 =	sand.u32 $0x70, s0  }
0x292: {  	(v2sf) =	vpush v0, $0x8;
	v2 =	vsel vm7, v2, v3;
	v13 =	vperm.xlane v58, v62;
	v18 =	vld [tilespmem:s1+$0xCF80]  }
0x293: {  	(v2sf) =	vpush v0, $0x9;
	v2 =	vsel vm8, v2, v4;
	v15 =	vperm.xlane v60, v63  }
0x294: {  	(v2sf) =	vpush v0, $0xA;
	v2 =	vsel vm9, v2, v13;
	v3 =	vperm.xlane v12, v17  }
0x295: {  	(v2sf) =	vpush v0, $0xB;
	v2 =	vsel vm10, v2, v15;
	v4 =	vperm.xlane v14, v19  }
0x296: {  	(v2sf) =	vpush v0, $0xC;
	v2 =	vsel vm11, v2, v3;
	v21 =	vperm.xlane v16, v20  }
0x297: {  	(v2sf) =	vpush v0, $0xD;
	v2 =	vsel vm12, v2, v4;
	v1 =	vperm.xlane v18, v1  }
0x298: {  	(v2sf) =	vpush v0, $0xE;
	v2 =	vsel vm13, v2, v21  }
0x299: {  	s3 =	spop (v2sf);
	(v2sf) =	vpush v0, $0xF;
	v1 =	vsel vm14, v2, v1  }
0x29a: {  	s4 =	spop (v2sf);
	s18 =	sand.u32 $0x70, s3;
	[tilespmem:$0xFE0] =	vst v1  }
0x29b: {  	s5 =	spop (v2sf);
	s19 =	sand.u32 $0x70, s4;
	v1 =	vld [tilespmem:s18+$0xD380]  }
0x29c: {  	s6 =	spop (v2sf);
	v22 =	vld [tilespmem:s19+$0xD780];
	s18 =	sand.u32 $0x70, s5  }
0x29d: {  	s7 =	spop (v2sf);
	s19 =	sand.u32 $0x70, s6;
	v23 =	vld [tilespmem:s18+$0xDB80]  }
0x29e: {  	s8 =	spop (v2sf);
	v24 =	vld [tilespmem:s19+$0xDF80];
	s18 =	sand.u32 $0x70, s7  }
0x29f: {  	v25 =	vbroadcast v0, $0x0;
	v27 =	vbroadcast v0, $0x1;
	s9 =	spop (v2sf);
	s19 =	sand.u32 $0x70, s8;
	v26 =	vld [tilespmem:s18+$0xE380]  }
0x2a0: {  	v29 =	vbroadcast v0, $0x2;
	v31 =	vbroadcast v0, $0x3;
	s10 =	spop (v2sf);
	v28 =	vld [tilespmem:s19+$0xE780];
	s18 =	sand.u32 $0x70, s9  }
0x2a1: {  	s11 =	spop (v2sf);
	s19 =	sand.u32 $0x70, s10;
	v30 =	vld [tilespmem:s18+$0xEB80];
	v1 =	vperm.xlane v1, v25;
	v2 =	vperm.xlane v22, v27  }
0x2a2: {  	v33 =	vbroadcast v0, $0x4;
	s12 =	spop (v2sf);
	v32 =	vld [tilespmem:s19+$0xEF80];
	s18 =	sand.u32 $0x70, s11;
	v3 =	vperm.xlane v23, v29  }
0x2a3: {  	v36 =	vbroadcast v0, $0x5;
	s13 =	spop (v2sf);
	s19 =	sand.u32 $0x70, s12;
	v34 =	vld [tilespmem:s18+$0xF380];
	v35 =	vperm.xlane v24, v31;
	v1 =	vsel vm0, v1, v2  }
0x2a4: {  	v39 =	vbroadcast v0, $0x6;
	s14 =	spop (v2sf);
	v37 =	vld [tilespmem:s19+$0xF780];
	s18 =	sand.u32 $0x70, s13;
	v38 =	vperm.xlane v26, v33;
	v1 =	vsel vm1, v1, v3  }
0x2a5: {  	v42 =	vbroadcast v0, $0x7;
	s15 =	spop (v2sf);
	s19 =	sand.u32 $0x70, s14;
	v40 =	vld [tilespmem:s18+$0xFB80];
	v41 =	vperm.xlane v28, v36;
	v1 =	vsel vm2, v1, v35  }
0x2a6: {  	v45 =	vbroadcast v0, $0x8;
	s20 =	spop (v2sf);
	v43 =	vld [tilespmem:s19+$0xFF80];
	s18 =	sand.u32 $0x70, s15;
	v44 =	vperm.xlane v30, v39;
	v1 =	vsel vm3, v1, v38  }
0x2a7: {  	v48 =	vbroadcast v0, $0x9;
	s21 =	spop (v2sf);
	s19 =	sand.u32 $0x70, s20;
	v46 =	vld [tilespmem:s18+$0x10380];
	v47 =	vperm.xlane v32, v42;
	v1 =	vsel vm4, v1, v41  }
0x2a8: {  	v50 =	vbroadcast v0, $0xA;
	v51 =	vld [tilespmem:s19+$0x10780];
	s18 =	sand.u32 $0x70, s21;
	s22 =	spop (v2sf);
	v49 =	vperm.xlane v34, v45;
	v1 =	vsel vm5, v1, v44  }
0x2a9: {  	v54 =	vbroadcast v0, $0xB;
	v52 =	vld [tilespmem:s18+$0x10B80];
	s23 =	sand.u32 $0x70, s22;
	v53 =	vperm.xlane v37, v48;
	v1 =	vsel vm6, v1, v47  }
0x2aa: {  	v56 =	vbroadcast v0, $0xC;
	v57 =	vld [tilespmem:s23+$0x10F80];
	v55 =	vperm.xlane v40, v50;
	v1 =	vsel vm7, v1, v49  }
0x2ab: {  	v59 =	vbroadcast v0, $0xD;
	v58 =	vperm.xlane v43, v54;
	v1 =	vsel vm8, v1, v53  }
0x2ac: {  	v61 =	vbroadcast v0, $0xE;
	v60 =	vperm.xlane v46, v56;
	v1 =	vsel vm9, v1, v55  }
0x2ad: {  	v0 =	vbroadcast v0, $0xF;
	v62 =	vperm.xlane v51, v59;
	v1 =	vsel vm10, v1, v58  }
0x2ae: {  	v63 =	vperm.xlane v52, v61;
	v1 =	vsel vm11, v1, v60  }
0x2af: {  	s28 =	simm.s32 $0x6800;
	s29 =	simm.s32 $0x6C00;
	v0 =	vperm.xlane v57, v0;
	v1 =	vsel vm12, v1, v62  }
0x2b0: {  	s30 =	simm.s32 $0x7000;
	s31 =	simm.s32 $0x7400;
	s24 =	rddreg [dreg:$0x5];
	v1 =	vsel vm13, v1, v63  }
0x2b1: {  	s0 =	simm.s32 $0x800;
	s1 =	simm.s32 $0x2400;
	s3 =	simm.s32 $0x5800;
	v0 =	vsel vm14, v1, v0  }
0x2b2: {  	s4 =	simm.s32 $0x2800;
	s6 =	simm.s32 $0x2C00;
	s19 =	simm.s32 $0x3;
	[tilespmem:$0xFF0] =	vst v0  }
0x2b3: {  	[hbm4b:s24+s2] =	stream.linear.scatter [tilespmem:s0], [sflag:$0x3], $0x800, $0x38;
	[tilespmem:$0x11000] =	vst v63  }
0x2b4: {  	s5 =	simm.s32 $0x3C00;
	s7 =	simm.s32 $0x3000;
	_ =	swait.ge [sflag:s19], $0x800  }
0x2b5: {  	s8 =	simm.s32 $0x3400;
	s9 =	simm.s32 $0x3800;
	s25 =	rddreg [dreg:$0x9]  }
0x2b6: {  	s10 =	simm.s32 $0x4000;
	s26 =	rddreg [dreg:$0x6];
	s0 =	sadd.s32 $0x1, s25  }
0x2b7: {  	s11 =	simm.s32 $0x4400;
	s12 =	simm.s32 $0x4800;
	p0 =	sne.s32 s0, s26  }
.Ltmp1:
0x2b8: {  	s13 =	simm.s32 $0x4C00;
	s14 =	simm.s32 $0x5000;
	(pc) =	sbr.rel @p0 .LBB2_1-.Ltmp1, $4  }
0x2b9: {  	s20 =	simm.s32 $0x1000;
	s15 =	simm.s32 $0x5400;
	s21 =	simm.s32 $0x1400  }
0x2ba: {  	s22 =	simm.s32 $0x1800;
	s23 =	simm.s32 $0x1C00;
	[sflag:s19] =	ssyncset.done $0x0  }
0x2bb: {  	s24 =	simm.s32 $0x5C00;
	[sflag:s19] =	ssyncadd.s32 $0xFFFFF800;
	s25 =	simm.s32 $0x6000  }
0x2bc: {  	[dreg:$0x9] =	wrdreg s0;
	s0 =	simm.s32 $0x2000;
	s26 =	simm.s32 $0x6400  }
0x2bd: {  	_ =	sfence.sel $0x180000  }
0x2be: {  	[bflag:$0x0] =	sbarrier.arrive $0xFFFF  }
0x2bf: {  	_ =	strace $0x90000047  }
0x2c0: {  	s0 =	stileid.u32;
	[bflag:$0x2] =	sbarrier.arrive $0xFFFF  }
0x2c1: {  	p0 =	sne.s32 s0, $0x0;
	s0 =	rddreg [dreg:$0x2]  }
0x2c2: {  	s0 =	sadd.s32 @!p0 $0x100000, s0  }
0x2c3: {  	[sflag:s0] =	ssyncadd.tile.s32 @!p0 $0x1;
	_ =	shalt  }
.Lfunc_end2:
_tile_overlayer_lowered:
.L_overlay_start_2:
0x2c4: {  	(tag) =	ssettag $0x2  }
0x2c5: {  	s0 =	rddreg [dreg:$0x0];
	s2 =	stileid.u32  }
0x2c6: {  	s1 =	rddreg [dreg:$0x1];
	p0 =	sne.s32 s2, $0x0  }
0x2c7: {  	s3 =	rddreg [dreg:$0x2];
	[bflag:$0x3] =	sbarrier.arrive $0xFFFF;
	s2 =	simm.s32 @!p0 $0x1C03  }
0x2c8: {  	[timem:s3], [sflag:s2] =	dma.local @!p0 [hbm:s0], s1  }
0x2c9: {  	s0 =	simm.s32 @!p0 $0x3  }
0x2ca: {  	_ =	swait.ge @!p0 [sflag:s0], s1  }
0x2cb: {  	s1 =	ssub.s32 @!p0 $0x0, s1;
	[sflag:s0] =	ssyncset.done @!p0 $0x0  }
0x2cc: {  	[sflag:s0] =	ssyncadd.s32 @!p0 s1  }
0x2cd: {  	[bflag:$0x3] =	sbarrier.arrive $0xFFFF  }
0x2ce: {  	_ =	shalt  }

</sc_bundles>
